<compile_context>
chip_gen: v7x
topology: tpu7x:2x2x1
jax: 0.10.2.dev20260603
libtpu: 0.0.44.dev20260713+nightly
codegen_flags: <defaults>
</compile_context>

<pallas_src>
import functools

import jax
import jax.numpy as jnp
from jax import lax
from jax.experimental import pallas as pl
from jax.experimental.pallas import tpu as pltpu
from jax.experimental.pallas import tpu_sc as plsc

N = 10000
E = 320000
D_IN = 128
H = 64
B = 8
L = 3
D_OUT = 128

N_PAD = 10240
E_PAD = 327680
TILE_N = 2048
TILE_E = 2048
N_BLKS = N_PAD // TILE_N
E_BLKS = E_PAD // TILE_E

IDX_ROW = 128
ROWS_PER_TILE = (E_PAD // IDX_ROW) // 32
SLICE_N = N_PAD // 16
BUF_ROWS = 40

_f32 = jnp.float32
_SC_PARAMS = pltpu.CompilerParams(use_tc_tiling_on_sc=False)


def _dot(a, b):
    return jnp.dot(a, b, preferred_element_type=_f32)



def _full(shape):
    return pl.BlockSpec(shape, lambda i: tuple(0 for _ in shape))


def _tables_body(cond_ref, ceW1, ceb1, ceW2, ceb2, aWv, abv, aWo, abo,
                 W1d_all, peb1_all, Wnt_all, pnb1_all, ug_out, attc_out):
    u = _dot(jnp.maximum(_dot(cond_ref[...], ceW1[...]) + ceb1[...], 0.0),
             ceW2[...]) + ceb2[...]
    att_g = _dot(_dot(u, aWv[...]) + abv[...], aWo[...]) + abo[...]
    for l in range(L):
        ug_out[l] = _dot(u, W1d_all[l]) + peb1_all[l]
        attc_out[l] = _dot(att_g, Wnt_all[l]) + pnb1_all[l]


def _encode_body(x_ref, W1, b1, W2, b2, h_ref):
    t = jnp.maximum(_dot(x_ref[...], W1[...]) + b1[...], 0.0)
    h_ref[...] = _dot(t, W2[...]) + b2[...]


def _onehot(b3_ref):
    b = b3_ref[0, 0, :]
    io = lax.broadcasted_iota(jnp.int32, (1, B), 1)
    return (b[:, None] == io).astype(_f32)


def _prep_body(h_ref, b3_ref, ug_ref, W1a, W1b, ha2_ref, hb_ref):
    h = h_ref[...]
    oh = _onehot(b3_ref)
    ha2_ref[...] = _dot(h, W1a[...]) + _dot(oh, ug_ref[...])
    hb_ref[...] = _dot(h, W1b[...])


def _edge0_body(ga_ref, gb_ref, attr_ref, eeW1, eeb1, eeW2, eeb2,
                W1c, W2, b2, out_ref):
    e0 = _dot(jnp.maximum(_dot(attr_ref[...], eeW1[...]) + eeb1[...], 0.0),
              eeW2[...]) + eeb2[...]
    pre = ga_ref[...] + gb_ref[...] + _dot(e0, W1c[...])
    out_ref[...] = _dot(jnp.maximum(pre, 0.0), W2[...]) + b2[...]


def _edge_body(ga_ref, gb_ref, ea_ref, W1c, W2, b2, out_ref):
    pre = ga_ref[...] + gb_ref[...] + _dot(ea_ref[...], W1c[...])
    out_ref[...] = _dot(jnp.maximum(pre, 0.0), W2[...]) + b2[...]


def _node_body(h_ref, aggp_ref, b3_ref, attc_ref, Wnh, Wna, W2, b2, out_ref):
    h = h_ref[...]
    agg = aggp_ref[0] + aggp_ref[1]
    oh = _onehot(b3_ref)
    npre = _dot(h, Wnh[...]) + _dot(agg, Wna[...]) + _dot(oh, attc_ref[...])
    out_ref[...] = _dot(jnp.maximum(npre, 0.0), W2[...]) + b2[...] + h


def _row_spec(w=H):
    return pl.BlockSpec((TILE_N, w), lambda i: (i, 0))


def _b3_spec():
    return pl.BlockSpec((1, 1, TILE_N), lambda i: (i, 0, 0))



_MESH = plsc.VectorSubcoreMesh(core_axis_name="c", subcore_axis_name="s")


@functools.partial(
    pl.kernel,
    out_type=(jax.ShapeDtypeStruct((E_PAD, H), _f32),
              jax.ShapeDtypeStruct((E_PAD, H), _f32)),
    mesh=_MESH,
    compiler_params=_SC_PARAMS,
    scratch_types=[
        pltpu.VMEM((ROWS_PER_TILE, IDX_ROW), jnp.int32),
        pltpu.VMEM((ROWS_PER_TILE, IDX_ROW), jnp.int32),
        pltpu.VMEM((IDX_ROW, H), _f32),
        pltpu.VMEM((IDX_ROW, H), _f32),
        pltpu.VMEM((IDX_ROW, H), _f32),
        pltpu.VMEM((IDX_ROW, H), _f32),
        pltpu.VMEM((IDX_ROW, H), _f32),
        pltpu.VMEM((IDX_ROW, H), _f32),
        pltpu.SemaphoreType.DMA, pltpu.SemaphoreType.DMA,
        pltpu.SemaphoreType.DMA, pltpu.SemaphoreType.DMA,
        pltpu.SemaphoreType.DMA, pltpu.SemaphoreType.DMA,
        pltpu.SemaphoreType.DMA, pltpu.SemaphoreType.DMA,
        pltpu.SemaphoreType.DMA, pltpu.SemaphoreType.DMA,
        pltpu.SemaphoreType.DMA, pltpu.SemaphoreType.DMA,
    ],
)
def _sc_gather2(ta_hbm, tb_hbm, ia_hbm, ib_hbm, ga_hbm, gb_hbm,
                ia_v, ib_v, b0, b1, b2, b3, b4, b5,
                g0, g1, g2, g3, g4, g5, w0, w1, w2, w3, w4, w5):
    sid = lax.axis_index("s")
    cid = lax.axis_index("c")
    base_row = (sid * 2 + cid) * ROWS_PER_TILE
    bufs = (b0, b1, b2, b3, b4, b5)
    gsems = (g0, g1, g2, g3, g4, g5)
    wsems = (w0, w1, w2, w3, w4, w5)

    def _idx(k):
        return ia_v if k % 2 == 0 else ib_v

    def _tab(k):
        return ta_hbm if k % 2 == 0 else tb_hbm

    def _out(k):
        return ga_hbm if k % 2 == 0 else gb_hbm

    def _wait_g(k):
        pltpu.make_async_copy(_tab(k).at[_idx(k).at[0]], bufs[k],
                              gsems[k]).wait()

    def _wait_w(k):
        dst = _out(k).at[pl.ds(0, IDX_ROW)]
        pltpu.make_async_copy(bufs[k], dst, wsems[k]).wait()

    def _fire_g(k, r):
        pltpu.async_copy(_tab(k).at[_idx(k).at[r]], bufs[k], gsems[k])

    def _fire_w(k, r):
        dst = _out(k).at[pl.ds((base_row + r) * IDX_ROW, IDX_ROW)]
        pltpu.async_copy(bufs[k], dst, wsems[k])

    pltpu.sync_copy(ia_hbm.at[pl.ds(base_row, ROWS_PER_TILE)], ia_v)
    pltpu.sync_copy(ib_hbm.at[pl.ds(base_row, ROWS_PER_TILE)], ib_v)

    def body(i, _):
        for k in range(6):
            r = 3 * i + k // 2

            @pl.when(i > 0)
            def _():
                _wait_w(k)

            _fire_g(k, r)
        for k in range(6):
            _wait_g(k)
            _fire_w(k, 3 * i + k // 2)
        return 0

    n_full = ROWS_PER_TILE // 3
    lax.fori_loop(0, n_full, body, 0)
    tail0 = 3 * n_full
    for k in range(4):
        _wait_w(k)
        _fire_g(k, tail0 + k // 2)
    for k in range(4):
        _wait_g(k)
        _fire_w(k, tail0 + k // 2)
    for k in range(6):
        _wait_w(k)


@functools.partial(
    pl.kernel,
    out_type=jax.ShapeDtypeStruct((2 * N_PAD, H), _f32),
    mesh=_MESH,
    compiler_params=_SC_PARAMS,
    scratch_types=[
        pltpu.VMEM((ROWS_PER_TILE, IDX_ROW), jnp.int32),
        pltpu.VMEM((IDX_ROW, H), _f32),
        pltpu.VMEM((IDX_ROW, H), _f32),
        pltpu.VMEM((BUF_ROWS, H), _f32),
        pltpu.VMEM_SHARED((N_PAD, H), _f32),
        pltpu.SemaphoreType.DMA, pltpu.SemaphoreType.DMA,
        pltpu.SemaphoreType.DMA, pltpu.SemaphoreType.DMA,
    ],
)
def _sc_scatter_add(ea_hbm, idx_hbm, zero_hbm, out_hbm,
                    idx_v, d0, d1, buf_v, acc_sh, l0, l1, a0, a1):
    cid = lax.axis_index("c")
    sid = lax.axis_index("s")
    base_row = (sid * 2 + cid) * ROWS_PER_TILE
    bufs = (d0, d1)
    lsems = (l0, l1)
    asems = (a0, a1)

    pltpu.sync_copy(idx_hbm.at[pl.ds(base_row, ROWS_PER_TILE)], idx_v)
    pltpu.sync_copy(zero_hbm, buf_v)

    def zinit(p, _):
        pltpu.sync_copy(
            buf_v, acc_sh.at[pl.ds(sid * SLICE_N + p * BUF_ROWS, BUF_ROWS)])
        return 0

    lax.fori_loop(0, SLICE_N // BUF_ROWS, zinit, 0)
    plsc.subcore_barrier()

    def _fire_l(p, r):
        src = ea_hbm.at[pl.ds((base_row + r) * IDX_ROW, IDX_ROW)]
        pltpu.async_copy(src, bufs[p], lsems[p])

    def _wait_l(p):
        src = ea_hbm.at[pl.ds(0, IDX_ROW)]
        pltpu.make_async_copy(src, bufs[p], lsems[p]).wait()

    def _fire_a(p, r):
        pltpu.async_copy(bufs[p], acc_sh.at[idx_v.at[r]], asems[p], add=True)

    def _wait_a(p):
        pltpu.make_async_copy(bufs[p], acc_sh.at[idx_v.at[0]],
                              asems[p]).wait()

    def body(i, _):
        for p in range(2):
            r = 2 * i + p

            @pl.when(i > 0)
            def _():
                _wait_a(p)

            _fire_l(p, r)
        for p in range(2):
            _wait_l(p)
            _fire_a(p, 2 * i + p)
        return 0

    lax.fori_loop(0, ROWS_PER_TILE // 2, body, 0)
    for p in range(2):
        _wait_a(p)
    plsc.subcore_barrier()

    def writeout(p, _):
        r = sid * SLICE_N + p * BUF_ROWS
        pltpu.sync_copy(acc_sh.at[pl.ds(r, BUF_ROWS)], buf_v)
        pltpu.sync_copy(buf_v, out_hbm.at[pl.ds(cid * N_PAD + r, BUF_ROWS)])
        return 0

    lax.fori_loop(0, SLICE_N // BUF_ROWS, writeout, 0)



def kernel(x, edge_index, edge_attr, conditions, batch,
           ne_W1, ne_b1, ne_W2, ne_b2, ee_W1, ee_b1, ee_W2, ee_b2,
           ce_W1, ce_b1, ce_W2, ce_b2,
           a_Wq, a_bq, a_Wk, a_bk, a_Wv, a_bv, a_Wo, a_bo,
           pe_W1, pe_b1, pe_W2, pe_b2, pn_W1, pn_b1, pn_W2, pn_b2,
           dec_W1, dec_b1, dec_W2, dec_b2):
    row = edge_index[0]
    col = edge_index[1]

    x_p = jnp.pad(x, ((0, N_PAD - N), (0, 0)))
    batch_p = jnp.pad(batch, (0, N_PAD - N))
    batch3 = batch_p.reshape(N_BLKS, 1, TILE_N)
    row_g = jnp.pad(row, (0, E_PAD - E)).reshape(E_PAD // IDX_ROW, IDX_ROW)
    col_g = jnp.pad(col, (0, E_PAD - E)).reshape(E_PAD // IDX_ROW, IDX_ROW)
    row_s = jnp.pad(row, (0, E_PAD - E),
                    constant_values=N + 16).reshape(E_PAD // IDX_ROW, IDX_ROW)
    attr2 = jnp.pad(edge_attr.reshape(E // 2, 32),
                    ((0, (E_PAD - E) // 2), (0, 0)))
    zeros_nh = jnp.zeros((BUF_ROWS, H), _f32)

    r2 = lambda b: b.reshape(1, -1)

    def bd2(W):
        z = jnp.zeros_like(W)
        return jnp.concatenate(
            [jnp.concatenate([W, z], axis=1),
             jnp.concatenate([z, W], axis=1)], axis=0)

    def b2x(b):
        return jnp.concatenate([b, b]).reshape(1, -1)
    W1d_all = pe_W1[:, 3 * H:, :]
    peb1_all = pe_b1.reshape(L, 1, H)
    Wnt_all = pn_W1[:, 2 * H:, :]
    pnb1_all = pn_b1.reshape(L, 1, H)

    ug_all, attc_all = pl.pallas_call(
        _tables_body,
        grid=(1,),
        in_specs=[_full((B, 16)), _full((16, H)), _full((1, H)),
                  _full((H, H)), _full((1, H)),
                  _full((H, H)), _full((1, H)), _full((H, H)), _full((1, H)),
                  _full((L, H, H)), _full((L, 1, H)),
                  _full((L, H, H)), _full((L, 1, H))],
        out_specs=[_full((L, B, H)), _full((L, B, H))],
        out_shape=[jax.ShapeDtypeStruct((L, B, H), _f32),
                   jax.ShapeDtypeStruct((L, B, H), _f32)],
    )(conditions, ce_W1, r2(ce_b1), ce_W2, r2(ce_b2),
      a_Wv, r2(a_bv), a_Wo, r2(a_bo), W1d_all, peb1_all, Wnt_all, pnb1_all)

    h = pl.pallas_call(
        _encode_body,
        grid=(N_BLKS,),
        in_specs=[_row_spec(D_IN), _full((D_IN, H)), _full((1, H)),
                  _full((H, H)), _full((1, H))],
        out_specs=_row_spec(),
        out_shape=jax.ShapeDtypeStruct((N_PAD, H), _f32),
    )(x_p, ne_W1, r2(ne_b1), ne_W2, r2(ne_b2))

    ea = None
    for l in range(L):
        W1 = pe_W1[l]
        W1a, W1b, W1c = W1[:H], W1[H:2 * H], W1[2 * H:3 * H]

        ha2, hb = pl.pallas_call(
            _prep_body,
            grid=(N_BLKS,),
            in_specs=[_row_spec(), _b3_spec(), _full((B, H)),
                      _full((H, H)), _full((H, H))],
            out_specs=[_row_spec(), _row_spec()],
            out_shape=[jax.ShapeDtypeStruct((N_PAD, H), _f32),
                       jax.ShapeDtypeStruct((N_PAD, H), _f32)],
        )(h, batch3, ug_all[l], W1a, W1b)

        ga, gb = _sc_gather2(ha2, hb, row_g, col_g)
        ga = ga.reshape(E_PAD // 2, 2 * H)
        gb = gb.reshape(E_PAD // 2, 2 * H)

        espec = pl.BlockSpec((TILE_E // 2, 2 * H), lambda i: (i, 0))
        if l == 0:
            ea = pl.pallas_call(
                _edge0_body,
                grid=(E_BLKS,),
                in_specs=[espec, espec,
                          pl.BlockSpec((TILE_E // 2, 32), lambda i: (i, 0)),
                          _full((32, 2 * H)), _full((1, 2 * H)),
                          _full((2 * H, 2 * H)), _full((1, 2 * H)),
                          _full((2 * H, 2 * H)), _full((2 * H, 2 * H)),
                          _full((1, 2 * H))],
                out_specs=espec,
                out_shape=jax.ShapeDtypeStruct((E_PAD // 2, 2 * H), _f32),
            )(ga, gb, attr2, bd2(ee_W1), b2x(ee_b1), bd2(ee_W2), b2x(ee_b2),
              bd2(W1c), bd2(pe_W2[l]), b2x(pe_b2[l]))
        else:
            ea = pl.pallas_call(
                _edge_body,
                grid=(E_BLKS,),
                in_specs=[espec, espec, espec,
                          _full((2 * H, 2 * H)), _full((2 * H, 2 * H)),
                          _full((1, 2 * H))],
                out_specs=espec,
                out_shape=jax.ShapeDtypeStruct((E_PAD // 2, 2 * H), _f32),
            )(ga, gb, ea, bd2(W1c), bd2(pe_W2[l]), b2x(pe_b2[l]))

        aggp = _sc_scatter_add(ea.reshape(E_PAD, H), row_s,
                               zeros_nh).reshape(2, N_PAD, H)

        Wn = pn_W1[l]
        h = pl.pallas_call(
            _node_body,
            grid=(N_BLKS,),
            in_specs=[_row_spec(),
                      pl.BlockSpec((2, TILE_N, H), lambda i: (0, i, 0)),
                      _b3_spec(), _full((B, H)),
                      _full((H, H)), _full((H, H)),
                      _full((H, H)), _full((1, H))],
            out_specs=_row_spec(),
            out_shape=jax.ShapeDtypeStruct((N_PAD, H), _f32),
        )(h, aggp, batch3, attc_all[l], Wn[:H], Wn[H:2 * H],
          pn_W2[l], r2(pn_b2[l]))

    out = pl.pallas_call(
        _encode_body,
        grid=(N_BLKS,),
        in_specs=[_row_spec(), _full((H, H)), _full((1, H)),
                  _full((H, D_OUT)), _full((1, D_OUT))],
        out_specs=_row_spec(D_OUT),
        out_shape=jax.ShapeDtypeStruct((N_PAD, D_OUT), _f32),
    )(h, dec_W1, r2(dec_b1), dec_W2, r2(dec_b2))

    return out[:N]

# --- scband reference (transcript-rebuilt; emitter-appended) ---
"""Pipeline reference for scband-cross-attention-mesh-graph-net-32169305047412 (READ-ONLY COPY).

The authoritative reference and input builder live on the scoring server;
editing this copy changes nothing except your own understanding.
"""

import jax, jax.numpy as jnp
import numpy as np

N = 10000
E = 320000
D_IN = 128
D_EDGE = 16
D_COND = 16
H = 64
HEADS = 4
B = 8
L = 3
D_OUT = 128


def _mlp2(x, W1, b1, W2, b2):
    return jnp.maximum(x @ W1 + b1, 0.0) @ W2 + b2


def _mha(x, u_exp, Wq, bq, Wk, bk, Wv, bv, Wo, bo):
    dh = H // HEADS
    q = (x @ Wq + bq).reshape(-1, HEADS, dh)
    k = (u_exp @ Wk + bk).reshape(-1, HEADS, dh)
    v = (u_exp @ Wv + bv).reshape(-1, HEADS, dh)
    scores = jnp.sum(q * k, axis=-1, keepdims=True) / jnp.sqrt(jnp.float32(dh))
    attn = jax.nn.softmax(scores, axis=-1)
    out = (attn * v).reshape(-1, H)
    return out @ Wo + bo


def setup_inputs(seed: int = 0):
    key = jax.random.key(seed)
    ks = jax.random.split(key, 48)
    def w(i, shape):
        return jax.random.normal(ks[i], shape, dtype=jnp.float32) * 0.02
    inp = {}
    inp["x"] = jax.random.normal(ks[0], (N, D_IN), dtype=jnp.float32)
    inp["edge_index"] = jax.random.randint(ks[1], (2, E), 0, N, dtype=jnp.int32)
    inp["edge_attr"] = jax.random.normal(ks[2], (E, D_EDGE), dtype=jnp.float32)
    inp["conditions"] = jax.random.normal(ks[3], (B, D_COND), dtype=jnp.float32)
    inp["batch"] = jnp.sort(jax.random.randint(ks[4], (N,), 0, B, dtype=jnp.int32))
    inp["ne_W1"] = w(5, (D_IN, H)); inp["ne_b1"] = w(6, (H,))
    inp["ne_W2"] = w(7, (H, H)); inp["ne_b2"] = w(8, (H,))
    inp["ee_W1"] = w(9, (D_EDGE, H)); inp["ee_b1"] = w(10, (H,))
    inp["ee_W2"] = w(11, (H, H)); inp["ee_b2"] = w(12, (H,))
    inp["ce_W1"] = w(13, (D_COND, H)); inp["ce_b1"] = w(14, (H,))
    inp["ce_W2"] = w(15, (H, H)); inp["ce_b2"] = w(16, (H,))
    inp["a_Wq"] = w(17, (H, H)); inp["a_bq"] = w(18, (H,))
    inp["a_Wk"] = w(19, (H, H)); inp["a_bk"] = w(20, (H,))
    inp["a_Wv"] = w(21, (H, H)); inp["a_bv"] = w(22, (H,))
    inp["a_Wo"] = w(23, (H, H)); inp["a_bo"] = w(24, (H,))
    inp["pe_W1"] = w(25, (L, 4 * H, H)); inp["pe_b1"] = w(26, (L, H))
    inp["pe_W2"] = w(27, (L, H, H)); inp["pe_b2"] = w(28, (L, H))
    inp["pn_W1"] = w(29, (L, 3 * H, H)); inp["pn_b1"] = w(30, (L, H))
    inp["pn_W2"] = w(31, (L, H, H)); inp["pn_b2"] = w(32, (L, H))
    inp["dec_W1"] = w(33, (H, H)); inp["dec_b1"] = w(34, (H,))
    inp["dec_W2"] = w(35, (H, D_OUT)); inp["dec_b2"] = w(36, (D_OUT,))
    return inp


def reference(x, edge_index, edge_attr, conditions, batch, ne_W1, ne_b1, ne_W2, ne_b2, ee_W1, ee_b1, ee_W2, ee_b2, ce_W1, ce_b1, ce_W2, ce_b2, a_Wq, a_bq, a_Wk, a_bk, a_Wv, a_bv, a_Wo, a_bo, pe_W1, pe_b1, pe_W2, pe_b2, pn_W1, pn_b1, pn_W2, pn_b2, dec_W1, dec_b1, dec_W2, dec_b2):
    h = _mlp2(x, ne_W1, ne_b1, ne_W2, ne_b2)
    ea = _mlp2(edge_attr, ee_W1, ee_b1, ee_W2, ee_b2)
    u = _mlp2(conditions, ce_W1, ce_b1, ce_W2, ce_b2)
    row = edge_index[0]
    col = edge_index[1]
    for l in range(L):
        h_res = h
        e_in = jnp.concatenate([h[row], h[col], ea, u[batch[row]]], axis=1)
        ea = _mlp2(e_in, pe_W1[l], pe_b1[l], pe_W2[l], pe_b2[l])
        agg = jnp.zeros_like(h).at[row].add(ea)
        h_att = _mha(h, u[batch], a_Wq, a_bq, a_Wk, a_bk, a_Wv, a_bv, a_Wo, a_bo)
        h = _mlp2(jnp.concatenate([h, agg, h_att], axis=1), pn_W1[l], pn_b1[l], pn_W2[l], pn_b2[l])
        h = h + h_res
    return _mlp2(h, dec_W1, dec_b1, dec_W2, dec_b2)

if __name__ == "__main__":
    import jax
    _d = setup_inputs()
    print(jax.jit(kernel)(*tuple(_d.values())))

</pallas_src>

<mosaic_0001>
#map = affine_map<(d0, d1) -> (0, 0)>
module attributes {stable_mosaic.version = 14 : i64} {
  func.func @_sc_gather2(%arg0: i32, %arg1: i32, %arg2: memref<10240x64xf32, #tpu.memory_space<hbm>>, %arg3: memref<10240x64xf32, #tpu.memory_space<hbm>>, %arg4: memref<2560x128xi32, #tpu.memory_space<hbm>>, %arg5: memref<2560x128xi32, #tpu.memory_space<hbm>>, %arg6: memref<327680x64xf32, #tpu.memory_space<hbm>>, %arg7: memref<327680x64xf32, #tpu.memory_space<hbm>>, %arg8: memref<80x128xi32, #tpu.memory_space<vmem>>, %arg9: memref<80x128xi32, #tpu.memory_space<vmem>>, %arg10: memref<128x64xf32, #tpu.memory_space<vmem>>, %arg11: memref<128x64xf32, #tpu.memory_space<vmem>>, %arg12: memref<128x64xf32, #tpu.memory_space<vmem>>, %arg13: memref<128x64xf32, #tpu.memory_space<vmem>>, %arg14: memref<128x64xf32, #tpu.memory_space<vmem>>, %arg15: memref<128x64xf32, #tpu.memory_space<vmem>>, %arg16: memref<!tpu.dma_semaphore, #tpu.memory_space<semaphore_mem>>, %arg17: memref<!tpu.dma_semaphore, #tpu.memory_space<semaphore_mem>>, %arg18: memref<!tpu.dma_semaphore, #tpu.memory_space<semaphore_mem>>, %arg19: memref<!tpu.dma_semaphore, #tpu.memory_space<semaphore_mem>>, %arg20: memref<!tpu.dma_semaphore, #tpu.memory_space<semaphore_mem>>, %arg21: memref<!tpu.dma_semaphore, #tpu.memory_space<semaphore_mem>>, %arg22: memref<!tpu.dma_semaphore, #tpu.memory_space<semaphore_mem>>, %arg23: memref<!tpu.dma_semaphore, #tpu.memory_space<semaphore_mem>>, %arg24: memref<!tpu.dma_semaphore, #tpu.memory_space<semaphore_mem>>, %arg25: memref<!tpu.dma_semaphore, #tpu.memory_space<semaphore_mem>>, %arg26: memref<!tpu.dma_semaphore, #tpu.memory_space<semaphore_mem>>, %arg27: memref<!tpu.dma_semaphore, #tpu.memory_space<semaphore_mem>>) attributes {dimension_semantics = [#tpu.dimension_semantics<core_parallel>, #tpu.dimension_semantics<subcore_parallel>], iteration_bounds = array<i64: 2, 16>, scalar_prefetch = 0 : i64, scratch_operands = 20 : i64, tpu.core_type = #tpu.core_type<sc_vector_subcore>, window_params = [{transform_indices = #map}, {transform_indices = #map}, {transform_indices = #map}, {transform_indices = #map}, {transform_indices = #map}, {transform_indices = #map}]} {
    %mul3A = arith.constant 2 : i32
    %mul3A_0 = arith.muli %arg1, %mul3A : i32
    %add3A = arith.addi %mul3A_0, %arg0 : i32
    %mul3A_1 = arith.constant 80 : i32
    %mul3A_2 = arith.muli %add3A, %mul3A_1 : i32
    "tpu.region"() ({
      %run_scoped3A = tpu.sem_alloc : memref<!tpu.dma_semaphore, #tpu.memory_space<semaphore_mem>>
      %dma_start3A_155 = arith.constant 0 : i32
      %dma_start3A_156 = tpu.memref_slice %arg4[%mul3A_2, %dma_start3A_155] : memref<2560x128xi32, #tpu.memory_space<hbm>> -> memref<80x128xi32, #tpu.memory_space<hbm>>
      %dma_start3A_157 = arith.constant 0 : i32
      %dma_start3A_158 = tpu.memref_slice %arg4[%mul3A_2, %dma_start3A_157] : memref<2560x128xi32, #tpu.memory_space<hbm>> -> memref<80x128xi32, #tpu.memory_space<hbm>>
      tpu.enqueue_dma source(%dma_start3A_158 : memref<80x128xi32, #tpu.memory_space<hbm>>) target(%arg8 : memref<80x128xi32, #tpu.memory_space<vmem>>) target_semaphore(%run_scoped3A : memref<!tpu.dma_semaphore, #tpu.memory_space<semaphore_mem>>)
      %dma_wait3A_159 = arith.constant 0 : i32
      %dma_wait3A_160 = tpu.memref_slice %arg4[%mul3A_2, %dma_wait3A_159] : memref<2560x128xi32, #tpu.memory_space<hbm>> -> memref<80x128xi32, #tpu.memory_space<hbm>>
      %dma_wait3A_161 = arith.constant 0 : i32
      %dma_wait3A_162 = tpu.memref_slice %arg4[%mul3A_2, %dma_wait3A_161] : memref<2560x128xi32, #tpu.memory_space<hbm>> -> memref<80x128xi32, #tpu.memory_space<hbm>>
      tpu.wait_dma2 semaphore(%run_scoped3A : memref<!tpu.dma_semaphore, #tpu.memory_space<semaphore_mem>>) src(%dma_wait3A_162 : memref<80x128xi32, #tpu.memory_space<hbm>>) dst(%arg8 : memref<80x128xi32, #tpu.memory_space<vmem>>)
      tpu.yield
    }) : () -> ()
    "tpu.region"() ({
      %run_scoped3A = tpu.sem_alloc : memref<!tpu.dma_semaphore, #tpu.memory_space<semaphore_mem>>
      %dma_start3A_155 = arith.constant 0 : i32
      %dma_start3A_156 = tpu.memref_slice %arg5[%mul3A_2, %dma_start3A_155] : memref<2560x128xi32, #tpu.memory_space<hbm>> -> memref<80x128xi32, #tpu.memory_space<hbm>>
      %dma_start3A_157 = arith.constant 0 : i32
      %dma_start3A_158 = tpu.memref_slice %arg5[%mul3A_2, %dma_start3A_157] : memref<2560x128xi32, #tpu.memory_space<hbm>> -> memref<80x128xi32, #tpu.memory_space<hbm>>
      tpu.enqueue_dma source(%dma_start3A_158 : memref<80x128xi32, #tpu.memory_space<hbm>>) target(%arg9 : memref<80x128xi32, #tpu.memory_space<vmem>>) target_semaphore(%run_scoped3A : memref<!tpu.dma_semaphore, #tpu.memory_space<semaphore_mem>>)
      %dma_wait3A_159 = arith.constant 0 : i32
      %dma_wait3A_160 = tpu.memref_slice %arg5[%mul3A_2, %dma_wait3A_159] : memref<2560x128xi32, #tpu.memory_space<hbm>> -> memref<80x128xi32, #tpu.memory_space<hbm>>
      %dma_wait3A_161 = arith.constant 0 : i32
      %dma_wait3A_162 = tpu.memref_slice %arg5[%mul3A_2, %dma_wait3A_161] : memref<2560x128xi32, #tpu.memory_space<hbm>> -> memref<80x128xi32, #tpu.memory_space<hbm>>
      tpu.wait_dma2 semaphore(%run_scoped3A : memref<!tpu.dma_semaphore, #tpu.memory_space<semaphore_mem>>) src(%dma_wait3A_162 : memref<80x128xi32, #tpu.memory_space<hbm>>) dst(%arg9 : memref<80x128xi32, #tpu.memory_space<vmem>>)
      tpu.yield
    }) : () -> ()
    %scan3A = arith.constant 0 : i32
    %scan3A_3 = arith.constant 0 : i32
    %scan3A_4 = arith.constant 26 : i32
    %scan3A_5 = arith.addi %scan3A_3, %scan3A_4 : i32
    %scan3A_6 = arith.constant 1 : i32
    %scan3A_7 = scf.for %scan3A_155 = %scan3A_3 to %scan3A_5 step %scan3A_6 iter_args(%scan3A_156 = %scan3A) -> (i32)  : i32 {
      %mul3A_157 = arith.constant 3 : i32
      %mul3A_158 = arith.muli %mul3A_157, %scan3A_155 : i32
      %add3A_159 = arith.constant 0 : i32
      %add3A_160 = arith.addi %mul3A_158, %add3A_159 : i32
      %gt3A = arith.constant 0 : i32
      %gt3A_161 = arith.cmpi sgt, %scan3A_155, %gt3A : i32
      %convert_element_type3A = arith.extui %gt3A_161 : i1 to i32
      %cond3A = arith.constant 0 : i32
      %cond3A_162 = arith.cmpi ne, %convert_element_type3A, %cond3A : i32
      scf.if %cond3A_162 {
        %dma_wait3A_353 = arith.constant 0 : i32
        %dma_wait3A_354 = arith.constant 0 : i32
        %dma_wait3A_355 = tpu.memref_slice %arg6[%dma_wait3A_353, %dma_wait3A_354] : memref<327680x64xf32, #tpu.memory_space<hbm>> -> memref<128x64xf32, #tpu.memory_space<hbm>>
        %dma_wait3A_356 = arith.constant 0 : i32
        %dma_wait3A_357 = arith.constant 0 : i32
        %dma_wait3A_358 = tpu.memref_slice %arg6[%dma_wait3A_356, %dma_wait3A_357] : memref<327680x64xf32, #tpu.memory_space<hbm>> -> memref<128x64xf32, #tpu.memory_space<hbm>>
        tpu.wait_dma2 semaphore(%arg22 : memref<!tpu.dma_semaphore, #tpu.memory_space<semaphore_mem>>) src(%arg10 : memref<128x64xf32, #tpu.memory_space<vmem>>) dst(%dma_wait3A_358 : memref<128x64xf32, #tpu.memory_space<hbm>>)
      } else {
      }
      %dma_start3A_163 = arith.constant 0 : i32
      %dma_start3A_164 = tpu.memref_slice %arg8[%add3A_160, %dma_start3A_163] : memref<80x128xi32, #tpu.memory_space<vmem>> -> memref<1x128xi32, #tpu.memory_space<vmem>>
      %dma_start3A_165 = tpu.memref_squeeze %dma_start3A_164 : memref<1x128xi32, #tpu.memory_space<vmem>> -> memref<128xi32, #tpu.memory_space<vmem>>
      %dma_start3A_166 = arith.constant 0 : i32
      %dma_start3A_167 = arith.constant 0 : i32
      %dma_start3A_168 = tpu.memref_slice %arg2[%dma_start3A_166, %dma_start3A_167] : memref<10240x64xf32, #tpu.memory_space<hbm>> -> memref<10240x64xf32, #tpu.memory_space<hbm>>
      tpu.enqueue_indirect_dma source(%dma_start3A_168 : memref<10240x64xf32, #tpu.memory_space<hbm>>) target(%arg10 : memref<128x64xf32, #tpu.memory_space<vmem>>) offsets(%dma_start3A_165 : memref<128xi32, #tpu.memory_space<vmem>>) semaphore(%arg16 : memref<!tpu.dma_semaphore, #tpu.memory_space<semaphore_mem>>)
      %mul3A_169 = arith.constant 3 : i32
      %mul3A_170 = arith.muli %mul3A_169, %scan3A_155 : i32
      %add3A_171 = arith.constant 0 : i32
      %add3A_172 = arith.addi %mul3A_170, %add3A_171 : i32
      %gt3A_173 = arith.constant 0 : i32
      %gt3A_174 = arith.cmpi sgt, %scan3A_155, %gt3A_173 : i32
      %convert_element_type3A_175 = arith.extui %gt3A_174 : i1 to i32
      %cond3A_176 = arith.constant 0 : i32
      %cond3A_177 = arith.cmpi ne, %convert_element_type3A_175, %cond3A_176 : i32
      scf.if %cond3A_177 {
        %dma_wait3A_353 = arith.constant 0 : i32
        %dma_wait3A_354 = arith.constant 0 : i32
        %dma_wait3A_355 = tpu.memref_slice %arg7[%dma_wait3A_353, %dma_wait3A_354] : memref<327680x64xf32, #tpu.memory_space<hbm>> -> memref<128x64xf32, #tpu.memory_space<hbm>>
        %dma_wait3A_356 = arith.constant 0 : i32
        %dma_wait3A_357 = arith.constant 0 : i32
        %dma_wait3A_358 = tpu.memref_slice %arg7[%dma_wait3A_356, %dma_wait3A_357] : memref<327680x64xf32, #tpu.memory_space<hbm>> -> memref<128x64xf32, #tpu.memory_space<hbm>>
        tpu.wait_dma2 semaphore(%arg23 : memref<!tpu.dma_semaphore, #tpu.memory_space<semaphore_mem>>) src(%arg11 : memref<128x64xf32, #tpu.memory_space<vmem>>) dst(%dma_wait3A_358 : memref<128x64xf32, #tpu.memory_space<hbm>>)
      } else {
      }
      %dma_start3A_178 = arith.constant 0 : i32
      %dma_start3A_179 = tpu.memref_slice %arg9[%add3A_172, %dma_start3A_178] : memref<80x128xi32, #tpu.memory_space<vmem>> -> memref<1x128xi32, #tpu.memory_space<vmem>>
      %dma_start3A_180 = tpu.memref_squeeze %dma_start3A_179 : memref<1x128xi32, #tpu.memory_space<vmem>> -> memref<128xi32, #tpu.memory_space<vmem>>
      %dma_start3A_181 = arith.constant 0 : i32
      %dma_start3A_182 = arith.constant 0 : i32
      %dma_start3A_183 = tpu.memref_slice %arg3[%dma_start3A_181, %dma_start3A_182] : memref<10240x64xf32, #tpu.memory_space<hbm>> -> memref<10240x64xf32, #tpu.memory_space<hbm>>
      tpu.enqueue_indirect_dma source(%dma_start3A_183 : memref<10240x64xf32, #tpu.memory_space<hbm>>) target(%arg11 : memref<128x64xf32, #tpu.memory_space<vmem>>) offsets(%dma_start3A_180 : memref<128xi32, #tpu.memory_space<vmem>>) semaphore(%arg17 : memref<!tpu.dma_semaphore, #tpu.memory_space<semaphore_mem>>)
      %mul3A_184 = arith.constant 3 : i32
      %mul3A_185 = arith.muli %mul3A_184, %scan3A_155 : i32
      %add3A_186 = arith.constant 1 : i32
      %add3A_187 = arith.addi %mul3A_185, %add3A_186 : i32
      %gt3A_188 = arith.constant 0 : i32
      %gt3A_189 = arith.cmpi sgt, %scan3A_155, %gt3A_188 : i32
      %convert_element_type3A_190 = arith.extui %gt3A_189 : i1 to i32
      %cond3A_191 = arith.constant 0 : i32
      %cond3A_192 = arith.cmpi ne, %convert_element_type3A_190, %cond3A_191 : i32
      scf.if %cond3A_192 {
        %dma_wait3A_353 = arith.constant 0 : i32
        %dma_wait3A_354 = arith.constant 0 : i32
        %dma_wait3A_355 = tpu.memref_slice %arg6[%dma_wait3A_353, %dma_wait3A_354] : memref<327680x64xf32, #tpu.memory_space<hbm>> -> memref<128x64xf32, #tpu.memory_space<hbm>>
        %dma_wait3A_356 = arith.constant 0 : i32
        %dma_wait3A_357 = arith.constant 0 : i32
        %dma_wait3A_358 = tpu.memref_slice %arg6[%dma_wait3A_356, %dma_wait3A_357] : memref<327680x64xf32, #tpu.memory_space<hbm>> -> memref<128x64xf32, #tpu.memory_space<hbm>>
        tpu.wait_dma2 semaphore(%arg24 : memref<!tpu.dma_semaphore, #tpu.memory_space<semaphore_mem>>) src(%arg12 : memref<128x64xf32, #tpu.memory_space<vmem>>) dst(%dma_wait3A_358 : memref<128x64xf32, #tpu.memory_space<hbm>>)
      } else {
      }
      %dma_start3A_193 = arith.constant 0 : i32
      %dma_start3A_194 = tpu.memref_slice %arg8[%add3A_187, %dma_start3A_193] : memref<80x128xi32, #tpu.memory_space<vmem>> -> memref<1x128xi32, #tpu.memory_space<vmem>>
      %dma_start3A_195 = tpu.memref_squeeze %dma_start3A_194 : memref<1x128xi32, #tpu.memory_space<vmem>> -> memref<128xi32, #tpu.memory_space<vmem>>
      %dma_start3A_196 = arith.constant 0 : i32
      %dma_start3A_197 = arith.constant 0 : i32
      %dma_start3A_198 = tpu.memref_slice %arg2[%dma_start3A_196, %dma_start3A_197] : memref<10240x64xf32, #tpu.memory_space<hbm>> -> memref<10240x64xf32, #tpu.memory_space<hbm>>
      tpu.enqueue_indirect_dma source(%dma_start3A_198 : memref<10240x64xf32, #tpu.memory_space<hbm>>) target(%arg12 : memref<128x64xf32, #tpu.memory_space<vmem>>) offsets(%dma_start3A_195 : memref<128xi32, #tpu.memory_space<vmem>>) semaphore(%arg18 : memref<!tpu.dma_semaphore, #tpu.memory_space<semaphore_mem>>)
      %mul3A_199 = arith.constant 3 : i32
      %mul3A_200 = arith.muli %mul3A_199, %scan3A_155 : i32
      %add3A_201 = arith.constant 1 : i32
      %add3A_202 = arith.addi %mul3A_200, %add3A_201 : i32
      %gt3A_203 = arith.constant 0 : i32
      %gt3A_204 = arith.cmpi sgt, %scan3A_155, %gt3A_203 : i32
      %convert_element_type3A_205 = arith.extui %gt3A_204 : i1 to i32
      %cond3A_206 = arith.constant 0 : i32
      %cond3A_207 = arith.cmpi ne, %convert_element_type3A_205, %cond3A_206 : i32
      scf.if %cond3A_207 {
        %dma_wait3A_353 = arith.constant 0 : i32
        %dma_wait3A_354 = arith.constant 0 : i32
        %dma_wait3A_355 = tpu.memref_slice %arg7[%dma_wait3A_353, %dma_wait3A_354] : memref<327680x64xf32, #tpu.memory_space<hbm>> -> memref<128x64xf32, #tpu.memory_space<hbm>>
        %dma_wait3A_356 = arith.constant 0 : i32
        %dma_wait3A_357 = arith.constant 0 : i32
        %dma_wait3A_358 = tpu.memref_slice %arg7[%dma_wait3A_356, %dma_wait3A_357] : memref<327680x64xf32, #tpu.memory_space<hbm>> -> memref<128x64xf32, #tpu.memory_space<hbm>>
        tpu.wait_dma2 semaphore(%arg25 : memref<!tpu.dma_semaphore, #tpu.memory_space<semaphore_mem>>) src(%arg13 : memref<128x64xf32, #tpu.memory_space<vmem>>) dst(%dma_wait3A_358 : memref<128x64xf32, #tpu.memory_space<hbm>>)
      } else {
      }
      %dma_start3A_208 = arith.constant 0 : i32
      %dma_start3A_209 = tpu.memref_slice %arg9[%add3A_202, %dma_start3A_208] : memref<80x128xi32, #tpu.memory_space<vmem>> -> memref<1x128xi32, #tpu.memory_space<vmem>>
      %dma_start3A_210 = tpu.memref_squeeze %dma_start3A_209 : memref<1x128xi32, #tpu.memory_space<vmem>> -> memref<128xi32, #tpu.memory_space<vmem>>
      %dma_start3A_211 = arith.constant 0 : i32
      %dma_start3A_212 = arith.constant 0 : i32
      %dma_start3A_213 = tpu.memref_slice %arg3[%dma_start3A_211, %dma_start3A_212] : memref<10240x64xf32, #tpu.memory_space<hbm>> -> memref<10240x64xf32, #tpu.memory_space<hbm>>
      tpu.enqueue_indirect_dma source(%dma_start3A_213 : memref<10240x64xf32, #tpu.memory_space<hbm>>) target(%arg13 : memref<128x64xf32, #tpu.memory_space<vmem>>) offsets(%dma_start3A_210 : memref<128xi32, #tpu.memory_space<vmem>>) semaphore(%arg19 : memref<!tpu.dma_semaphore, #tpu.memory_space<semaphore_mem>>)
      %mul3A_214 = arith.constant 3 : i32
      %mul3A_215 = arith.muli %mul3A_214, %scan3A_155 : i32
      %add3A_216 = arith.constant 2 : i32
      %add3A_217 = arith.addi %mul3A_215, %add3A_216 : i32
      %gt3A_218 = arith.constant 0 : i32
      %gt3A_219 = arith.cmpi sgt, %scan3A_155, %gt3A_218 : i32
      %convert_element_type3A_220 = arith.extui %gt3A_219 : i1 to i32
      %cond3A_221 = arith.constant 0 : i32
      %cond3A_222 = arith.cmpi ne, %convert_element_type3A_220, %cond3A_221 : i32
      scf.if %cond3A_222 {
        %dma_wait3A_353 = arith.constant 0 : i32
        %dma_wait3A_354 = arith.constant 0 : i32
        %dma_wait3A_355 = tpu.memref_slice %arg6[%dma_wait3A_353, %dma_wait3A_354] : memref<327680x64xf32, #tpu.memory_space<hbm>> -> memref<128x64xf32, #tpu.memory_space<hbm>>
        %dma_wait3A_356 = arith.constant 0 : i32
        %dma_wait3A_357 = arith.constant 0 : i32
        %dma_wait3A_358 = tpu.memref_slice %arg6[%dma_wait3A_356, %dma_wait3A_357] : memref<327680x64xf32, #tpu.memory_space<hbm>> -> memref<128x64xf32, #tpu.memory_space<hbm>>
        tpu.wait_dma2 semaphore(%arg26 : memref<!tpu.dma_semaphore, #tpu.memory_space<semaphore_mem>>) src(%arg14 : memref<128x64xf32, #tpu.memory_space<vmem>>) dst(%dma_wait3A_358 : memref<128x64xf32, #tpu.memory_space<hbm>>)
      } else {
      }
      %dma_start3A_223 = arith.constant 0 : i32
      %dma_start3A_224 = tpu.memref_slice %arg8[%add3A_217, %dma_start3A_223] : memref<80x128xi32, #tpu.memory_space<vmem>> -> memref<1x128xi32, #tpu.memory_space<vmem>>
      %dma_start3A_225 = tpu.memref_squeeze %dma_start3A_224 : memref<1x128xi32, #tpu.memory_space<vmem>> -> memref<128xi32, #tpu.memory_space<vmem>>
      %dma_start3A_226 = arith.constant 0 : i32
      %dma_start3A_227 = arith.constant 0 : i32
      %dma_start3A_228 = tpu.memref_slice %arg2[%dma_start3A_226, %dma_start3A_227] : memref<10240x64xf32, #tpu.memory_space<hbm>> -> memref<10240x64xf32, #tpu.memory_space<hbm>>
      tpu.enqueue_indirect_dma source(%dma_start3A_228 : memref<10240x64xf32, #tpu.memory_space<hbm>>) target(%arg14 : memref<128x64xf32, #tpu.memory_space<vmem>>) offsets(%dma_start3A_225 : memref<128xi32, #tpu.memory_space<vmem>>) semaphore(%arg20 : memref<!tpu.dma_semaphore, #tpu.memory_space<semaphore_mem>>)
      %mul3A_229 = arith.constant 3 : i32
      %mul3A_230 = arith.muli %mul3A_229, %scan3A_155 : i32
      %add3A_231 = arith.constant 2 : i32
      %add3A_232 = arith.addi %mul3A_230, %add3A_231 : i32
      %gt3A_233 = arith.constant 0 : i32
      %gt3A_234 = arith.cmpi sgt, %scan3A_155, %gt3A_233 : i32
      %convert_element_type3A_235 = arith.extui %gt3A_234 : i1 to i32
      %cond3A_236 = arith.constant 0 : i32
      %cond3A_237 = arith.cmpi ne, %convert_element_type3A_235, %cond3A_236 : i32
      scf.if %cond3A_237 {
        %dma_wait3A_353 = arith.constant 0 : i32
        %dma_wait3A_354 = arith.constant 0 : i32
        %dma_wait3A_355 = tpu.memref_slice %arg7[%dma_wait3A_353, %dma_wait3A_354] : memref<327680x64xf32, #tpu.memory_space<hbm>> -> memref<128x64xf32, #tpu.memory_space<hbm>>
        %dma_wait3A_356 = arith.constant 0 : i32
        %dma_wait3A_357 = arith.constant 0 : i32
        %dma_wait3A_358 = tpu.memref_slice %arg7[%dma_wait3A_356, %dma_wait3A_357] : memref<327680x64xf32, #tpu.memory_space<hbm>> -> memref<128x64xf32, #tpu.memory_space<hbm>>
        tpu.wait_dma2 semaphore(%arg27 : memref<!tpu.dma_semaphore, #tpu.memory_space<semaphore_mem>>) src(%arg15 : memref<128x64xf32, #tpu.memory_space<vmem>>) dst(%dma_wait3A_358 : memref<128x64xf32, #tpu.memory_space<hbm>>)
      } else {
      }
      %dma_start3A_238 = arith.constant 0 : i32
      %dma_start3A_239 = tpu.memref_slice %arg9[%add3A_232, %dma_start3A_238] : memref<80x128xi32, #tpu.memory_space<vmem>> -> memref<1x128xi32, #tpu.memory_space<vmem>>
      %dma_start3A_240 = tpu.memref_squeeze %dma_start3A_239 : memref<1x128xi32, #tpu.memory_space<vmem>> -> memref<128xi32, #tpu.memory_space<vmem>>
      %dma_start3A_241 = arith.constant 0 : i32
      %dma_start3A_242 = arith.constant 0 : i32
      %dma_start3A_243 = tpu.memref_slice %arg3[%dma_start3A_241, %dma_start3A_242] : memref<10240x64xf32, #tpu.memory_space<hbm>> -> memref<10240x64xf32, #tpu.memory_space<hbm>>
      tpu.enqueue_indirect_dma source(%dma_start3A_243 : memref<10240x64xf32, #tpu.memory_space<hbm>>) target(%arg15 : memref<128x64xf32, #tpu.memory_space<vmem>>) offsets(%dma_start3A_240 : memref<128xi32, #tpu.memory_space<vmem>>) semaphore(%arg21 : memref<!tpu.dma_semaphore, #tpu.memory_space<semaphore_mem>>)
      %dma_wait3A_244 = arith.constant 0 : i32
      %dma_wait3A_245 = arith.constant 0 : i32
      %dma_wait3A_246 = tpu.memref_slice %arg8[%dma_wait3A_244, %dma_wait3A_245] : memref<80x128xi32, #tpu.memory_space<vmem>> -> memref<1x128xi32, #tpu.memory_space<vmem>>
      %dma_wait3A_247 = tpu.memref_squeeze %dma_wait3A_246 : memref<1x128xi32, #tpu.memory_space<vmem>> -> memref<128xi32, #tpu.memory_space<vmem>>
      %dma_wait3A_248 = arith.constant 0 : i32
      %dma_wait3A_249 = arith.constant 0 : i32
      %dma_wait3A_250 = tpu.memref_slice %arg2[%dma_wait3A_248, %dma_wait3A_249] : memref<10240x64xf32, #tpu.memory_space<hbm>> -> memref<10240x64xf32, #tpu.memory_space<hbm>>
      tpu.wait_indirect_dma semaphore(%arg16 : memref<!tpu.dma_semaphore, #tpu.memory_space<semaphore_mem>>) src(%dma_wait3A_250 : memref<10240x64xf32, #tpu.memory_space<hbm>>) dst(%arg10 : memref<128x64xf32, #tpu.memory_space<vmem>>)
      %mul3A_251 = arith.constant 3 : i32
      %mul3A_252 = arith.muli %mul3A_251, %scan3A_155 : i32
      %add3A_253 = arith.constant 0 : i32
      %add3A_254 = arith.addi %mul3A_252, %add3A_253 : i32
      %add3A_255 = arith.addi %mul3A_2, %add3A_254 : i32
      %mul3A_256 = arith.constant 128 : i32
      %mul3A_257 = arith.muli %add3A_255, %mul3A_256 : i32
      %dma_start3A_258 = arith.constant 0 : i32
      %dma_start3A_259 = tpu.memref_slice %arg6[%mul3A_257, %dma_start3A_258] : memref<327680x64xf32, #tpu.memory_space<hbm>> -> memref<128x64xf32, #tpu.memory_space<hbm>>
      %dma_start3A_260 = arith.constant 0 : i32
      %dma_start3A_261 = tpu.memref_slice %arg6[%mul3A_257, %dma_start3A_260] : memref<327680x64xf32, #tpu.memory_space<hbm>> -> memref<128x64xf32, #tpu.memory_space<hbm>>
      tpu.enqueue_dma source(%arg10 : memref<128x64xf32, #tpu.memory_space<vmem>>) target(%dma_start3A_261 : memref<128x64xf32, #tpu.memory_space<hbm>>) target_semaphore(%arg22 : memref<!tpu.dma_semaphore, #tpu.memory_space<semaphore_mem>>)
      %dma_wait3A_262 = arith.constant 0 : i32
      %dma_wait3A_263 = arith.constant 0 : i32
      %dma_wait3A_264 = tpu.memref_slice %arg9[%dma_wait3A_262, %dma_wait3A_263] : memref<80x128xi32, #tpu.memory_space<vmem>> -> memref<1x128xi32, #tpu.memory_space<vmem>>
      %dma_wait3A_265 = tpu.memref_squeeze %dma_wait3A_264 : memref<1x128xi32, #tpu.memory_space<vmem>> -> memref<128xi32, #tpu.memory_space<vmem>>
      %dma_wait3A_266 = arith.constant 0 : i32
      %dma_wait3A_267 = arith.constant 0 : i32
      %dma_wait3A_268 = tpu.memref_slice %arg3[%dma_wait3A_266, %dma_wait3A_267] : memref<10240x64xf32, #tpu.memory_space<hbm>> -> memref<10240x64xf32, #tpu.memory_space<hbm>>
      tpu.wait_indirect_dma semaphore(%arg17 : memref<!tpu.dma_semaphore, #tpu.memory_space<semaphore_mem>>) src(%dma_wait3A_268 : memref<10240x64xf32, #tpu.memory_space<hbm>>) dst(%arg11 : memref<128x64xf32, #tpu.memory_space<vmem>>)
      %mul3A_269 = arith.constant 3 : i32
      %mul3A_270 = arith.muli %mul3A_269, %scan3A_155 : i32
      %add3A_271 = arith.constant 0 : i32
      %add3A_272 = arith.addi %mul3A_270, %add3A_271 : i32
      %add3A_273 = arith.addi %mul3A_2, %add3A_272 : i32
      %mul3A_274 = arith.constant 128 : i32
      %mul3A_275 = arith.muli %add3A_273, %mul3A_274 : i32
      %dma_start3A_276 = arith.constant 0 : i32
      %dma_start3A_277 = tpu.memref_slice %arg7[%mul3A_275, %dma_start3A_276] : memref<327680x64xf32, #tpu.memory_space<hbm>> -> memref<128x64xf32, #tpu.memory_space<hbm>>
      %dma_start3A_278 = arith.constant 0 : i32
      %dma_start3A_279 = tpu.memref_slice %arg7[%mul3A_275, %dma_start3A_278] : memref<327680x64xf32, #tpu.memory_space<hbm>> -> memref<128x64xf32, #tpu.memory_space<hbm>>
      tpu.enqueue_dma source(%arg11 : memref<128x64xf32, #tpu.memory_space<vmem>>) target(%dma_start3A_279 : memref<128x64xf32, #tpu.memory_space<hbm>>) target_semaphore(%arg23 : memref<!tpu.dma_semaphore, #tpu.memory_space<semaphore_mem>>)
      %dma_wait3A_280 = arith.constant 0 : i32
      %dma_wait3A_281 = arith.constant 0 : i32
      %dma_wait3A_282 = tpu.memref_slice %arg8[%dma_wait3A_280, %dma_wait3A_281] : memref<80x128xi32, #tpu.memory_space<vmem>> -> memref<1x128xi32, #tpu.memory_space<vmem>>
      %dma_wait3A_283 = tpu.memref_squeeze %dma_wait3A_282 : memref<1x128xi32, #tpu.memory_space<vmem>> -> memref<128xi32, #tpu.memory_space<vmem>>
      %dma_wait3A_284 = arith.constant 0 : i32
      %dma_wait3A_285 = arith.constant 0 : i32
      %dma_wait3A_286 = tpu.memref_slice %arg2[%dma_wait3A_284, %dma_wait3A_285] : memref<10240x64xf32, #tpu.memory_space<hbm>> -> memref<10240x64xf32, #tpu.memory_space<hbm>>
      tpu.wait_indirect_dma semaphore(%arg18 : memref<!tpu.dma_semaphore, #tpu.memory_space<semaphore_mem>>) src(%dma_wait3A_286 : memref<10240x64xf32, #tpu.memory_space<hbm>>) dst(%arg12 : memref<128x64xf32, #tpu.memory_space<vmem>>)
      %mul3A_287 = arith.constant 3 : i32
      %mul3A_288 = arith.muli %mul3A_287, %scan3A_155 : i32
      %add3A_289 = arith.constant 1 : i32
      %add3A_290 = arith.addi %mul3A_288, %add3A_289 : i32
      %add3A_291 = arith.addi %mul3A_2, %add3A_290 : i32
      %mul3A_292 = arith.constant 128 : i32
      %mul3A_293 = arith.muli %add3A_291, %mul3A_292 : i32
      %dma_start3A_294 = arith.constant 0 : i32
      %dma_start3A_295 = tpu.memref_slice %arg6[%mul3A_293, %dma_start3A_294] : memref<327680x64xf32, #tpu.memory_space<hbm>> -> memref<128x64xf32, #tpu.memory_space<hbm>>
      %dma_start3A_296 = arith.constant 0 : i32
      %dma_start3A_297 = tpu.memref_slice %arg6[%mul3A_293, %dma_start3A_296] : memref<327680x64xf32, #tpu.memory_space<hbm>> -> memref<128x64xf32, #tpu.memory_space<hbm>>
      tpu.enqueue_dma source(%arg12 : memref<128x64xf32, #tpu.memory_space<vmem>>) target(%dma_start3A_297 : memref<128x64xf32, #tpu.memory_space<hbm>>) target_semaphore(%arg24 : memref<!tpu.dma_semaphore, #tpu.memory_space<semaphore_mem>>)
      %dma_wait3A_298 = arith.constant 0 : i32
      %dma_wait3A_299 = arith.constant 0 : i32
      %dma_wait3A_300 = tpu.memref_slice %arg9[%dma_wait3A_298, %dma_wait3A_299] : memref<80x128xi32, #tpu.memory_space<vmem>> -> memref<1x128xi32, #tpu.memory_space<vmem>>
      %dma_wait3A_301 = tpu.memref_squeeze %dma_wait3A_300 : memref<1x128xi32, #tpu.memory_space<vmem>> -> memref<128xi32, #tpu.memory_space<vmem>>
      %dma_wait3A_302 = arith.constant 0 : i32
      %dma_wait3A_303 = arith.constant 0 : i32
      %dma_wait3A_304 = tpu.memref_slice %arg3[%dma_wait3A_302, %dma_wait3A_303] : memref<10240x64xf32, #tpu.memory_space<hbm>> -> memref<10240x64xf32, #tpu.memory_space<hbm>>
      tpu.wait_indirect_dma semaphore(%arg19 : memref<!tpu.dma_semaphore, #tpu.memory_space<semaphore_mem>>) src(%dma_wait3A_304 : memref<10240x64xf32, #tpu.memory_space<hbm>>) dst(%arg13 : memref<128x64xf32, #tpu.memory_space<vmem>>)
      %mul3A_305 = arith.constant 3 : i32
      %mul3A_306 = arith.muli %mul3A_305, %scan3A_155 : i32
      %add3A_307 = arith.constant 1 : i32
      %add3A_308 = arith.addi %mul3A_306, %add3A_307 : i32
      %add3A_309 = arith.addi %mul3A_2, %add3A_308 : i32
      %mul3A_310 = arith.constant 128 : i32
      %mul3A_311 = arith.muli %add3A_309, %mul3A_310 : i32
      %dma_start3A_312 = arith.constant 0 : i32
      %dma_start3A_313 = tpu.memref_slice %arg7[%mul3A_311, %dma_start3A_312] : memref<327680x64xf32, #tpu.memory_space<hbm>> -> memref<128x64xf32, #tpu.memory_space<hbm>>
      %dma_start3A_314 = arith.constant 0 : i32
      %dma_start3A_315 = tpu.memref_slice %arg7[%mul3A_311, %dma_start3A_314] : memref<327680x64xf32, #tpu.memory_space<hbm>> -> memref<128x64xf32, #tpu.memory_space<hbm>>
      tpu.enqueue_dma source(%arg13 : memref<128x64xf32, #tpu.memory_space<vmem>>) target(%dma_start3A_315 : memref<128x64xf32, #tpu.memory_space<hbm>>) target_semaphore(%arg25 : memref<!tpu.dma_semaphore, #tpu.memory_space<semaphore_mem>>)
      %dma_wait3A_316 = arith.constant 0 : i32
      %dma_wait3A_317 = arith.constant 0 : i32
      %dma_wait3A_318 = tpu.memref_slice %arg8[%dma_wait3A_316, %dma_wait3A_317] : memref<80x128xi32, #tpu.memory_space<vmem>> -> memref<1x128xi32, #tpu.memory_space<vmem>>
      %dma_wait3A_319 = tpu.memref_squeeze %dma_wait3A_318 : memref<1x128xi32, #tpu.memory_space<vmem>> -> memref<128xi32, #tpu.memory_space<vmem>>
      %dma_wait3A_320 = arith.constant 0 : i32
      %dma_wait3A_321 = arith.constant 0 : i32
      %dma_wait3A_322 = tpu.memref_slice %arg2[%dma_wait3A_320, %dma_wait3A_321] : memref<10240x64xf32, #tpu.memory_space<hbm>> -> memref<10240x64xf32, #tpu.memory_space<hbm>>
      tpu.wait_indirect_dma semaphore(%arg20 : memref<!tpu.dma_semaphore, #tpu.memory_space<semaphore_mem>>) src(%dma_wait3A_322 : memref<10240x64xf32, #tpu.memory_space<hbm>>) dst(%arg14 : memref<128x64xf32, #tpu.memory_space<vmem>>)
      %mul3A_323 = arith.constant 3 : i32
      %mul3A_324 = arith.muli %mul3A_323, %scan3A_155 : i32
      %add3A_325 = arith.constant 2 : i32
      %add3A_326 = arith.addi %mul3A_324, %add3A_325 : i32
      %add3A_327 = arith.addi %mul3A_2, %add3A_326 : i32
      %mul3A_328 = arith.constant 128 : i32
      %mul3A_329 = arith.muli %add3A_327, %mul3A_328 : i32
      %dma_start3A_330 = arith.constant 0 : i32
      %dma_start3A_331 = tpu.memref_slice %arg6[%mul3A_329, %dma_start3A_330] : memref<327680x64xf32, #tpu.memory_space<hbm>> -> memref<128x64xf32, #tpu.memory_space<hbm>>
      %dma_start3A_332 = arith.constant 0 : i32
      %dma_start3A_333 = tpu.memref_slice %arg6[%mul3A_329, %dma_start3A_332] : memref<327680x64xf32, #tpu.memory_space<hbm>> -> memref<128x64xf32, #tpu.memory_space<hbm>>
      tpu.enqueue_dma source(%arg14 : memref<128x64xf32, #tpu.memory_space<vmem>>) target(%dma_start3A_333 : memref<128x64xf32, #tpu.memory_space<hbm>>) target_semaphore(%arg26 : memref<!tpu.dma_semaphore, #tpu.memory_space<semaphore_mem>>)
      %dma_wait3A_334 = arith.constant 0 : i32
      %dma_wait3A_335 = arith.constant 0 : i32
      %dma_wait3A_336 = tpu.memref_slice %arg9[%dma_wait3A_334, %dma_wait3A_335] : memref<80x128xi32, #tpu.memory_space<vmem>> -> memref<1x128xi32, #tpu.memory_space<vmem>>
      %dma_wait3A_337 = tpu.memref_squeeze %dma_wait3A_336 : memref<1x128xi32, #tpu.memory_space<vmem>> -> memref<128xi32, #tpu.memory_space<vmem>>
      %dma_wait3A_338 = arith.constant 0 : i32
      %dma_wait3A_339 = arith.constant 0 : i32
      %dma_wait3A_340 = tpu.memref_slice %arg3[%dma_wait3A_338, %dma_wait3A_339] : memref<10240x64xf32, #tpu.memory_space<hbm>> -> memref<10240x64xf32, #tpu.memory_space<hbm>>
      tpu.wait_indirect_dma semaphore(%arg21 : memref<!tpu.dma_semaphore, #tpu.memory_space<semaphore_mem>>) src(%dma_wait3A_340 : memref<10240x64xf32, #tpu.memory_space<hbm>>) dst(%arg15 : memref<128x64xf32, #tpu.memory_space<vmem>>)
      %mul3A_341 = arith.constant 3 : i32
      %mul3A_342 = arith.muli %mul3A_341, %scan3A_155 : i32
      %add3A_343 = arith.constant 2 : i32
      %add3A_344 = arith.addi %mul3A_342, %add3A_343 : i32
      %add3A_345 = arith.addi %mul3A_2, %add3A_344 : i32
      %mul3A_346 = arith.constant 128 : i32
      %mul3A_347 = arith.muli %add3A_345, %mul3A_346 : i32
      %dma_start3A_348 = arith.constant 0 : i32
      %dma_start3A_349 = tpu.memref_slice %arg7[%mul3A_347, %dma_start3A_348] : memref<327680x64xf32, #tpu.memory_space<hbm>> -> memref<128x64xf32, #tpu.memory_space<hbm>>
      %dma_start3A_350 = arith.constant 0 : i32
      %dma_start3A_351 = tpu.memref_slice %arg7[%mul3A_347, %dma_start3A_350] : memref<327680x64xf32, #tpu.memory_space<hbm>> -> memref<128x64xf32, #tpu.memory_space<hbm>>
      tpu.enqueue_dma source(%arg15 : memref<128x64xf32, #tpu.memory_space<vmem>>) target(%dma_start3A_351 : memref<128x64xf32, #tpu.memory_space<hbm>>) target_semaphore(%arg27 : memref<!tpu.dma_semaphore, #tpu.memory_space<semaphore_mem>>)
      %scan3A_352 = arith.constant 0 : i32
      scf.yield %scan3A_352 : i32
    }
    %scan3A_8 = arith.constant 26 : i32
    %dma_wait3A = arith.constant 0 : i32
    %dma_wait3A_9 = arith.constant 0 : i32
    %dma_wait3A_10 = tpu.memref_slice %arg6[%dma_wait3A, %dma_wait3A_9] : memref<327680x64xf32, #tpu.memory_space<hbm>> -> memref<128x64xf32, #tpu.memory_space<hbm>>
    %dma_wait3A_11 = arith.constant 0 : i32
    %dma_wait3A_12 = arith.constant 0 : i32
    %dma_wait3A_13 = tpu.memref_slice %arg6[%dma_wait3A_11, %dma_wait3A_12] : memref<327680x64xf32, #tpu.memory_space<hbm>> -> memref<128x64xf32, #tpu.memory_space<hbm>>
    tpu.wait_dma2 semaphore(%arg22 : memref<!tpu.dma_semaphore, #tpu.memory_space<semaphore_mem>>) src(%arg10 : memref<128x64xf32, #tpu.memory_space<vmem>>) dst(%dma_wait3A_13 : memref<128x64xf32, #tpu.memory_space<hbm>>)
    %dma_start3A = arith.constant 78 : i32
    %dma_start3A_14 = arith.constant 0 : i32
    %dma_start3A_15 = tpu.memref_slice %arg8[%dma_start3A, %dma_start3A_14] : memref<80x128xi32, #tpu.memory_space<vmem>> -> memref<1x128xi32, #tpu.memory_space<vmem>>
    %dma_start3A_16 = tpu.memref_squeeze %dma_start3A_15 : memref<1x128xi32, #tpu.memory_space<vmem>> -> memref<128xi32, #tpu.memory_space<vmem>>
    %dma_start3A_17 = arith.constant 0 : i32
    %dma_start3A_18 = arith.constant 0 : i32
    %dma_start3A_19 = tpu.memref_slice %arg2[%dma_start3A_17, %dma_start3A_18] : memref<10240x64xf32, #tpu.memory_space<hbm>> -> memref<10240x64xf32, #tpu.memory_space<hbm>>
    tpu.enqueue_indirect_dma source(%dma_start3A_19 : memref<10240x64xf32, #tpu.memory_space<hbm>>) target(%arg10 : memref<128x64xf32, #tpu.memory_space<vmem>>) offsets(%dma_start3A_16 : memref<128xi32, #tpu.memory_space<vmem>>) semaphore(%arg16 : memref<!tpu.dma_semaphore, #tpu.memory_space<semaphore_mem>>)
    %dma_wait3A_20 = arith.constant 0 : i32
    %dma_wait3A_21 = arith.constant 0 : i32
    %dma_wait3A_22 = tpu.memref_slice %arg7[%dma_wait3A_20, %dma_wait3A_21] : memref<327680x64xf32, #tpu.memory_space<hbm>> -> memref<128x64xf32, #tpu.memory_space<hbm>>
    %dma_wait3A_23 = arith.constant 0 : i32
    %dma_wait3A_24 = arith.constant 0 : i32
    %dma_wait3A_25 = tpu.memref_slice %arg7[%dma_wait3A_23, %dma_wait3A_24] : memref<327680x64xf32, #tpu.memory_space<hbm>> -> memref<128x64xf32, #tpu.memory_space<hbm>>
    tpu.wait_dma2 semaphore(%arg23 : memref<!tpu.dma_semaphore, #tpu.memory_space<semaphore_mem>>) src(%arg11 : memref<128x64xf32, #tpu.memory_space<vmem>>) dst(%dma_wait3A_25 : memref<128x64xf32, #tpu.memory_space<hbm>>)
    %dma_start3A_26 = arith.constant 78 : i32
    %dma_start3A_27 = arith.constant 0 : i32
    %dma_start3A_28 = tpu.memref_slice %arg9[%dma_start3A_26, %dma_start3A_27] : memref<80x128xi32, #tpu.memory_space<vmem>> -> memref<1x128xi32, #tpu.memory_space<vmem>>
    %dma_start3A_29 = tpu.memref_squeeze %dma_start3A_28 : memref<1x128xi32, #tpu.memory_space<vmem>> -> memref<128xi32, #tpu.memory_space<vmem>>
    %dma_start3A_30 = arith.constant 0 : i32
    %dma_start3A_31 = arith.constant 0 : i32
    %dma_start3A_32 = tpu.memref_slice %arg3[%dma_start3A_30, %dma_start3A_31] : memref<10240x64xf32, #tpu.memory_space<hbm>> -> memref<10240x64xf32, #tpu.memory_space<hbm>>
    tpu.enqueue_indirect_dma source(%dma_start3A_32 : memref<10240x64xf32, #tpu.memory_space<hbm>>) target(%arg11 : memref<128x64xf32, #tpu.memory_space<vmem>>) offsets(%dma_start3A_29 : memref<128xi32, #tpu.memory_space<vmem>>) semaphore(%arg17 : memref<!tpu.dma_semaphore, #tpu.memory_space<semaphore_mem>>)
    %dma_wait3A_33 = arith.constant 0 : i32
    %dma_wait3A_34 = arith.constant 0 : i32
    %dma_wait3A_35 = tpu.memref_slice %arg6[%dma_wait3A_33, %dma_wait3A_34] : memref<327680x64xf32, #tpu.memory_space<hbm>> -> memref<128x64xf32, #tpu.memory_space<hbm>>
    %dma_wait3A_36 = arith.constant 0 : i32
    %dma_wait3A_37 = arith.constant 0 : i32
    %dma_wait3A_38 = tpu.memref_slice %arg6[%dma_wait3A_36, %dma_wait3A_37] : memref<327680x64xf32, #tpu.memory_space<hbm>> -> memref<128x64xf32, #tpu.memory_space<hbm>>
    tpu.wait_dma2 semaphore(%arg24 : memref<!tpu.dma_semaphore, #tpu.memory_space<semaphore_mem>>) src(%arg12 : memref<128x64xf32, #tpu.memory_space<vmem>>) dst(%dma_wait3A_38 : memref<128x64xf32, #tpu.memory_space<hbm>>)
    %dma_start3A_39 = arith.constant 79 : i32
    %dma_start3A_40 = arith.constant 0 : i32
    %dma_start3A_41 = tpu.memref_slice %arg8[%dma_start3A_39, %dma_start3A_40] : memref<80x128xi32, #tpu.memory_space<vmem>> -> memref<1x128xi32, #tpu.memory_space<vmem>>
    %dma_start3A_42 = tpu.memref_squeeze %dma_start3A_41 : memref<1x128xi32, #tpu.memory_space<vmem>> -> memref<128xi32, #tpu.memory_space<vmem>>
    %dma_start3A_43 = arith.constant 0 : i32
    %dma_start3A_44 = arith.constant 0 : i32
    %dma_start3A_45 = tpu.memref_slice %arg2[%dma_start3A_43, %dma_start3A_44] : memref<10240x64xf32, #tpu.memory_space<hbm>> -> memref<10240x64xf32, #tpu.memory_space<hbm>>
    tpu.enqueue_indirect_dma source(%dma_start3A_45 : memref<10240x64xf32, #tpu.memory_space<hbm>>) target(%arg12 : memref<128x64xf32, #tpu.memory_space<vmem>>) offsets(%dma_start3A_42 : memref<128xi32, #tpu.memory_space<vmem>>) semaphore(%arg18 : memref<!tpu.dma_semaphore, #tpu.memory_space<semaphore_mem>>)
    %dma_wait3A_46 = arith.constant 0 : i32
    %dma_wait3A_47 = arith.constant 0 : i32
    %dma_wait3A_48 = tpu.memref_slice %arg7[%dma_wait3A_46, %dma_wait3A_47] : memref<327680x64xf32, #tpu.memory_space<hbm>> -> memref<128x64xf32, #tpu.memory_space<hbm>>
    %dma_wait3A_49 = arith.constant 0 : i32
    %dma_wait3A_50 = arith.constant 0 : i32
    %dma_wait3A_51 = tpu.memref_slice %arg7[%dma_wait3A_49, %dma_wait3A_50] : memref<327680x64xf32, #tpu.memory_space<hbm>> -> memref<128x64xf32, #tpu.memory_space<hbm>>
    tpu.wait_dma2 semaphore(%arg25 : memref<!tpu.dma_semaphore, #tpu.memory_space<semaphore_mem>>) src(%arg13 : memref<128x64xf32, #tpu.memory_space<vmem>>) dst(%dma_wait3A_51 : memref<128x64xf32, #tpu.memory_space<hbm>>)
    %dma_start3A_52 = arith.constant 79 : i32
    %dma_start3A_53 = arith.constant 0 : i32
    %dma_start3A_54 = tpu.memref_slice %arg9[%dma_start3A_52, %dma_start3A_53] : memref<80x128xi32, #tpu.memory_space<vmem>> -> memref<1x128xi32, #tpu.memory_space<vmem>>
    %dma_start3A_55 = tpu.memref_squeeze %dma_start3A_54 : memref<1x128xi32, #tpu.memory_space<vmem>> -> memref<128xi32, #tpu.memory_space<vmem>>
    %dma_start3A_56 = arith.constant 0 : i32
    %dma_start3A_57 = arith.constant 0 : i32
    %dma_start3A_58 = tpu.memref_slice %arg3[%dma_start3A_56, %dma_start3A_57] : memref<10240x64xf32, #tpu.memory_space<hbm>> -> memref<10240x64xf32, #tpu.memory_space<hbm>>
    tpu.enqueue_indirect_dma source(%dma_start3A_58 : memref<10240x64xf32, #tpu.memory_space<hbm>>) target(%arg13 : memref<128x64xf32, #tpu.memory_space<vmem>>) offsets(%dma_start3A_55 : memref<128xi32, #tpu.memory_space<vmem>>) semaphore(%arg19 : memref<!tpu.dma_semaphore, #tpu.memory_space<semaphore_mem>>)
    %dma_wait3A_59 = arith.constant 0 : i32
    %dma_wait3A_60 = arith.constant 0 : i32
    %dma_wait3A_61 = tpu.memref_slice %arg8[%dma_wait3A_59, %dma_wait3A_60] : memref<80x128xi32, #tpu.memory_space<vmem>> -> memref<1x128xi32, #tpu.memory_space<vmem>>
    %dma_wait3A_62 = tpu.memref_squeeze %dma_wait3A_61 : memref<1x128xi32, #tpu.memory_space<vmem>> -> memref<128xi32, #tpu.memory_space<vmem>>
    %dma_wait3A_63 = arith.constant 0 : i32
    %dma_wait3A_64 = arith.constant 0 : i32
    %dma_wait3A_65 = tpu.memref_slice %arg2[%dma_wait3A_63, %dma_wait3A_64] : memref<10240x64xf32, #tpu.memory_space<hbm>> -> memref<10240x64xf32, #tpu.memory_space<hbm>>
    tpu.wait_indirect_dma semaphore(%arg16 : memref<!tpu.dma_semaphore, #tpu.memory_space<semaphore_mem>>) src(%dma_wait3A_65 : memref<10240x64xf32, #tpu.memory_space<hbm>>) dst(%arg10 : memref<128x64xf32, #tpu.memory_space<vmem>>)
    %add3A_66 = arith.constant 78 : i32
    %add3A_67 = arith.addi %mul3A_2, %add3A_66 : i32
    %mul3A_68 = arith.constant 128 : i32
    %mul3A_69 = arith.muli %add3A_67, %mul3A_68 : i32
    %dma_start3A_70 = arith.constant 0 : i32
    %dma_start3A_71 = tpu.memref_slice %arg6[%mul3A_69, %dma_start3A_70] : memref<327680x64xf32, #tpu.memory_space<hbm>> -> memref<128x64xf32, #tpu.memory_space<hbm>>
    %dma_start3A_72 = arith.constant 0 : i32
    %dma_start3A_73 = tpu.memref_slice %arg6[%mul3A_69, %dma_start3A_72] : memref<327680x64xf32, #tpu.memory_space<hbm>> -> memref<128x64xf32, #tpu.memory_space<hbm>>
    tpu.enqueue_dma source(%arg10 : memref<128x64xf32, #tpu.memory_space<vmem>>) target(%dma_start3A_73 : memref<128x64xf32, #tpu.memory_space<hbm>>) target_semaphore(%arg22 : memref<!tpu.dma_semaphore, #tpu.memory_space<semaphore_mem>>)
    %dma_wait3A_74 = arith.constant 0 : i32
    %dma_wait3A_75 = arith.constant 0 : i32
    %dma_wait3A_76 = tpu.memref_slice %arg9[%dma_wait3A_74, %dma_wait3A_75] : memref<80x128xi32, #tpu.memory_space<vmem>> -> memref<1x128xi32, #tpu.memory_space<vmem>>
    %dma_wait3A_77 = tpu.memref_squeeze %dma_wait3A_76 : memref<1x128xi32, #tpu.memory_space<vmem>> -> memref<128xi32, #tpu.memory_space<vmem>>
    %dma_wait3A_78 = arith.constant 0 : i32
    %dma_wait3A_79 = arith.constant 0 : i32
    %dma_wait3A_80 = tpu.memref_slice %arg3[%dma_wait3A_78, %dma_wait3A_79] : memref<10240x64xf32, #tpu.memory_space<hbm>> -> memref<10240x64xf32, #tpu.memory_space<hbm>>
    tpu.wait_indirect_dma semaphore(%arg17 : memref<!tpu.dma_semaphore, #tpu.memory_space<semaphore_mem>>) src(%dma_wait3A_80 : memref<10240x64xf32, #tpu.memory_space<hbm>>) dst(%arg11 : memref<128x64xf32, #tpu.memory_space<vmem>>)
    %add3A_81 = arith.constant 78 : i32
    %add3A_82 = arith.addi %mul3A_2, %add3A_81 : i32
    %mul3A_83 = arith.constant 128 : i32
    %mul3A_84 = arith.muli %add3A_82, %mul3A_83 : i32
    %dma_start3A_85 = arith.constant 0 : i32
    %dma_start3A_86 = tpu.memref_slice %arg7[%mul3A_84, %dma_start3A_85] : memref<327680x64xf32, #tpu.memory_space<hbm>> -> memref<128x64xf32, #tpu.memory_space<hbm>>
    %dma_start3A_87 = arith.constant 0 : i32
    %dma_start3A_88 = tpu.memref_slice %arg7[%mul3A_84, %dma_start3A_87] : memref<327680x64xf32, #tpu.memory_space<hbm>> -> memref<128x64xf32, #tpu.memory_space<hbm>>
    tpu.enqueue_dma source(%arg11 : memref<128x64xf32, #tpu.memory_space<vmem>>) target(%dma_start3A_88 : memref<128x64xf32, #tpu.memory_space<hbm>>) target_semaphore(%arg23 : memref<!tpu.dma_semaphore, #tpu.memory_space<semaphore_mem>>)
    %dma_wait3A_89 = arith.constant 0 : i32
    %dma_wait3A_90 = arith.constant 0 : i32
    %dma_wait3A_91 = tpu.memref_slice %arg8[%dma_wait3A_89, %dma_wait3A_90] : memref<80x128xi32, #tpu.memory_space<vmem>> -> memref<1x128xi32, #tpu.memory_space<vmem>>
    %dma_wait3A_92 = tpu.memref_squeeze %dma_wait3A_91 : memref<1x128xi32, #tpu.memory_space<vmem>> -> memref<128xi32, #tpu.memory_space<vmem>>
    %dma_wait3A_93 = arith.constant 0 : i32
    %dma_wait3A_94 = arith.constant 0 : i32
    %dma_wait3A_95 = tpu.memref_slice %arg2[%dma_wait3A_93, %dma_wait3A_94] : memref<10240x64xf32, #tpu.memory_space<hbm>> -> memref<10240x64xf32, #tpu.memory_space<hbm>>
    tpu.wait_indirect_dma semaphore(%arg18 : memref<!tpu.dma_semaphore, #tpu.memory_space<semaphore_mem>>) src(%dma_wait3A_95 : memref<10240x64xf32, #tpu.memory_space<hbm>>) dst(%arg12 : memref<128x64xf32, #tpu.memory_space<vmem>>)
    %add3A_96 = arith.constant 79 : i32
    %add3A_97 = arith.addi %mul3A_2, %add3A_96 : i32
    %mul3A_98 = arith.constant 128 : i32
    %mul3A_99 = arith.muli %add3A_97, %mul3A_98 : i32
    %dma_start3A_100 = arith.constant 0 : i32
    %dma_start3A_101 = tpu.memref_slice %arg6[%mul3A_99, %dma_start3A_100] : memref<327680x64xf32, #tpu.memory_space<hbm>> -> memref<128x64xf32, #tpu.memory_space<hbm>>
    %dma_start3A_102 = arith.constant 0 : i32
    %dma_start3A_103 = tpu.memref_slice %arg6[%mul3A_99, %dma_start3A_102] : memref<327680x64xf32, #tpu.memory_space<hbm>> -> memref<128x64xf32, #tpu.memory_space<hbm>>
    tpu.enqueue_dma source(%arg12 : memref<128x64xf32, #tpu.memory_space<vmem>>) target(%dma_start3A_103 : memref<128x64xf32, #tpu.memory_space<hbm>>) target_semaphore(%arg24 : memref<!tpu.dma_semaphore, #tpu.memory_space<semaphore_mem>>)
    %dma_wait3A_104 = arith.constant 0 : i32
    %dma_wait3A_105 = arith.constant 0 : i32
    %dma_wait3A_106 = tpu.memref_slice %arg9[%dma_wait3A_104, %dma_wait3A_105] : memref<80x128xi32, #tpu.memory_space<vmem>> -> memref<1x128xi32, #tpu.memory_space<vmem>>
    %dma_wait3A_107 = tpu.memref_squeeze %dma_wait3A_106 : memref<1x128xi32, #tpu.memory_space<vmem>> -> memref<128xi32, #tpu.memory_space<vmem>>
    %dma_wait3A_108 = arith.constant 0 : i32
    %dma_wait3A_109 = arith.constant 0 : i32
    %dma_wait3A_110 = tpu.memref_slice %arg3[%dma_wait3A_108, %dma_wait3A_109] : memref<10240x64xf32, #tpu.memory_space<hbm>> -> memref<10240x64xf32, #tpu.memory_space<hbm>>
    tpu.wait_indirect_dma semaphore(%arg19 : memref<!tpu.dma_semaphore, #tpu.memory_space<semaphore_mem>>) src(%dma_wait3A_110 : memref<10240x64xf32, #tpu.memory_space<hbm>>) dst(%arg13 : memref<128x64xf32, #tpu.memory_space<vmem>>)
    %add3A_111 = arith.constant 79 : i32
    %add3A_112 = arith.addi %mul3A_2, %add3A_111 : i32
    %mul3A_113 = arith.constant 128 : i32
    %mul3A_114 = arith.muli %add3A_112, %mul3A_113 : i32
    %dma_start3A_115 = arith.constant 0 : i32
    %dma_start3A_116 = tpu.memref_slice %arg7[%mul3A_114, %dma_start3A_115] : memref<327680x64xf32, #tpu.memory_space<hbm>> -> memref<128x64xf32, #tpu.memory_space<hbm>>
    %dma_start3A_117 = arith.constant 0 : i32
    %dma_start3A_118 = tpu.memref_slice %arg7[%mul3A_114, %dma_start3A_117] : memref<327680x64xf32, #tpu.memory_space<hbm>> -> memref<128x64xf32, #tpu.memory_space<hbm>>
    tpu.enqueue_dma source(%arg13 : memref<128x64xf32, #tpu.memory_space<vmem>>) target(%dma_start3A_118 : memref<128x64xf32, #tpu.memory_space<hbm>>) target_semaphore(%arg25 : memref<!tpu.dma_semaphore, #tpu.memory_space<semaphore_mem>>)
    %dma_wait3A_119 = arith.constant 0 : i32
    %dma_wait3A_120 = arith.constant 0 : i32
    %dma_wait3A_121 = tpu.memref_slice %arg6[%dma_wait3A_119, %dma_wait3A_120] : memref<327680x64xf32, #tpu.memory_space<hbm>> -> memref<128x64xf32, #tpu.memory_space<hbm>>
    %dma_wait3A_122 = arith.constant 0 : i32
    %dma_wait3A_123 = arith.constant 0 : i32
    %dma_wait3A_124 = tpu.memref_slice %arg6[%dma_wait3A_122, %dma_wait3A_123] : memref<327680x64xf32, #tpu.memory_space<hbm>> -> memref<128x64xf32, #tpu.memory_space<hbm>>
    tpu.wait_dma2 semaphore(%arg22 : memref<!tpu.dma_semaphore, #tpu.memory_space<semaphore_mem>>) src(%arg10 : memref<128x64xf32, #tpu.memory_space<vmem>>) dst(%dma_wait3A_124 : memref<128x64xf32, #tpu.memory_space<hbm>>)
    %dma_wait3A_125 = arith.constant 0 : i32
    %dma_wait3A_126 = arith.constant 0 : i32
    %dma_wait3A_127 = tpu.memref_slice %arg7[%dma_wait3A_125, %dma_wait3A_126] : memref<327680x64xf32, #tpu.memory_space<hbm>> -> memref<128x64xf32, #tpu.memory_space<hbm>>
    %dma_wait3A_128 = arith.constant 0 : i32
    %dma_wait3A_129 = arith.constant 0 : i32
    %dma_wait3A_130 = tpu.memref_slice %arg7[%dma_wait3A_128, %dma_wait3A_129] : memref<327680x64xf32, #tpu.memory_space<hbm>> -> memref<128x64xf32, #tpu.memory_space<hbm>>
    tpu.wait_dma2 semaphore(%arg23 : memref<!tpu.dma_semaphore, #tpu.memory_space<semaphore_mem>>) src(%arg11 : memref<128x64xf32, #tpu.memory_space<vmem>>) dst(%dma_wait3A_130 : memref<128x64xf32, #tpu.memory_space<hbm>>)
    %dma_wait3A_131 = arith.constant 0 : i32
    %dma_wait3A_132 = arith.constant 0 : i32
    %dma_wait3A_133 = tpu.memref_slice %arg6[%dma_wait3A_131, %dma_wait3A_132] : memref<327680x64xf32, #tpu.memory_space<hbm>> -> memref<128x64xf32, #tpu.memory_space<hbm>>
    %dma_wait3A_134 = arith.constant 0 : i32
    %dma_wait3A_135 = arith.constant 0 : i32
    %dma_wait3A_136 = tpu.memref_slice %arg6[%dma_wait3A_134, %dma_wait3A_135] : memref<327680x64xf32, #tpu.memory_space<hbm>> -> memref<128x64xf32, #tpu.memory_space<hbm>>
    tpu.wait_dma2 semaphore(%arg24 : memref<!tpu.dma_semaphore, #tpu.memory_space<semaphore_mem>>) src(%arg12 : memref<128x64xf32, #tpu.memory_space<vmem>>) dst(%dma_wait3A_136 : memref<128x64xf32, #tpu.memory_space<hbm>>)
    %dma_wait3A_137 = arith.constant 0 : i32
    %dma_wait3A_138 = arith.constant 0 : i32
    %dma_wait3A_139 = tpu.memref_slice %arg7[%dma_wait3A_137, %dma_wait3A_138] : memref<327680x64xf32, #tpu.memory_space<hbm>> -> memref<128x64xf32, #tpu.memory_space<hbm>>
    %dma_wait3A_140 = arith.constant 0 : i32
    %dma_wait3A_141 = arith.constant 0 : i32
    %dma_wait3A_142 = tpu.memref_slice %arg7[%dma_wait3A_140, %dma_wait3A_141] : memref<327680x64xf32, #tpu.memory_space<hbm>> -> memref<128x64xf32, #tpu.memory_space<hbm>>
    tpu.wait_dma2 semaphore(%arg25 : memref<!tpu.dma_semaphore, #tpu.memory_space<semaphore_mem>>) src(%arg13 : memref<128x64xf32, #tpu.memory_space<vmem>>) dst(%dma_wait3A_142 : memref<128x64xf32, #tpu.memory_space<hbm>>)
    %dma_wait3A_143 = arith.constant 0 : i32
    %dma_wait3A_144 = arith.constant 0 : i32
    %dma_wait3A_145 = tpu.memref_slice %arg6[%dma_wait3A_143, %dma_wait3A_144] : memref<327680x64xf32, #tpu.memory_space<hbm>> -> memref<128x64xf32, #tpu.memory_space<hbm>>
    %dma_wait3A_146 = arith.constant 0 : i32
    %dma_wait3A_147 = arith.constant 0 : i32
    %dma_wait3A_148 = tpu.memref_slice %arg6[%dma_wait3A_146, %dma_wait3A_147] : memref<327680x64xf32, #tpu.memory_space<hbm>> -> memref<128x64xf32, #tpu.memory_space<hbm>>
    tpu.wait_dma2 semaphore(%arg26 : memref<!tpu.dma_semaphore, #tpu.memory_space<semaphore_mem>>) src(%arg14 : memref<128x64xf32, #tpu.memory_space<vmem>>) dst(%dma_wait3A_148 : memref<128x64xf32, #tpu.memory_space<hbm>>)
    %dma_wait3A_149 = arith.constant 0 : i32
    %dma_wait3A_150 = arith.constant 0 : i32
    %dma_wait3A_151 = tpu.memref_slice %arg7[%dma_wait3A_149, %dma_wait3A_150] : memref<327680x64xf32, #tpu.memory_space<hbm>> -> memref<128x64xf32, #tpu.memory_space<hbm>>
    %dma_wait3A_152 = arith.constant 0 : i32
    %dma_wait3A_153 = arith.constant 0 : i32
    %dma_wait3A_154 = tpu.memref_slice %arg7[%dma_wait3A_152, %dma_wait3A_153] : memref<327680x64xf32, #tpu.memory_space<hbm>> -> memref<128x64xf32, #tpu.memory_space<hbm>>
    tpu.wait_dma2 semaphore(%arg27 : memref<!tpu.dma_semaphore, #tpu.memory_space<semaphore_mem>>) src(%arg15 : memref<128x64xf32, #tpu.memory_space<vmem>>) dst(%dma_wait3A_154 : memref<128x64xf32, #tpu.memory_space<hbm>>)
    return
  }
}

#map = affine_map<(d0, d1) -> (0, 0)>
module attributes {stable_mosaic.version = 14 : i64} {
  func.func @_sc_gather2(%arg0: i32, %arg1: i32, %arg2: memref<10240x64xf32, #tpu.memory_space<hbm>>, %arg3: memref<10240x64xf32, #tpu.memory_space<hbm>>, %arg4: memref<2560x128xi32, #tpu.memory_space<hbm>>, %arg5: memref<2560x128xi32, #tpu.memory_space<hbm>>, %arg6: memref<327680x64xf32, #tpu.memory_space<hbm>>, %arg7: memref<327680x64xf32, #tpu.memory_space<hbm>>, %arg8: memref<80x128xi32, #tpu.memory_space<vmem>>, %arg9: memref<80x128xi32, #tpu.memory_space<vmem>>, %arg10: memref<128x64xf32, #tpu.memory_space<vmem>>, %arg11: memref<128x64xf32, #tpu.memory_space<vmem>>, %arg12: memref<128x64xf32, #tpu.memory_space<vmem>>, %arg13: memref<128x64xf32, #tpu.memory_space<vmem>>, %arg14: memref<128x64xf32, #tpu.memory_space<vmem>>, %arg15: memref<128x64xf32, #tpu.memory_space<vmem>>, %arg16: memref<!tpu.dma_semaphore, #tpu.memory_space<semaphore_mem>>, %arg17: memref<!tpu.dma_semaphore, #tpu.memory_space<semaphore_mem>>, %arg18: memref<!tpu.dma_semaphore, #tpu.memory_space<semaphore_mem>>, %arg19: memref<!tpu.dma_semaphore, #tpu.memory_space<semaphore_mem>>, %arg20: memref<!tpu.dma_semaphore, #tpu.memory_space<semaphore_mem>>, %arg21: memref<!tpu.dma_semaphore, #tpu.memory_space<semaphore_mem>>, %arg22: memref<!tpu.dma_semaphore, #tpu.memory_space<semaphore_mem>>, %arg23: memref<!tpu.dma_semaphore, #tpu.memory_space<semaphore_mem>>, %arg24: memref<!tpu.dma_semaphore, #tpu.memory_space<semaphore_mem>>, %arg25: memref<!tpu.dma_semaphore, #tpu.memory_space<semaphore_mem>>, %arg26: memref<!tpu.dma_semaphore, #tpu.memory_space<semaphore_mem>>, %arg27: memref<!tpu.dma_semaphore, #tpu.memory_space<semaphore_mem>>) attributes {dimension_semantics = [#tpu.dimension_semantics<core_parallel>, #tpu.dimension_semantics<subcore_parallel>], iteration_bounds = array<i64: 2, 16>, scalar_prefetch = 0 : i64, scratch_operands = 20 : i64, tpu.core_type = #tpu.core_type<sc_vector_subcore>, window_params = [{transform_indices = #map}, {transform_indices = #map}, {transform_indices = #map}, {transform_indices = #map}, {transform_indices = #map}, {transform_indices = #map}]} {
    %mul3A = arith.constant 2 : i32
    %mul3A_0 = arith.muli %arg1, %mul3A : i32
    %add3A = arith.addi %mul3A_0, %arg0 : i32
    %mul3A_1 = arith.constant 80 : i32
    %mul3A_2 = arith.muli %add3A, %mul3A_1 : i32
    "tpu.region"() ({
      %run_scoped3A = tpu.sem_alloc : memref<!tpu.dma_semaphore, #tpu.memory_space<semaphore_mem>>
      %dma_start3A_155 = arith.constant 0 : i32
      %dma_start3A_156 = tpu.memref_slice %arg4[%mul3A_2, %dma_start3A_155] : memref<2560x128xi32, #tpu.memory_space<hbm>> -> memref<80x128xi32, #tpu.memory_space<hbm>>
      %dma_start3A_157 = arith.constant 0 : i32
      %dma_start3A_158 = tpu.memref_slice %arg4[%mul3A_2, %dma_start3A_157] : memref<2560x128xi32, #tpu.memory_space<hbm>> -> memref<80x128xi32, #tpu.memory_space<hbm>>
      tpu.enqueue_dma source(%dma_start3A_158 : memref<80x128xi32, #tpu.memory_space<hbm>>) target(%arg8 : memref<80x128xi32, #tpu.memory_space<vmem>>) target_semaphore(%run_scoped3A : memref<!tpu.dma_semaphore, #tpu.memory_space<semaphore_mem>>)
      %dma_wait3A_159 = arith.constant 0 : i32
      %dma_wait3A_160 = tpu.memref_slice %arg4[%mul3A_2, %dma_wait3A_159] : memref<2560x128xi32, #tpu.memory_space<hbm>> -> memref<80x128xi32, #tpu.memory_space<hbm>>
      %dma_wait3A_161 = arith.constant 0 : i32
      %dma_wait3A_162 = tpu.memref_slice %arg4[%mul3A_2, %dma_wait3A_161] : memref<2560x128xi32, #tpu.memory_space<hbm>> -> memref<80x128xi32, #tpu.memory_space<hbm>>
      tpu.wait_dma2 semaphore(%run_scoped3A : memref<!tpu.dma_semaphore, #tpu.memory_space<semaphore_mem>>) src(%dma_wait3A_162 : memref<80x128xi32, #tpu.memory_space<hbm>>) dst(%arg8 : memref<80x128xi32, #tpu.memory_space<vmem>>)
      tpu.yield
    }) : () -> ()
    "tpu.region"() ({
      %run_scoped3A = tpu.sem_alloc : memref<!tpu.dma_semaphore, #tpu.memory_space<semaphore_mem>>
      %dma_start3A_155 = arith.constant 0 : i32
      %dma_start3A_156 = tpu.memref_slice %arg5[%mul3A_2, %dma_start3A_155] : memref<2560x128xi32, #tpu.memory_space<hbm>> -> memref<80x128xi32, #tpu.memory_space<hbm>>
      %dma_start3A_157 = arith.constant 0 : i32
      %dma_start3A_158 = tpu.memref_slice %arg5[%mul3A_2, %dma_start3A_157] : memref<2560x128xi32, #tpu.memory_space<hbm>> -> memref<80x128xi32, #tpu.memory_space<hbm>>
      tpu.enqueue_dma source(%dma_start3A_158 : memref<80x128xi32, #tpu.memory_space<hbm>>) target(%arg9 : memref<80x128xi32, #tpu.memory_space<vmem>>) target_semaphore(%run_scoped3A : memref<!tpu.dma_semaphore, #tpu.memory_space<semaphore_mem>>)
      %dma_wait3A_159 = arith.constant 0 : i32
      %dma_wait3A_160 = tpu.memref_slice %arg5[%mul3A_2, %dma_wait3A_159] : memref<2560x128xi32, #tpu.memory_space<hbm>> -> memref<80x128xi32, #tpu.memory_space<hbm>>
      %dma_wait3A_161 = arith.constant 0 : i32
      %dma_wait3A_162 = tpu.memref_slice %arg5[%mul3A_2, %dma_wait3A_161] : memref<2560x128xi32, #tpu.memory_space<hbm>> -> memref<80x128xi32, #tpu.memory_space<hbm>>
      tpu.wait_dma2 semaphore(%run_scoped3A : memref<!tpu.dma_semaphore, #tpu.memory_space<semaphore_mem>>) src(%dma_wait3A_162 : memref<80x128xi32, #tpu.memory_space<hbm>>) dst(%arg9 : memref<80x128xi32, #tpu.memory_space<vmem>>)
      tpu.yield
    }) : () -> ()
    %scan3A = arith.constant 0 : i32
    %scan3A_3 = arith.constant 0 : i32
    %scan3A_4 = arith.constant 26 : i32
    %scan3A_5 = arith.addi %scan3A_3, %scan3A_4 : i32
    %scan3A_6 = arith.constant 1 : i32
    %scan3A_7 = scf.for %scan3A_155 = %scan3A_3 to %scan3A_5 step %scan3A_6 iter_args(%scan3A_156 = %scan3A) -> (i32)  : i32 {
      %mul3A_157 = arith.constant 3 : i32
      %mul3A_158 = arith.muli %mul3A_157, %scan3A_155 : i32
      %add3A_159 = arith.constant 0 : i32
      %add3A_160 = arith.addi %mul3A_158, %add3A_159 : i32
      %gt3A = arith.constant 0 : i32
      %gt3A_161 = arith.cmpi sgt, %scan3A_155, %gt3A : i32
      %convert_element_type3A = arith.extui %gt3A_161 : i1 to i32
      %cond3A = arith.constant 0 : i32
      %cond3A_162 = arith.cmpi ne, %convert_element_type3A, %cond3A : i32
      scf.if %cond3A_162 {
        %dma_wait3A_353 = arith.constant 0 : i32
        %dma_wait3A_354 = arith.constant 0 : i32
        %dma_wait3A_355 = tpu.memref_slice %arg6[%dma_wait3A_353, %dma_wait3A_354] : memref<327680x64xf32, #tpu.memory_space<hbm>> -> memref<128x64xf32, #tpu.memory_space<hbm>>
        %dma_wait3A_356 = arith.constant 0 : i32
        %dma_wait3A_357 = arith.constant 0 : i32
        %dma_wait3A_358 = tpu.memref_slice %arg6[%dma_wait3A_356, %dma_wait3A_357] : memref<327680x64xf32, #tpu.memory_space<hbm>> -> memref<128x64xf32, #tpu.memory_space<hbm>>
        tpu.wait_dma2 semaphore(%arg22 : memref<!tpu.dma_semaphore, #tpu.memory_space<semaphore_mem>>) src(%arg10 : memref<128x64xf32, #tpu.memory_space<vmem>>) dst(%dma_wait3A_358 : memref<128x64xf32, #tpu.memory_space<hbm>>)
      } else {
      }
      %dma_start3A_163 = arith.constant 0 : i32
      %dma_start3A_164 = tpu.memref_slice %arg8[%add3A_160, %dma_start3A_163] : memref<80x128xi32, #tpu.memory_space<vmem>> -> memref<1x128xi32, #tpu.memory_space<vmem>>
      %dma_start3A_165 = tpu.memref_squeeze %dma_start3A_164 : memref<1x128xi32, #tpu.memory_space<vmem>> -> memref<128xi32, #tpu.memory_space<vmem>>
      %dma_start3A_166 = arith.constant 0 : i32
      %dma_start3A_167 = arith.constant 0 : i32
      %dma_start3A_168 = tpu.memref_slice %arg2[%dma_start3A_166, %dma_start3A_167] : memref<10240x64xf32, #tpu.memory_space<hbm>> -> memref<10240x64xf32, #tpu.memory_space<hbm>>
      tpu.enqueue_indirect_dma source(%dma_start3A_168 : memref<10240x64xf32, #tpu.memory_space<hbm>>) target(%arg10 : memref<128x64xf32, #tpu.memory_space<vmem>>) offsets(%dma_start3A_165 : memref<128xi32, #tpu.memory_space<vmem>>) semaphore(%arg16 : memref<!tpu.dma_semaphore, #tpu.memory_space<semaphore_mem>>)
      %mul3A_169 = arith.constant 3 : i32
      %mul3A_170 = arith.muli %mul3A_169, %scan3A_155 : i32
      %add3A_171 = arith.constant 0 : i32
      %add3A_172 = arith.addi %mul3A_170, %add3A_171 : i32
      %gt3A_173 = arith.constant 0 : i32
      %gt3A_174 = arith.cmpi sgt, %scan3A_155, %gt3A_173 : i32
      %convert_element_type3A_175 = arith.extui %gt3A_174 : i1 to i32
      %cond3A_176 = arith.constant 0 : i32
      %cond3A_177 = arith.cmpi ne, %convert_element_type3A_175, %cond3A_176 : i32
      scf.if %cond3A_177 {
        %dma_wait3A_353 = arith.constant 0 : i32
        %dma_wait3A_354 = arith.constant 0 : i32
        %dma_wait3A_355 = tpu.memref_slice %arg7[%dma_wait3A_353, %dma_wait3A_354] : memref<327680x64xf32, #tpu.memory_space<hbm>> -> memref<128x64xf32, #tpu.memory_space<hbm>>
        %dma_wait3A_356 = arith.constant 0 : i32
        %dma_wait3A_357 = arith.constant 0 : i32
        %dma_wait3A_358 = tpu.memref_slice %arg7[%dma_wait3A_356, %dma_wait3A_357] : memref<327680x64xf32, #tpu.memory_space<hbm>> -> memref<128x64xf32, #tpu.memory_space<hbm>>
        tpu.wait_dma2 semaphore(%arg23 : memref<!tpu.dma_semaphore, #tpu.memory_space<semaphore_mem>>) src(%arg11 : memref<128x64xf32, #tpu.memory_space<vmem>>) dst(%dma_wait3A_358 : memref<128x64xf32, #tpu.memory_space<hbm>>)
      } else {
      }
      %dma_start3A_178 = arith.constant 0 : i32
      %dma_start3A_179 = tpu.memref_slice %arg9[%add3A_172, %dma_start3A_178] : memref<80x128xi32, #tpu.memory_space<vmem>> -> memref<1x128xi32, #tpu.memory_space<vmem>>
      %dma_start3A_180 = tpu.memref_squeeze %dma_start3A_179 : memref<1x128xi32, #tpu.memory_space<vmem>> -> memref<128xi32, #tpu.memory_space<vmem>>
      %dma_start3A_181 = arith.constant 0 : i32
      %dma_start3A_182 = arith.constant 0 : i32
      %dma_start3A_183 = tpu.memref_slice %arg3[%dma_start3A_181, %dma_start3A_182] : memref<10240x64xf32, #tpu.memory_space<hbm>> -> memref<10240x64xf32, #tpu.memory_space<hbm>>
      tpu.enqueue_indirect_dma source(%dma_start3A_183 : memref<10240x64xf32, #tpu.memory_space<hbm>>) target(%arg11 : memref<128x64xf32, #tpu.memory_space<vmem>>) offsets(%dma_start3A_180 : memref<128xi32, #tpu.memory_space<vmem>>) semaphore(%arg17 : memref<!tpu.dma_semaphore, #tpu.memory_space<semaphore_mem>>)
      %mul3A_184 = arith.constant 3 : i32
      %mul3A_185 = arith.muli %mul3A_184, %scan3A_155 : i32
      %add3A_186 = arith.constant 1 : i32
      %add3A_187 = arith.addi %mul3A_185, %add3A_186 : i32
      %gt3A_188 = arith.constant 0 : i32
      %gt3A_189 = arith.cmpi sgt, %scan3A_155, %gt3A_188 : i32
      %convert_element_type3A_190 = arith.extui %gt3A_189 : i1 to i32
      %cond3A_191 = arith.constant 0 : i32
      %cond3A_192 = arith.cmpi ne, %convert_element_type3A_190, %cond3A_191 : i32
      scf.if %cond3A_192 {
        %dma_wait3A_353 = arith.constant 0 : i32
        %dma_wait3A_354 = arith.constant 0 : i32
        %dma_wait3A_355 = tpu.memref_slice %arg6[%dma_wait3A_353, %dma_wait3A_354] : memref<327680x64xf32, #tpu.memory_space<hbm>> -> memref<128x64xf32, #tpu.memory_space<hbm>>
        %dma_wait3A_356 = arith.constant 0 : i32
        %dma_wait3A_357 = arith.constant 0 : i32
        %dma_wait3A_358 = tpu.memref_slice %arg6[%dma_wait3A_356, %dma_wait3A_357] : memref<327680x64xf32, #tpu.memory_space<hbm>> -> memref<128x64xf32, #tpu.memory_space<hbm>>
        tpu.wait_dma2 semaphore(%arg24 : memref<!tpu.dma_semaphore, #tpu.memory_space<semaphore_mem>>) src(%arg12 : memref<128x64xf32, #tpu.memory_space<vmem>>) dst(%dma_wait3A_358 : memref<128x64xf32, #tpu.memory_space<hbm>>)
      } else {
      }
      %dma_start3A_193 = arith.constant 0 : i32
      %dma_start3A_194 = tpu.memref_slice %arg8[%add3A_187, %dma_start3A_193] : memref<80x128xi32, #tpu.memory_space<vmem>> -> memref<1x128xi32, #tpu.memory_space<vmem>>
      %dma_start3A_195 = tpu.memref_squeeze %dma_start3A_194 : memref<1x128xi32, #tpu.memory_space<vmem>> -> memref<128xi32, #tpu.memory_space<vmem>>
      %dma_start3A_196 = arith.constant 0 : i32
      %dma_start3A_197 = arith.constant 0 : i32
      %dma_start3A_198 = tpu.memref_slice %arg2[%dma_start3A_196, %dma_start3A_197] : memref<10240x64xf32, #tpu.memory_space<hbm>> -> memref<10240x64xf32, #tpu.memory_space<hbm>>
      tpu.enqueue_indirect_dma source(%dma_start3A_198 : memref<10240x64xf32, #tpu.memory_space<hbm>>) target(%arg12 : memref<128x64xf32, #tpu.memory_space<vmem>>) offsets(%dma_start3A_195 : memref<128xi32, #tpu.memory_space<vmem>>) semaphore(%arg18 : memref<!tpu.dma_semaphore, #tpu.memory_space<semaphore_mem>>)
      %mul3A_199 = arith.constant 3 : i32
      %mul3A_200 = arith.muli %mul3A_199, %scan3A_155 : i32
      %add3A_201 = arith.constant 1 : i32
      %add3A_202 = arith.addi %mul3A_200, %add3A_201 : i32
      %gt3A_203 = arith.constant 0 : i32
      %gt3A_204 = arith.cmpi sgt, %scan3A_155, %gt3A_203 : i32
      %convert_element_type3A_205 = arith.extui %gt3A_204 : i1 to i32
      %cond3A_206 = arith.constant 0 : i32
      %cond3A_207 = arith.cmpi ne, %convert_element_type3A_205, %cond3A_206 : i32
      scf.if %cond3A_207 {
        %dma_wait3A_353 = arith.constant 0 : i32
        %dma_wait3A_354 = arith.constant 0 : i32
        %dma_wait3A_355 = tpu.memref_slice %arg7[%dma_wait3A_353, %dma_wait3A_354] : memref<327680x64xf32, #tpu.memory_space<hbm>> -> memref<128x64xf32, #tpu.memory_space<hbm>>
        %dma_wait3A_356 = arith.constant 0 : i32
        %dma_wait3A_357 = arith.constant 0 : i32
        %dma_wait3A_358 = tpu.memref_slice %arg7[%dma_wait3A_356, %dma_wait3A_357] : memref<327680x64xf32, #tpu.memory_space<hbm>> -> memref<128x64xf32, #tpu.memory_space<hbm>>
        tpu.wait_dma2 semaphore(%arg25 : memref<!tpu.dma_semaphore, #tpu.memory_space<semaphore_mem>>) src(%arg13 : memref<128x64xf32, #tpu.memory_space<vmem>>) dst(%dma_wait3A_358 : memref<128x64xf32, #tpu.memory_space<hbm>>)
      } else {
      }
      %dma_start3A_208 = arith.constant 0 : i32
      %dma_start3A_209 = tpu.memref_slice %arg9[%add3A_202, %dma_start3A_208] : memref<80x128xi32, #tpu.memory_space<vmem>> -> memref<1x128xi32, #tpu.memory_space<vmem>>
      %dma_start3A_210 = tpu.memref_squeeze %dma_start3A_209 : memref<1x128xi32, #tpu.memory_space<vmem>> -> memref<128xi32, #tpu.memory_space<vmem>>
      %dma_start3A_211 = arith.constant 0 : i32
      %dma_start3A_212 = arith.constant 0 : i32
      %dma_start3A_213 = tpu.memref_slice %arg3[%dma_start3A_211, %dma_start3A_212] : memref<10240x64xf32, #tpu.memory_space<hbm>> -> memref<10240x64xf32, #tpu.memory_space<hbm>>
      tpu.enqueue_indirect_dma source(%dma_start3A_213 : memref<10240x64xf32, #tpu.memory_space<hbm>>) target(%arg13 : memref<128x64xf32, #tpu.memory_space<vmem>>) offsets(%dma_start3A_210 : memref<128xi32, #tpu.memory_space<vmem>>) semaphore(%arg19 : memref<!tpu.dma_semaphore, #tpu.memory_space<semaphore_mem>>)
      %mul3A_214 = arith.constant 3 : i32
      %mul3A_215 = arith.muli %mul3A_214, %scan3A_155 : i32
      %add3A_216 = arith.constant 2 : i32
      %add3A_217 = arith.addi %mul3A_215, %add3A_216 : i32
      %gt3A_218 = arith.constant 0 : i32
      %gt3A_219 = arith.cmpi sgt, %scan3A_155, %gt3A_218 : i32
      %convert_element_type3A_220 = arith.extui %gt3A_219 : i1 to i32
      %cond3A_221 = arith.constant 0 : i32
      %cond3A_222 = arith.cmpi ne, %convert_element_type3A_220, %cond3A_221 : i32
      scf.if %cond3A_222 {
        %dma_wait3A_353 = arith.constant 0 : i32
        %dma_wait3A_354 = arith.constant 0 : i32
        %dma_wait3A_355 = tpu.memref_slice %arg6[%dma_wait3A_353, %dma_wait3A_354] : memref<327680x64xf32, #tpu.memory_space<hbm>> -> memref<128x64xf32, #tpu.memory_space<hbm>>
        %dma_wait3A_356 = arith.constant 0 : i32
        %dma_wait3A_357 = arith.constant 0 : i32
        %dma_wait3A_358 = tpu.memref_slice %arg6[%dma_wait3A_356, %dma_wait3A_357] : memref<327680x64xf32, #tpu.memory_space<hbm>> -> memref<128x64xf32, #tpu.memory_space<hbm>>
        tpu.wait_dma2 semaphore(%arg26 : memref<!tpu.dma_semaphore, #tpu.memory_space<semaphore_mem>>) src(%arg14 : memref<128x64xf32, #tpu.memory_space<vmem>>) dst(%dma_wait3A_358 : memref<128x64xf32, #tpu.memory_space<hbm>>)
      } else {
      }
      %dma_start3A_223 = arith.constant 0 : i32
      %dma_start3A_224 = tpu.memref_slice %arg8[%add3A_217, %dma_start3A_223] : memref<80x128xi32, #tpu.memory_space<vmem>> -> memref<1x128xi32, #tpu.memory_space<vmem>>
      %dma_start3A_225 = tpu.memref_squeeze %dma_start3A_224 : memref<1x128xi32, #tpu.memory_space<vmem>> -> memref<128xi32, #tpu.memory_space<vmem>>
      %dma_start3A_226 = arith.constant 0 : i32
      %dma_start3A_227 = arith.constant 0 : i32
      %dma_start3A_228 = tpu.memref_slice %arg2[%dma_start3A_226, %dma_start3A_227] : memref<10240x64xf32, #tpu.memory_space<hbm>> -> memref<10240x64xf32, #tpu.memory_space<hbm>>
      tpu.enqueue_indirect_dma source(%dma_start3A_228 : memref<10240x64xf32, #tpu.memory_space<hbm>>) target(%arg14 : memref<128x64xf32, #tpu.memory_space<vmem>>) offsets(%dma_start3A_225 : memref<128xi32, #tpu.memory_space<vmem>>) semaphore(%arg20 : memref<!tpu.dma_semaphore, #tpu.memory_space<semaphore_mem>>)
      %mul3A_229 = arith.constant 3 : i32
      %mul3A_230 = arith.muli %mul3A_229, %scan3A_155 : i32
      %add3A_231 = arith.constant 2 : i32
      %add3A_232 = arith.addi %mul3A_230, %add3A_231 : i32
      %gt3A_233 = arith.constant 0 : i32
      %gt3A_234 = arith.cmpi sgt, %scan3A_155, %gt3A_233 : i32
      %convert_element_type3A_235 = arith.extui %gt3A_234 : i1 to i32
      %cond3A_236 = arith.constant 0 : i32
      %cond3A_237 = arith.cmpi ne, %convert_element_type3A_235, %cond3A_236 : i32
      scf.if %cond3A_237 {
        %dma_wait3A_353 = arith.constant 0 : i32
        %dma_wait3A_354 = arith.constant 0 : i32
        %dma_wait3A_355 = tpu.memref_slice %arg7[%dma_wait3A_353, %dma_wait3A_354] : memref<327680x64xf32, #tpu.memory_space<hbm>> -> memref<128x64xf32, #tpu.memory_space<hbm>>
        %dma_wait3A_356 = arith.constant 0 : i32
        %dma_wait3A_357 = arith.constant 0 : i32
        %dma_wait3A_358 = tpu.memref_slice %arg7[%dma_wait3A_356, %dma_wait3A_357] : memref<327680x64xf32, #tpu.memory_space<hbm>> -> memref<128x64xf32, #tpu.memory_space<hbm>>
        tpu.wait_dma2 semaphore(%arg27 : memref<!tpu.dma_semaphore, #tpu.memory_space<semaphore_mem>>) src(%arg15 : memref<128x64xf32, #tpu.memory_space<vmem>>) dst(%dma_wait3A_358 : memref<128x64xf32, #tpu.memory_space<hbm>>)
      } else {
      }
      %dma_start3A_238 = arith.constant 0 : i32
      %dma_start3A_239 = tpu.memref_slice %arg9[%add3A_232, %dma_start3A_238] : memref<80x128xi32, #tpu.memory_space<vmem>> -> memref<1x128xi32, #tpu.memory_space<vmem>>
      %dma_start3A_240 = tpu.memref_squeeze %dma_start3A_239 : memref<1x128xi32, #tpu.memory_space<vmem>> -> memref<128xi32, #tpu.memory_space<vmem>>
      %dma_start3A_241 = arith.constant 0 : i32
      %dma_start3A_242 = arith.constant 0 : i32
      %dma_start3A_243 = tpu.memref_slice %arg3[%dma_start3A_241, %dma_start3A_242] : memref<10240x64xf32, #tpu.memory_space<hbm>> -> memref<10240x64xf32, #tpu.memory_space<hbm>>
      tpu.enqueue_indirect_dma source(%dma_start3A_243 : memref<10240x64xf32, #tpu.memory_space<hbm>>) target(%arg15 : memref<128x64xf32, #tpu.memory_space<vmem>>) offsets(%dma_start3A_240 : memref<128xi32, #tpu.memory_space<vmem>>) semaphore(%arg21 : memref<!tpu.dma_semaphore, #tpu.memory_space<semaphore_mem>>)
      %dma_wait3A_244 = arith.constant 0 : i32
      %dma_wait3A_245 = arith.constant 0 : i32
      %dma_wait3A_246 = tpu.memref_slice %arg8[%dma_wait3A_244, %dma_wait3A_245] : memref<80x128xi32, #tpu.memory_space<vmem>> -> memref<1x128xi32, #tpu.memory_space<vmem>>
      %dma_wait3A_247 = tpu.memref_squeeze %dma_wait3A_246 : memref<1x128xi32, #tpu.memory_space<vmem>> -> memref<128xi32, #tpu.memory_space<vmem>>
      %dma_wait3A_248 = arith.constant 0 : i32
      %dma_wait3A_249 = arith.constant 0 : i32
      %dma_wait3A_250 = tpu.memref_slice %arg2[%dma_wait3A_248, %dma_wait3A_249] : memref<10240x64xf32, #tpu.memory_space<hbm>> -> memref<10240x64xf32, #tpu.memory_space<hbm>>
      tpu.wait_indirect_dma semaphore(%arg16 : memref<!tpu.dma_semaphore, #tpu.memory_space<semaphore_mem>>) src(%dma_wait3A_250 : memref<10240x64xf32, #tpu.memory_space<hbm>>) dst(%arg10 : memref<128x64xf32, #tpu.memory_space<vmem>>)
      %mul3A_251 = arith.constant 3 : i32
      %mul3A_252 = arith.muli %mul3A_251, %scan3A_155 : i32
      %add3A_253 = arith.constant 0 : i32
      %add3A_254 = arith.addi %mul3A_252, %add3A_253 : i32
      %add3A_255 = arith.addi %mul3A_2, %add3A_254 : i32
      %mul3A_256 = arith.constant 128 : i32
      %mul3A_257 = arith.muli %add3A_255, %mul3A_256 : i32
      %dma_start3A_258 = arith.constant 0 : i32
      %dma_start3A_259 = tpu.memref_slice %arg6[%mul3A_257, %dma_start3A_258] : memref<327680x64xf32, #tpu.memory_space<hbm>> -> memref<128x64xf32, #tpu.memory_space<hbm>>
      %dma_start3A_260 = arith.constant 0 : i32
      %dma_start3A_261 = tpu.memref_slice %arg6[%mul3A_257, %dma_start3A_260] : memref<327680x64xf32, #tpu.memory_space<hbm>> -> memref<128x64xf32, #tpu.memory_space<hbm>>
      tpu.enqueue_dma source(%arg10 : memref<128x64xf32, #tpu.memory_space<vmem>>) target(%dma_start3A_261 : memref<128x64xf32, #tpu.memory_space<hbm>>) target_semaphore(%arg22 : memref<!tpu.dma_semaphore, #tpu.memory_space<semaphore_mem>>)
      %dma_wait3A_262 = arith.constant 0 : i32
      %dma_wait3A_263 = arith.constant 0 : i32
      %dma_wait3A_264 = tpu.memref_slice %arg9[%dma_wait3A_262, %dma_wait3A_263] : memref<80x128xi32, #tpu.memory_space<vmem>> -> memref<1x128xi32, #tpu.memory_space<vmem>>
      %dma_wait3A_265 = tpu.memref_squeeze %dma_wait3A_264 : memref<1x128xi32, #tpu.memory_space<vmem>> -> memref<128xi32, #tpu.memory_space<vmem>>
      %dma_wait3A_266 = arith.constant 0 : i32
      %dma_wait3A_267 = arith.constant 0 : i32
      %dma_wait3A_268 = tpu.memref_slice %arg3[%dma_wait3A_266, %dma_wait3A_267] : memref<10240x64xf32, #tpu.memory_space<hbm>> -> memref<10240x64xf32, #tpu.memory_space<hbm>>
      tpu.wait_indirect_dma semaphore(%arg17 : memref<!tpu.dma_semaphore, #tpu.memory_space<semaphore_mem>>) src(%dma_wait3A_268 : memref<10240x64xf32, #tpu.memory_space<hbm>>) dst(%arg11 : memref<128x64xf32, #tpu.memory_space<vmem>>)
      %mul3A_269 = arith.constant 3 : i32
      %mul3A_270 = arith.muli %mul3A_269, %scan3A_155 : i32
      %add3A_271 = arith.constant 0 : i32
      %add3A_272 = arith.addi %mul3A_270, %add3A_271 : i32
      %add3A_273 = arith.addi %mul3A_2, %add3A_272 : i32
      %mul3A_274 = arith.constant 128 : i32
      %mul3A_275 = arith.muli %add3A_273, %mul3A_274 : i32
      %dma_start3A_276 = arith.constant 0 : i32
      %dma_start3A_277 = tpu.memref_slice %arg7[%mul3A_275, %dma_start3A_276] : memref<327680x64xf32, #tpu.memory_space<hbm>> -> memref<128x64xf32, #tpu.memory_space<hbm>>
      %dma_start3A_278 = arith.constant 0 : i32
      %dma_start3A_279 = tpu.memref_slice %arg7[%mul3A_275, %dma_start3A_278] : memref<327680x64xf32, #tpu.memory_space<hbm>> -> memref<128x64xf32, #tpu.memory_space<hbm>>
      tpu.enqueue_dma source(%arg11 : memref<128x64xf32, #tpu.memory_space<vmem>>) target(%dma_start3A_279 : memref<128x64xf32, #tpu.memory_space<hbm>>) target_semaphore(%arg23 : memref<!tpu.dma_semaphore, #tpu.memory_space<semaphore_mem>>)
      %dma_wait3A_280 = arith.constant 0 : i32
      %dma_wait3A_281 = arith.constant 0 : i32
      %dma_wait3A_282 = tpu.memref_slice %arg8[%dma_wait3A_280, %dma_wait3A_281] : memref<80x128xi32, #tpu.memory_space<vmem>> -> memref<1x128xi32, #tpu.memory_space<vmem>>
      %dma_wait3A_283 = tpu.memref_squeeze %dma_wait3A_282 : memref<1x128xi32, #tpu.memory_space<vmem>> -> memref<128xi32, #tpu.memory_space<vmem>>
      %dma_wait3A_284 = arith.constant 0 : i32
      %dma_wait3A_285 = arith.constant 0 : i32
      %dma_wait3A_286 = tpu.memref_slice %arg2[%dma_wait3A_284, %dma_wait3A_285] : memref<10240x64xf32, #tpu.memory_space<hbm>> -> memref<10240x64xf32, #tpu.memory_space<hbm>>
      tpu.wait_indirect_dma semaphore(%arg18 : memref<!tpu.dma_semaphore, #tpu.memory_space<semaphore_mem>>) src(%dma_wait3A_286 : memref<10240x64xf32, #tpu.memory_space<hbm>>) dst(%arg12 : memref<128x64xf32, #tpu.memory_space<vmem>>)
      %mul3A_287 = arith.constant 3 : i32
      %mul3A_288 = arith.muli %mul3A_287, %scan3A_155 : i32
      %add3A_289 = arith.constant 1 : i32
      %add3A_290 = arith.addi %mul3A_288, %add3A_289 : i32
      %add3A_291 = arith.addi %mul3A_2, %add3A_290 : i32
      %mul3A_292 = arith.constant 128 : i32
      %mul3A_293 = arith.muli %add3A_291, %mul3A_292 : i32
      %dma_start3A_294 = arith.constant 0 : i32
      %dma_start3A_295 = tpu.memref_slice %arg6[%mul3A_293, %dma_start3A_294] : memref<327680x64xf32, #tpu.memory_space<hbm>> -> memref<128x64xf32, #tpu.memory_space<hbm>>
      %dma_start3A_296 = arith.constant 0 : i32
      %dma_start3A_297 = tpu.memref_slice %arg6[%mul3A_293, %dma_start3A_296] : memref<327680x64xf32, #tpu.memory_space<hbm>> -> memref<128x64xf32, #tpu.memory_space<hbm>>
      tpu.enqueue_dma source(%arg12 : memref<128x64xf32, #tpu.memory_space<vmem>>) target(%dma_start3A_297 : memref<128x64xf32, #tpu.memory_space<hbm>>) target_semaphore(%arg24 : memref<!tpu.dma_semaphore, #tpu.memory_space<semaphore_mem>>)
      %dma_wait3A_298 = arith.constant 0 : i32
      %dma_wait3A_299 = arith.constant 0 : i32
      %dma_wait3A_300 = tpu.memref_slice %arg9[%dma_wait3A_298, %dma_wait3A_299] : memref<80x128xi32, #tpu.memory_space<vmem>> -> memref<1x128xi32, #tpu.memory_space<vmem>>
      %dma_wait3A_301 = tpu.memref_squeeze %dma_wait3A_300 : memref<1x128xi32, #tpu.memory_space<vmem>> -> memref<128xi32, #tpu.memory_space<vmem>>
      %dma_wait3A_302 = arith.constant 0 : i32
      %dma_wait3A_303 = arith.constant 0 : i32
      %dma_wait3A_304 = tpu.memref_slice %arg3[%dma_wait3A_302, %dma_wait3A_303] : memref<10240x64xf32, #tpu.memory_space<hbm>> -> memref<10240x64xf32, #tpu.memory_space<hbm>>
      tpu.wait_indirect_dma semaphore(%arg19 : memref<!tpu.dma_semaphore, #tpu.memory_space<semaphore_mem>>) src(%dma_wait3A_304 : memref<10240x64xf32, #tpu.memory_space<hbm>>) dst(%arg13 : memref<128x64xf32, #tpu.memory_space<vmem>>)
      %mul3A_305 = arith.constant 3 : i32
      %mul3A_306 = arith.muli %mul3A_305, %scan3A_155 : i32
      %add3A_307 = arith.constant 1 : i32
      %add3A_308 = arith.addi %mul3A_306, %add3A_307 : i32
      %add3A_309 = arith.addi %mul3A_2, %add3A_308 : i32
      %mul3A_310 = arith.constant 128 : i32
      %mul3A_311 = arith.muli %add3A_309, %mul3A_310 : i32
      %dma_start3A_312 = arith.constant 0 : i32
      %dma_start3A_313 = tpu.memref_slice %arg7[%mul3A_311, %dma_start3A_312] : memref<327680x64xf32, #tpu.memory_space<hbm>> -> memref<128x64xf32, #tpu.memory_space<hbm>>
      %dma_start3A_314 = arith.constant 0 : i32
      %dma_start3A_315 = tpu.memref_slice %arg7[%mul3A_311, %dma_start3A_314] : memref<327680x64xf32, #tpu.memory_space<hbm>> -> memref<128x64xf32, #tpu.memory_space<hbm>>
      tpu.enqueue_dma source(%arg13 : memref<128x64xf32, #tpu.memory_space<vmem>>) target(%dma_start3A_315 : memref<128x64xf32, #tpu.memory_space<hbm>>) target_semaphore(%arg25 : memref<!tpu.dma_semaphore, #tpu.memory_space<semaphore_mem>>)
      %dma_wait3A_316 = arith.constant 0 : i32
      %dma_wait3A_317 = arith.constant 0 : i32
      %dma_wait3A_318 = tpu.memref_slice %arg8[%dma_wait3A_316, %dma_wait3A_317] : memref<80x128xi32, #tpu.memory_space<vmem>> -> memref<1x128xi32, #tpu.memory_space<vmem>>
      %dma_wait3A_319 = tpu.memref_squeeze %dma_wait3A_318 : memref<1x128xi32, #tpu.memory_space<vmem>> -> memref<128xi32, #tpu.memory_space<vmem>>
      %dma_wait3A_320 = arith.constant 0 : i32
      %dma_wait3A_321 = arith.constant 0 : i32
      %dma_wait3A_322 = tpu.memref_slice %arg2[%dma_wait3A_320, %dma_wait3A_321] : memref<10240x64xf32, #tpu.memory_space<hbm>> -> memref<10240x64xf32, #tpu.memory_space<hbm>>
      tpu.wait_indirect_dma semaphore(%arg20 : memref<!tpu.dma_semaphore, #tpu.memory_space<semaphore_mem>>) src(%dma_wait3A_322 : memref<10240x64xf32, #tpu.memory_space<hbm>>) dst(%arg14 : memref<128x64xf32, #tpu.memory_space<vmem>>)
      %mul3A_323 = arith.constant 3 : i32
      %mul3A_324 = arith.muli %mul3A_323, %scan3A_155 : i32
      %add3A_325 = arith.constant 2 : i32
      %add3A_326 = arith.addi %mul3A_324, %add3A_325 : i32
      %add3A_327 = arith.addi %mul3A_2, %add3A_326 : i32
      %mul3A_328 = arith.constant 128 : i32
      %mul3A_329 = arith.muli %add3A_327, %mul3A_328 : i32
      %dma_start3A_330 = arith.constant 0 : i32
      %dma_start3A_331 = tpu.memref_slice %arg6[%mul3A_329, %dma_start3A_330] : memref<327680x64xf32, #tpu.memory_space<hbm>> -> memref<128x64xf32, #tpu.memory_space<hbm>>
      %dma_start3A_332 = arith.constant 0 : i32
      %dma_start3A_333 = tpu.memref_slice %arg6[%mul3A_329, %dma_start3A_332] : memref<327680x64xf32, #tpu.memory_space<hbm>> -> memref<128x64xf32, #tpu.memory_space<hbm>>
      tpu.enqueue_dma source(%arg14 : memref<128x64xf32, #tpu.memory_space<vmem>>) target(%dma_start3A_333 : memref<128x64xf32, #tpu.memory_space<hbm>>) target_semaphore(%arg26 : memref<!tpu.dma_semaphore, #tpu.memory_space<semaphore_mem>>)
      %dma_wait3A_334 = arith.constant 0 : i32
      %dma_wait3A_335 = arith.constant 0 : i32
      %dma_wait3A_336 = tpu.memref_slice %arg9[%dma_wait3A_334, %dma_wait3A_335] : memref<80x128xi32, #tpu.memory_space<vmem>> -> memref<1x128xi32, #tpu.memory_space<vmem>>
      %dma_wait3A_337 = tpu.memref_squeeze %dma_wait3A_336 : memref<1x128xi32, #tpu.memory_space<vmem>> -> memref<128xi32, #tpu.memory_space<vmem>>
      %dma_wait3A_338 = arith.constant 0 : i32
      %dma_wait3A_339 = arith.constant 0 : i32
      %dma_wait3A_340 = tpu.memref_slice %arg3[%dma_wait3A_338, %dma_wait3A_339] : memref<10240x64xf32, #tpu.memory_space<hbm>> -> memref<10240x64xf32, #tpu.memory_space<hbm>>
      tpu.wait_indirect_dma semaphore(%arg21 : memref<!tpu.dma_semaphore, #tpu.memory_space<semaphore_mem>>) src(%dma_wait3A_340 : memref<10240x64xf32, #tpu.memory_space<hbm>>) dst(%arg15 : memref<128x64xf32, #tpu.memory_space<vmem>>)
      %mul3A_341 = arith.constant 3 : i32
      %mul3A_342 = arith.muli %mul3A_341, %scan3A_155 : i32
      %add3A_343 = arith.constant 2 : i32
      %add3A_344 = arith.addi %mul3A_342, %add3A_343 : i32
      %add3A_345 = arith.addi %mul3A_2, %add3A_344 : i32
      %mul3A_346 = arith.constant 128 : i32
      %mul3A_347 = arith.muli %add3A_345, %mul3A_346 : i32
      %dma_start3A_348 = arith.constant 0 : i32
      %dma_start3A_349 = tpu.memref_slice %arg7[%mul3A_347, %dma_start3A_348] : memref<327680x64xf32, #tpu.memory_space<hbm>> -> memref<128x64xf32, #tpu.memory_space<hbm>>
      %dma_start3A_350 = arith.constant 0 : i32
      %dma_start3A_351 = tpu.memref_slice %arg7[%mul3A_347, %dma_start3A_350] : memref<327680x64xf32, #tpu.memory_space<hbm>> -> memref<128x64xf32, #tpu.memory_space<hbm>>
      tpu.enqueue_dma source(%arg15 : memref<128x64xf32, #tpu.memory_space<vmem>>) target(%dma_start3A_351 : memref<128x64xf32, #tpu.memory_space<hbm>>) target_semaphore(%arg27 : memref<!tpu.dma_semaphore, #tpu.memory_space<semaphore_mem>>)
      %scan3A_352 = arith.constant 0 : i32
      scf.yield %scan3A_352 : i32
    }
    %scan3A_8 = arith.constant 26 : i32
    %dma_wait3A = arith.constant 0 : i32
    %dma_wait3A_9 = arith.constant 0 : i32
    %dma_wait3A_10 = tpu.memref_slice %arg6[%dma_wait3A, %dma_wait3A_9] : memref<327680x64xf32, #tpu.memory_space<hbm>> -> memref<128x64xf32, #tpu.memory_space<hbm>>
    %dma_wait3A_11 = arith.constant 0 : i32
    %dma_wait3A_12 = arith.constant 0 : i32
    %dma_wait3A_13 = tpu.memref_slice %arg6[%dma_wait3A_11, %dma_wait3A_12] : memref<327680x64xf32, #tpu.memory_space<hbm>> -> memref<128x64xf32, #tpu.memory_space<hbm>>
    tpu.wait_dma2 semaphore(%arg22 : memref<!tpu.dma_semaphore, #tpu.memory_space<semaphore_mem>>) src(%arg10 : memref<128x64xf32, #tpu.memory_space<vmem>>) dst(%dma_wait3A_13 : memref<128x64xf32, #tpu.memory_space<hbm>>)
    %dma_start3A = arith.constant 78 : i32
    %dma_start3A_14 = arith.constant 0 : i32
    %dma_start3A_15 = tpu.memref_slice %arg8[%dma_start3A, %dma_start3A_14] : memref<80x128xi32, #tpu.memory_space<vmem>> -> memref<1x128xi32, #tpu.memory_space<vmem>>
    %dma_start3A_16 = tpu.memref_squeeze %dma_start3A_15 : memref<1x128xi32, #tpu.memory_space<vmem>> -> memref<128xi32, #tpu.memory_space<vmem>>
    %dma_start3A_17 = arith.constant 0 : i32
    %dma_start3A_18 = arith.constant 0 : i32
    %dma_start3A_19 = tpu.memref_slice %arg2[%dma_start3A_17, %dma_start3A_18] : memref<10240x64xf32, #tpu.memory_space<hbm>> -> memref<10240x64xf32, #tpu.memory_space<hbm>>
    tpu.enqueue_indirect_dma source(%dma_start3A_19 : memref<10240x64xf32, #tpu.memory_space<hbm>>) target(%arg10 : memref<128x64xf32, #tpu.memory_space<vmem>>) offsets(%dma_start3A_16 : memref<128xi32, #tpu.memory_space<vmem>>) semaphore(%arg16 : memref<!tpu.dma_semaphore, #tpu.memory_space<semaphore_mem>>)
    %dma_wait3A_20 = arith.constant 0 : i32
    %dma_wait3A_21 = arith.constant 0 : i32
    %dma_wait3A_22 = tpu.memref_slice %arg7[%dma_wait3A_20, %dma_wait3A_21] : memref<327680x64xf32, #tpu.memory_space<hbm>> -> memref<128x64xf32, #tpu.memory_space<hbm>>
    %dma_wait3A_23 = arith.constant 0 : i32
    %dma_wait3A_24 = arith.constant 0 : i32
    %dma_wait3A_25 = tpu.memref_slice %arg7[%dma_wait3A_23, %dma_wait3A_24] : memref<327680x64xf32, #tpu.memory_space<hbm>> -> memref<128x64xf32, #tpu.memory_space<hbm>>
    tpu.wait_dma2 semaphore(%arg23 : memref<!tpu.dma_semaphore, #tpu.memory_space<semaphore_mem>>) src(%arg11 : memref<128x64xf32, #tpu.memory_space<vmem>>) dst(%dma_wait3A_25 : memref<128x64xf32, #tpu.memory_space<hbm>>)
    %dma_start3A_26 = arith.constant 78 : i32
    %dma_start3A_27 = arith.constant 0 : i32
    %dma_start3A_28 = tpu.memref_slice %arg9[%dma_start3A_26, %dma_start3A_27] : memref<80x128xi32, #tpu.memory_space<vmem>> -> memref<1x128xi32, #tpu.memory_space<vmem>>
    %dma_start3A_29 = tpu.memref_squeeze %dma_start3A_28 : memref<1x128xi32, #tpu.memory_space<vmem>> -> memref<128xi32, #tpu.memory_space<vmem>>
    %dma_start3A_30 = arith.constant 0 : i32
    %dma_start3A_31 = arith.constant 0 : i32
    %dma_start3A_32 = tpu.memref_slice %arg3[%dma_start3A_30, %dma_start3A_31] : memref<10240x64xf32, #tpu.memory_space<hbm>> -> memref<10240x64xf32, #tpu.memory_space<hbm>>
    tpu.enqueue_indirect_dma source(%dma_start3A_32 : memref<10240x64xf32, #tpu.memory_space<hbm>>) target(%arg11 : memref<128x64xf32, #tpu.memory_space<vmem>>) offsets(%dma_start3A_29 : memref<128xi32, #tpu.memory_space<vmem>>) semaphore(%arg17 : memref<!tpu.dma_semaphore, #tpu.memory_space<semaphore_mem>>)
    %dma_wait3A_33 = arith.constant 0 : i32
    %dma_wait3A_34 = arith.constant 0 : i32
    %dma_wait3A_35 = tpu.memref_slice %arg6[%dma_wait3A_33, %dma_wait3A_34] : memref<327680x64xf32, #tpu.memory_space<hbm>> -> memref<128x64xf32, #tpu.memory_space<hbm>>
    %dma_wait3A_36 = arith.constant 0 : i32
    %dma_wait3A_37 = arith.constant 0 : i32
    %dma_wait3A_38 = tpu.memref_slice %arg6[%dma_wait3A_36, %dma_wait3A_37] : memref<327680x64xf32, #tpu.memory_space<hbm>> -> memref<128x64xf32, #tpu.memory_space<hbm>>
    tpu.wait_dma2 semaphore(%arg24 : memref<!tpu.dma_semaphore, #tpu.memory_space<semaphore_mem>>) src(%arg12 : memref<128x64xf32, #tpu.memory_space<vmem>>) dst(%dma_wait3A_38 : memref<128x64xf32, #tpu.memory_space<hbm>>)
    %dma_start3A_39 = arith.constant 79 : i32
    %dma_start3A_40 = arith.constant 0 : i32
    %dma_start3A_41 = tpu.memref_slice %arg8[%dma_start3A_39, %dma_start3A_40] : memref<80x128xi32, #tpu.memory_space<vmem>> -> memref<1x128xi32, #tpu.memory_space<vmem>>
    %dma_start3A_42 = tpu.memref_squeeze %dma_start3A_41 : memref<1x128xi32, #tpu.memory_space<vmem>> -> memref<128xi32, #tpu.memory_space<vmem>>
    %dma_start3A_43 = arith.constant 0 : i32
    %dma_start3A_44 = arith.constant 0 : i32
    %dma_start3A_45 = tpu.memref_slice %arg2[%dma_start3A_43, %dma_start3A_44] : memref<10240x64xf32, #tpu.memory_space<hbm>> -> memref<10240x64xf32, #tpu.memory_space<hbm>>
    tpu.enqueue_indirect_dma source(%dma_start3A_45 : memref<10240x64xf32, #tpu.memory_space<hbm>>) target(%arg12 : memref<128x64xf32, #tpu.memory_space<vmem>>) offsets(%dma_start3A_42 : memref<128xi32, #tpu.memory_space<vmem>>) semaphore(%arg18 : memref<!tpu.dma_semaphore, #tpu.memory_space<semaphore_mem>>)
    %dma_wait3A_46 = arith.constant 0 : i32
    %dma_wait3A_47 = arith.constant 0 : i32
    %dma_wait3A_48 = tpu.memref_slice %arg7[%dma_wait3A_46, %dma_wait3A_47] : memref<327680x64xf32, #tpu.memory_space<hbm>> -> memref<128x64xf32, #tpu.memory_space<hbm>>
    %dma_wait3A_49 = arith.constant 0 : i32
    %dma_wait3A_50 = arith.constant 0 : i32
    %dma_wait3A_51 = tpu.memref_slice %arg7[%dma_wait3A_49, %dma_wait3A_50] : memref<327680x64xf32, #tpu.memory_space<hbm>> -> memref<128x64xf32, #tpu.memory_space<hbm>>
    tpu.wait_dma2 semaphore(%arg25 : memref<!tpu.dma_semaphore, #tpu.memory_space<semaphore_mem>>) src(%arg13 : memref<128x64xf32, #tpu.memory_space<vmem>>) dst(%dma_wait3A_51 : memref<128x64xf32, #tpu.memory_space<hbm>>)
    %dma_start3A_52 = arith.constant 79 : i32
    %dma_start3A_53 = arith.constant 0 : i32
    %dma_start3A_54 = tpu.memref_slice %arg9[%dma_start3A_52, %dma_start3A_53] : memref<80x128xi32, #tpu.memory_space<vmem>> -> memref<1x128xi32, #tpu.memory_space<vmem>>
    %dma_start3A_55 = tpu.memref_squeeze %dma_start3A_54 : memref<1x128xi32, #tpu.memory_space<vmem>> -> memref<128xi32, #tpu.memory_space<vmem>>
    %dma_start3A_56 = arith.constant 0 : i32
    %dma_start3A_57 = arith.constant 0 : i32
    %dma_start3A_58 = tpu.memref_slice %arg3[%dma_start3A_56, %dma_start3A_57] : memref<10240x64xf32, #tpu.memory_space<hbm>> -> memref<10240x64xf32, #tpu.memory_space<hbm>>
    tpu.enqueue_indirect_dma source(%dma_start3A_58 : memref<10240x64xf32, #tpu.memory_space<hbm>>) target(%arg13 : memref<128x64xf32, #tpu.memory_space<vmem>>) offsets(%dma_start3A_55 : memref<128xi32, #tpu.memory_space<vmem>>) semaphore(%arg19 : memref<!tpu.dma_semaphore, #tpu.memory_space<semaphore_mem>>)
    %dma_wait3A_59 = arith.constant 0 : i32
    %dma_wait3A_60 = arith.constant 0 : i32
    %dma_wait3A_61 = tpu.memref_slice %arg8[%dma_wait3A_59, %dma_wait3A_60] : memref<80x128xi32, #tpu.memory_space<vmem>> -> memref<1x128xi32, #tpu.memory_space<vmem>>
    %dma_wait3A_62 = tpu.memref_squeeze %dma_wait3A_61 : memref<1x128xi32, #tpu.memory_space<vmem>> -> memref<128xi32, #tpu.memory_space<vmem>>
    %dma_wait3A_63 = arith.constant 0 : i32
    %dma_wait3A_64 = arith.constant 0 : i32
    %dma_wait3A_65 = tpu.memref_slice %arg2[%dma_wait3A_63, %dma_wait3A_64] : memref<10240x64xf32, #tpu.memory_space<hbm>> -> memref<10240x64xf32, #tpu.memory_space<hbm>>
    tpu.wait_indirect_dma semaphore(%arg16 : memref<!tpu.dma_semaphore, #tpu.memory_space<semaphore_mem>>) src(%dma_wait3A_65 : memref<10240x64xf32, #tpu.memory_space<hbm>>) dst(%arg10 : memref<128x64xf32, #tpu.memory_space<vmem>>)
    %add3A_66 = arith.constant 78 : i32
    %add3A_67 = arith.addi %mul3A_2, %add3A_66 : i32
    %mul3A_68 = arith.constant 128 : i32
    %mul3A_69 = arith.muli %add3A_67, %mul3A_68 : i32
    %dma_start3A_70 = arith.constant 0 : i32
    %dma_start3A_71 = tpu.memref_slice %arg6[%mul3A_69, %dma_start3A_70] : memref<327680x64xf32, #tpu.memory_space<hbm>> -> memref<128x64xf32, #tpu.memory_space<hbm>>
    %dma_start3A_72 = arith.constant 0 : i32
    %dma_start3A_73 = tpu.memref_slice %arg6[%mul3A_69, %dma_start3A_72] : memref<327680x64xf32, #tpu.memory_space<hbm>> -> memref<128x64xf32, #tpu.memory_space<hbm>>
    tpu.enqueue_dma source(%arg10 : memref<128x64xf32, #tpu.memory_space<vmem>>) target(%dma_start3A_73 : memref<128x64xf32, #tpu.memory_space<hbm>>) target_semaphore(%arg22 : memref<!tpu.dma_semaphore, #tpu.memory_space<semaphore_mem>>)
    %dma_wait3A_74 = arith.constant 0 : i32
    %dma_wait3A_75 = arith.constant 0 : i32
    %dma_wait3A_76 = tpu.memref_slice %arg9[%dma_wait3A_74, %dma_wait3A_75] : memref<80x128xi32, #tpu.memory_space<vmem>> -> memref<1x128xi32, #tpu.memory_space<vmem>>
    %dma_wait3A_77 = tpu.memref_squeeze %dma_wait3A_76 : memref<1x128xi32, #tpu.memory_space<vmem>> -> memref<128xi32, #tpu.memory_space<vmem>>
    %dma_wait3A_78 = arith.constant 0 : i32
    %dma_wait3A_79 = arith.constant 0 : i32
    %dma_wait3A_80 = tpu.memref_slice %arg3[%dma_wait3A_78, %dma_wait3A_79] : memref<10240x64xf32, #tpu.memory_space<hbm>> -> memref<10240x64xf32, #tpu.memory_space<hbm>>
    tpu.wait_indirect_dma semaphore(%arg17 : memref<!tpu.dma_semaphore, #tpu.memory_space<semaphore_mem>>) src(%dma_wait3A_80 : memref<10240x64xf32, #tpu.memory_space<hbm>>) dst(%arg11 : memref<128x64xf32, #tpu.memory_space<vmem>>)
    %add3A_81 = arith.constant 78 : i32
    %add3A_82 = arith.addi %mul3A_2, %add3A_81 : i32
    %mul3A_83 = arith.constant 128 : i32
    %mul3A_84 = arith.muli %add3A_82, %mul3A_83 : i32
    %dma_start3A_85 = arith.constant 0 : i32
    %dma_start3A_86 = tpu.memref_slice %arg7[%mul3A_84, %dma_start3A_85] : memref<327680x64xf32, #tpu.memory_space<hbm>> -> memref<128x64xf32, #tpu.memory_space<hbm>>
    %dma_start3A_87 = arith.constant 0 : i32
    %dma_start3A_88 = tpu.memref_slice %arg7[%mul3A_84, %dma_start3A_87] : memref<327680x64xf32, #tpu.memory_space<hbm>> -> memref<128x64xf32, #tpu.memory_space<hbm>>
    tpu.enqueue_dma source(%arg11 : memref<128x64xf32, #tpu.memory_space<vmem>>) target(%dma_start3A_88 : memref<128x64xf32, #tpu.memory_space<hbm>>) target_semaphore(%arg23 : memref<!tpu.dma_semaphore, #tpu.memory_space<semaphore_mem>>)
    %dma_wait3A_89 = arith.constant 0 : i32
    %dma_wait3A_90 = arith.constant 0 : i32
    %dma_wait3A_91 = tpu.memref_slice %arg8[%dma_wait3A_89, %dma_wait3A_90] : memref<80x128xi32, #tpu.memory_space<vmem>> -> memref<1x128xi32, #tpu.memory_space<vmem>>
    %dma_wait3A_92 = tpu.memref_squeeze %dma_wait3A_91 : memref<1x128xi32, #tpu.memory_space<vmem>> -> memref<128xi32, #tpu.memory_space<vmem>>
    %dma_wait3A_93 = arith.constant 0 : i32
    %dma_wait3A_94 = arith.constant 0 : i32
    %dma_wait3A_95 = tpu.memref_slice %arg2[%dma_wait3A_93, %dma_wait3A_94] : memref<10240x64xf32, #tpu.memory_space<hbm>> -> memref<10240x64xf32, #tpu.memory_space<hbm>>
    tpu.wait_indirect_dma semaphore(%arg18 : memref<!tpu.dma_semaphore, #tpu.memory_space<semaphore_mem>>) src(%dma_wait3A_95 : memref<10240x64xf32, #tpu.memory_space<hbm>>) dst(%arg12 : memref<128x64xf32, #tpu.memory_space<vmem>>)
    %add3A_96 = arith.constant 79 : i32
    %add3A_97 = arith.addi %mul3A_2, %add3A_96 : i32
    %mul3A_98 = arith.constant 128 : i32
    %mul3A_99 = arith.muli %add3A_97, %mul3A_98 : i32
    %dma_start3A_100 = arith.constant 0 : i32
    %dma_start3A_101 = tpu.memref_slice %arg6[%mul3A_99, %dma_start3A_100] : memref<327680x64xf32, #tpu.memory_space<hbm>> -> memref<128x64xf32, #tpu.memory_space<hbm>>
    %dma_start3A_102 = arith.constant 0 : i32
    %dma_start3A_103 = tpu.memref_slice %arg6[%mul3A_99, %dma_start3A_102] : memref<327680x64xf32, #tpu.memory_space<hbm>> -> memref<128x64xf32, #tpu.memory_space<hbm>>
    tpu.enqueue_dma source(%arg12 : memref<128x64xf32, #tpu.memory_space<vmem>>) target(%dma_start3A_103 : memref<128x64xf32, #tpu.memory_space<hbm>>) target_semaphore(%arg24 : memref<!tpu.dma_semaphore, #tpu.memory_space<semaphore_mem>>)
    %dma_wait3A_104 = arith.constant 0 : i32
    %dma_wait3A_105 = arith.constant 0 : i32
    %dma_wait3A_106 = tpu.memref_slice %arg9[%dma_wait3A_104, %dma_wait3A_105] : memref<80x128xi32, #tpu.memory_space<vmem>> -> memref<1x128xi32, #tpu.memory_space<vmem>>
    %dma_wait3A_107 = tpu.memref_squeeze %dma_wait3A_106 : memref<1x128xi32, #tpu.memory_space<vmem>> -> memref<128xi32, #tpu.memory_space<vmem>>
    %dma_wait3A_108 = arith.constant 0 : i32
    %dma_wait3A_109 = arith.constant 0 : i32
    %dma_wait3A_110 = tpu.memref_slice %arg3[%dma_wait3A_108, %dma_wait3A_109] : memref<10240x64xf32, #tpu.memory_space<hbm>> -> memref<10240x64xf32, #tpu.memory_space<hbm>>
    tpu.wait_indirect_dma semaphore(%arg19 : memref<!tpu.dma_semaphore, #tpu.memory_space<semaphore_mem>>) src(%dma_wait3A_110 : memref<10240x64xf32, #tpu.memory_space<hbm>>) dst(%arg13 : memref<128x64xf32, #tpu.memory_space<vmem>>)
    %add3A_111 = arith.constant 79 : i32
    %add3A_112 = arith.addi %mul3A_2, %add3A_111 : i32
    %mul3A_113 = arith.constant 128 : i32
    %mul3A_114 = arith.muli %add3A_112, %mul3A_113 : i32
    %dma_start3A_115 = arith.constant 0 : i32
    %dma_start3A_116 = tpu.memref_slice %arg7[%mul3A_114, %dma_start3A_115] : memref<327680x64xf32, #tpu.memory_space<hbm>> -> memref<128x64xf32, #tpu.memory_space<hbm>>
    %dma_start3A_117 = arith.constant 0 : i32
    %dma_start3A_118 = tpu.memref_slice %arg7[%mul3A_114, %dma_start3A_117] : memref<327680x64xf32, #tpu.memory_space<hbm>> -> memref<128x64xf32, #tpu.memory_space<hbm>>
    tpu.enqueue_dma source(%arg13 : memref<128x64xf32, #tpu.memory_space<vmem>>) target(%dma_start3A_118 : memref<128x64xf32, #tpu.memory_space<hbm>>) target_semaphore(%arg25 : memref<!tpu.dma_semaphore, #tpu.memory_space<semaphore_mem>>)
    %dma_wait3A_119 = arith.constant 0 : i32
    %dma_wait3A_120 = arith.constant 0 : i32
    %dma_wait3A_121 = tpu.memref_slice %arg6[%dma_wait3A_119, %dma_wait3A_120] : memref<327680x64xf32, #tpu.memory_space<hbm>> -> memref<128x64xf32, #tpu.memory_space<hbm>>
    %dma_wait3A_122 = arith.constant 0 : i32
    %dma_wait3A_123 = arith.constant 0 : i32
    %dma_wait3A_124 = tpu.memref_slice %arg6[%dma_wait3A_122, %dma_wait3A_123] : memref<327680x64xf32, #tpu.memory_space<hbm>> -> memref<128x64xf32, #tpu.memory_space<hbm>>
    tpu.wait_dma2 semaphore(%arg22 : memref<!tpu.dma_semaphore, #tpu.memory_space<semaphore_mem>>) src(%arg10 : memref<128x64xf32, #tpu.memory_space<vmem>>) dst(%dma_wait3A_124 : memref<128x64xf32, #tpu.memory_space<hbm>>)
    %dma_wait3A_125 = arith.constant 0 : i32
    %dma_wait3A_126 = arith.constant 0 : i32
    %dma_wait3A_127 = tpu.memref_slice %arg7[%dma_wait3A_125, %dma_wait3A_126] : memref<327680x64xf32, #tpu.memory_space<hbm>> -> memref<128x64xf32, #tpu.memory_space<hbm>>
    %dma_wait3A_128 = arith.constant 0 : i32
    %dma_wait3A_129 = arith.constant 0 : i32
    %dma_wait3A_130 = tpu.memref_slice %arg7[%dma_wait3A_128, %dma_wait3A_129] : memref<327680x64xf32, #tpu.memory_space<hbm>> -> memref<128x64xf32, #tpu.memory_space<hbm>>
    tpu.wait_dma2 semaphore(%arg23 : memref<!tpu.dma_semaphore, #tpu.memory_space<semaphore_mem>>) src(%arg11 : memref<128x64xf32, #tpu.memory_space<vmem>>) dst(%dma_wait3A_130 : memref<128x64xf32, #tpu.memory_space<hbm>>)
    %dma_wait3A_131 = arith.constant 0 : i32
    %dma_wait3A_132 = arith.constant 0 : i32
    %dma_wait3A_133 = tpu.memref_slice %arg6[%dma_wait3A_131, %dma_wait3A_132] : memref<327680x64xf32, #tpu.memory_space<hbm>> -> memref<128x64xf32, #tpu.memory_space<hbm>>
    %dma_wait3A_134 = arith.constant 0 : i32
    %dma_wait3A_135 = arith.constant 0 : i32
    %dma_wait3A_136 = tpu.memref_slice %arg6[%dma_wait3A_134, %dma_wait3A_135] : memref<327680x64xf32, #tpu.memory_space<hbm>> -> memref<128x64xf32, #tpu.memory_space<hbm>>
    tpu.wait_dma2 semaphore(%arg24 : memref<!tpu.dma_semaphore, #tpu.memory_space<semaphore_mem>>) src(%arg12 : memref<128x64xf32, #tpu.memory_space<vmem>>) dst(%dma_wait3A_136 : memref<128x64xf32, #tpu.memory_space<hbm>>)
    %dma_wait3A_137 = arith.constant 0 : i32
    %dma_wait3A_138 = arith.constant 0 : i32
    %dma_wait3A_139 = tpu.memref_slice %arg7[%dma_wait3A_137, %dma_wait3A_138] : memref<327680x64xf32, #tpu.memory_space<hbm>> -> memref<128x64xf32, #tpu.memory_space<hbm>>
    %dma_wait3A_140 = arith.constant 0 : i32
    %dma_wait3A_141 = arith.constant 0 : i32
    %dma_wait3A_142 = tpu.memref_slice %arg7[%dma_wait3A_140, %dma_wait3A_141] : memref<327680x64xf32, #tpu.memory_space<hbm>> -> memref<128x64xf32, #tpu.memory_space<hbm>>
    tpu.wait_dma2 semaphore(%arg25 : memref<!tpu.dma_semaphore, #tpu.memory_space<semaphore_mem>>) src(%arg13 : memref<128x64xf32, #tpu.memory_space<vmem>>) dst(%dma_wait3A_142 : memref<128x64xf32, #tpu.memory_space<hbm>>)
    %dma_wait3A_143 = arith.constant 0 : i32
    %dma_wait3A_144 = arith.constant 0 : i32
    %dma_wait3A_145 = tpu.memref_slice %arg6[%dma_wait3A_143, %dma_wait3A_144] : memref<327680x64xf32, #tpu.memory_space<hbm>> -> memref<128x64xf32, #tpu.memory_space<hbm>>
    %dma_wait3A_146 = arith.constant 0 : i32
    %dma_wait3A_147 = arith.constant 0 : i32
    %dma_wait3A_148 = tpu.memref_slice %arg6[%dma_wait3A_146, %dma_wait3A_147] : memref<327680x64xf32, #tpu.memory_space<hbm>> -> memref<128x64xf32, #tpu.memory_space<hbm>>
    tpu.wait_dma2 semaphore(%arg26 : memref<!tpu.dma_semaphore, #tpu.memory_space<semaphore_mem>>) src(%arg14 : memref<128x64xf32, #tpu.memory_space<vmem>>) dst(%dma_wait3A_148 : memref<128x64xf32, #tpu.memory_space<hbm>>)
    %dma_wait3A_149 = arith.constant 0 : i32
    %dma_wait3A_150 = arith.constant 0 : i32
    %dma_wait3A_151 = tpu.memref_slice %arg7[%dma_wait3A_149, %dma_wait3A_150] : memref<327680x64xf32, #tpu.memory_space<hbm>> -> memref<128x64xf32, #tpu.memory_space<hbm>>
    %dma_wait3A_152 = arith.constant 0 : i32
    %dma_wait3A_153 = arith.constant 0 : i32
    %dma_wait3A_154 = tpu.memref_slice %arg7[%dma_wait3A_152, %dma_wait3A_153] : memref<327680x64xf32, #tpu.memory_space<hbm>> -> memref<128x64xf32, #tpu.memory_space<hbm>>
    tpu.wait_dma2 semaphore(%arg27 : memref<!tpu.dma_semaphore, #tpu.memory_space<semaphore_mem>>) src(%arg15 : memref<128x64xf32, #tpu.memory_space<vmem>>) dst(%dma_wait3A_154 : memref<128x64xf32, #tpu.memory_space<hbm>>)
    return
  }
}

#map = affine_map<(d0, d1) -> (0, 0)>
module attributes {stable_mosaic.version = 14 : i64} {
  func.func @_sc_scatter_add(%arg0: i32, %arg1: i32, %arg2: memref<327680x64xf32, #tpu.memory_space<hbm>>, %arg3: memref<2560x128xi32, #tpu.memory_space<hbm>>, %arg4: memref<40x64xf32, #tpu.memory_space<hbm>>, %arg5: memref<20480x64xf32, #tpu.memory_space<hbm>>, %arg6: memref<80x128xi32, #tpu.memory_space<vmem>>, %arg7: memref<128x64xf32, #tpu.memory_space<vmem>>, %arg8: memref<128x64xf32, #tpu.memory_space<vmem>>, %arg9: memref<40x64xf32, #tpu.memory_space<vmem>>, %arg10: memref<10240x64xf32, #tpu.memory_space<vmem_shared>>, %arg11: memref<!tpu.dma_semaphore, #tpu.memory_space<semaphore_mem>>, %arg12: memref<!tpu.dma_semaphore, #tpu.memory_space<semaphore_mem>>, %arg13: memref<!tpu.dma_semaphore, #tpu.memory_space<semaphore_mem>>, %arg14: memref<!tpu.dma_semaphore, #tpu.memory_space<semaphore_mem>>) attributes {dimension_semantics = [#tpu.dimension_semantics<core_parallel>, #tpu.dimension_semantics<subcore_parallel>], iteration_bounds = array<i64: 2, 16>, scalar_prefetch = 0 : i64, scratch_operands = 9 : i64, tpu.core_type = #tpu.core_type<sc_vector_subcore>, window_params = [{transform_indices = #map}, {transform_indices = #map}, {transform_indices = #map}, {transform_indices = #map}]} {
    %mul3A = arith.constant 2 : i32
    %mul3A_0 = arith.muli %arg1, %mul3A : i32
    %add3A = arith.addi %mul3A_0, %arg0 : i32
    %mul3A_1 = arith.constant 80 : i32
    %mul3A_2 = arith.muli %add3A, %mul3A_1 : i32
    "tpu.region"() ({
      %run_scoped3A = tpu.sem_alloc : memref<!tpu.dma_semaphore, #tpu.memory_space<semaphore_mem>>
      %dma_start3A = arith.constant 0 : i32
      %dma_start3A_37 = tpu.memref_slice %arg3[%mul3A_2, %dma_start3A] : memref<2560x128xi32, #tpu.memory_space<hbm>> -> memref<80x128xi32, #tpu.memory_space<hbm>>
      %dma_start3A_38 = arith.constant 0 : i32
      %dma_start3A_39 = tpu.memref_slice %arg3[%mul3A_2, %dma_start3A_38] : memref<2560x128xi32, #tpu.memory_space<hbm>> -> memref<80x128xi32, #tpu.memory_space<hbm>>
      tpu.enqueue_dma source(%dma_start3A_39 : memref<80x128xi32, #tpu.memory_space<hbm>>) target(%arg6 : memref<80x128xi32, #tpu.memory_space<vmem>>) target_semaphore(%run_scoped3A : memref<!tpu.dma_semaphore, #tpu.memory_space<semaphore_mem>>)
      %dma_wait3A_40 = arith.constant 0 : i32
      %dma_wait3A_41 = tpu.memref_slice %arg3[%mul3A_2, %dma_wait3A_40] : memref<2560x128xi32, #tpu.memory_space<hbm>> -> memref<80x128xi32, #tpu.memory_space<hbm>>
      %dma_wait3A_42 = arith.constant 0 : i32
      %dma_wait3A_43 = tpu.memref_slice %arg3[%mul3A_2, %dma_wait3A_42] : memref<2560x128xi32, #tpu.memory_space<hbm>> -> memref<80x128xi32, #tpu.memory_space<hbm>>
      tpu.wait_dma2 semaphore(%run_scoped3A : memref<!tpu.dma_semaphore, #tpu.memory_space<semaphore_mem>>) src(%dma_wait3A_43 : memref<80x128xi32, #tpu.memory_space<hbm>>) dst(%arg6 : memref<80x128xi32, #tpu.memory_space<vmem>>)
      tpu.yield
    }) : () -> ()
    "tpu.region"() ({
      %run_scoped3A = tpu.sem_alloc : memref<!tpu.dma_semaphore, #tpu.memory_space<semaphore_mem>>
      tpu.enqueue_dma source(%arg4 : memref<40x64xf32, #tpu.memory_space<hbm>>) target(%arg9 : memref<40x64xf32, #tpu.memory_space<vmem>>) target_semaphore(%run_scoped3A : memref<!tpu.dma_semaphore, #tpu.memory_space<semaphore_mem>>)
      tpu.wait_dma2 semaphore(%run_scoped3A : memref<!tpu.dma_semaphore, #tpu.memory_space<semaphore_mem>>) src(%arg4 : memref<40x64xf32, #tpu.memory_space<hbm>>) dst(%arg9 : memref<40x64xf32, #tpu.memory_space<vmem>>)
      tpu.yield
    }) : () -> ()
    %scan3A = arith.constant 0 : i32
    %scan3A_3 = arith.constant 0 : i32
    %scan3A_4 = arith.constant 16 : i32
    %scan3A_5 = arith.addi %scan3A_3, %scan3A_4 : i32
    %scan3A_6 = arith.constant 1 : i32
    %scan3A_7 = scf.for %scan3A_37 = %scan3A_3 to %scan3A_5 step %scan3A_6 iter_args(%scan3A_38 = %scan3A) -> (i32)  : i32 {
      %mul3A_39 = arith.constant 640 : i32
      %mul3A_40 = arith.muli %arg1, %mul3A_39 : i32
      %mul3A_41 = arith.constant 40 : i32
      %mul3A_42 = arith.muli %scan3A_37, %mul3A_41 : i32
      %add3A_43 = arith.addi %mul3A_40, %mul3A_42 : i32
      "tpu.region"() ({
        %run_scoped3A = tpu.sem_alloc : memref<!tpu.dma_semaphore, #tpu.memory_space<semaphore_mem>>
        %dma_start3A = arith.constant 0 : i32
        %dma_start3A_45 = tpu.memref_slice %arg10[%add3A_43, %dma_start3A] : memref<10240x64xf32, #tpu.memory_space<vmem_shared>> -> memref<40x64xf32, #tpu.memory_space<vmem_shared>>
        %dma_start3A_46 = arith.constant 0 : i32
        %dma_start3A_47 = tpu.memref_slice %arg10[%add3A_43, %dma_start3A_46] : memref<10240x64xf32, #tpu.memory_space<vmem_shared>> -> memref<40x64xf32, #tpu.memory_space<vmem_shared>>
        tpu.enqueue_dma source(%arg9 : memref<40x64xf32, #tpu.memory_space<vmem>>) target(%dma_start3A_47 : memref<40x64xf32, #tpu.memory_space<vmem_shared>>) target_semaphore(%run_scoped3A : memref<!tpu.dma_semaphore, #tpu.memory_space<semaphore_mem>>)
        %dma_wait3A_48 = arith.constant 0 : i32
        %dma_wait3A_49 = tpu.memref_slice %arg10[%add3A_43, %dma_wait3A_48] : memref<10240x64xf32, #tpu.memory_space<vmem_shared>> -> memref<40x64xf32, #tpu.memory_space<vmem_shared>>
        %dma_wait3A_50 = arith.constant 0 : i32
        %dma_wait3A_51 = tpu.memref_slice %arg10[%add3A_43, %dma_wait3A_50] : memref<10240x64xf32, #tpu.memory_space<vmem_shared>> -> memref<40x64xf32, #tpu.memory_space<vmem_shared>>
        tpu.wait_dma2 semaphore(%run_scoped3A : memref<!tpu.dma_semaphore, #tpu.memory_space<semaphore_mem>>) src(%arg9 : memref<40x64xf32, #tpu.memory_space<vmem>>) dst(%dma_wait3A_51 : memref<40x64xf32, #tpu.memory_space<vmem_shared>>)
        tpu.yield
      }) : () -> ()
      %scan3A_44 = arith.constant 0 : i32
      scf.yield %scan3A_44 : i32
    }
    %scan3A_8 = arith.constant 16 : i32
    %barrier3A = arith.constant 0 : index
    tpu.barrier barrier_id(%barrier3A)
    %scan3A_9 = arith.constant 0 : i32
    %scan3A_10 = arith.constant 0 : i32
    %scan3A_11 = arith.constant 40 : i32
    %scan3A_12 = arith.addi %scan3A_10, %scan3A_11 : i32
    %scan3A_13 = arith.constant 1 : i32
    %scan3A_14 = scf.for %scan3A_37 = %scan3A_10 to %scan3A_12 step %scan3A_13 iter_args(%scan3A_38 = %scan3A_9) -> (i32)  : i32 {
      %mul3A_39 = arith.constant 2 : i32
      %mul3A_40 = arith.muli %mul3A_39, %scan3A_37 : i32
      %add3A_41 = arith.constant 0 : i32
      %add3A_42 = arith.addi %mul3A_40, %add3A_41 : i32
      %gt3A = arith.constant 0 : i32
      %gt3A_43 = arith.cmpi sgt, %scan3A_37, %gt3A : i32
      %convert_element_type3A = arith.extui %gt3A_43 : i1 to i32
      %cond3A = arith.constant 0 : i32
      %cond3A_44 = arith.cmpi ne, %convert_element_type3A, %cond3A : i32
      scf.if %cond3A_44 {
        %dma_wait3A_100 = arith.constant 0 : i32
        %dma_wait3A_101 = arith.constant 0 : i32
        %dma_wait3A_102 = tpu.memref_slice %arg6[%dma_wait3A_100, %dma_wait3A_101] : memref<80x128xi32, #tpu.memory_space<vmem>> -> memref<1x128xi32, #tpu.memory_space<vmem>>
        %dma_wait3A_103 = tpu.memref_squeeze %dma_wait3A_102 : memref<1x128xi32, #tpu.memory_space<vmem>> -> memref<128xi32, #tpu.memory_space<vmem>>
        %dma_wait3A_104 = arith.constant 0 : i32
        %dma_wait3A_105 = arith.constant 0 : i32
        %dma_wait3A_106 = tpu.memref_slice %arg10[%dma_wait3A_104, %dma_wait3A_105] : memref<10240x64xf32, #tpu.memory_space<vmem_shared>> -> memref<10240x64xf32, #tpu.memory_space<vmem_shared>>
        tpu.wait_indirect_dma semaphore(%arg13 : memref<!tpu.dma_semaphore, #tpu.memory_space<semaphore_mem>>) src(%arg7 : memref<128x64xf32, #tpu.memory_space<vmem>>) dst(%dma_wait3A_106 : memref<10240x64xf32, #tpu.memory_space<vmem_shared>>)
      } else {
      }
      %add3A_45 = arith.addi %mul3A_2, %add3A_42 : i32
      %mul3A_46 = arith.constant 128 : i32
      %mul3A_47 = arith.muli %add3A_45, %mul3A_46 : i32
      %dma_start3A = arith.constant 0 : i32
      %dma_start3A_48 = tpu.memref_slice %arg2[%mul3A_47, %dma_start3A] : memref<327680x64xf32, #tpu.memory_space<hbm>> -> memref<128x64xf32, #tpu.memory_space<hbm>>
      %dma_start3A_49 = arith.constant 0 : i32
      %dma_start3A_50 = tpu.memref_slice %arg2[%mul3A_47, %dma_start3A_49] : memref<327680x64xf32, #tpu.memory_space<hbm>> -> memref<128x64xf32, #tpu.memory_space<hbm>>
      tpu.enqueue_dma source(%dma_start3A_50 : memref<128x64xf32, #tpu.memory_space<hbm>>) target(%arg7 : memref<128x64xf32, #tpu.memory_space<vmem>>) target_semaphore(%arg11 : memref<!tpu.dma_semaphore, #tpu.memory_space<semaphore_mem>>)
      %mul3A_51 = arith.constant 2 : i32
      %mul3A_52 = arith.muli %mul3A_51, %scan3A_37 : i32
      %add3A_53 = arith.constant 1 : i32
      %add3A_54 = arith.addi %mul3A_52, %add3A_53 : i32
      %gt3A_55 = arith.constant 0 : i32
      %gt3A_56 = arith.cmpi sgt, %scan3A_37, %gt3A_55 : i32
      %convert_element_type3A_57 = arith.extui %gt3A_56 : i1 to i32
      %cond3A_58 = arith.constant 0 : i32
      %cond3A_59 = arith.cmpi ne, %convert_element_type3A_57, %cond3A_58 : i32
      scf.if %cond3A_59 {
        %dma_wait3A_100 = arith.constant 0 : i32
        %dma_wait3A_101 = arith.constant 0 : i32
        %dma_wait3A_102 = tpu.memref_slice %arg6[%dma_wait3A_100, %dma_wait3A_101] : memref<80x128xi32, #tpu.memory_space<vmem>> -> memref<1x128xi32, #tpu.memory_space<vmem>>
        %dma_wait3A_103 = tpu.memref_squeeze %dma_wait3A_102 : memref<1x128xi32, #tpu.memory_space<vmem>> -> memref<128xi32, #tpu.memory_space<vmem>>
        %dma_wait3A_104 = arith.constant 0 : i32
        %dma_wait3A_105 = arith.constant 0 : i32
        %dma_wait3A_106 = tpu.memref_slice %arg10[%dma_wait3A_104, %dma_wait3A_105] : memref<10240x64xf32, #tpu.memory_space<vmem_shared>> -> memref<10240x64xf32, #tpu.memory_space<vmem_shared>>
        tpu.wait_indirect_dma semaphore(%arg14 : memref<!tpu.dma_semaphore, #tpu.memory_space<semaphore_mem>>) src(%arg8 : memref<128x64xf32, #tpu.memory_space<vmem>>) dst(%dma_wait3A_106 : memref<10240x64xf32, #tpu.memory_space<vmem_shared>>)
      } else {
      }
      %add3A_60 = arith.addi %mul3A_2, %add3A_54 : i32
      %mul3A_61 = arith.constant 128 : i32
      %mul3A_62 = arith.muli %add3A_60, %mul3A_61 : i32
      %dma_start3A_63 = arith.constant 0 : i32
      %dma_start3A_64 = tpu.memref_slice %arg2[%mul3A_62, %dma_start3A_63] : memref<327680x64xf32, #tpu.memory_space<hbm>> -> memref<128x64xf32, #tpu.memory_space<hbm>>
      %dma_start3A_65 = arith.constant 0 : i32
      %dma_start3A_66 = tpu.memref_slice %arg2[%mul3A_62, %dma_start3A_65] : memref<327680x64xf32, #tpu.memory_space<hbm>> -> memref<128x64xf32, #tpu.memory_space<hbm>>
      tpu.enqueue_dma source(%dma_start3A_66 : memref<128x64xf32, #tpu.memory_space<hbm>>) target(%arg8 : memref<128x64xf32, #tpu.memory_space<vmem>>) target_semaphore(%arg12 : memref<!tpu.dma_semaphore, #tpu.memory_space<semaphore_mem>>)
      %dma_wait3A_67 = arith.constant 0 : i32
      %dma_wait3A_68 = arith.constant 0 : i32
      %dma_wait3A_69 = tpu.memref_slice %arg2[%dma_wait3A_67, %dma_wait3A_68] : memref<327680x64xf32, #tpu.memory_space<hbm>> -> memref<128x64xf32, #tpu.memory_space<hbm>>
      %dma_wait3A_70 = arith.constant 0 : i32
      %dma_wait3A_71 = arith.constant 0 : i32
      %dma_wait3A_72 = tpu.memref_slice %arg2[%dma_wait3A_70, %dma_wait3A_71] : memref<327680x64xf32, #tpu.memory_space<hbm>> -> memref<128x64xf32, #tpu.memory_space<hbm>>
      tpu.wait_dma2 semaphore(%arg11 : memref<!tpu.dma_semaphore, #tpu.memory_space<semaphore_mem>>) src(%dma_wait3A_72 : memref<128x64xf32, #tpu.memory_space<hbm>>) dst(%arg7 : memref<128x64xf32, #tpu.memory_space<vmem>>)
      %mul3A_73 = arith.constant 2 : i32
      %mul3A_74 = arith.muli %mul3A_73, %scan3A_37 : i32
      %add3A_75 = arith.constant 0 : i32
      %add3A_76 = arith.addi %mul3A_74, %add3A_75 : i32
      %dma_start3A_77 = arith.constant 0 : i32
      %dma_start3A_78 = tpu.memref_slice %arg6[%add3A_76, %dma_start3A_77] : memref<80x128xi32, #tpu.memory_space<vmem>> -> memref<1x128xi32, #tpu.memory_space<vmem>>
      %dma_start3A_79 = tpu.memref_squeeze %dma_start3A_78 : memref<1x128xi32, #tpu.memory_space<vmem>> -> memref<128xi32, #tpu.memory_space<vmem>>
      %dma_start3A_80 = arith.constant 0 : i32
      %dma_start3A_81 = arith.constant 0 : i32
      %dma_start3A_82 = tpu.memref_slice %arg10[%dma_start3A_80, %dma_start3A_81] : memref<10240x64xf32, #tpu.memory_space<vmem_shared>> -> memref<10240x64xf32, #tpu.memory_space<vmem_shared>>
      tpu.enqueue_indirect_dma source(%arg7 : memref<128x64xf32, #tpu.memory_space<vmem>>) target(%dma_start3A_82 : memref<10240x64xf32, #tpu.memory_space<vmem_shared>>) offsets(%dma_start3A_79 : memref<128xi32, #tpu.memory_space<vmem>>) semaphore(%arg13 : memref<!tpu.dma_semaphore, #tpu.memory_space<semaphore_mem>>) {add = true}
      %dma_wait3A_83 = arith.constant 0 : i32
      %dma_wait3A_84 = arith.constant 0 : i32
      %dma_wait3A_85 = tpu.memref_slice %arg2[%dma_wait3A_83, %dma_wait3A_84] : memref<327680x64xf32, #tpu.memory_space<hbm>> -> memref<128x64xf32, #tpu.memory_space<hbm>>
      %dma_wait3A_86 = arith.constant 0 : i32
      %dma_wait3A_87 = arith.constant 0 : i32
      %dma_wait3A_88 = tpu.memref_slice %arg2[%dma_wait3A_86, %dma_wait3A_87] : memref<327680x64xf32, #tpu.memory_space<hbm>> -> memref<128x64xf32, #tpu.memory_space<hbm>>
      tpu.wait_dma2 semaphore(%arg12 : memref<!tpu.dma_semaphore, #tpu.memory_space<semaphore_mem>>) src(%dma_wait3A_88 : memref<128x64xf32, #tpu.memory_space<hbm>>) dst(%arg8 : memref<128x64xf32, #tpu.memory_space<vmem>>)
      %mul3A_89 = arith.constant 2 : i32
      %mul3A_90 = arith.muli %mul3A_89, %scan3A_37 : i32
      %add3A_91 = arith.constant 1 : i32
      %add3A_92 = arith.addi %mul3A_90, %add3A_91 : i32
      %dma_start3A_93 = arith.constant 0 : i32
      %dma_start3A_94 = tpu.memref_slice %arg6[%add3A_92, %dma_start3A_93] : memref<80x128xi32, #tpu.memory_space<vmem>> -> memref<1x128xi32, #tpu.memory_space<vmem>>
      %dma_start3A_95 = tpu.memref_squeeze %dma_start3A_94 : memref<1x128xi32, #tpu.memory_space<vmem>> -> memref<128xi32, #tpu.memory_space<vmem>>
      %dma_start3A_96 = arith.constant 0 : i32
      %dma_start3A_97 = arith.constant 0 : i32
      %dma_start3A_98 = tpu.memref_slice %arg10[%dma_start3A_96, %dma_start3A_97] : memref<10240x64xf32, #tpu.memory_space<vmem_shared>> -> memref<10240x64xf32, #tpu.memory_space<vmem_shared>>
      tpu.enqueue_indirect_dma source(%arg8 : memref<128x64xf32, #tpu.memory_space<vmem>>) target(%dma_start3A_98 : memref<10240x64xf32, #tpu.memory_space<vmem_shared>>) offsets(%dma_start3A_95 : memref<128xi32, #tpu.memory_space<vmem>>) semaphore(%arg14 : memref<!tpu.dma_semaphore, #tpu.memory_space<semaphore_mem>>) {add = true}
      %scan3A_99 = arith.constant 0 : i32
      scf.yield %scan3A_99 : i32
    }
    %scan3A_15 = arith.constant 40 : i32
    %dma_wait3A = arith.constant 0 : i32
    %dma_wait3A_16 = arith.constant 0 : i32
    %dma_wait3A_17 = tpu.memref_slice %arg6[%dma_wait3A, %dma_wait3A_16] : memref<80x128xi32, #tpu.memory_space<vmem>> -> memref<1x128xi32, #tpu.memory_space<vmem>>
    %dma_wait3A_18 = tpu.memref_squeeze %dma_wait3A_17 : memref<1x128xi32, #tpu.memory_space<vmem>> -> memref<128xi32, #tpu.memory_space<vmem>>
    %dma_wait3A_19 = arith.constant 0 : i32
    %dma_wait3A_20 = arith.constant 0 : i32
    %dma_wait3A_21 = tpu.memref_slice %arg10[%dma_wait3A_19, %dma_wait3A_20] : memref<10240x64xf32, #tpu.memory_space<vmem_shared>> -> memref<10240x64xf32, #tpu.memory_space<vmem_shared>>
    tpu.wait_indirect_dma semaphore(%arg13 : memref<!tpu.dma_semaphore, #tpu.memory_space<semaphore_mem>>) src(%arg7 : memref<128x64xf32, #tpu.memory_space<vmem>>) dst(%dma_wait3A_21 : memref<10240x64xf32, #tpu.memory_space<vmem_shared>>)
    %dma_wait3A_22 = arith.constant 0 : i32
    %dma_wait3A_23 = arith.constant 0 : i32
    %dma_wait3A_24 = tpu.memref_slice %arg6[%dma_wait3A_22, %dma_wait3A_23] : memref<80x128xi32, #tpu.memory_space<vmem>> -> memref<1x128xi32, #tpu.memory_space<vmem>>
    %dma_wait3A_25 = tpu.memref_squeeze %dma_wait3A_24 : memref<1x128xi32, #tpu.memory_space<vmem>> -> memref<128xi32, #tpu.memory_space<vmem>>
    %dma_wait3A_26 = arith.constant 0 : i32
    %dma_wait3A_27 = arith.constant 0 : i32
    %dma_wait3A_28 = tpu.memref_slice %arg10[%dma_wait3A_26, %dma_wait3A_27] : memref<10240x64xf32, #tpu.memory_space<vmem_shared>> -> memref<10240x64xf32, #tpu.memory_space<vmem_shared>>
    tpu.wait_indirect_dma semaphore(%arg14 : memref<!tpu.dma_semaphore, #tpu.memory_space<semaphore_mem>>) src(%arg8 : memref<128x64xf32, #tpu.memory_space<vmem>>) dst(%dma_wait3A_28 : memref<10240x64xf32, #tpu.memory_space<vmem_shared>>)
    %barrier3A_29 = arith.constant 0 : index
    tpu.barrier barrier_id(%barrier3A_29)
    %scan3A_30 = arith.constant 0 : i32
    %scan3A_31 = arith.constant 0 : i32
    %scan3A_32 = arith.constant 16 : i32
    %scan3A_33 = arith.addi %scan3A_31, %scan3A_32 : i32
    %scan3A_34 = arith.constant 1 : i32
    %scan3A_35 = scf.for %scan3A_37 = %scan3A_31 to %scan3A_33 step %scan3A_34 iter_args(%scan3A_38 = %scan3A_30) -> (i32)  : i32 {
      %mul3A_39 = arith.constant 640 : i32
      %mul3A_40 = arith.muli %arg1, %mul3A_39 : i32
      %mul3A_41 = arith.constant 40 : i32
      %mul3A_42 = arith.muli %scan3A_37, %mul3A_41 : i32
      %add3A_43 = arith.addi %mul3A_40, %mul3A_42 : i32
      "tpu.region"() ({
        %run_scoped3A = tpu.sem_alloc : memref<!tpu.dma_semaphore, #tpu.memory_space<semaphore_mem>>
        %dma_start3A = arith.constant 0 : i32
        %dma_start3A_48 = tpu.memref_slice %arg10[%add3A_43, %dma_start3A] : memref<10240x64xf32, #tpu.memory_space<vmem_shared>> -> memref<40x64xf32, #tpu.memory_space<vmem_shared>>
        %dma_start3A_49 = arith.constant 0 : i32
        %dma_start3A_50 = tpu.memref_slice %arg10[%add3A_43, %dma_start3A_49] : memref<10240x64xf32, #tpu.memory_space<vmem_shared>> -> memref<40x64xf32, #tpu.memory_space<vmem_shared>>
        tpu.enqueue_dma source(%dma_start3A_50 : memref<40x64xf32, #tpu.memory_space<vmem_shared>>) target(%arg9 : memref<40x64xf32, #tpu.memory_space<vmem>>) target_semaphore(%run_scoped3A : memref<!tpu.dma_semaphore, #tpu.memory_space<semaphore_mem>>)
        %dma_wait3A_51 = arith.constant 0 : i32
        %dma_wait3A_52 = tpu.memref_slice %arg10[%add3A_43, %dma_wait3A_51] : memref<10240x64xf32, #tpu.memory_space<vmem_shared>> -> memref<40x64xf32, #tpu.memory_space<vmem_shared>>
        %dma_wait3A_53 = arith.constant 0 : i32
        %dma_wait3A_54 = tpu.memref_slice %arg10[%add3A_43, %dma_wait3A_53] : memref<10240x64xf32, #tpu.memory_space<vmem_shared>> -> memref<40x64xf32, #tpu.memory_space<vmem_shared>>
        tpu.wait_dma2 semaphore(%run_scoped3A : memref<!tpu.dma_semaphore, #tpu.memory_space<semaphore_mem>>) src(%dma_wait3A_54 : memref<40x64xf32, #tpu.memory_space<vmem_shared>>) dst(%arg9 : memref<40x64xf32, #tpu.memory_space<vmem>>)
        tpu.yield
      }) : () -> ()
      %mul3A_44 = arith.constant 10240 : i32
      %mul3A_45 = arith.muli %arg0, %mul3A_44 : i32
      %add3A_46 = arith.addi %mul3A_45, %add3A_43 : i32
      "tpu.region"() ({
        %run_scoped3A = tpu.sem_alloc : memref<!tpu.dma_semaphore, #tpu.memory_space<semaphore_mem>>
        %dma_start3A = arith.constant 0 : i32
        %dma_start3A_48 = tpu.memref_slice %arg5[%add3A_46, %dma_start3A] : memref<20480x64xf32, #tpu.memory_space<hbm>> -> memref<40x64xf32, #tpu.memory_space<hbm>>
        %dma_start3A_49 = arith.constant 0 : i32
        %dma_start3A_50 = tpu.memref_slice %arg5[%add3A_46, %dma_start3A_49] : memref<20480x64xf32, #tpu.memory_space<hbm>> -> memref<40x64xf32, #tpu.memory_space<hbm>>
        tpu.enqueue_dma source(%arg9 : memref<40x64xf32, #tpu.memory_space<vmem>>) target(%dma_start3A_50 : memref<40x64xf32, #tpu.memory_space<hbm>>) target_semaphore(%run_scoped3A : memref<!tpu.dma_semaphore, #tpu.memory_space<semaphore_mem>>)
        %dma_wait3A_51 = arith.constant 0 : i32
        %dma_wait3A_52 = tpu.memref_slice %arg5[%add3A_46, %dma_wait3A_51] : memref<20480x64xf32, #tpu.memory_space<hbm>> -> memref<40x64xf32, #tpu.memory_space<hbm>>
        %dma_wait3A_53 = arith.constant 0 : i32
        %dma_wait3A_54 = tpu.memref_slice %arg5[%add3A_46, %dma_wait3A_53] : memref<20480x64xf32, #tpu.memory_space<hbm>> -> memref<40x64xf32, #tpu.memory_space<hbm>>
        tpu.wait_dma2 semaphore(%run_scoped3A : memref<!tpu.dma_semaphore, #tpu.memory_space<semaphore_mem>>) src(%arg9 : memref<40x64xf32, #tpu.memory_space<vmem>>) dst(%dma_wait3A_54 : memref<40x64xf32, #tpu.memory_space<hbm>>)
        tpu.yield
      }) : () -> ()
      %scan3A_47 = arith.constant 0 : i32
      scf.yield %scan3A_47 : i32
    }
    %scan3A_36 = arith.constant 16 : i32
    return
  }
}

#map = affine_map<(d0, d1) -> (0, 0)>
module attributes {stable_mosaic.version = 14 : i64} {
  func.func @_sc_scatter_add(%arg0: i32, %arg1: i32, %arg2: memref<327680x64xf32, #tpu.memory_space<hbm>>, %arg3: memref<2560x128xi32, #tpu.memory_space<hbm>>, %arg4: memref<40x64xf32, #tpu.memory_space<hbm>>, %arg5: memref<20480x64xf32, #tpu.memory_space<hbm>>, %arg6: memref<80x128xi32, #tpu.memory_space<vmem>>, %arg7: memref<128x64xf32, #tpu.memory_space<vmem>>, %arg8: memref<128x64xf32, #tpu.memory_space<vmem>>, %arg9: memref<40x64xf32, #tpu.memory_space<vmem>>, %arg10: memref<10240x64xf32, #tpu.memory_space<vmem_shared>>, %arg11: memref<!tpu.dma_semaphore, #tpu.memory_space<semaphore_mem>>, %arg12: memref<!tpu.dma_semaphore, #tpu.memory_space<semaphore_mem>>, %arg13: memref<!tpu.dma_semaphore, #tpu.memory_space<semaphore_mem>>, %arg14: memref<!tpu.dma_semaphore, #tpu.memory_space<semaphore_mem>>) attributes {dimension_semantics = [#tpu.dimension_semantics<core_parallel>, #tpu.dimension_semantics<subcore_parallel>], iteration_bounds = array<i64: 2, 16>, scalar_prefetch = 0 : i64, scratch_operands = 9 : i64, tpu.core_type = #tpu.core_type<sc_vector_subcore>, window_params = [{transform_indices = #map}, {transform_indices = #map}, {transform_indices = #map}, {transform_indices = #map}]} {
    %mul3A = arith.constant 2 : i32
    %mul3A_0 = arith.muli %arg1, %mul3A : i32
    %add3A = arith.addi %mul3A_0, %arg0 : i32
    %mul3A_1 = arith.constant 80 : i32
    %mul3A_2 = arith.muli %add3A, %mul3A_1 : i32
    "tpu.region"() ({
      %run_scoped3A = tpu.sem_alloc : memref<!tpu.dma_semaphore, #tpu.memory_space<semaphore_mem>>
      %dma_start3A = arith.constant 0 : i32
      %dma_start3A_37 = tpu.memref_slice %arg3[%mul3A_2, %dma_start3A] : memref<2560x128xi32, #tpu.memory_space<hbm>> -> memref<80x128xi32, #tpu.memory_space<hbm>>
      %dma_start3A_38 = arith.constant 0 : i32
      %dma_start3A_39 = tpu.memref_slice %arg3[%mul3A_2, %dma_start3A_38] : memref<2560x128xi32, #tpu.memory_space<hbm>> -> memref<80x128xi32, #tpu.memory_space<hbm>>
      tpu.enqueue_dma source(%dma_start3A_39 : memref<80x128xi32, #tpu.memory_space<hbm>>) target(%arg6 : memref<80x128xi32, #tpu.memory_space<vmem>>) target_semaphore(%run_scoped3A : memref<!tpu.dma_semaphore, #tpu.memory_space<semaphore_mem>>)
      %dma_wait3A_40 = arith.constant 0 : i32
      %dma_wait3A_41 = tpu.memref_slice %arg3[%mul3A_2, %dma_wait3A_40] : memref<2560x128xi32, #tpu.memory_space<hbm>> -> memref<80x128xi32, #tpu.memory_space<hbm>>
      %dma_wait3A_42 = arith.constant 0 : i32
      %dma_wait3A_43 = tpu.memref_slice %arg3[%mul3A_2, %dma_wait3A_42] : memref<2560x128xi32, #tpu.memory_space<hbm>> -> memref<80x128xi32, #tpu.memory_space<hbm>>
      tpu.wait_dma2 semaphore(%run_scoped3A : memref<!tpu.dma_semaphore, #tpu.memory_space<semaphore_mem>>) src(%dma_wait3A_43 : memref<80x128xi32, #tpu.memory_space<hbm>>) dst(%arg6 : memref<80x128xi32, #tpu.memory_space<vmem>>)
      tpu.yield
    }) : () -> ()
    "tpu.region"() ({
      %run_scoped3A = tpu.sem_alloc : memref<!tpu.dma_semaphore, #tpu.memory_space<semaphore_mem>>
      tpu.enqueue_dma source(%arg4 : memref<40x64xf32, #tpu.memory_space<hbm>>) target(%arg9 : memref<40x64xf32, #tpu.memory_space<vmem>>) target_semaphore(%run_scoped3A : memref<!tpu.dma_semaphore, #tpu.memory_space<semaphore_mem>>)
      tpu.wait_dma2 semaphore(%run_scoped3A : memref<!tpu.dma_semaphore, #tpu.memory_space<semaphore_mem>>) src(%arg4 : memref<40x64xf32, #tpu.memory_space<hbm>>) dst(%arg9 : memref<40x64xf32, #tpu.memory_space<vmem>>)
      tpu.yield
    }) : () -> ()
    %scan3A = arith.constant 0 : i32
    %scan3A_3 = arith.constant 0 : i32
    %scan3A_4 = arith.constant 16 : i32
    %scan3A_5 = arith.addi %scan3A_3, %scan3A_4 : i32
    %scan3A_6 = arith.constant 1 : i32
    %scan3A_7 = scf.for %scan3A_37 = %scan3A_3 to %scan3A_5 step %scan3A_6 iter_args(%scan3A_38 = %scan3A) -> (i32)  : i32 {
      %mul3A_39 = arith.constant 640 : i32
      %mul3A_40 = arith.muli %arg1, %mul3A_39 : i32
      %mul3A_41 = arith.constant 40 : i32
      %mul3A_42 = arith.muli %scan3A_37, %mul3A_41 : i32
      %add3A_43 = arith.addi %mul3A_40, %mul3A_42 : i32
      "tpu.region"() ({
        %run_scoped3A = tpu.sem_alloc : memref<!tpu.dma_semaphore, #tpu.memory_space<semaphore_mem>>
        %dma_start3A = arith.constant 0 : i32
        %dma_start3A_45 = tpu.memref_slice %arg10[%add3A_43, %dma_start3A] : memref<10240x64xf32, #tpu.memory_space<vmem_shared>> -> memref<40x64xf32, #tpu.memory_space<vmem_shared>>
        %dma_start3A_46 = arith.constant 0 : i32
        %dma_start3A_47 = tpu.memref_slice %arg10[%add3A_43, %dma_start3A_46] : memref<10240x64xf32, #tpu.memory_space<vmem_shared>> -> memref<40x64xf32, #tpu.memory_space<vmem_shared>>
        tpu.enqueue_dma source(%arg9 : memref<40x64xf32, #tpu.memory_space<vmem>>) target(%dma_start3A_47 : memref<40x64xf32, #tpu.memory_space<vmem_shared>>) target_semaphore(%run_scoped3A : memref<!tpu.dma_semaphore, #tpu.memory_space<semaphore_mem>>)
        %dma_wait3A_48 = arith.constant 0 : i32
        %dma_wait3A_49 = tpu.memref_slice %arg10[%add3A_43, %dma_wait3A_48] : memref<10240x64xf32, #tpu.memory_space<vmem_shared>> -> memref<40x64xf32, #tpu.memory_space<vmem_shared>>
        %dma_wait3A_50 = arith.constant 0 : i32
        %dma_wait3A_51 = tpu.memref_slice %arg10[%add3A_43, %dma_wait3A_50] : memref<10240x64xf32, #tpu.memory_space<vmem_shared>> -> memref<40x64xf32, #tpu.memory_space<vmem_shared>>
        tpu.wait_dma2 semaphore(%run_scoped3A : memref<!tpu.dma_semaphore, #tpu.memory_space<semaphore_mem>>) src(%arg9 : memref<40x64xf32, #tpu.memory_space<vmem>>) dst(%dma_wait3A_51 : memref<40x64xf32, #tpu.memory_space<vmem_shared>>)
        tpu.yield
      }) : () -> ()
      %scan3A_44 = arith.constant 0 : i32
      scf.yield %scan3A_44 : i32
    }
    %scan3A_8 = arith.constant 16 : i32
    %barrier3A = arith.constant 0 : index
    tpu.barrier barrier_id(%barrier3A)
    %scan3A_9 = arith.constant 0 : i32
    %scan3A_10 = arith.constant 0 : i32
    %scan3A_11 = arith.constant 40 : i32
    %scan3A_12 = arith.addi %scan3A_10, %scan3A_11 : i32
    %scan3A_13 = arith.constant 1 : i32
    %scan3A_14 = scf.for %scan3A_37 = %scan3A_10 to %scan3A_12 step %scan3A_13 iter_args(%scan3A_38 = %scan3A_9) -> (i32)  : i32 {
      %mul3A_39 = arith.constant 2 : i32
      %mul3A_40 = arith.muli %mul3A_39, %scan3A_37 : i32
      %add3A_41 = arith.constant 0 : i32
      %add3A_42 = arith.addi %mul3A_40, %add3A_41 : i32
      %gt3A = arith.constant 0 : i32
      %gt3A_43 = arith.cmpi sgt, %scan3A_37, %gt3A : i32
      %convert_element_type3A = arith.extui %gt3A_43 : i1 to i32
      %cond3A = arith.constant 0 : i32
      %cond3A_44 = arith.cmpi ne, %convert_element_type3A, %cond3A : i32
      scf.if %cond3A_44 {
        %dma_wait3A_100 = arith.constant 0 : i32
        %dma_wait3A_101 = arith.constant 0 : i32
        %dma_wait3A_102 = tpu.memref_slice %arg6[%dma_wait3A_100, %dma_wait3A_101] : memref<80x128xi32, #tpu.memory_space<vmem>> -> memref<1x128xi32, #tpu.memory_space<vmem>>
        %dma_wait3A_103 = tpu.memref_squeeze %dma_wait3A_102 : memref<1x128xi32, #tpu.memory_space<vmem>> -> memref<128xi32, #tpu.memory_space<vmem>>
        %dma_wait3A_104 = arith.constant 0 : i32
        %dma_wait3A_105 = arith.constant 0 : i32
        %dma_wait3A_106 = tpu.memref_slice %arg10[%dma_wait3A_104, %dma_wait3A_105] : memref<10240x64xf32, #tpu.memory_space<vmem_shared>> -> memref<10240x64xf32, #tpu.memory_space<vmem_shared>>
        tpu.wait_indirect_dma semaphore(%arg13 : memref<!tpu.dma_semaphore, #tpu.memory_space<semaphore_mem>>) src(%arg7 : memref<128x64xf32, #tpu.memory_space<vmem>>) dst(%dma_wait3A_106 : memref<10240x64xf32, #tpu.memory_space<vmem_shared>>)
      } else {
      }
      %add3A_45 = arith.addi %mul3A_2, %add3A_42 : i32
      %mul3A_46 = arith.constant 128 : i32
      %mul3A_47 = arith.muli %add3A_45, %mul3A_46 : i32
      %dma_start3A = arith.constant 0 : i32
      %dma_start3A_48 = tpu.memref_slice %arg2[%mul3A_47, %dma_start3A] : memref<327680x64xf32, #tpu.memory_space<hbm>> -> memref<128x64xf32, #tpu.memory_space<hbm>>
      %dma_start3A_49 = arith.constant 0 : i32
      %dma_start3A_50 = tpu.memref_slice %arg2[%mul3A_47, %dma_start3A_49] : memref<327680x64xf32, #tpu.memory_space<hbm>> -> memref<128x64xf32, #tpu.memory_space<hbm>>
      tpu.enqueue_dma source(%dma_start3A_50 : memref<128x64xf32, #tpu.memory_space<hbm>>) target(%arg7 : memref<128x64xf32, #tpu.memory_space<vmem>>) target_semaphore(%arg11 : memref<!tpu.dma_semaphore, #tpu.memory_space<semaphore_mem>>)
      %mul3A_51 = arith.constant 2 : i32
      %mul3A_52 = arith.muli %mul3A_51, %scan3A_37 : i32
      %add3A_53 = arith.constant 1 : i32
      %add3A_54 = arith.addi %mul3A_52, %add3A_53 : i32
      %gt3A_55 = arith.constant 0 : i32
      %gt3A_56 = arith.cmpi sgt, %scan3A_37, %gt3A_55 : i32
      %convert_element_type3A_57 = arith.extui %gt3A_56 : i1 to i32
      %cond3A_58 = arith.constant 0 : i32
      %cond3A_59 = arith.cmpi ne, %convert_element_type3A_57, %cond3A_58 : i32
      scf.if %cond3A_59 {
        %dma_wait3A_100 = arith.constant 0 : i32
        %dma_wait3A_101 = arith.constant 0 : i32
        %dma_wait3A_102 = tpu.memref_slice %arg6[%dma_wait3A_100, %dma_wait3A_101] : memref<80x128xi32, #tpu.memory_space<vmem>> -> memref<1x128xi32, #tpu.memory_space<vmem>>
        %dma_wait3A_103 = tpu.memref_squeeze %dma_wait3A_102 : memref<1x128xi32, #tpu.memory_space<vmem>> -> memref<128xi32, #tpu.memory_space<vmem>>
        %dma_wait3A_104 = arith.constant 0 : i32
        %dma_wait3A_105 = arith.constant 0 : i32
        %dma_wait3A_106 = tpu.memref_slice %arg10[%dma_wait3A_104, %dma_wait3A_105] : memref<10240x64xf32, #tpu.memory_space<vmem_shared>> -> memref<10240x64xf32, #tpu.memory_space<vmem_shared>>
        tpu.wait_indirect_dma semaphore(%arg14 : memref<!tpu.dma_semaphore, #tpu.memory_space<semaphore_mem>>) src(%arg8 : memref<128x64xf32, #tpu.memory_space<vmem>>) dst(%dma_wait3A_106 : memref<10240x64xf32, #tpu.memory_space<vmem_shared>>)
      } else {
      }
      %add3A_60 = arith.addi %mul3A_2, %add3A_54 : i32
      %mul3A_61 = arith.constant 128 : i32
      %mul3A_62 = arith.muli %add3A_60, %mul3A_61 : i32
      %dma_start3A_63 = arith.constant 0 : i32
      %dma_start3A_64 = tpu.memref_slice %arg2[%mul3A_62, %dma_start3A_63] : memref<327680x64xf32, #tpu.memory_space<hbm>> -> memref<128x64xf32, #tpu.memory_space<hbm>>
      %dma_start3A_65 = arith.constant 0 : i32
      %dma_start3A_66 = tpu.memref_slice %arg2[%mul3A_62, %dma_start3A_65] : memref<327680x64xf32, #tpu.memory_space<hbm>> -> memref<128x64xf32, #tpu.memory_space<hbm>>
      tpu.enqueue_dma source(%dma_start3A_66 : memref<128x64xf32, #tpu.memory_space<hbm>>) target(%arg8 : memref<128x64xf32, #tpu.memory_space<vmem>>) target_semaphore(%arg12 : memref<!tpu.dma_semaphore, #tpu.memory_space<semaphore_mem>>)
      %dma_wait3A_67 = arith.constant 0 : i32
      %dma_wait3A_68 = arith.constant 0 : i32
      %dma_wait3A_69 = tpu.memref_slice %arg2[%dma_wait3A_67, %dma_wait3A_68] : memref<327680x64xf32, #tpu.memory_space<hbm>> -> memref<128x64xf32, #tpu.memory_space<hbm>>
      %dma_wait3A_70 = arith.constant 0 : i32
      %dma_wait3A_71 = arith.constant 0 : i32
      %dma_wait3A_72 = tpu.memref_slice %arg2[%dma_wait3A_70, %dma_wait3A_71] : memref<327680x64xf32, #tpu.memory_space<hbm>> -> memref<128x64xf32, #tpu.memory_space<hbm>>
      tpu.wait_dma2 semaphore(%arg11 : memref<!tpu.dma_semaphore, #tpu.memory_space<semaphore_mem>>) src(%dma_wait3A_72 : memref<128x64xf32, #tpu.memory_space<hbm>>) dst(%arg7 : memref<128x64xf32, #tpu.memory_space<vmem>>)
      %mul3A_73 = arith.constant 2 : i32
      %mul3A_74 = arith.muli %mul3A_73, %scan3A_37 : i32
      %add3A_75 = arith.constant 0 : i32
      %add3A_76 = arith.addi %mul3A_74, %add3A_75 : i32
      %dma_start3A_77 = arith.constant 0 : i32
      %dma_start3A_78 = tpu.memref_slice %arg6[%add3A_76, %dma_start3A_77] : memref<80x128xi32, #tpu.memory_space<vmem>> -> memref<1x128xi32, #tpu.memory_space<vmem>>
      %dma_start3A_79 = tpu.memref_squeeze %dma_start3A_78 : memref<1x128xi32, #tpu.memory_space<vmem>> -> memref<128xi32, #tpu.memory_space<vmem>>
      %dma_start3A_80 = arith.constant 0 : i32
      %dma_start3A_81 = arith.constant 0 : i32
      %dma_start3A_82 = tpu.memref_slice %arg10[%dma_start3A_80, %dma_start3A_81] : memref<10240x64xf32, #tpu.memory_space<vmem_shared>> -> memref<10240x64xf32, #tpu.memory_space<vmem_shared>>
      tpu.enqueue_indirect_dma source(%arg7 : memref<128x64xf32, #tpu.memory_space<vmem>>) target(%dma_start3A_82 : memref<10240x64xf32, #tpu.memory_space<vmem_shared>>) offsets(%dma_start3A_79 : memref<128xi32, #tpu.memory_space<vmem>>) semaphore(%arg13 : memref<!tpu.dma_semaphore, #tpu.memory_space<semaphore_mem>>) {add = true}
      %dma_wait3A_83 = arith.constant 0 : i32
      %dma_wait3A_84 = arith.constant 0 : i32
      %dma_wait3A_85 = tpu.memref_slice %arg2[%dma_wait3A_83, %dma_wait3A_84] : memref<327680x64xf32, #tpu.memory_space<hbm>> -> memref<128x64xf32, #tpu.memory_space<hbm>>
      %dma_wait3A_86 = arith.constant 0 : i32
      %dma_wait3A_87 = arith.constant 0 : i32
      %dma_wait3A_88 = tpu.memref_slice %arg2[%dma_wait3A_86, %dma_wait3A_87] : memref<327680x64xf32, #tpu.memory_space<hbm>> -> memref<128x64xf32, #tpu.memory_space<hbm>>
      tpu.wait_dma2 semaphore(%arg12 : memref<!tpu.dma_semaphore, #tpu.memory_space<semaphore_mem>>) src(%dma_wait3A_88 : memref<128x64xf32, #tpu.memory_space<hbm>>) dst(%arg8 : memref<128x64xf32, #tpu.memory_space<vmem>>)
      %mul3A_89 = arith.constant 2 : i32
      %mul3A_90 = arith.muli %mul3A_89, %scan3A_37 : i32
      %add3A_91 = arith.constant 1 : i32
      %add3A_92 = arith.addi %mul3A_90, %add3A_91 : i32
      %dma_start3A_93 = arith.constant 0 : i32
      %dma_start3A_94 = tpu.memref_slice %arg6[%add3A_92, %dma_start3A_93] : memref<80x128xi32, #tpu.memory_space<vmem>> -> memref<1x128xi32, #tpu.memory_space<vmem>>
      %dma_start3A_95 = tpu.memref_squeeze %dma_start3A_94 : memref<1x128xi32, #tpu.memory_space<vmem>> -> memref<128xi32, #tpu.memory_space<vmem>>
      %dma_start3A_96 = arith.constant 0 : i32
      %dma_start3A_97 = arith.constant 0 : i32
      %dma_start3A_98 = tpu.memref_slice %arg10[%dma_start3A_96, %dma_start3A_97] : memref<10240x64xf32, #tpu.memory_space<vmem_shared>> -> memref<10240x64xf32, #tpu.memory_space<vmem_shared>>
      tpu.enqueue_indirect_dma source(%arg8 : memref<128x64xf32, #tpu.memory_space<vmem>>) target(%dma_start3A_98 : memref<10240x64xf32, #tpu.memory_space<vmem_shared>>) offsets(%dma_start3A_95 : memref<128xi32, #tpu.memory_space<vmem>>) semaphore(%arg14 : memref<!tpu.dma_semaphore, #tpu.memory_space<semaphore_mem>>) {add = true}
      %scan3A_99 = arith.constant 0 : i32
      scf.yield %scan3A_99 : i32
    }
    %scan3A_15 = arith.constant 40 : i32
    %dma_wait3A = arith.constant 0 : i32
    %dma_wait3A_16 = arith.constant 0 : i32
    %dma_wait3A_17 = tpu.memref_slice %arg6[%dma_wait3A, %dma_wait3A_16] : memref<80x128xi32, #tpu.memory_space<vmem>> -> memref<1x128xi32, #tpu.memory_space<vmem>>
    %dma_wait3A_18 = tpu.memref_squeeze %dma_wait3A_17 : memref<1x128xi32, #tpu.memory_space<vmem>> -> memref<128xi32, #tpu.memory_space<vmem>>
    %dma_wait3A_19 = arith.constant 0 : i32
    %dma_wait3A_20 = arith.constant 0 : i32
    %dma_wait3A_21 = tpu.memref_slice %arg10[%dma_wait3A_19, %dma_wait3A_20] : memref<10240x64xf32, #tpu.memory_space<vmem_shared>> -> memref<10240x64xf32, #tpu.memory_space<vmem_shared>>
    tpu.wait_indirect_dma semaphore(%arg13 : memref<!tpu.dma_semaphore, #tpu.memory_space<semaphore_mem>>) src(%arg7 : memref<128x64xf32, #tpu.memory_space<vmem>>) dst(%dma_wait3A_21 : memref<10240x64xf32, #tpu.memory_space<vmem_shared>>)
    %dma_wait3A_22 = arith.constant 0 : i32
    %dma_wait3A_23 = arith.constant 0 : i32
    %dma_wait3A_24 = tpu.memref_slice %arg6[%dma_wait3A_22, %dma_wait3A_23] : memref<80x128xi32, #tpu.memory_space<vmem>> -> memref<1x128xi32, #tpu.memory_space<vmem>>
    %dma_wait3A_25 = tpu.memref_squeeze %dma_wait3A_24 : memref<1x128xi32, #tpu.memory_space<vmem>> -> memref<128xi32, #tpu.memory_space<vmem>>
    %dma_wait3A_26 = arith.constant 0 : i32
    %dma_wait3A_27 = arith.constant 0 : i32
    %dma_wait3A_28 = tpu.memref_slice %arg10[%dma_wait3A_26, %dma_wait3A_27] : memref<10240x64xf32, #tpu.memory_space<vmem_shared>> -> memref<10240x64xf32, #tpu.memory_space<vmem_shared>>
    tpu.wait_indirect_dma semaphore(%arg14 : memref<!tpu.dma_semaphore, #tpu.memory_space<semaphore_mem>>) src(%arg8 : memref<128x64xf32, #tpu.memory_space<vmem>>) dst(%dma_wait3A_28 : memref<10240x64xf32, #tpu.memory_space<vmem_shared>>)
    %barrier3A_29 = arith.constant 0 : index
    tpu.barrier barrier_id(%barrier3A_29)
    %scan3A_30 = arith.constant 0 : i32
    %scan3A_31 = arith.constant 0 : i32
    %scan3A_32 = arith.constant 16 : i32
    %scan3A_33 = arith.addi %scan3A_31, %scan3A_32 : i32
    %scan3A_34 = arith.constant 1 : i32
    %scan3A_35 = scf.for %scan3A_37 = %scan3A_31 to %scan3A_33 step %scan3A_34 iter_args(%scan3A_38 = %scan3A_30) -> (i32)  : i32 {
      %mul3A_39 = arith.constant 640 : i32
      %mul3A_40 = arith.muli %arg1, %mul3A_39 : i32
      %mul3A_41 = arith.constant 40 : i32
      %mul3A_42 = arith.muli %scan3A_37, %mul3A_41 : i32
      %add3A_43 = arith.addi %mul3A_40, %mul3A_42 : i32
      "tpu.region"() ({
        %run_scoped3A = tpu.sem_alloc : memref<!tpu.dma_semaphore, #tpu.memory_space<semaphore_mem>>
        %dma_start3A = arith.constant 0 : i32
        %dma_start3A_48 = tpu.memref_slice %arg10[%add3A_43, %dma_start3A] : memref<10240x64xf32, #tpu.memory_space<vmem_shared>> -> memref<40x64xf32, #tpu.memory_space<vmem_shared>>
        %dma_start3A_49 = arith.constant 0 : i32
        %dma_start3A_50 = tpu.memref_slice %arg10[%add3A_43, %dma_start3A_49] : memref<10240x64xf32, #tpu.memory_space<vmem_shared>> -> memref<40x64xf32, #tpu.memory_space<vmem_shared>>
        tpu.enqueue_dma source(%dma_start3A_50 : memref<40x64xf32, #tpu.memory_space<vmem_shared>>) target(%arg9 : memref<40x64xf32, #tpu.memory_space<vmem>>) target_semaphore(%run_scoped3A : memref<!tpu.dma_semaphore, #tpu.memory_space<semaphore_mem>>)
        %dma_wait3A_51 = arith.constant 0 : i32
        %dma_wait3A_52 = tpu.memref_slice %arg10[%add3A_43, %dma_wait3A_51] : memref<10240x64xf32, #tpu.memory_space<vmem_shared>> -> memref<40x64xf32, #tpu.memory_space<vmem_shared>>
        %dma_wait3A_53 = arith.constant 0 : i32
        %dma_wait3A_54 = tpu.memref_slice %arg10[%add3A_43, %dma_wait3A_53] : memref<10240x64xf32, #tpu.memory_space<vmem_shared>> -> memref<40x64xf32, #tpu.memory_space<vmem_shared>>
        tpu.wait_dma2 semaphore(%run_scoped3A : memref<!tpu.dma_semaphore, #tpu.memory_space<semaphore_mem>>) src(%dma_wait3A_54 : memref<40x64xf32, #tpu.memory_space<vmem_shared>>) dst(%arg9 : memref<40x64xf32, #tpu.memory_space<vmem>>)
        tpu.yield
      }) : () -> ()
      %mul3A_44 = arith.constant 10240 : i32
      %mul3A_45 = arith.muli %arg0, %mul3A_44 : i32
      %add3A_46 = arith.addi %mul3A_45, %add3A_43 : i32
      "tpu.region"() ({
        %run_scoped3A = tpu.sem_alloc : memref<!tpu.dma_semaphore, #tpu.memory_space<semaphore_mem>>
        %dma_start3A = arith.constant 0 : i32
        %dma_start3A_48 = tpu.memref_slice %arg5[%add3A_46, %dma_start3A] : memref<20480x64xf32, #tpu.memory_space<hbm>> -> memref<40x64xf32, #tpu.memory_space<hbm>>
        %dma_start3A_49 = arith.constant 0 : i32
        %dma_start3A_50 = tpu.memref_slice %arg5[%add3A_46, %dma_start3A_49] : memref<20480x64xf32, #tpu.memory_space<hbm>> -> memref<40x64xf32, #tpu.memory_space<hbm>>
        tpu.enqueue_dma source(%arg9 : memref<40x64xf32, #tpu.memory_space<vmem>>) target(%dma_start3A_50 : memref<40x64xf32, #tpu.memory_space<hbm>>) target_semaphore(%run_scoped3A : memref<!tpu.dma_semaphore, #tpu.memory_space<semaphore_mem>>)
        %dma_wait3A_51 = arith.constant 0 : i32
        %dma_wait3A_52 = tpu.memref_slice %arg5[%add3A_46, %dma_wait3A_51] : memref<20480x64xf32, #tpu.memory_space<hbm>> -> memref<40x64xf32, #tpu.memory_space<hbm>>
        %dma_wait3A_53 = arith.constant 0 : i32
        %dma_wait3A_54 = tpu.memref_slice %arg5[%add3A_46, %dma_wait3A_53] : memref<20480x64xf32, #tpu.memory_space<hbm>> -> memref<40x64xf32, #tpu.memory_space<hbm>>
        tpu.wait_dma2 semaphore(%run_scoped3A : memref<!tpu.dma_semaphore, #tpu.memory_space<semaphore_mem>>) src(%arg9 : memref<40x64xf32, #tpu.memory_space<vmem>>) dst(%dma_wait3A_54 : memref<40x64xf32, #tpu.memory_space<hbm>>)
        tpu.yield
      }) : () -> ()
      %scan3A_47 = arith.constant 0 : i32
      scf.yield %scan3A_47 : i32
    }
    %scan3A_36 = arith.constant 16 : i32
    return
  }
}

#map = affine_map<(d0, d1) -> (0, 0)>
module attributes {stable_mosaic.version = 14 : i64} {
  func.func @_sc_gather2(%arg0: i32, %arg1: i32, %arg2: memref<10240x64xf32, #tpu.memory_space<hbm>>, %arg3: memref<10240x64xf32, #tpu.memory_space<hbm>>, %arg4: memref<2560x128xi32, #tpu.memory_space<hbm>>, %arg5: memref<2560x128xi32, #tpu.memory_space<hbm>>, %arg6: memref<327680x64xf32, #tpu.memory_space<hbm>>, %arg7: memref<327680x64xf32, #tpu.memory_space<hbm>>, %arg8: memref<80x128xi32, #tpu.memory_space<vmem>>, %arg9: memref<80x128xi32, #tpu.memory_space<vmem>>, %arg10: memref<128x64xf32, #tpu.memory_space<vmem>>, %arg11: memref<128x64xf32, #tpu.memory_space<vmem>>, %arg12: memref<128x64xf32, #tpu.memory_space<vmem>>, %arg13: memref<128x64xf32, #tpu.memory_space<vmem>>, %arg14: memref<128x64xf32, #tpu.memory_space<vmem>>, %arg15: memref<128x64xf32, #tpu.memory_space<vmem>>, %arg16: memref<!tpu.dma_semaphore, #tpu.memory_space<semaphore_mem>>, %arg17: memref<!tpu.dma_semaphore, #tpu.memory_space<semaphore_mem>>, %arg18: memref<!tpu.dma_semaphore, #tpu.memory_space<semaphore_mem>>, %arg19: memref<!tpu.dma_semaphore, #tpu.memory_space<semaphore_mem>>, %arg20: memref<!tpu.dma_semaphore, #tpu.memory_space<semaphore_mem>>, %arg21: memref<!tpu.dma_semaphore, #tpu.memory_space<semaphore_mem>>, %arg22: memref<!tpu.dma_semaphore, #tpu.memory_space<semaphore_mem>>, %arg23: memref<!tpu.dma_semaphore, #tpu.memory_space<semaphore_mem>>, %arg24: memref<!tpu.dma_semaphore, #tpu.memory_space<semaphore_mem>>, %arg25: memref<!tpu.dma_semaphore, #tpu.memory_space<semaphore_mem>>, %arg26: memref<!tpu.dma_semaphore, #tpu.memory_space<semaphore_mem>>, %arg27: memref<!tpu.dma_semaphore, #tpu.memory_space<semaphore_mem>>) attributes {dimension_semantics = [#tpu.dimension_semantics<core_parallel>, #tpu.dimension_semantics<subcore_parallel>], iteration_bounds = array<i64: 2, 16>, scalar_prefetch = 0 : i64, scratch_operands = 20 : i64, tpu.core_type = #tpu.core_type<sc_vector_subcore>, window_params = [{transform_indices = #map}, {transform_indices = #map}, {transform_indices = #map}, {transform_indices = #map}, {transform_indices = #map}, {transform_indices = #map}]} {
    %mul3A = arith.constant 2 : i32
    %mul3A_0 = arith.muli %arg1, %mul3A : i32
    %add3A = arith.addi %mul3A_0, %arg0 : i32
    %mul3A_1 = arith.constant 80 : i32
    %mul3A_2 = arith.muli %add3A, %mul3A_1 : i32
    "tpu.region"() ({
      %run_scoped3A = tpu.sem_alloc : memref<!tpu.dma_semaphore, #tpu.memory_space<semaphore_mem>>
      %dma_start3A_155 = arith.constant 0 : i32
      %dma_start3A_156 = tpu.memref_slice %arg4[%mul3A_2, %dma_start3A_155] : memref<2560x128xi32, #tpu.memory_space<hbm>> -> memref<80x128xi32, #tpu.memory_space<hbm>>
      %dma_start3A_157 = arith.constant 0 : i32
      %dma_start3A_158 = tpu.memref_slice %arg4[%mul3A_2, %dma_start3A_157] : memref<2560x128xi32, #tpu.memory_space<hbm>> -> memref<80x128xi32, #tpu.memory_space<hbm>>
      tpu.enqueue_dma source(%dma_start3A_158 : memref<80x128xi32, #tpu.memory_space<hbm>>) target(%arg8 : memref<80x128xi32, #tpu.memory_space<vmem>>) target_semaphore(%run_scoped3A : memref<!tpu.dma_semaphore, #tpu.memory_space<semaphore_mem>>)
      %dma_wait3A_159 = arith.constant 0 : i32
      %dma_wait3A_160 = tpu.memref_slice %arg4[%mul3A_2, %dma_wait3A_159] : memref<2560x128xi32, #tpu.memory_space<hbm>> -> memref<80x128xi32, #tpu.memory_space<hbm>>
      %dma_wait3A_161 = arith.constant 0 : i32
      %dma_wait3A_162 = tpu.memref_slice %arg4[%mul3A_2, %dma_wait3A_161] : memref<2560x128xi32, #tpu.memory_space<hbm>> -> memref<80x128xi32, #tpu.memory_space<hbm>>
      tpu.wait_dma2 semaphore(%run_scoped3A : memref<!tpu.dma_semaphore, #tpu.memory_space<semaphore_mem>>) src(%dma_wait3A_162 : memref<80x128xi32, #tpu.memory_space<hbm>>) dst(%arg8 : memref<80x128xi32, #tpu.memory_space<vmem>>)
      tpu.yield
    }) : () -> ()
    "tpu.region"() ({
      %run_scoped3A = tpu.sem_alloc : memref<!tpu.dma_semaphore, #tpu.memory_space<semaphore_mem>>
      %dma_start3A_155 = arith.constant 0 : i32
      %dma_start3A_156 = tpu.memref_slice %arg5[%mul3A_2, %dma_start3A_155] : memref<2560x128xi32, #tpu.memory_space<hbm>> -> memref<80x128xi32, #tpu.memory_space<hbm>>
      %dma_start3A_157 = arith.constant 0 : i32
      %dma_start3A_158 = tpu.memref_slice %arg5[%mul3A_2, %dma_start3A_157] : memref<2560x128xi32, #tpu.memory_space<hbm>> -> memref<80x128xi32, #tpu.memory_space<hbm>>
      tpu.enqueue_dma source(%dma_start3A_158 : memref<80x128xi32, #tpu.memory_space<hbm>>) target(%arg9 : memref<80x128xi32, #tpu.memory_space<vmem>>) target_semaphore(%run_scoped3A : memref<!tpu.dma_semaphore, #tpu.memory_space<semaphore_mem>>)
      %dma_wait3A_159 = arith.constant 0 : i32
      %dma_wait3A_160 = tpu.memref_slice %arg5[%mul3A_2, %dma_wait3A_159] : memref<2560x128xi32, #tpu.memory_space<hbm>> -> memref<80x128xi32, #tpu.memory_space<hbm>>
      %dma_wait3A_161 = arith.constant 0 : i32
      %dma_wait3A_162 = tpu.memref_slice %arg5[%mul3A_2, %dma_wait3A_161] : memref<2560x128xi32, #tpu.memory_space<hbm>> -> memref<80x128xi32, #tpu.memory_space<hbm>>
      tpu.wait_dma2 semaphore(%run_scoped3A : memref<!tpu.dma_semaphore, #tpu.memory_space<semaphore_mem>>) src(%dma_wait3A_162 : memref<80x128xi32, #tpu.memory_space<hbm>>) dst(%arg9 : memref<80x128xi32, #tpu.memory_space<vmem>>)
      tpu.yield
    }) : () -> ()
    %scan3A = arith.constant 0 : i32
    %scan3A_3 = arith.constant 0 : i32
    %scan3A_4 = arith.constant 26 : i32
    %scan3A_5 = arith.addi %scan3A_3, %scan3A_4 : i32
    %scan3A_6 = arith.constant 1 : i32
    %scan3A_7 = scf.for %scan3A_155 = %scan3A_3 to %scan3A_5 step %scan3A_6 iter_args(%scan3A_156 = %scan3A) -> (i32)  : i32 {
      %mul3A_157 = arith.constant 3 : i32
      %mul3A_158 = arith.muli %mul3A_157, %scan3A_155 : i32
      %add3A_159 = arith.constant 0 : i32
      %add3A_160 = arith.addi %mul3A_158, %add3A_159 : i32
      %gt3A = arith.constant 0 : i32
      %gt3A_161 = arith.cmpi sgt, %scan3A_155, %gt3A : i32
      %convert_element_type3A = arith.extui %gt3A_161 : i1 to i32
      %cond3A = arith.constant 0 : i32
      %cond3A_162 = arith.cmpi ne, %convert_element_type3A, %cond3A : i32
      scf.if %cond3A_162 {
        %dma_wait3A_353 = arith.constant 0 : i32
        %dma_wait3A_354 = arith.constant 0 : i32
        %dma_wait3A_355 = tpu.memref_slice %arg6[%dma_wait3A_353, %dma_wait3A_354] : memref<327680x64xf32, #tpu.memory_space<hbm>> -> memref<128x64xf32, #tpu.memory_space<hbm>>
        %dma_wait3A_356 = arith.constant 0 : i32
        %dma_wait3A_357 = arith.constant 0 : i32
        %dma_wait3A_358 = tpu.memref_slice %arg6[%dma_wait3A_356, %dma_wait3A_357] : memref<327680x64xf32, #tpu.memory_space<hbm>> -> memref<128x64xf32, #tpu.memory_space<hbm>>
        tpu.wait_dma2 semaphore(%arg22 : memref<!tpu.dma_semaphore, #tpu.memory_space<semaphore_mem>>) src(%arg10 : memref<128x64xf32, #tpu.memory_space<vmem>>) dst(%dma_wait3A_358 : memref<128x64xf32, #tpu.memory_space<hbm>>)
      } else {
      }
      %dma_start3A_163 = arith.constant 0 : i32
      %dma_start3A_164 = tpu.memref_slice %arg8[%add3A_160, %dma_start3A_163] : memref<80x128xi32, #tpu.memory_space<vmem>> -> memref<1x128xi32, #tpu.memory_space<vmem>>
      %dma_start3A_165 = tpu.memref_squeeze %dma_start3A_164 : memref<1x128xi32, #tpu.memory_space<vmem>> -> memref<128xi32, #tpu.memory_space<vmem>>
      %dma_start3A_166 = arith.constant 0 : i32
      %dma_start3A_167 = arith.constant 0 : i32
      %dma_start3A_168 = tpu.memref_slice %arg2[%dma_start3A_166, %dma_start3A_167] : memref<10240x64xf32, #tpu.memory_space<hbm>> -> memref<10240x64xf32, #tpu.memory_space<hbm>>
      tpu.enqueue_indirect_dma source(%dma_start3A_168 : memref<10240x64xf32, #tpu.memory_space<hbm>>) target(%arg10 : memref<128x64xf32, #tpu.memory_space<vmem>>) offsets(%dma_start3A_165 : memref<128xi32, #tpu.memory_space<vmem>>) semaphore(%arg16 : memref<!tpu.dma_semaphore, #tpu.memory_space<semaphore_mem>>)
      %mul3A_169 = arith.constant 3 : i32
      %mul3A_170 = arith.muli %mul3A_169, %scan3A_155 : i32
      %add3A_171 = arith.constant 0 : i32
      %add3A_172 = arith.addi %mul3A_170, %add3A_171 : i32
      %gt3A_173 = arith.constant 0 : i32
      %gt3A_174 = arith.cmpi sgt, %scan3A_155, %gt3A_173 : i32
      %convert_element_type3A_175 = arith.extui %gt3A_174 : i1 to i32
      %cond3A_176 = arith.constant 0 : i32
      %cond3A_177 = arith.cmpi ne, %convert_element_type3A_175, %cond3A_176 : i32
      scf.if %cond3A_177 {
        %dma_wait3A_353 = arith.constant 0 : i32
        %dma_wait3A_354 = arith.constant 0 : i32
        %dma_wait3A_355 = tpu.memref_slice %arg7[%dma_wait3A_353, %dma_wait3A_354] : memref<327680x64xf32, #tpu.memory_space<hbm>> -> memref<128x64xf32, #tpu.memory_space<hbm>>
        %dma_wait3A_356 = arith.constant 0 : i32
        %dma_wait3A_357 = arith.constant 0 : i32
        %dma_wait3A_358 = tpu.memref_slice %arg7[%dma_wait3A_356, %dma_wait3A_357] : memref<327680x64xf32, #tpu.memory_space<hbm>> -> memref<128x64xf32, #tpu.memory_space<hbm>>
        tpu.wait_dma2 semaphore(%arg23 : memref<!tpu.dma_semaphore, #tpu.memory_space<semaphore_mem>>) src(%arg11 : memref<128x64xf32, #tpu.memory_space<vmem>>) dst(%dma_wait3A_358 : memref<128x64xf32, #tpu.memory_space<hbm>>)
      } else {
      }
      %dma_start3A_178 = arith.constant 0 : i32
      %dma_start3A_179 = tpu.memref_slice %arg9[%add3A_172, %dma_start3A_178] : memref<80x128xi32, #tpu.memory_space<vmem>> -> memref<1x128xi32, #tpu.memory_space<vmem>>
      %dma_start3A_180 = tpu.memref_squeeze %dma_start3A_179 : memref<1x128xi32, #tpu.memory_space<vmem>> -> memref<128xi32, #tpu.memory_space<vmem>>
      %dma_start3A_181 = arith.constant 0 : i32
      %dma_start3A_182 = arith.constant 0 : i32
      %dma_start3A_183 = tpu.memref_slice %arg3[%dma_start3A_181, %dma_start3A_182] : memref<10240x64xf32, #tpu.memory_space<hbm>> -> memref<10240x64xf32, #tpu.memory_space<hbm>>
      tpu.enqueue_indirect_dma source(%dma_start3A_183 : memref<10240x64xf32, #tpu.memory_space<hbm>>) target(%arg11 : memref<128x64xf32, #tpu.memory_space<vmem>>) offsets(%dma_start3A_180 : memref<128xi32, #tpu.memory_space<vmem>>) semaphore(%arg17 : memref<!tpu.dma_semaphore, #tpu.memory_space<semaphore_mem>>)
      %mul3A_184 = arith.constant 3 : i32
      %mul3A_185 = arith.muli %mul3A_184, %scan3A_155 : i32
      %add3A_186 = arith.constant 1 : i32
      %add3A_187 = arith.addi %mul3A_185, %add3A_186 : i32
      %gt3A_188 = arith.constant 0 : i32
      %gt3A_189 = arith.cmpi sgt, %scan3A_155, %gt3A_188 : i32
      %convert_element_type3A_190 = arith.extui %gt3A_189 : i1 to i32
      %cond3A_191 = arith.constant 0 : i32
      %cond3A_192 = arith.cmpi ne, %convert_element_type3A_190, %cond3A_191 : i32
      scf.if %cond3A_192 {
        %dma_wait3A_353 = arith.constant 0 : i32
        %dma_wait3A_354 = arith.constant 0 : i32
        %dma_wait3A_355 = tpu.memref_slice %arg6[%dma_wait3A_353, %dma_wait3A_354] : memref<327680x64xf32, #tpu.memory_space<hbm>> -> memref<128x64xf32, #tpu.memory_space<hbm>>
        %dma_wait3A_356 = arith.constant 0 : i32
        %dma_wait3A_357 = arith.constant 0 : i32
        %dma_wait3A_358 = tpu.memref_slice %arg6[%dma_wait3A_356, %dma_wait3A_357] : memref<327680x64xf32, #tpu.memory_space<hbm>> -> memref<128x64xf32, #tpu.memory_space<hbm>>
        tpu.wait_dma2 semaphore(%arg24 : memref<!tpu.dma_semaphore, #tpu.memory_space<semaphore_mem>>) src(%arg12 : memref<128x64xf32, #tpu.memory_space<vmem>>) dst(%dma_wait3A_358 : memref<128x64xf32, #tpu.memory_space<hbm>>)
      } else {
      }
      %dma_start3A_193 = arith.constant 0 : i32
      %dma_start3A_194 = tpu.memref_slice %arg8[%add3A_187, %dma_start3A_193] : memref<80x128xi32, #tpu.memory_space<vmem>> -> memref<1x128xi32, #tpu.memory_space<vmem>>
      %dma_start3A_195 = tpu.memref_squeeze %dma_start3A_194 : memref<1x128xi32, #tpu.memory_space<vmem>> -> memref<128xi32, #tpu.memory_space<vmem>>
      %dma_start3A_196 = arith.constant 0 : i32
      %dma_start3A_197 = arith.constant 0 : i32
      %dma_start3A_198 = tpu.memref_slice %arg2[%dma_start3A_196, %dma_start3A_197] : memref<10240x64xf32, #tpu.memory_space<hbm>> -> memref<10240x64xf32, #tpu.memory_space<hbm>>
      tpu.enqueue_indirect_dma source(%dma_start3A_198 : memref<10240x64xf32, #tpu.memory_space<hbm>>) target(%arg12 : memref<128x64xf32, #tpu.memory_space<vmem>>) offsets(%dma_start3A_195 : memref<128xi32, #tpu.memory_space<vmem>>) semaphore(%arg18 : memref<!tpu.dma_semaphore, #tpu.memory_space<semaphore_mem>>)
      %mul3A_199 = arith.constant 3 : i32
      %mul3A_200 = arith.muli %mul3A_199, %scan3A_155 : i32
      %add3A_201 = arith.constant 1 : i32
      %add3A_202 = arith.addi %mul3A_200, %add3A_201 : i32
      %gt3A_203 = arith.constant 0 : i32
      %gt3A_204 = arith.cmpi sgt, %scan3A_155, %gt3A_203 : i32
      %convert_element_type3A_205 = arith.extui %gt3A_204 : i1 to i32
      %cond3A_206 = arith.constant 0 : i32
      %cond3A_207 = arith.cmpi ne, %convert_element_type3A_205, %cond3A_206 : i32
      scf.if %cond3A_207 {
        %dma_wait3A_353 = arith.constant 0 : i32
        %dma_wait3A_354 = arith.constant 0 : i32
        %dma_wait3A_355 = tpu.memref_slice %arg7[%dma_wait3A_353, %dma_wait3A_354] : memref<327680x64xf32, #tpu.memory_space<hbm>> -> memref<128x64xf32, #tpu.memory_space<hbm>>
        %dma_wait3A_356 = arith.constant 0 : i32
        %dma_wait3A_357 = arith.constant 0 : i32
        %dma_wait3A_358 = tpu.memref_slice %arg7[%dma_wait3A_356, %dma_wait3A_357] : memref<327680x64xf32, #tpu.memory_space<hbm>> -> memref<128x64xf32, #tpu.memory_space<hbm>>
        tpu.wait_dma2 semaphore(%arg25 : memref<!tpu.dma_semaphore, #tpu.memory_space<semaphore_mem>>) src(%arg13 : memref<128x64xf32, #tpu.memory_space<vmem>>) dst(%dma_wait3A_358 : memref<128x64xf32, #tpu.memory_space<hbm>>)
      } else {
      }
      %dma_start3A_208 = arith.constant 0 : i32
      %dma_start3A_209 = tpu.memref_slice %arg9[%add3A_202, %dma_start3A_208] : memref<80x128xi32, #tpu.memory_space<vmem>> -> memref<1x128xi32, #tpu.memory_space<vmem>>
      %dma_start3A_210 = tpu.memref_squeeze %dma_start3A_209 : memref<1x128xi32, #tpu.memory_space<vmem>> -> memref<128xi32, #tpu.memory_space<vmem>>
      %dma_start3A_211 = arith.constant 0 : i32
      %dma_start3A_212 = arith.constant 0 : i32
      %dma_start3A_213 = tpu.memref_slice %arg3[%dma_start3A_211, %dma_start3A_212] : memref<10240x64xf32, #tpu.memory_space<hbm>> -> memref<10240x64xf32, #tpu.memory_space<hbm>>
      tpu.enqueue_indirect_dma source(%dma_start3A_213 : memref<10240x64xf32, #tpu.memory_space<hbm>>) target(%arg13 : memref<128x64xf32, #tpu.memory_space<vmem>>) offsets(%dma_start3A_210 : memref<128xi32, #tpu.memory_space<vmem>>) semaphore(%arg19 : memref<!tpu.dma_semaphore, #tpu.memory_space<semaphore_mem>>)
      %mul3A_214 = arith.constant 3 : i32
      %mul3A_215 = arith.muli %mul3A_214, %scan3A_155 : i32
      %add3A_216 = arith.constant 2 : i32
      %add3A_217 = arith.addi %mul3A_215, %add3A_216 : i32
      %gt3A_218 = arith.constant 0 : i32
      %gt3A_219 = arith.cmpi sgt, %scan3A_155, %gt3A_218 : i32
      %convert_element_type3A_220 = arith.extui %gt3A_219 : i1 to i32
      %cond3A_221 = arith.constant 0 : i32
      %cond3A_222 = arith.cmpi ne, %convert_element_type3A_220, %cond3A_221 : i32
      scf.if %cond3A_222 {
        %dma_wait3A_353 = arith.constant 0 : i32
        %dma_wait3A_354 = arith.constant 0 : i32
        %dma_wait3A_355 = tpu.memref_slice %arg6[%dma_wait3A_353, %dma_wait3A_354] : memref<327680x64xf32, #tpu.memory_space<hbm>> -> memref<128x64xf32, #tpu.memory_space<hbm>>
        %dma_wait3A_356 = arith.constant 0 : i32
        %dma_wait3A_357 = arith.constant 0 : i32
        %dma_wait3A_358 = tpu.memref_slice %arg6[%dma_wait3A_356, %dma_wait3A_357] : memref<327680x64xf32, #tpu.memory_space<hbm>> -> memref<128x64xf32, #tpu.memory_space<hbm>>
        tpu.wait_dma2 semaphore(%arg26 : memref<!tpu.dma_semaphore, #tpu.memory_space<semaphore_mem>>) src(%arg14 : memref<128x64xf32, #tpu.memory_space<vmem>>) dst(%dma_wait3A_358 : memref<128x64xf32, #tpu.memory_space<hbm>>)
      } else {
      }
      %dma_start3A_223 = arith.constant 0 : i32
      %dma_start3A_224 = tpu.memref_slice %arg8[%add3A_217, %dma_start3A_223] : memref<80x128xi32, #tpu.memory_space<vmem>> -> memref<1x128xi32, #tpu.memory_space<vmem>>
      %dma_start3A_225 = tpu.memref_squeeze %dma_start3A_224 : memref<1x128xi32, #tpu.memory_space<vmem>> -> memref<128xi32, #tpu.memory_space<vmem>>
      %dma_start3A_226 = arith.constant 0 : i32
      %dma_start3A_227 = arith.constant 0 : i32
      %dma_start3A_228 = tpu.memref_slice %arg2[%dma_start3A_226, %dma_start3A_227] : memref<10240x64xf32, #tpu.memory_space<hbm>> -> memref<10240x64xf32, #tpu.memory_space<hbm>>
      tpu.enqueue_indirect_dma source(%dma_start3A_228 : memref<10240x64xf32, #tpu.memory_space<hbm>>) target(%arg14 : memref<128x64xf32, #tpu.memory_space<vmem>>) offsets(%dma_start3A_225 : memref<128xi32, #tpu.memory_space<vmem>>) semaphore(%arg20 : memref<!tpu.dma_semaphore, #tpu.memory_space<semaphore_mem>>)
      %mul3A_229 = arith.constant 3 : i32
      %mul3A_230 = arith.muli %mul3A_229, %scan3A_155 : i32
      %add3A_231 = arith.constant 2 : i32
      %add3A_232 = arith.addi %mul3A_230, %add3A_231 : i32
      %gt3A_233 = arith.constant 0 : i32
      %gt3A_234 = arith.cmpi sgt, %scan3A_155, %gt3A_233 : i32
      %convert_element_type3A_235 = arith.extui %gt3A_234 : i1 to i32
      %cond3A_236 = arith.constant 0 : i32
      %cond3A_237 = arith.cmpi ne, %convert_element_type3A_235, %cond3A_236 : i32
      scf.if %cond3A_237 {
        %dma_wait3A_353 = arith.constant 0 : i32
        %dma_wait3A_354 = arith.constant 0 : i32
        %dma_wait3A_355 = tpu.memref_slice %arg7[%dma_wait3A_353, %dma_wait3A_354] : memref<327680x64xf32, #tpu.memory_space<hbm>> -> memref<128x64xf32, #tpu.memory_space<hbm>>
        %dma_wait3A_356 = arith.constant 0 : i32
        %dma_wait3A_357 = arith.constant 0 : i32
        %dma_wait3A_358 = tpu.memref_slice %arg7[%dma_wait3A_356, %dma_wait3A_357] : memref<327680x64xf32, #tpu.memory_space<hbm>> -> memref<128x64xf32, #tpu.memory_space<hbm>>
        tpu.wait_dma2 semaphore(%arg27 : memref<!tpu.dma_semaphore, #tpu.memory_space<semaphore_mem>>) src(%arg15 : memref<128x64xf32, #tpu.memory_space<vmem>>) dst(%dma_wait3A_358 : memref<128x64xf32, #tpu.memory_space<hbm>>)
      } else {
      }
      %dma_start3A_238 = arith.constant 0 : i32
      %dma_start3A_239 = tpu.memref_slice %arg9[%add3A_232, %dma_start3A_238] : memref<80x128xi32, #tpu.memory_space<vmem>> -> memref<1x128xi32, #tpu.memory_space<vmem>>
      %dma_start3A_240 = tpu.memref_squeeze %dma_start3A_239 : memref<1x128xi32, #tpu.memory_space<vmem>> -> memref<128xi32, #tpu.memory_space<vmem>>
      %dma_start3A_241 = arith.constant 0 : i32
      %dma_start3A_242 = arith.constant 0 : i32
      %dma_start3A_243 = tpu.memref_slice %arg3[%dma_start3A_241, %dma_start3A_242] : memref<10240x64xf32, #tpu.memory_space<hbm>> -> memref<10240x64xf32, #tpu.memory_space<hbm>>
      tpu.enqueue_indirect_dma source(%dma_start3A_243 : memref<10240x64xf32, #tpu.memory_space<hbm>>) target(%arg15 : memref<128x64xf32, #tpu.memory_space<vmem>>) offsets(%dma_start3A_240 : memref<128xi32, #tpu.memory_space<vmem>>) semaphore(%arg21 : memref<!tpu.dma_semaphore, #tpu.memory_space<semaphore_mem>>)
      %dma_wait3A_244 = arith.constant 0 : i32
      %dma_wait3A_245 = arith.constant 0 : i32
      %dma_wait3A_246 = tpu.memref_slice %arg8[%dma_wait3A_244, %dma_wait3A_245] : memref<80x128xi32, #tpu.memory_space<vmem>> -> memref<1x128xi32, #tpu.memory_space<vmem>>
      %dma_wait3A_247 = tpu.memref_squeeze %dma_wait3A_246 : memref<1x128xi32, #tpu.memory_space<vmem>> -> memref<128xi32, #tpu.memory_space<vmem>>
      %dma_wait3A_248 = arith.constant 0 : i32
      %dma_wait3A_249 = arith.constant 0 : i32
      %dma_wait3A_250 = tpu.memref_slice %arg2[%dma_wait3A_248, %dma_wait3A_249] : memref<10240x64xf32, #tpu.memory_space<hbm>> -> memref<10240x64xf32, #tpu.memory_space<hbm>>
      tpu.wait_indirect_dma semaphore(%arg16 : memref<!tpu.dma_semaphore, #tpu.memory_space<semaphore_mem>>) src(%dma_wait3A_250 : memref<10240x64xf32, #tpu.memory_space<hbm>>) dst(%arg10 : memref<128x64xf32, #tpu.memory_space<vmem>>)
      %mul3A_251 = arith.constant 3 : i32
      %mul3A_252 = arith.muli %mul3A_251, %scan3A_155 : i32
      %add3A_253 = arith.constant 0 : i32
      %add3A_254 = arith.addi %mul3A_252, %add3A_253 : i32
      %add3A_255 = arith.addi %mul3A_2, %add3A_254 : i32
      %mul3A_256 = arith.constant 128 : i32
      %mul3A_257 = arith.muli %add3A_255, %mul3A_256 : i32
      %dma_start3A_258 = arith.constant 0 : i32
      %dma_start3A_259 = tpu.memref_slice %arg6[%mul3A_257, %dma_start3A_258] : memref<327680x64xf32, #tpu.memory_space<hbm>> -> memref<128x64xf32, #tpu.memory_space<hbm>>
      %dma_start3A_260 = arith.constant 0 : i32
      %dma_start3A_261 = tpu.memref_slice %arg6[%mul3A_257, %dma_start3A_260] : memref<327680x64xf32, #tpu.memory_space<hbm>> -> memref<128x64xf32, #tpu.memory_space<hbm>>
      tpu.enqueue_dma source(%arg10 : memref<128x64xf32, #tpu.memory_space<vmem>>) target(%dma_start3A_261 : memref<128x64xf32, #tpu.memory_space<hbm>>) target_semaphore(%arg22 : memref<!tpu.dma_semaphore, #tpu.memory_space<semaphore_mem>>)
      %dma_wait3A_262 = arith.constant 0 : i32
      %dma_wait3A_263 = arith.constant 0 : i32
      %dma_wait3A_264 = tpu.memref_slice %arg9[%dma_wait3A_262, %dma_wait3A_263] : memref<80x128xi32, #tpu.memory_space<vmem>> -> memref<1x128xi32, #tpu.memory_space<vmem>>
      %dma_wait3A_265 = tpu.memref_squeeze %dma_wait3A_264 : memref<1x128xi32, #tpu.memory_space<vmem>> -> memref<128xi32, #tpu.memory_space<vmem>>
      %dma_wait3A_266 = arith.constant 0 : i32
      %dma_wait3A_267 = arith.constant 0 : i32
      %dma_wait3A_268 = tpu.memref_slice %arg3[%dma_wait3A_266, %dma_wait3A_267] : memref<10240x64xf32, #tpu.memory_space<hbm>> -> memref<10240x64xf32, #tpu.memory_space<hbm>>
      tpu.wait_indirect_dma semaphore(%arg17 : memref<!tpu.dma_semaphore, #tpu.memory_space<semaphore_mem>>) src(%dma_wait3A_268 : memref<10240x64xf32, #tpu.memory_space<hbm>>) dst(%arg11 : memref<128x64xf32, #tpu.memory_space<vmem>>)
      %mul3A_269 = arith.constant 3 : i32
      %mul3A_270 = arith.muli %mul3A_269, %scan3A_155 : i32
      %add3A_271 = arith.constant 0 : i32
      %add3A_272 = arith.addi %mul3A_270, %add3A_271 : i32
      %add3A_273 = arith.addi %mul3A_2, %add3A_272 : i32
      %mul3A_274 = arith.constant 128 : i32
      %mul3A_275 = arith.muli %add3A_273, %mul3A_274 : i32
      %dma_start3A_276 = arith.constant 0 : i32
      %dma_start3A_277 = tpu.memref_slice %arg7[%mul3A_275, %dma_start3A_276] : memref<327680x64xf32, #tpu.memory_space<hbm>> -> memref<128x64xf32, #tpu.memory_space<hbm>>
      %dma_start3A_278 = arith.constant 0 : i32
      %dma_start3A_279 = tpu.memref_slice %arg7[%mul3A_275, %dma_start3A_278] : memref<327680x64xf32, #tpu.memory_space<hbm>> -> memref<128x64xf32, #tpu.memory_space<hbm>>
      tpu.enqueue_dma source(%arg11 : memref<128x64xf32, #tpu.memory_space<vmem>>) target(%dma_start3A_279 : memref<128x64xf32, #tpu.memory_space<hbm>>) target_semaphore(%arg23 : memref<!tpu.dma_semaphore, #tpu.memory_space<semaphore_mem>>)
      %dma_wait3A_280 = arith.constant 0 : i32
      %dma_wait3A_281 = arith.constant 0 : i32
      %dma_wait3A_282 = tpu.memref_slice %arg8[%dma_wait3A_280, %dma_wait3A_281] : memref<80x128xi32, #tpu.memory_space<vmem>> -> memref<1x128xi32, #tpu.memory_space<vmem>>
      %dma_wait3A_283 = tpu.memref_squeeze %dma_wait3A_282 : memref<1x128xi32, #tpu.memory_space<vmem>> -> memref<128xi32, #tpu.memory_space<vmem>>
      %dma_wait3A_284 = arith.constant 0 : i32
      %dma_wait3A_285 = arith.constant 0 : i32
      %dma_wait3A_286 = tpu.memref_slice %arg2[%dma_wait3A_284, %dma_wait3A_285] : memref<10240x64xf32, #tpu.memory_space<hbm>> -> memref<10240x64xf32, #tpu.memory_space<hbm>>
      tpu.wait_indirect_dma semaphore(%arg18 : memref<!tpu.dma_semaphore, #tpu.memory_space<semaphore_mem>>) src(%dma_wait3A_286 : memref<10240x64xf32, #tpu.memory_space<hbm>>) dst(%arg12 : memref<128x64xf32, #tpu.memory_space<vmem>>)
      %mul3A_287 = arith.constant 3 : i32
      %mul3A_288 = arith.muli %mul3A_287, %scan3A_155 : i32
      %add3A_289 = arith.constant 1 : i32
      %add3A_290 = arith.addi %mul3A_288, %add3A_289 : i32
      %add3A_291 = arith.addi %mul3A_2, %add3A_290 : i32
      %mul3A_292 = arith.constant 128 : i32
      %mul3A_293 = arith.muli %add3A_291, %mul3A_292 : i32
      %dma_start3A_294 = arith.constant 0 : i32
      %dma_start3A_295 = tpu.memref_slice %arg6[%mul3A_293, %dma_start3A_294] : memref<327680x64xf32, #tpu.memory_space<hbm>> -> memref<128x64xf32, #tpu.memory_space<hbm>>
      %dma_start3A_296 = arith.constant 0 : i32
      %dma_start3A_297 = tpu.memref_slice %arg6[%mul3A_293, %dma_start3A_296] : memref<327680x64xf32, #tpu.memory_space<hbm>> -> memref<128x64xf32, #tpu.memory_space<hbm>>
      tpu.enqueue_dma source(%arg12 : memref<128x64xf32, #tpu.memory_space<vmem>>) target(%dma_start3A_297 : memref<128x64xf32, #tpu.memory_space<hbm>>) target_semaphore(%arg24 : memref<!tpu.dma_semaphore, #tpu.memory_space<semaphore_mem>>)
      %dma_wait3A_298 = arith.constant 0 : i32
      %dma_wait3A_299 = arith.constant 0 : i32
      %dma_wait3A_300 = tpu.memref_slice %arg9[%dma_wait3A_298, %dma_wait3A_299] : memref<80x128xi32, #tpu.memory_space<vmem>> -> memref<1x128xi32, #tpu.memory_space<vmem>>
      %dma_wait3A_301 = tpu.memref_squeeze %dma_wait3A_300 : memref<1x128xi32, #tpu.memory_space<vmem>> -> memref<128xi32, #tpu.memory_space<vmem>>
      %dma_wait3A_302 = arith.constant 0 : i32
      %dma_wait3A_303 = arith.constant 0 : i32
      %dma_wait3A_304 = tpu.memref_slice %arg3[%dma_wait3A_302, %dma_wait3A_303] : memref<10240x64xf32, #tpu.memory_space<hbm>> -> memref<10240x64xf32, #tpu.memory_space<hbm>>
      tpu.wait_indirect_dma semaphore(%arg19 : memref<!tpu.dma_semaphore, #tpu.memory_space<semaphore_mem>>) src(%dma_wait3A_304 : memref<10240x64xf32, #tpu.memory_space<hbm>>) dst(%arg13 : memref<128x64xf32, #tpu.memory_space<vmem>>)
      %mul3A_305 = arith.constant 3 : i32
      %mul3A_306 = arith.muli %mul3A_305, %scan3A_155 : i32
      %add3A_307 = arith.constant 1 : i32
      %add3A_308 = arith.addi %mul3A_306, %add3A_307 : i32
      %add3A_309 = arith.addi %mul3A_2, %add3A_308 : i32
      %mul3A_310 = arith.constant 128 : i32
      %mul3A_311 = arith.muli %add3A_309, %mul3A_310 : i32
      %dma_start3A_312 = arith.constant 0 : i32
      %dma_start3A_313 = tpu.memref_slice %arg7[%mul3A_311, %dma_start3A_312] : memref<327680x64xf32, #tpu.memory_space<hbm>> -> memref<128x64xf32, #tpu.memory_space<hbm>>
      %dma_start3A_314 = arith.constant 0 : i32
      %dma_start3A_315 = tpu.memref_slice %arg7[%mul3A_311, %dma_start3A_314] : memref<327680x64xf32, #tpu.memory_space<hbm>> -> memref<128x64xf32, #tpu.memory_space<hbm>>
      tpu.enqueue_dma source(%arg13 : memref<128x64xf32, #tpu.memory_space<vmem>>) target(%dma_start3A_315 : memref<128x64xf32, #tpu.memory_space<hbm>>) target_semaphore(%arg25 : memref<!tpu.dma_semaphore, #tpu.memory_space<semaphore_mem>>)
      %dma_wait3A_316 = arith.constant 0 : i32
      %dma_wait3A_317 = arith.constant 0 : i32
      %dma_wait3A_318 = tpu.memref_slice %arg8[%dma_wait3A_316, %dma_wait3A_317] : memref<80x128xi32, #tpu.memory_space<vmem>> -> memref<1x128xi32, #tpu.memory_space<vmem>>
      %dma_wait3A_319 = tpu.memref_squeeze %dma_wait3A_318 : memref<1x128xi32, #tpu.memory_space<vmem>> -> memref<128xi32, #tpu.memory_space<vmem>>
      %dma_wait3A_320 = arith.constant 0 : i32
      %dma_wait3A_321 = arith.constant 0 : i32
      %dma_wait3A_322 = tpu.memref_slice %arg2[%dma_wait3A_320, %dma_wait3A_321] : memref<10240x64xf32, #tpu.memory_space<hbm>> -> memref<10240x64xf32, #tpu.memory_space<hbm>>
      tpu.wait_indirect_dma semaphore(%arg20 : memref<!tpu.dma_semaphore, #tpu.memory_space<semaphore_mem>>) src(%dma_wait3A_322 : memref<10240x64xf32, #tpu.memory_space<hbm>>) dst(%arg14 : memref<128x64xf32, #tpu.memory_space<vmem>>)
      %mul3A_323 = arith.constant 3 : i32
      %mul3A_324 = arith.muli %mul3A_323, %scan3A_155 : i32
      %add3A_325 = arith.constant 2 : i32
      %add3A_326 = arith.addi %mul3A_324, %add3A_325 : i32
      %add3A_327 = arith.addi %mul3A_2, %add3A_326 : i32
      %mul3A_328 = arith.constant 128 : i32
      %mul3A_329 = arith.muli %add3A_327, %mul3A_328 : i32
      %dma_start3A_330 = arith.constant 0 : i32
      %dma_start3A_331 = tpu.memref_slice %arg6[%mul3A_329, %dma_start3A_330] : memref<327680x64xf32, #tpu.memory_space<hbm>> -> memref<128x64xf32, #tpu.memory_space<hbm>>
      %dma_start3A_332 = arith.constant 0 : i32
      %dma_start3A_333 = tpu.memref_slice %arg6[%mul3A_329, %dma_start3A_332] : memref<327680x64xf32, #tpu.memory_space<hbm>> -> memref<128x64xf32, #tpu.memory_space<hbm>>
      tpu.enqueue_dma source(%arg14 : memref<128x64xf32, #tpu.memory_space<vmem>>) target(%dma_start3A_333 : memref<128x64xf32, #tpu.memory_space<hbm>>) target_semaphore(%arg26 : memref<!tpu.dma_semaphore, #tpu.memory_space<semaphore_mem>>)
      %dma_wait3A_334 = arith.constant 0 : i32
      %dma_wait3A_335 = arith.constant 0 : i32
      %dma_wait3A_336 = tpu.memref_slice %arg9[%dma_wait3A_334, %dma_wait3A_335] : memref<80x128xi32, #tpu.memory_space<vmem>> -> memref<1x128xi32, #tpu.memory_space<vmem>>
      %dma_wait3A_337 = tpu.memref_squeeze %dma_wait3A_336 : memref<1x128xi32, #tpu.memory_space<vmem>> -> memref<128xi32, #tpu.memory_space<vmem>>
      %dma_wait3A_338 = arith.constant 0 : i32
      %dma_wait3A_339 = arith.constant 0 : i32
      %dma_wait3A_340 = tpu.memref_slice %arg3[%dma_wait3A_338, %dma_wait3A_339] : memref<10240x64xf32, #tpu.memory_space<hbm>> -> memref<10240x64xf32, #tpu.memory_space<hbm>>
      tpu.wait_indirect_dma semaphore(%arg21 : memref<!tpu.dma_semaphore, #tpu.memory_space<semaphore_mem>>) src(%dma_wait3A_340 : memref<10240x64xf32, #tpu.memory_space<hbm>>) dst(%arg15 : memref<128x64xf32, #tpu.memory_space<vmem>>)
      %mul3A_341 = arith.constant 3 : i32
      %mul3A_342 = arith.muli %mul3A_341, %scan3A_155 : i32
      %add3A_343 = arith.constant 2 : i32
      %add3A_344 = arith.addi %mul3A_342, %add3A_343 : i32
      %add3A_345 = arith.addi %mul3A_2, %add3A_344 : i32
      %mul3A_346 = arith.constant 128 : i32
      %mul3A_347 = arith.muli %add3A_345, %mul3A_346 : i32
      %dma_start3A_348 = arith.constant 0 : i32
      %dma_start3A_349 = tpu.memref_slice %arg7[%mul3A_347, %dma_start3A_348] : memref<327680x64xf32, #tpu.memory_space<hbm>> -> memref<128x64xf32, #tpu.memory_space<hbm>>
      %dma_start3A_350 = arith.constant 0 : i32
      %dma_start3A_351 = tpu.memref_slice %arg7[%mul3A_347, %dma_start3A_350] : memref<327680x64xf32, #tpu.memory_space<hbm>> -> memref<128x64xf32, #tpu.memory_space<hbm>>
      tpu.enqueue_dma source(%arg15 : memref<128x64xf32, #tpu.memory_space<vmem>>) target(%dma_start3A_351 : memref<128x64xf32, #tpu.memory_space<hbm>>) target_semaphore(%arg27 : memref<!tpu.dma_semaphore, #tpu.memory_space<semaphore_mem>>)
      %scan3A_352 = arith.constant 0 : i32
      scf.yield %scan3A_352 : i32
    }
    %scan3A_8 = arith.constant 26 : i32
    %dma_wait3A = arith.constant 0 : i32
    %dma_wait3A_9 = arith.constant 0 : i32
    %dma_wait3A_10 = tpu.memref_slice %arg6[%dma_wait3A, %dma_wait3A_9] : memref<327680x64xf32, #tpu.memory_space<hbm>> -> memref<128x64xf32, #tpu.memory_space<hbm>>
    %dma_wait3A_11 = arith.constant 0 : i32
    %dma_wait3A_12 = arith.constant 0 : i32
    %dma_wait3A_13 = tpu.memref_slice %arg6[%dma_wait3A_11, %dma_wait3A_12] : memref<327680x64xf32, #tpu.memory_space<hbm>> -> memref<128x64xf32, #tpu.memory_space<hbm>>
    tpu.wait_dma2 semaphore(%arg22 : memref<!tpu.dma_semaphore, #tpu.memory_space<semaphore_mem>>) src(%arg10 : memref<128x64xf32, #tpu.memory_space<vmem>>) dst(%dma_wait3A_13 : memref<128x64xf32, #tpu.memory_space<hbm>>)
    %dma_start3A = arith.constant 78 : i32
    %dma_start3A_14 = arith.constant 0 : i32
    %dma_start3A_15 = tpu.memref_slice %arg8[%dma_start3A, %dma_start3A_14] : memref<80x128xi32, #tpu.memory_space<vmem>> -> memref<1x128xi32, #tpu.memory_space<vmem>>
    %dma_start3A_16 = tpu.memref_squeeze %dma_start3A_15 : memref<1x128xi32, #tpu.memory_space<vmem>> -> memref<128xi32, #tpu.memory_space<vmem>>
    %dma_start3A_17 = arith.constant 0 : i32
    %dma_start3A_18 = arith.constant 0 : i32
    %dma_start3A_19 = tpu.memref_slice %arg2[%dma_start3A_17, %dma_start3A_18] : memref<10240x64xf32, #tpu.memory_space<hbm>> -> memref<10240x64xf32, #tpu.memory_space<hbm>>
    tpu.enqueue_indirect_dma source(%dma_start3A_19 : memref<10240x64xf32, #tpu.memory_space<hbm>>) target(%arg10 : memref<128x64xf32, #tpu.memory_space<vmem>>) offsets(%dma_start3A_16 : memref<128xi32, #tpu.memory_space<vmem>>) semaphore(%arg16 : memref<!tpu.dma_semaphore, #tpu.memory_space<semaphore_mem>>)
    %dma_wait3A_20 = arith.constant 0 : i32
    %dma_wait3A_21 = arith.constant 0 : i32
    %dma_wait3A_22 = tpu.memref_slice %arg7[%dma_wait3A_20, %dma_wait3A_21] : memref<327680x64xf32, #tpu.memory_space<hbm>> -> memref<128x64xf32, #tpu.memory_space<hbm>>
    %dma_wait3A_23 = arith.constant 0 : i32
    %dma_wait3A_24 = arith.constant 0 : i32
    %dma_wait3A_25 = tpu.memref_slice %arg7[%dma_wait3A_23, %dma_wait3A_24] : memref<327680x64xf32, #tpu.memory_space<hbm>> -> memref<128x64xf32, #tpu.memory_space<hbm>>
    tpu.wait_dma2 semaphore(%arg23 : memref<!tpu.dma_semaphore, #tpu.memory_space<semaphore_mem>>) src(%arg11 : memref<128x64xf32, #tpu.memory_space<vmem>>) dst(%dma_wait3A_25 : memref<128x64xf32, #tpu.memory_space<hbm>>)
    %dma_start3A_26 = arith.constant 78 : i32
    %dma_start3A_27 = arith.constant 0 : i32
    %dma_start3A_28 = tpu.memref_slice %arg9[%dma_start3A_26, %dma_start3A_27] : memref<80x128xi32, #tpu.memory_space<vmem>> -> memref<1x128xi32, #tpu.memory_space<vmem>>
    %dma_start3A_29 = tpu.memref_squeeze %dma_start3A_28 : memref<1x128xi32, #tpu.memory_space<vmem>> -> memref<128xi32, #tpu.memory_space<vmem>>
    %dma_start3A_30 = arith.constant 0 : i32
    %dma_start3A_31 = arith.constant 0 : i32
    %dma_start3A_32 = tpu.memref_slice %arg3[%dma_start3A_30, %dma_start3A_31] : memref<10240x64xf32, #tpu.memory_space<hbm>> -> memref<10240x64xf32, #tpu.memory_space<hbm>>
    tpu.enqueue_indirect_dma source(%dma_start3A_32 : memref<10240x64xf32, #tpu.memory_space<hbm>>) target(%arg11 : memref<128x64xf32, #tpu.memory_space<vmem>>) offsets(%dma_start3A_29 : memref<128xi32, #tpu.memory_space<vmem>>) semaphore(%arg17 : memref<!tpu.dma_semaphore, #tpu.memory_space<semaphore_mem>>)
    %dma_wait3A_33 = arith.constant 0 : i32
    %dma_wait3A_34 = arith.constant 0 : i32
    %dma_wait3A_35 = tpu.memref_slice %arg6[%dma_wait3A_33, %dma_wait3A_34] : memref<327680x64xf32, #tpu.memory_space<hbm>> -> memref<128x64xf32, #tpu.memory_space<hbm>>
    %dma_wait3A_36 = arith.constant 0 : i32
    %dma_wait3A_37 = arith.constant 0 : i32
    %dma_wait3A_38 = tpu.memref_slice %arg6[%dma_wait3A_36, %dma_wait3A_37] : memref<327680x64xf32, #tpu.memory_space<hbm>> -> memref<128x64xf32, #tpu.memory_space<hbm>>
    tpu.wait_dma2 semaphore(%arg24 : memref<!tpu.dma_semaphore, #tpu.memory_space<semaphore_mem>>) src(%arg12 : memref<128x64xf32, #tpu.memory_space<vmem>>) dst(%dma_wait3A_38 : memref<128x64xf32, #tpu.memory_space<hbm>>)
    %dma_start3A_39 = arith.constant 79 : i32
    %dma_start3A_40 = arith.constant 0 : i32
    %dma_start3A_41 = tpu.memref_slice %arg8[%dma_start3A_39, %dma_start3A_40] : memref<80x128xi32, #tpu.memory_space<vmem>> -> memref<1x128xi32, #tpu.memory_space<vmem>>
    %dma_start3A_42 = tpu.memref_squeeze %dma_start3A_41 : memref<1x128xi32, #tpu.memory_space<vmem>> -> memref<128xi32, #tpu.memory_space<vmem>>
    %dma_start3A_43 = arith.constant 0 : i32
    %dma_start3A_44 = arith.constant 0 : i32
    %dma_start3A_45 = tpu.memref_slice %arg2[%dma_start3A_43, %dma_start3A_44] : memref<10240x64xf32, #tpu.memory_space<hbm>> -> memref<10240x64xf32, #tpu.memory_space<hbm>>
    tpu.enqueue_indirect_dma source(%dma_start3A_45 : memref<10240x64xf32, #tpu.memory_space<hbm>>) target(%arg12 : memref<128x64xf32, #tpu.memory_space<vmem>>) offsets(%dma_start3A_42 : memref<128xi32, #tpu.memory_space<vmem>>) semaphore(%arg18 : memref<!tpu.dma_semaphore, #tpu.memory_space<semaphore_mem>>)
    %dma_wait3A_46 = arith.constant 0 : i32
    %dma_wait3A_47 = arith.constant 0 : i32
    %dma_wait3A_48 = tpu.memref_slice %arg7[%dma_wait3A_46, %dma_wait3A_47] : memref<327680x64xf32, #tpu.memory_space<hbm>> -> memref<128x64xf32, #tpu.memory_space<hbm>>
    %dma_wait3A_49 = arith.constant 0 : i32
    %dma_wait3A_50 = arith.constant 0 : i32
    %dma_wait3A_51 = tpu.memref_slice %arg7[%dma_wait3A_49, %dma_wait3A_50] : memref<327680x64xf32, #tpu.memory_space<hbm>> -> memref<128x64xf32, #tpu.memory_space<hbm>>
    tpu.wait_dma2 semaphore(%arg25 : memref<!tpu.dma_semaphore, #tpu.memory_space<semaphore_mem>>) src(%arg13 : memref<128x64xf32, #tpu.memory_space<vmem>>) dst(%dma_wait3A_51 : memref<128x64xf32, #tpu.memory_space<hbm>>)
    %dma_start3A_52 = arith.constant 79 : i32
    %dma_start3A_53 = arith.constant 0 : i32
    %dma_start3A_54 = tpu.memref_slice %arg9[%dma_start3A_52, %dma_start3A_53] : memref<80x128xi32, #tpu.memory_space<vmem>> -> memref<1x128xi32, #tpu.memory_space<vmem>>
    %dma_start3A_55 = tpu.memref_squeeze %dma_start3A_54 : memref<1x128xi32, #tpu.memory_space<vmem>> -> memref<128xi32, #tpu.memory_space<vmem>>
    %dma_start3A_56 = arith.constant 0 : i32
    %dma_start3A_57 = arith.constant 0 : i32
    %dma_start3A_58 = tpu.memref_slice %arg3[%dma_start3A_56, %dma_start3A_57] : memref<10240x64xf32, #tpu.memory_space<hbm>> -> memref<10240x64xf32, #tpu.memory_space<hbm>>
    tpu.enqueue_indirect_dma source(%dma_start3A_58 : memref<10240x64xf32, #tpu.memory_space<hbm>>) target(%arg13 : memref<128x64xf32, #tpu.memory_space<vmem>>) offsets(%dma_start3A_55 : memref<128xi32, #tpu.memory_space<vmem>>) semaphore(%arg19 : memref<!tpu.dma_semaphore, #tpu.memory_space<semaphore_mem>>)
    %dma_wait3A_59 = arith.constant 0 : i32
    %dma_wait3A_60 = arith.constant 0 : i32
    %dma_wait3A_61 = tpu.memref_slice %arg8[%dma_wait3A_59, %dma_wait3A_60] : memref<80x128xi32, #tpu.memory_space<vmem>> -> memref<1x128xi32, #tpu.memory_space<vmem>>
    %dma_wait3A_62 = tpu.memref_squeeze %dma_wait3A_61 : memref<1x128xi32, #tpu.memory_space<vmem>> -> memref<128xi32, #tpu.memory_space<vmem>>
    %dma_wait3A_63 = arith.constant 0 : i32
    %dma_wait3A_64 = arith.constant 0 : i32
    %dma_wait3A_65 = tpu.memref_slice %arg2[%dma_wait3A_63, %dma_wait3A_64] : memref<10240x64xf32, #tpu.memory_space<hbm>> -> memref<10240x64xf32, #tpu.memory_space<hbm>>
    tpu.wait_indirect_dma semaphore(%arg16 : memref<!tpu.dma_semaphore, #tpu.memory_space<semaphore_mem>>) src(%dma_wait3A_65 : memref<10240x64xf32, #tpu.memory_space<hbm>>) dst(%arg10 : memref<128x64xf32, #tpu.memory_space<vmem>>)
    %add3A_66 = arith.constant 78 : i32
    %add3A_67 = arith.addi %mul3A_2, %add3A_66 : i32
    %mul3A_68 = arith.constant 128 : i32
    %mul3A_69 = arith.muli %add3A_67, %mul3A_68 : i32
    %dma_start3A_70 = arith.constant 0 : i32
    %dma_start3A_71 = tpu.memref_slice %arg6[%mul3A_69, %dma_start3A_70] : memref<327680x64xf32, #tpu.memory_space<hbm>> -> memref<128x64xf32, #tpu.memory_space<hbm>>
    %dma_start3A_72 = arith.constant 0 : i32
    %dma_start3A_73 = tpu.memref_slice %arg6[%mul3A_69, %dma_start3A_72] : memref<327680x64xf32, #tpu.memory_space<hbm>> -> memref<128x64xf32, #tpu.memory_space<hbm>>
    tpu.enqueue_dma source(%arg10 : memref<128x64xf32, #tpu.memory_space<vmem>>) target(%dma_start3A_73 : memref<128x64xf32, #tpu.memory_space<hbm>>) target_semaphore(%arg22 : memref<!tpu.dma_semaphore, #tpu.memory_space<semaphore_mem>>)
    %dma_wait3A_74 = arith.constant 0 : i32
    %dma_wait3A_75 = arith.constant 0 : i32
    %dma_wait3A_76 = tpu.memref_slice %arg9[%dma_wait3A_74, %dma_wait3A_75] : memref<80x128xi32, #tpu.memory_space<vmem>> -> memref<1x128xi32, #tpu.memory_space<vmem>>
    %dma_wait3A_77 = tpu.memref_squeeze %dma_wait3A_76 : memref<1x128xi32, #tpu.memory_space<vmem>> -> memref<128xi32, #tpu.memory_space<vmem>>
    %dma_wait3A_78 = arith.constant 0 : i32
    %dma_wait3A_79 = arith.constant 0 : i32
    %dma_wait3A_80 = tpu.memref_slice %arg3[%dma_wait3A_78, %dma_wait3A_79] : memref<10240x64xf32, #tpu.memory_space<hbm>> -> memref<10240x64xf32, #tpu.memory_space<hbm>>
    tpu.wait_indirect_dma semaphore(%arg17 : memref<!tpu.dma_semaphore, #tpu.memory_space<semaphore_mem>>) src(%dma_wait3A_80 : memref<10240x64xf32, #tpu.memory_space<hbm>>) dst(%arg11 : memref<128x64xf32, #tpu.memory_space<vmem>>)
    %add3A_81 = arith.constant 78 : i32
    %add3A_82 = arith.addi %mul3A_2, %add3A_81 : i32
    %mul3A_83 = arith.constant 128 : i32
    %mul3A_84 = arith.muli %add3A_82, %mul3A_83 : i32
    %dma_start3A_85 = arith.constant 0 : i32
    %dma_start3A_86 = tpu.memref_slice %arg7[%mul3A_84, %dma_start3A_85] : memref<327680x64xf32, #tpu.memory_space<hbm>> -> memref<128x64xf32, #tpu.memory_space<hbm>>
    %dma_start3A_87 = arith.constant 0 : i32
    %dma_start3A_88 = tpu.memref_slice %arg7[%mul3A_84, %dma_start3A_87] : memref<327680x64xf32, #tpu.memory_space<hbm>> -> memref<128x64xf32, #tpu.memory_space<hbm>>
    tpu.enqueue_dma source(%arg11 : memref<128x64xf32, #tpu.memory_space<vmem>>) target(%dma_start3A_88 : memref<128x64xf32, #tpu.memory_space<hbm>>) target_semaphore(%arg23 : memref<!tpu.dma_semaphore, #tpu.memory_space<semaphore_mem>>)
    %dma_wait3A_89 = arith.constant 0 : i32
    %dma_wait3A_90 = arith.constant 0 : i32
    %dma_wait3A_91 = tpu.memref_slice %arg8[%dma_wait3A_89, %dma_wait3A_90] : memref<80x128xi32, #tpu.memory_space<vmem>> -> memref<1x128xi32, #tpu.memory_space<vmem>>
    %dma_wait3A_92 = tpu.memref_squeeze %dma_wait3A_91 : memref<1x128xi32, #tpu.memory_space<vmem>> -> memref<128xi32, #tpu.memory_space<vmem>>
    %dma_wait3A_93 = arith.constant 0 : i32
    %dma_wait3A_94 = arith.constant 0 : i32
    %dma_wait3A_95 = tpu.memref_slice %arg2[%dma_wait3A_93, %dma_wait3A_94] : memref<10240x64xf32, #tpu.memory_space<hbm>> -> memref<10240x64xf32, #tpu.memory_space<hbm>>
    tpu.wait_indirect_dma semaphore(%arg18 : memref<!tpu.dma_semaphore, #tpu.memory_space<semaphore_mem>>) src(%dma_wait3A_95 : memref<10240x64xf32, #tpu.memory_space<hbm>>) dst(%arg12 : memref<128x64xf32, #tpu.memory_space<vmem>>)
    %add3A_96 = arith.constant 79 : i32
    %add3A_97 = arith.addi %mul3A_2, %add3A_96 : i32
    %mul3A_98 = arith.constant 128 : i32
    %mul3A_99 = arith.muli %add3A_97, %mul3A_98 : i32
    %dma_start3A_100 = arith.constant 0 : i32
    %dma_start3A_101 = tpu.memref_slice %arg6[%mul3A_99, %dma_start3A_100] : memref<327680x64xf32, #tpu.memory_space<hbm>> -> memref<128x64xf32, #tpu.memory_space<hbm>>
    %dma_start3A_102 = arith.constant 0 : i32
    %dma_start3A_103 = tpu.memref_slice %arg6[%mul3A_99, %dma_start3A_102] : memref<327680x64xf32, #tpu.memory_space<hbm>> -> memref<128x64xf32, #tpu.memory_space<hbm>>
    tpu.enqueue_dma source(%arg12 : memref<128x64xf32, #tpu.memory_space<vmem>>) target(%dma_start3A_103 : memref<128x64xf32, #tpu.memory_space<hbm>>) target_semaphore(%arg24 : memref<!tpu.dma_semaphore, #tpu.memory_space<semaphore_mem>>)
    %dma_wait3A_104 = arith.constant 0 : i32
    %dma_wait3A_105 = arith.constant 0 : i32
    %dma_wait3A_106 = tpu.memref_slice %arg9[%dma_wait3A_104, %dma_wait3A_105] : memref<80x128xi32, #tpu.memory_space<vmem>> -> memref<1x128xi32, #tpu.memory_space<vmem>>
    %dma_wait3A_107 = tpu.memref_squeeze %dma_wait3A_106 : memref<1x128xi32, #tpu.memory_space<vmem>> -> memref<128xi32, #tpu.memory_space<vmem>>
    %dma_wait3A_108 = arith.constant 0 : i32
    %dma_wait3A_109 = arith.constant 0 : i32
    %dma_wait3A_110 = tpu.memref_slice %arg3[%dma_wait3A_108, %dma_wait3A_109] : memref<10240x64xf32, #tpu.memory_space<hbm>> -> memref<10240x64xf32, #tpu.memory_space<hbm>>
    tpu.wait_indirect_dma semaphore(%arg19 : memref<!tpu.dma_semaphore, #tpu.memory_space<semaphore_mem>>) src(%dma_wait3A_110 : memref<10240x64xf32, #tpu.memory_space<hbm>>) dst(%arg13 : memref<128x64xf32, #tpu.memory_space<vmem>>)
    %add3A_111 = arith.constant 79 : i32
    %add3A_112 = arith.addi %mul3A_2, %add3A_111 : i32
    %mul3A_113 = arith.constant 128 : i32
    %mul3A_114 = arith.muli %add3A_112, %mul3A_113 : i32
    %dma_start3A_115 = arith.constant 0 : i32
    %dma_start3A_116 = tpu.memref_slice %arg7[%mul3A_114, %dma_start3A_115] : memref<327680x64xf32, #tpu.memory_space<hbm>> -> memref<128x64xf32, #tpu.memory_space<hbm>>
    %dma_start3A_117 = arith.constant 0 : i32
    %dma_start3A_118 = tpu.memref_slice %arg7[%mul3A_114, %dma_start3A_117] : memref<327680x64xf32, #tpu.memory_space<hbm>> -> memref<128x64xf32, #tpu.memory_space<hbm>>
    tpu.enqueue_dma source(%arg13 : memref<128x64xf32, #tpu.memory_space<vmem>>) target(%dma_start3A_118 : memref<128x64xf32, #tpu.memory_space<hbm>>) target_semaphore(%arg25 : memref<!tpu.dma_semaphore, #tpu.memory_space<semaphore_mem>>)
    %dma_wait3A_119 = arith.constant 0 : i32
    %dma_wait3A_120 = arith.constant 0 : i32
    %dma_wait3A_121 = tpu.memref_slice %arg6[%dma_wait3A_119, %dma_wait3A_120] : memref<327680x64xf32, #tpu.memory_space<hbm>> -> memref<128x64xf32, #tpu.memory_space<hbm>>
    %dma_wait3A_122 = arith.constant 0 : i32
    %dma_wait3A_123 = arith.constant 0 : i32
    %dma_wait3A_124 = tpu.memref_slice %arg6[%dma_wait3A_122, %dma_wait3A_123] : memref<327680x64xf32, #tpu.memory_space<hbm>> -> memref<128x64xf32, #tpu.memory_space<hbm>>
    tpu.wait_dma2 semaphore(%arg22 : memref<!tpu.dma_semaphore, #tpu.memory_space<semaphore_mem>>) src(%arg10 : memref<128x64xf32, #tpu.memory_space<vmem>>) dst(%dma_wait3A_124 : memref<128x64xf32, #tpu.memory_space<hbm>>)
    %dma_wait3A_125 = arith.constant 0 : i32
    %dma_wait3A_126 = arith.constant 0 : i32
    %dma_wait3A_127 = tpu.memref_slice %arg7[%dma_wait3A_125, %dma_wait3A_126] : memref<327680x64xf32, #tpu.memory_space<hbm>> -> memref<128x64xf32, #tpu.memory_space<hbm>>
    %dma_wait3A_128 = arith.constant 0 : i32
    %dma_wait3A_129 = arith.constant 0 : i32
    %dma_wait3A_130 = tpu.memref_slice %arg7[%dma_wait3A_128, %dma_wait3A_129] : memref<327680x64xf32, #tpu.memory_space<hbm>> -> memref<128x64xf32, #tpu.memory_space<hbm>>
    tpu.wait_dma2 semaphore(%arg23 : memref<!tpu.dma_semaphore, #tpu.memory_space<semaphore_mem>>) src(%arg11 : memref<128x64xf32, #tpu.memory_space<vmem>>) dst(%dma_wait3A_130 : memref<128x64xf32, #tpu.memory_space<hbm>>)
    %dma_wait3A_131 = arith.constant 0 : i32
    %dma_wait3A_132 = arith.constant 0 : i32
    %dma_wait3A_133 = tpu.memref_slice %arg6[%dma_wait3A_131, %dma_wait3A_132] : memref<327680x64xf32, #tpu.memory_space<hbm>> -> memref<128x64xf32, #tpu.memory_space<hbm>>
    %dma_wait3A_134 = arith.constant 0 : i32
    %dma_wait3A_135 = arith.constant 0 : i32
    %dma_wait3A_136 = tpu.memref_slice %arg6[%dma_wait3A_134, %dma_wait3A_135] : memref<327680x64xf32, #tpu.memory_space<hbm>> -> memref<128x64xf32, #tpu.memory_space<hbm>>
    tpu.wait_dma2 semaphore(%arg24 : memref<!tpu.dma_semaphore, #tpu.memory_space<semaphore_mem>>) src(%arg12 : memref<128x64xf32, #tpu.memory_space<vmem>>) dst(%dma_wait3A_136 : memref<128x64xf32, #tpu.memory_space<hbm>>)
    %dma_wait3A_137 = arith.constant 0 : i32
    %dma_wait3A_138 = arith.constant 0 : i32
    %dma_wait3A_139 = tpu.memref_slice %arg7[%dma_wait3A_137, %dma_wait3A_138] : memref<327680x64xf32, #tpu.memory_space<hbm>> -> memref<128x64xf32, #tpu.memory_space<hbm>>
    %dma_wait3A_140 = arith.constant 0 : i32
    %dma_wait3A_141 = arith.constant 0 : i32
    %dma_wait3A_142 = tpu.memref_slice %arg7[%dma_wait3A_140, %dma_wait3A_141] : memref<327680x64xf32, #tpu.memory_space<hbm>> -> memref<128x64xf32, #tpu.memory_space<hbm>>
    tpu.wait_dma2 semaphore(%arg25 : memref<!tpu.dma_semaphore, #tpu.memory_space<semaphore_mem>>) src(%arg13 : memref<128x64xf32, #tpu.memory_space<vmem>>) dst(%dma_wait3A_142 : memref<128x64xf32, #tpu.memory_space<hbm>>)
    %dma_wait3A_143 = arith.constant 0 : i32
    %dma_wait3A_144 = arith.constant 0 : i32
    %dma_wait3A_145 = tpu.memref_slice %arg6[%dma_wait3A_143, %dma_wait3A_144] : memref<327680x64xf32, #tpu.memory_space<hbm>> -> memref<128x64xf32, #tpu.memory_space<hbm>>
    %dma_wait3A_146 = arith.constant 0 : i32
    %dma_wait3A_147 = arith.constant 0 : i32
    %dma_wait3A_148 = tpu.memref_slice %arg6[%dma_wait3A_146, %dma_wait3A_147] : memref<327680x64xf32, #tpu.memory_space<hbm>> -> memref<128x64xf32, #tpu.memory_space<hbm>>
    tpu.wait_dma2 semaphore(%arg26 : memref<!tpu.dma_semaphore, #tpu.memory_space<semaphore_mem>>) src(%arg14 : memref<128x64xf32, #tpu.memory_space<vmem>>) dst(%dma_wait3A_148 : memref<128x64xf32, #tpu.memory_space<hbm>>)
    %dma_wait3A_149 = arith.constant 0 : i32
    %dma_wait3A_150 = arith.constant 0 : i32
    %dma_wait3A_151 = tpu.memref_slice %arg7[%dma_wait3A_149, %dma_wait3A_150] : memref<327680x64xf32, #tpu.memory_space<hbm>> -> memref<128x64xf32, #tpu.memory_space<hbm>>
    %dma_wait3A_152 = arith.constant 0 : i32
    %dma_wait3A_153 = arith.constant 0 : i32
    %dma_wait3A_154 = tpu.memref_slice %arg7[%dma_wait3A_152, %dma_wait3A_153] : memref<327680x64xf32, #tpu.memory_space<hbm>> -> memref<128x64xf32, #tpu.memory_space<hbm>>
    tpu.wait_dma2 semaphore(%arg27 : memref<!tpu.dma_semaphore, #tpu.memory_space<semaphore_mem>>) src(%arg15 : memref<128x64xf32, #tpu.memory_space<vmem>>) dst(%dma_wait3A_154 : memref<128x64xf32, #tpu.memory_space<hbm>>)
    return
  }
}

#map = affine_map<(d0, d1) -> (0, 0)>
module attributes {stable_mosaic.version = 14 : i64} {
  func.func @_sc_scatter_add(%arg0: i32, %arg1: i32, %arg2: memref<327680x64xf32, #tpu.memory_space<hbm>>, %arg3: memref<2560x128xi32, #tpu.memory_space<hbm>>, %arg4: memref<40x64xf32, #tpu.memory_space<hbm>>, %arg5: memref<20480x64xf32, #tpu.memory_space<hbm>>, %arg6: memref<80x128xi32, #tpu.memory_space<vmem>>, %arg7: memref<128x64xf32, #tpu.memory_space<vmem>>, %arg8: memref<128x64xf32, #tpu.memory_space<vmem>>, %arg9: memref<40x64xf32, #tpu.memory_space<vmem>>, %arg10: memref<10240x64xf32, #tpu.memory_space<vmem_shared>>, %arg11: memref<!tpu.dma_semaphore, #tpu.memory_space<semaphore_mem>>, %arg12: memref<!tpu.dma_semaphore, #tpu.memory_space<semaphore_mem>>, %arg13: memref<!tpu.dma_semaphore, #tpu.memory_space<semaphore_mem>>, %arg14: memref<!tpu.dma_semaphore, #tpu.memory_space<semaphore_mem>>) attributes {dimension_semantics = [#tpu.dimension_semantics<core_parallel>, #tpu.dimension_semantics<subcore_parallel>], iteration_bounds = array<i64: 2, 16>, scalar_prefetch = 0 : i64, scratch_operands = 9 : i64, tpu.core_type = #tpu.core_type<sc_vector_subcore>, window_params = [{transform_indices = #map}, {transform_indices = #map}, {transform_indices = #map}, {transform_indices = #map}]} {
    %mul3A = arith.constant 2 : i32
    %mul3A_0 = arith.muli %arg1, %mul3A : i32
    %add3A = arith.addi %mul3A_0, %arg0 : i32
    %mul3A_1 = arith.constant 80 : i32
    %mul3A_2 = arith.muli %add3A, %mul3A_1 : i32
    "tpu.region"() ({
      %run_scoped3A = tpu.sem_alloc : memref<!tpu.dma_semaphore, #tpu.memory_space<semaphore_mem>>
      %dma_start3A = arith.constant 0 : i32
      %dma_start3A_37 = tpu.memref_slice %arg3[%mul3A_2, %dma_start3A] : memref<2560x128xi32, #tpu.memory_space<hbm>> -> memref<80x128xi32, #tpu.memory_space<hbm>>
      %dma_start3A_38 = arith.constant 0 : i32
      %dma_start3A_39 = tpu.memref_slice %arg3[%mul3A_2, %dma_start3A_38] : memref<2560x128xi32, #tpu.memory_space<hbm>> -> memref<80x128xi32, #tpu.memory_space<hbm>>
      tpu.enqueue_dma source(%dma_start3A_39 : memref<80x128xi32, #tpu.memory_space<hbm>>) target(%arg6 : memref<80x128xi32, #tpu.memory_space<vmem>>) target_semaphore(%run_scoped3A : memref<!tpu.dma_semaphore, #tpu.memory_space<semaphore_mem>>)
      %dma_wait3A_40 = arith.constant 0 : i32
      %dma_wait3A_41 = tpu.memref_slice %arg3[%mul3A_2, %dma_wait3A_40] : memref<2560x128xi32, #tpu.memory_space<hbm>> -> memref<80x128xi32, #tpu.memory_space<hbm>>
      %dma_wait3A_42 = arith.constant 0 : i32
      %dma_wait3A_43 = tpu.memref_slice %arg3[%mul3A_2, %dma_wait3A_42] : memref<2560x128xi32, #tpu.memory_space<hbm>> -> memref<80x128xi32, #tpu.memory_space<hbm>>
      tpu.wait_dma2 semaphore(%run_scoped3A : memref<!tpu.dma_semaphore, #tpu.memory_space<semaphore_mem>>) src(%dma_wait3A_43 : memref<80x128xi32, #tpu.memory_space<hbm>>) dst(%arg6 : memref<80x128xi32, #tpu.memory_space<vmem>>)
      tpu.yield
    }) : () -> ()
    "tpu.region"() ({
      %run_scoped3A = tpu.sem_alloc : memref<!tpu.dma_semaphore, #tpu.memory_space<semaphore_mem>>
      tpu.enqueue_dma source(%arg4 : memref<40x64xf32, #tpu.memory_space<hbm>>) target(%arg9 : memref<40x64xf32, #tpu.memory_space<vmem>>) target_semaphore(%run_scoped3A : memref<!tpu.dma_semaphore, #tpu.memory_space<semaphore_mem>>)
      tpu.wait_dma2 semaphore(%run_scoped3A : memref<!tpu.dma_semaphore, #tpu.memory_space<semaphore_mem>>) src(%arg4 : memref<40x64xf32, #tpu.memory_space<hbm>>) dst(%arg9 : memref<40x64xf32, #tpu.memory_space<vmem>>)
      tpu.yield
    }) : () -> ()
    %scan3A = arith.constant 0 : i32
    %scan3A_3 = arith.constant 0 : i32
    %scan3A_4 = arith.constant 16 : i32
    %scan3A_5 = arith.addi %scan3A_3, %scan3A_4 : i32
    %scan3A_6 = arith.constant 1 : i32
    %scan3A_7 = scf.for %scan3A_37 = %scan3A_3 to %scan3A_5 step %scan3A_6 iter_args(%scan3A_38 = %scan3A) -> (i32)  : i32 {
      %mul3A_39 = arith.constant 640 : i32
      %mul3A_40 = arith.muli %arg1, %mul3A_39 : i32
      %mul3A_41 = arith.constant 40 : i32
      %mul3A_42 = arith.muli %scan3A_37, %mul3A_41 : i32
      %add3A_43 = arith.addi %mul3A_40, %mul3A_42 : i32
      "tpu.region"() ({
        %run_scoped3A = tpu.sem_alloc : memref<!tpu.dma_semaphore, #tpu.memory_space<semaphore_mem>>
        %dma_start3A = arith.constant 0 : i32
        %dma_start3A_45 = tpu.memref_slice %arg10[%add3A_43, %dma_start3A] : memref<10240x64xf32, #tpu.memory_space<vmem_shared>> -> memref<40x64xf32, #tpu.memory_space<vmem_shared>>
        %dma_start3A_46 = arith.constant 0 : i32
        %dma_start3A_47 = tpu.memref_slice %arg10[%add3A_43, %dma_start3A_46] : memref<10240x64xf32, #tpu.memory_space<vmem_shared>> -> memref<40x64xf32, #tpu.memory_space<vmem_shared>>
        tpu.enqueue_dma source(%arg9 : memref<40x64xf32, #tpu.memory_space<vmem>>) target(%dma_start3A_47 : memref<40x64xf32, #tpu.memory_space<vmem_shared>>) target_semaphore(%run_scoped3A : memref<!tpu.dma_semaphore, #tpu.memory_space<semaphore_mem>>)
        %dma_wait3A_48 = arith.constant 0 : i32
        %dma_wait3A_49 = tpu.memref_slice %arg10[%add3A_43, %dma_wait3A_48] : memref<10240x64xf32, #tpu.memory_space<vmem_shared>> -> memref<40x64xf32, #tpu.memory_space<vmem_shared>>
        %dma_wait3A_50 = arith.constant 0 : i32
        %dma_wait3A_51 = tpu.memref_slice %arg10[%add3A_43, %dma_wait3A_50] : memref<10240x64xf32, #tpu.memory_space<vmem_shared>> -> memref<40x64xf32, #tpu.memory_space<vmem_shared>>
        tpu.wait_dma2 semaphore(%run_scoped3A : memref<!tpu.dma_semaphore, #tpu.memory_space<semaphore_mem>>) src(%arg9 : memref<40x64xf32, #tpu.memory_space<vmem>>) dst(%dma_wait3A_51 : memref<40x64xf32, #tpu.memory_space<vmem_shared>>)
        tpu.yield
      }) : () -> ()
      %scan3A_44 = arith.constant 0 : i32
      scf.yield %scan3A_44 : i32
    }
    %scan3A_8 = arith.constant 16 : i32
    %barrier3A = arith.constant 0 : index
    tpu.barrier barrier_id(%barrier3A)
    %scan3A_9 = arith.constant 0 : i32
    %scan3A_10 = arith.constant 0 : i32
    %scan3A_11 = arith.constant 40 : i32
    %scan3A_12 = arith.addi %scan3A_10, %scan3A_11 : i32
    %scan3A_13 = arith.constant 1 : i32
    %scan3A_14 = scf.for %scan3A_37 = %scan3A_10 to %scan3A_12 step %scan3A_13 iter_args(%scan3A_38 = %scan3A_9) -> (i32)  : i32 {
      %mul3A_39 = arith.constant 2 : i32
      %mul3A_40 = arith.muli %mul3A_39, %scan3A_37 : i32
      %add3A_41 = arith.constant 0 : i32
      %add3A_42 = arith.addi %mul3A_40, %add3A_41 : i32
      %gt3A = arith.constant 0 : i32
      %gt3A_43 = arith.cmpi sgt, %scan3A_37, %gt3A : i32
      %convert_element_type3A = arith.extui %gt3A_43 : i1 to i32
      %cond3A = arith.constant 0 : i32
      %cond3A_44 = arith.cmpi ne, %convert_element_type3A, %cond3A : i32
      scf.if %cond3A_44 {
        %dma_wait3A_100 = arith.constant 0 : i32
        %dma_wait3A_101 = arith.constant 0 : i32
        %dma_wait3A_102 = tpu.memref_slice %arg6[%dma_wait3A_100, %dma_wait3A_101] : memref<80x128xi32, #tpu.memory_space<vmem>> -> memref<1x128xi32, #tpu.memory_space<vmem>>
        %dma_wait3A_103 = tpu.memref_squeeze %dma_wait3A_102 : memref<1x128xi32, #tpu.memory_space<vmem>> -> memref<128xi32, #tpu.memory_space<vmem>>
        %dma_wait3A_104 = arith.constant 0 : i32
        %dma_wait3A_105 = arith.constant 0 : i32
        %dma_wait3A_106 = tpu.memref_slice %arg10[%dma_wait3A_104, %dma_wait3A_105] : memref<10240x64xf32, #tpu.memory_space<vmem_shared>> -> memref<10240x64xf32, #tpu.memory_space<vmem_shared>>
        tpu.wait_indirect_dma semaphore(%arg13 : memref<!tpu.dma_semaphore, #tpu.memory_space<semaphore_mem>>) src(%arg7 : memref<128x64xf32, #tpu.memory_space<vmem>>) dst(%dma_wait3A_106 : memref<10240x64xf32, #tpu.memory_space<vmem_shared>>)
      } else {
      }
      %add3A_45 = arith.addi %mul3A_2, %add3A_42 : i32
      %mul3A_46 = arith.constant 128 : i32
      %mul3A_47 = arith.muli %add3A_45, %mul3A_46 : i32
      %dma_start3A = arith.constant 0 : i32
      %dma_start3A_48 = tpu.memref_slice %arg2[%mul3A_47, %dma_start3A] : memref<327680x64xf32, #tpu.memory_space<hbm>> -> memref<128x64xf32, #tpu.memory_space<hbm>>
      %dma_start3A_49 = arith.constant 0 : i32
      %dma_start3A_50 = tpu.memref_slice %arg2[%mul3A_47, %dma_start3A_49] : memref<327680x64xf32, #tpu.memory_space<hbm>> -> memref<128x64xf32, #tpu.memory_space<hbm>>
      tpu.enqueue_dma source(%dma_start3A_50 : memref<128x64xf32, #tpu.memory_space<hbm>>) target(%arg7 : memref<128x64xf32, #tpu.memory_space<vmem>>) target_semaphore(%arg11 : memref<!tpu.dma_semaphore, #tpu.memory_space<semaphore_mem>>)
      %mul3A_51 = arith.constant 2 : i32
      %mul3A_52 = arith.muli %mul3A_51, %scan3A_37 : i32
      %add3A_53 = arith.constant 1 : i32
      %add3A_54 = arith.addi %mul3A_52, %add3A_53 : i32
      %gt3A_55 = arith.constant 0 : i32
      %gt3A_56 = arith.cmpi sgt, %scan3A_37, %gt3A_55 : i32
      %convert_element_type3A_57 = arith.extui %gt3A_56 : i1 to i32
      %cond3A_58 = arith.constant 0 : i32
      %cond3A_59 = arith.cmpi ne, %convert_element_type3A_57, %cond3A_58 : i32
      scf.if %cond3A_59 {
        %dma_wait3A_100 = arith.constant 0 : i32
        %dma_wait3A_101 = arith.constant 0 : i32
        %dma_wait3A_102 = tpu.memref_slice %arg6[%dma_wait3A_100, %dma_wait3A_101] : memref<80x128xi32, #tpu.memory_space<vmem>> -> memref<1x128xi32, #tpu.memory_space<vmem>>
        %dma_wait3A_103 = tpu.memref_squeeze %dma_wait3A_102 : memref<1x128xi32, #tpu.memory_space<vmem>> -> memref<128xi32, #tpu.memory_space<vmem>>
        %dma_wait3A_104 = arith.constant 0 : i32
        %dma_wait3A_105 = arith.constant 0 : i32
        %dma_wait3A_106 = tpu.memref_slice %arg10[%dma_wait3A_104, %dma_wait3A_105] : memref<10240x64xf32, #tpu.memory_space<vmem_shared>> -> memref<10240x64xf32, #tpu.memory_space<vmem_shared>>
        tpu.wait_indirect_dma semaphore(%arg14 : memref<!tpu.dma_semaphore, #tpu.memory_space<semaphore_mem>>) src(%arg8 : memref<128x64xf32, #tpu.memory_space<vmem>>) dst(%dma_wait3A_106 : memref<10240x64xf32, #tpu.memory_space<vmem_shared>>)
      } else {
      }
      %add3A_60 = arith.addi %mul3A_2, %add3A_54 : i32
      %mul3A_61 = arith.constant 128 : i32
      %mul3A_62 = arith.muli %add3A_60, %mul3A_61 : i32
      %dma_start3A_63 = arith.constant 0 : i32
      %dma_start3A_64 = tpu.memref_slice %arg2[%mul3A_62, %dma_start3A_63] : memref<327680x64xf32, #tpu.memory_space<hbm>> -> memref<128x64xf32, #tpu.memory_space<hbm>>
      %dma_start3A_65 = arith.constant 0 : i32
      %dma_start3A_66 = tpu.memref_slice %arg2[%mul3A_62, %dma_start3A_65] : memref<327680x64xf32, #tpu.memory_space<hbm>> -> memref<128x64xf32, #tpu.memory_space<hbm>>
      tpu.enqueue_dma source(%dma_start3A_66 : memref<128x64xf32, #tpu.memory_space<hbm>>) target(%arg8 : memref<128x64xf32, #tpu.memory_space<vmem>>) target_semaphore(%arg12 : memref<!tpu.dma_semaphore, #tpu.memory_space<semaphore_mem>>)
      %dma_wait3A_67 = arith.constant 0 : i32
      %dma_wait3A_68 = arith.constant 0 : i32
      %dma_wait3A_69 = tpu.memref_slice %arg2[%dma_wait3A_67, %dma_wait3A_68] : memref<327680x64xf32, #tpu.memory_space<hbm>> -> memref<128x64xf32, #tpu.memory_space<hbm>>
      %dma_wait3A_70 = arith.constant 0 : i32
      %dma_wait3A_71 = arith.constant 0 : i32
      %dma_wait3A_72 = tpu.memref_slice %arg2[%dma_wait3A_70, %dma_wait3A_71] : memref<327680x64xf32, #tpu.memory_space<hbm>> -> memref<128x64xf32, #tpu.memory_space<hbm>>
      tpu.wait_dma2 semaphore(%arg11 : memref<!tpu.dma_semaphore, #tpu.memory_space<semaphore_mem>>) src(%dma_wait3A_72 : memref<128x64xf32, #tpu.memory_space<hbm>>) dst(%arg7 : memref<128x64xf32, #tpu.memory_space<vmem>>)
      %mul3A_73 = arith.constant 2 : i32
      %mul3A_74 = arith.muli %mul3A_73, %scan3A_37 : i32
      %add3A_75 = arith.constant 0 : i32
      %add3A_76 = arith.addi %mul3A_74, %add3A_75 : i32
      %dma_start3A_77 = arith.constant 0 : i32
      %dma_start3A_78 = tpu.memref_slice %arg6[%add3A_76, %dma_start3A_77] : memref<80x128xi32, #tpu.memory_space<vmem>> -> memref<1x128xi32, #tpu.memory_space<vmem>>
      %dma_start3A_79 = tpu.memref_squeeze %dma_start3A_78 : memref<1x128xi32, #tpu.memory_space<vmem>> -> memref<128xi32, #tpu.memory_space<vmem>>
      %dma_start3A_80 = arith.constant 0 : i32
      %dma_start3A_81 = arith.constant 0 : i32
      %dma_start3A_82 = tpu.memref_slice %arg10[%dma_start3A_80, %dma_start3A_81] : memref<10240x64xf32, #tpu.memory_space<vmem_shared>> -> memref<10240x64xf32, #tpu.memory_space<vmem_shared>>
      tpu.enqueue_indirect_dma source(%arg7 : memref<128x64xf32, #tpu.memory_space<vmem>>) target(%dma_start3A_82 : memref<10240x64xf32, #tpu.memory_space<vmem_shared>>) offsets(%dma_start3A_79 : memref<128xi32, #tpu.memory_space<vmem>>) semaphore(%arg13 : memref<!tpu.dma_semaphore, #tpu.memory_space<semaphore_mem>>) {add = true}
      %dma_wait3A_83 = arith.constant 0 : i32
      %dma_wait3A_84 = arith.constant 0 : i32
      %dma_wait3A_85 = tpu.memref_slice %arg2[%dma_wait3A_83, %dma_wait3A_84] : memref<327680x64xf32, #tpu.memory_space<hbm>> -> memref<128x64xf32, #tpu.memory_space<hbm>>
      %dma_wait3A_86 = arith.constant 0 : i32
      %dma_wait3A_87 = arith.constant 0 : i32
      %dma_wait3A_88 = tpu.memref_slice %arg2[%dma_wait3A_86, %dma_wait3A_87] : memref<327680x64xf32, #tpu.memory_space<hbm>> -> memref<128x64xf32, #tpu.memory_space<hbm>>
      tpu.wait_dma2 semaphore(%arg12 : memref<!tpu.dma_semaphore, #tpu.memory_space<semaphore_mem>>) src(%dma_wait3A_88 : memref<128x64xf32, #tpu.memory_space<hbm>>) dst(%arg8 : memref<128x64xf32, #tpu.memory_space<vmem>>)
      %mul3A_89 = arith.constant 2 : i32
      %mul3A_90 = arith.muli %mul3A_89, %scan3A_37 : i32
      %add3A_91 = arith.constant 1 : i32
      %add3A_92 = arith.addi %mul3A_90, %add3A_91 : i32
      %dma_start3A_93 = arith.constant 0 : i32
      %dma_start3A_94 = tpu.memref_slice %arg6[%add3A_92, %dma_start3A_93] : memref<80x128xi32, #tpu.memory_space<vmem>> -> memref<1x128xi32, #tpu.memory_space<vmem>>
      %dma_start3A_95 = tpu.memref_squeeze %dma_start3A_94 : memref<1x128xi32, #tpu.memory_space<vmem>> -> memref<128xi32, #tpu.memory_space<vmem>>
      %dma_start3A_96 = arith.constant 0 : i32
      %dma_start3A_97 = arith.constant 0 : i32
      %dma_start3A_98 = tpu.memref_slice %arg10[%dma_start3A_96, %dma_start3A_97] : memref<10240x64xf32, #tpu.memory_space<vmem_shared>> -> memref<10240x64xf32, #tpu.memory_space<vmem_shared>>
      tpu.enqueue_indirect_dma source(%arg8 : memref<128x64xf32, #tpu.memory_space<vmem>>) target(%dma_start3A_98 : memref<10240x64xf32, #tpu.memory_space<vmem_shared>>) offsets(%dma_start3A_95 : memref<128xi32, #tpu.memory_space<vmem>>) semaphore(%arg14 : memref<!tpu.dma_semaphore, #tpu.memory_space<semaphore_mem>>) {add = true}
      %scan3A_99 = arith.constant 0 : i32
      scf.yield %scan3A_99 : i32
    }
    %scan3A_15 = arith.constant 40 : i32
    %dma_wait3A = arith.constant 0 : i32
    %dma_wait3A_16 = arith.constant 0 : i32
    %dma_wait3A_17 = tpu.memref_slice %arg6[%dma_wait3A, %dma_wait3A_16] : memref<80x128xi32, #tpu.memory_space<vmem>> -> memref<1x128xi32, #tpu.memory_space<vmem>>
    %dma_wait3A_18 = tpu.memref_squeeze %dma_wait3A_17 : memref<1x128xi32, #tpu.memory_space<vmem>> -> memref<128xi32, #tpu.memory_space<vmem>>
    %dma_wait3A_19 = arith.constant 0 : i32
    %dma_wait3A_20 = arith.constant 0 : i32
    %dma_wait3A_21 = tpu.memref_slice %arg10[%dma_wait3A_19, %dma_wait3A_20] : memref<10240x64xf32, #tpu.memory_space<vmem_shared>> -> memref<10240x64xf32, #tpu.memory_space<vmem_shared>>
    tpu.wait_indirect_dma semaphore(%arg13 : memref<!tpu.dma_semaphore, #tpu.memory_space<semaphore_mem>>) src(%arg7 : memref<128x64xf32, #tpu.memory_space<vmem>>) dst(%dma_wait3A_21 : memref<10240x64xf32, #tpu.memory_space<vmem_shared>>)
    %dma_wait3A_22 = arith.constant 0 : i32
    %dma_wait3A_23 = arith.constant 0 : i32
    %dma_wait3A_24 = tpu.memref_slice %arg6[%dma_wait3A_22, %dma_wait3A_23] : memref<80x128xi32, #tpu.memory_space<vmem>> -> memref<1x128xi32, #tpu.memory_space<vmem>>
    %dma_wait3A_25 = tpu.memref_squeeze %dma_wait3A_24 : memref<1x128xi32, #tpu.memory_space<vmem>> -> memref<128xi32, #tpu.memory_space<vmem>>
    %dma_wait3A_26 = arith.constant 0 : i32
    %dma_wait3A_27 = arith.constant 0 : i32
    %dma_wait3A_28 = tpu.memref_slice %arg10[%dma_wait3A_26, %dma_wait3A_27] : memref<10240x64xf32, #tpu.memory_space<vmem_shared>> -> memref<10240x64xf32, #tpu.memory_space<vmem_shared>>
    tpu.wait_indirect_dma semaphore(%arg14 : memref<!tpu.dma_semaphore, #tpu.memory_space<semaphore_mem>>) src(%arg8 : memref<128x64xf32, #tpu.memory_space<vmem>>) dst(%dma_wait3A_28 : memref<10240x64xf32, #tpu.memory_space<vmem_shared>>)
    %barrier3A_29 = arith.constant 0 : index
    tpu.barrier barrier_id(%barrier3A_29)
    %scan3A_30 = arith.constant 0 : i32
    %scan3A_31 = arith.constant 0 : i32
    %scan3A_32 = arith.constant 16 : i32
    %scan3A_33 = arith.addi %scan3A_31, %scan3A_32 : i32
    %scan3A_34 = arith.constant 1 : i32
    %scan3A_35 = scf.for %scan3A_37 = %scan3A_31 to %scan3A_33 step %scan3A_34 iter_args(%scan3A_38 = %scan3A_30) -> (i32)  : i32 {
      %mul3A_39 = arith.constant 640 : i32
      %mul3A_40 = arith.muli %arg1, %mul3A_39 : i32
      %mul3A_41 = arith.constant 40 : i32
      %mul3A_42 = arith.muli %scan3A_37, %mul3A_41 : i32
      %add3A_43 = arith.addi %mul3A_40, %mul3A_42 : i32
      "tpu.region"() ({
        %run_scoped3A = tpu.sem_alloc : memref<!tpu.dma_semaphore, #tpu.memory_space<semaphore_mem>>
        %dma_start3A = arith.constant 0 : i32
        %dma_start3A_48 = tpu.memref_slice %arg10[%add3A_43, %dma_start3A] : memref<10240x64xf32, #tpu.memory_space<vmem_shared>> -> memref<40x64xf32, #tpu.memory_space<vmem_shared>>
        %dma_start3A_49 = arith.constant 0 : i32
        %dma_start3A_50 = tpu.memref_slice %arg10[%add3A_43, %dma_start3A_49] : memref<10240x64xf32, #tpu.memory_space<vmem_shared>> -> memref<40x64xf32, #tpu.memory_space<vmem_shared>>
        tpu.enqueue_dma source(%dma_start3A_50 : memref<40x64xf32, #tpu.memory_space<vmem_shared>>) target(%arg9 : memref<40x64xf32, #tpu.memory_space<vmem>>) target_semaphore(%run_scoped3A : memref<!tpu.dma_semaphore, #tpu.memory_space<semaphore_mem>>)
        %dma_wait3A_51 = arith.constant 0 : i32
        %dma_wait3A_52 = tpu.memref_slice %arg10[%add3A_43, %dma_wait3A_51] : memref<10240x64xf32, #tpu.memory_space<vmem_shared>> -> memref<40x64xf32, #tpu.memory_space<vmem_shared>>
        %dma_wait3A_53 = arith.constant 0 : i32
        %dma_wait3A_54 = tpu.memref_slice %arg10[%add3A_43, %dma_wait3A_53] : memref<10240x64xf32, #tpu.memory_space<vmem_shared>> -> memref<40x64xf32, #tpu.memory_space<vmem_shared>>
        tpu.wait_dma2 semaphore(%run_scoped3A : memref<!tpu.dma_semaphore, #tpu.memory_space<semaphore_mem>>) src(%dma_wait3A_54 : memref<40x64xf32, #tpu.memory_space<vmem_shared>>) dst(%arg9 : memref<40x64xf32, #tpu.memory_space<vmem>>)
        tpu.yield
      }) : () -> ()
      %mul3A_44 = arith.constant 10240 : i32
      %mul3A_45 = arith.muli %arg0, %mul3A_44 : i32
      %add3A_46 = arith.addi %mul3A_45, %add3A_43 : i32
      "tpu.region"() ({
        %run_scoped3A = tpu.sem_alloc : memref<!tpu.dma_semaphore, #tpu.memory_space<semaphore_mem>>
        %dma_start3A = arith.constant 0 : i32
        %dma_start3A_48 = tpu.memref_slice %arg5[%add3A_46, %dma_start3A] : memref<20480x64xf32, #tpu.memory_space<hbm>> -> memref<40x64xf32, #tpu.memory_space<hbm>>
        %dma_start3A_49 = arith.constant 0 : i32
        %dma_start3A_50 = tpu.memref_slice %arg5[%add3A_46, %dma_start3A_49] : memref<20480x64xf32, #tpu.memory_space<hbm>> -> memref<40x64xf32, #tpu.memory_space<hbm>>
        tpu.enqueue_dma source(%arg9 : memref<40x64xf32, #tpu.memory_space<vmem>>) target(%dma_start3A_50 : memref<40x64xf32, #tpu.memory_space<hbm>>) target_semaphore(%run_scoped3A : memref<!tpu.dma_semaphore, #tpu.memory_space<semaphore_mem>>)
        %dma_wait3A_51 = arith.constant 0 : i32
        %dma_wait3A_52 = tpu.memref_slice %arg5[%add3A_46, %dma_wait3A_51] : memref<20480x64xf32, #tpu.memory_space<hbm>> -> memref<40x64xf32, #tpu.memory_space<hbm>>
        %dma_wait3A_53 = arith.constant 0 : i32
        %dma_wait3A_54 = tpu.memref_slice %arg5[%add3A_46, %dma_wait3A_53] : memref<20480x64xf32, #tpu.memory_space<hbm>> -> memref<40x64xf32, #tpu.memory_space<hbm>>
        tpu.wait_dma2 semaphore(%run_scoped3A : memref<!tpu.dma_semaphore, #tpu.memory_space<semaphore_mem>>) src(%arg9 : memref<40x64xf32, #tpu.memory_space<vmem>>) dst(%dma_wait3A_54 : memref<40x64xf32, #tpu.memory_space<hbm>>)
        tpu.yield
      }) : () -> ()
      %scan3A_47 = arith.constant 0 : i32
      scf.yield %scan3A_47 : i32
    }
    %scan3A_36 = arith.constant 16 : i32
    return
  }
}

module attributes {stable_mosaic.version = 14 : i64} {
  func.func @_tables_body(%arg0: i32, %arg1: memref<8x16xf32, #tpu.memory_space<vmem>>, %arg2: memref<16x64xf32, #tpu.memory_space<vmem>>, %arg3: memref<1x64xf32, #tpu.memory_space<vmem>>, %arg4: memref<64x64xf32, #tpu.memory_space<vmem>>, %arg5: memref<1x64xf32, #tpu.memory_space<vmem>>, %arg6: memref<64x64xf32, #tpu.memory_space<vmem>>, %arg7: memref<1x64xf32, #tpu.memory_space<vmem>>, %arg8: memref<64x64xf32, #tpu.memory_space<vmem>>, %arg9: memref<1x64xf32, #tpu.memory_space<vmem>>, %arg10: memref<3x64x64xf32, #tpu.memory_space<vmem>>, %arg11: memref<3x1x64xf32, #tpu.memory_space<vmem>>, %arg12: memref<3x64x64xf32, #tpu.memory_space<vmem>>, %arg13: memref<3x1x64xf32, #tpu.memory_space<vmem>>, %arg14: memref<3x8x64xf32, #tpu.memory_space<vmem>>, %arg15: memref<3x8x64xf32, #tpu.memory_space<vmem>>) attributes {dimension_semantics = [#tpu.dimension_semantics<arbitrary>], iteration_bounds = array<i64: 1>, scalar_prefetch = 0 : i64, scratch_operands = 0 : i64, tpu.core_type = #tpu.core_type<tc>, window_params = [{pipeline_mode = #tpu.pipeline_mode<synchronous>, transform_indices = @transform_0, window_bounds = array<i64: 8, 16>}, {pipeline_mode = #tpu.pipeline_mode<synchronous>, transform_indices = @transform_1, window_bounds = array<i64: 16, 64>}, {pipeline_mode = #tpu.pipeline_mode<synchronous>, transform_indices = @transform_2, window_bounds = array<i64: 1, 64>}, {pipeline_mode = #tpu.pipeline_mode<synchronous>, transform_indices = @transform_3, window_bounds = array<i64: 64, 64>}, {pipeline_mode = #tpu.pipeline_mode<synchronous>, transform_indices = @transform_4, window_bounds = array<i64: 1, 64>}, {pipeline_mode = #tpu.pipeline_mode<synchronous>, transform_indices = @transform_5, window_bounds = array<i64: 64, 64>}, {pipeline_mode = #tpu.pipeline_mode<synchronous>, transform_indices = @transform_6, window_bounds = array<i64: 1, 64>}, {pipeline_mode = #tpu.pipeline_mode<synchronous>, transform_indices = @transform_7, window_bounds = array<i64: 64, 64>}, {pipeline_mode = #tpu.pipeline_mode<synchronous>, transform_indices = @transform_8, window_bounds = array<i64: 1, 64>}, {pipeline_mode = #tpu.pipeline_mode<synchronous>, transform_indices = @transform_9, window_bounds = array<i64: 3, 64, 64>}, {pipeline_mode = #tpu.pipeline_mode<synchronous>, transform_indices = @transform_10, window_bounds = array<i64: 3, 1, 64>}, {pipeline_mode = #tpu.pipeline_mode<synchronous>, transform_indices = @transform_11, window_bounds = array<i64: 3, 64, 64>}, {pipeline_mode = #tpu.pipeline_mode<synchronous>, transform_indices = @transform_12, window_bounds = array<i64: 3, 1, 64>}, {pipeline_mode = #tpu.pipeline_mode<synchronous>, transform_indices = @transform_13, window_bounds = array<i64: 3, 8, 64>}, {pipeline_mode = #tpu.pipeline_mode<synchronous>, transform_indices = @transform_14, window_bounds = array<i64: 3, 8, 64>}]} {
    %get3A = arith.constant 0 : index
    %get3A_0 = arith.constant 0 : index
    %get3A_1 = vector.load %arg1[%get3A, %get3A_0] : memref<8x16xf32, #tpu.memory_space<vmem>>, vector<8x16xf32>
    %get3A_2 = arith.constant 0 : index
    %get3A_3 = arith.constant 0 : index
    %get3A_4 = vector.load %arg2[%get3A_2, %get3A_3] : memref<16x64xf32, #tpu.memory_space<vmem>>, vector<16x64xf32>
    %dot_general3A = arith.constant dense<0.000000e+00> : vector<8x64xf32>
    %dot_general3A_5 = tpu.matmul %get3A_1, %get3A_4, %dot_general3A {dimension_numbers = #tpu.dot_dimension_numbers<[1], [0], [0], [1], [0, 0, 1, 1], [], []>, transpose_lhs_hint = false} : vector<8x16xf32>, vector<16x64xf32>, vector<8x64xf32> -> vector<8x64xf32>
    %get3A_6 = arith.constant 0 : index
    %get3A_7 = arith.constant 0 : index
    %get3A_8 = vector.load %arg3[%get3A_6, %get3A_7] : memref<1x64xf32, #tpu.memory_space<vmem>>, vector<1x64xf32>
    %add3A = vector.broadcast %get3A_8 : vector<1x64xf32> to vector<8x64xf32>
    %add3A_9 = arith.addf %dot_general3A_5, %add3A : vector<8x64xf32>
    %max3A = arith.constant 0.000000e+00 : f32
    %max3A_10 = vector.broadcast %max3A : f32 to vector<8x64xf32>
    %max3A_11 = arith.maximumf %add3A_9, %max3A_10 : vector<8x64xf32>
    %get3A_12 = arith.constant 0 : index
    %get3A_13 = arith.constant 0 : index
    %get3A_14 = vector.load %arg4[%get3A_12, %get3A_13] : memref<64x64xf32, #tpu.memory_space<vmem>>, vector<64x64xf32>
    %dot_general3A_15 = arith.constant dense<0.000000e+00> : vector<8x64xf32>
    %dot_general3A_16 = tpu.matmul %max3A_11, %get3A_14, %dot_general3A_15 {dimension_numbers = #tpu.dot_dimension_numbers<[1], [0], [0], [1], [0, 0, 1, 1], [], []>, transpose_lhs_hint = false} : vector<8x64xf32>, vector<64x64xf32>, vector<8x64xf32> -> vector<8x64xf32>
    %get3A_17 = arith.constant 0 : index
    %get3A_18 = arith.constant 0 : index
    %get3A_19 = vector.load %arg5[%get3A_17, %get3A_18] : memref<1x64xf32, #tpu.memory_space<vmem>>, vector<1x64xf32>
    %add3A_20 = vector.broadcast %get3A_19 : vector<1x64xf32> to vector<8x64xf32>
    %add3A_21 = arith.addf %dot_general3A_16, %add3A_20 : vector<8x64xf32>
    %get3A_22 = arith.constant 0 : index
    %get3A_23 = arith.constant 0 : index
    %get3A_24 = vector.load %arg6[%get3A_22, %get3A_23] : memref<64x64xf32, #tpu.memory_space<vmem>>, vector<64x64xf32>
    %dot_general3A_25 = arith.constant dense<0.000000e+00> : vector<8x64xf32>
    %dot_general3A_26 = tpu.matmul %add3A_21, %get3A_24, %dot_general3A_25 {dimension_numbers = #tpu.dot_dimension_numbers<[1], [0], [0], [1], [0, 0, 1, 1], [], []>, transpose_lhs_hint = false} : vector<8x64xf32>, vector<64x64xf32>, vector<8x64xf32> -> vector<8x64xf32>
    %get3A_27 = arith.constant 0 : index
    %get3A_28 = arith.constant 0 : index
    %get3A_29 = vector.load %arg7[%get3A_27, %get3A_28] : memref<1x64xf32, #tpu.memory_space<vmem>>, vector<1x64xf32>
    %add3A_30 = vector.broadcast %get3A_29 : vector<1x64xf32> to vector<8x64xf32>
    %add3A_31 = arith.addf %dot_general3A_26, %add3A_30 : vector<8x64xf32>
    %get3A_32 = arith.constant 0 : index
    %get3A_33 = arith.constant 0 : index
    %get3A_34 = vector.load %arg8[%get3A_32, %get3A_33] : memref<64x64xf32, #tpu.memory_space<vmem>>, vector<64x64xf32>
    %dot_general3A_35 = arith.constant dense<0.000000e+00> : vector<8x64xf32>
    %dot_general3A_36 = tpu.matmul %add3A_31, %get3A_34, %dot_general3A_35 {dimension_numbers = #tpu.dot_dimension_numbers<[1], [0], [0], [1], [0, 0, 1, 1], [], []>, transpose_lhs_hint = false} : vector<8x64xf32>, vector<64x64xf32>, vector<8x64xf32> -> vector<8x64xf32>
    %get3A_37 = arith.constant 0 : index
    %get3A_38 = arith.constant 0 : index
    %get3A_39 = vector.load %arg9[%get3A_37, %get3A_38] : memref<1x64xf32, #tpu.memory_space<vmem>>, vector<1x64xf32>
    %add3A_40 = vector.broadcast %get3A_39 : vector<1x64xf32> to vector<8x64xf32>
    %add3A_41 = arith.addf %dot_general3A_36, %add3A_40 : vector<8x64xf32>
    %get3A_42 = arith.constant 0 : index
    %get3A_43 = arith.constant 0 : index
    %get3A_44 = arith.constant 0 : index
    %get3A_45 = vector.load %arg10[%get3A_42, %get3A_43, %get3A_44] : memref<3x64x64xf32, #tpu.memory_space<vmem>>, vector<1x64x64xf32>
    %get3A_46 = vector.shape_cast %get3A_45 : vector<1x64x64xf32> to vector<64x64xf32>
    %dot_general3A_47 = arith.constant dense<0.000000e+00> : vector<8x64xf32>
    %dot_general3A_48 = tpu.matmul %add3A_21, %get3A_46, %dot_general3A_47 {dimension_numbers = #tpu.dot_dimension_numbers<[1], [0], [0], [1], [0, 0, 1, 1], [], []>, transpose_lhs_hint = false} : vector<8x64xf32>, vector<64x64xf32>, vector<8x64xf32> -> vector<8x64xf32>
    %get3A_49 = arith.constant 0 : index
    %get3A_50 = arith.constant 0 : index
    %get3A_51 = arith.constant 0 : index
    %get3A_52 = vector.load %arg11[%get3A_49, %get3A_50, %get3A_51] : memref<3x1x64xf32, #tpu.memory_space<vmem>>, vector<1x1x64xf32>
    %get3A_53 = vector.shape_cast %get3A_52 : vector<1x1x64xf32> to vector<1x64xf32>
    %add3A_54 = vector.broadcast %get3A_53 : vector<1x64xf32> to vector<8x64xf32>
    %add3A_55 = arith.addf %dot_general3A_48, %add3A_54 : vector<8x64xf32>
    %swap3A = arith.constant 0 : index
    %swap3A_56 = arith.constant 0 : index
    %swap3A_57 = arith.constant 0 : index
    %swap3A_58 = vector.load %arg14[%swap3A, %swap3A_56, %swap3A_57] : memref<3x8x64xf32, #tpu.memory_space<vmem>>, vector<1x8x64xf32>
    %swap3A_59 = vector.shape_cast %swap3A_58 : vector<1x8x64xf32> to vector<8x64xf32>
    %swap3A_60 = vector.shape_cast %add3A_55 : vector<8x64xf32> to vector<1x8x64xf32>
    tpu.vector_store %arg14[%swap3A, %swap3A_56, %swap3A_57], %swap3A_60 {strides = array<i32>} : memref<3x8x64xf32, #tpu.memory_space<vmem>>, vector<1x8x64xf32>,
    %get3A_61 = arith.constant 0 : index
    %get3A_62 = arith.constant 0 : index
    %get3A_63 = arith.constant 0 : index
    %get3A_64 = vector.load %arg12[%get3A_61, %get3A_62, %get3A_63] : memref<3x64x64xf32, #tpu.memory_space<vmem>>, vector<1x64x64xf32>
    %get3A_65 = vector.shape_cast %get3A_64 : vector<1x64x64xf32> to vector<64x64xf32>
    %dot_general3A_66 = arith.constant dense<0.000000e+00> : vector<8x64xf32>
    %dot_general3A_67 = tpu.matmul %add3A_41, %get3A_65, %dot_general3A_66 {dimension_numbers = #tpu.dot_dimension_numbers<[1], [0], [0], [1], [0, 0, 1, 1], [], []>, transpose_lhs_hint = false} : vector<8x64xf32>, vector<64x64xf32>, vector<8x64xf32> -> vector<8x64xf32>
    %get3A_68 = arith.constant 0 : index
    %get3A_69 = arith.constant 0 : index
    %get3A_70 = arith.constant 0 : index
    %get3A_71 = vector.load %arg13[%get3A_68, %get3A_69, %get3A_70] : memref<3x1x64xf32, #tpu.memory_space<vmem>>, vector<1x1x64xf32>
    %get3A_72 = vector.shape_cast %get3A_71 : vector<1x1x64xf32> to vector<1x64xf32>
    %add3A_73 = vector.broadcast %get3A_72 : vector<1x64xf32> to vector<8x64xf32>
    %add3A_74 = arith.addf %dot_general3A_67, %add3A_73 : vector<8x64xf32>
    %swap3A_75 = arith.constant 0 : index
    %swap3A_76 = arith.constant 0 : index
    %swap3A_77 = arith.constant 0 : index
    %swap3A_78 = vector.load %arg15[%swap3A_75, %swap3A_76, %swap3A_77] : memref<3x8x64xf32, #tpu.memory_space<vmem>>, vector<1x8x64xf32>
    %swap3A_79 = vector.shape_cast %swap3A_78 : vector<1x8x64xf32> to vector<8x64xf32>
    %swap3A_80 = vector.shape_cast %add3A_74 : vector<8x64xf32> to vector<1x8x64xf32>
    tpu.vector_store %arg15[%swap3A_75, %swap3A_76, %swap3A_77], %swap3A_80 {strides = array<i32>} : memref<3x8x64xf32, #tpu.memory_space<vmem>>, vector<1x8x64xf32>,
    %get3A_81 = arith.constant 1 : index
    %get3A_82 = arith.constant 0 : index
    %get3A_83 = arith.constant 0 : index
    %get3A_84 = vector.load %arg10[%get3A_81, %get3A_82, %get3A_83] : memref<3x64x64xf32, #tpu.memory_space<vmem>>, vector<1x64x64xf32>
    %get3A_85 = vector.shape_cast %get3A_84 : vector<1x64x64xf32> to vector<64x64xf32>
    %dot_general3A_86 = arith.constant dense<0.000000e+00> : vector<8x64xf32>
    %dot_general3A_87 = tpu.matmul %add3A_21, %get3A_85, %dot_general3A_86 {dimension_numbers = #tpu.dot_dimension_numbers<[1], [0], [0], [1], [0, 0, 1, 1], [], []>, transpose_lhs_hint = false} : vector<8x64xf32>, vector<64x64xf32>, vector<8x64xf32> -> vector<8x64xf32>
    %get3A_88 = arith.constant 1 : index
    %get3A_89 = arith.constant 0 : index
    %get3A_90 = arith.constant 0 : index
    %get3A_91 = vector.load %arg11[%get3A_88, %get3A_89, %get3A_90] : memref<3x1x64xf32, #tpu.memory_space<vmem>>, vector<1x1x64xf32>
    %get3A_92 = vector.shape_cast %get3A_91 : vector<1x1x64xf32> to vector<1x64xf32>
    %add3A_93 = vector.broadcast %get3A_92 : vector<1x64xf32> to vector<8x64xf32>
    %add3A_94 = arith.addf %dot_general3A_87, %add3A_93 : vector<8x64xf32>
    %swap3A_95 = arith.constant 1 : index
    %swap3A_96 = arith.constant 0 : index
    %swap3A_97 = arith.constant 0 : index
    %swap3A_98 = vector.load %arg14[%swap3A_95, %swap3A_96, %swap3A_97] : memref<3x8x64xf32, #tpu.memory_space<vmem>>, vector<1x8x64xf32>
    %swap3A_99 = vector.shape_cast %swap3A_98 : vector<1x8x64xf32> to vector<8x64xf32>
    %swap3A_100 = vector.shape_cast %add3A_94 : vector<8x64xf32> to vector<1x8x64xf32>
    tpu.vector_store %arg14[%swap3A_95, %swap3A_96, %swap3A_97], %swap3A_100 {strides = array<i32>} : memref<3x8x64xf32, #tpu.memory_space<vmem>>, vector<1x8x64xf32>,
    %get3A_101 = arith.constant 1 : index
    %get3A_102 = arith.constant 0 : index
    %get3A_103 = arith.constant 0 : index
    %get3A_104 = vector.load %arg12[%get3A_101, %get3A_102, %get3A_103] : memref<3x64x64xf32, #tpu.memory_space<vmem>>, vector<1x64x64xf32>
    %get3A_105 = vector.shape_cast %get3A_104 : vector<1x64x64xf32> to vector<64x64xf32>
    %dot_general3A_106 = arith.constant dense<0.000000e+00> : vector<8x64xf32>
    %dot_general3A_107 = tpu.matmul %add3A_41, %get3A_105, %dot_general3A_106 {dimension_numbers = #tpu.dot_dimension_numbers<[1], [0], [0], [1], [0, 0, 1, 1], [], []>, transpose_lhs_hint = false} : vector<8x64xf32>, vector<64x64xf32>, vector<8x64xf32> -> vector<8x64xf32>
    %get3A_108 = arith.constant 1 : index
    %get3A_109 = arith.constant 0 : index
    %get3A_110 = arith.constant 0 : index
    %get3A_111 = vector.load %arg13[%get3A_108, %get3A_109, %get3A_110] : memref<3x1x64xf32, #tpu.memory_space<vmem>>, vector<1x1x64xf32>
    %get3A_112 = vector.shape_cast %get3A_111 : vector<1x1x64xf32> to vector<1x64xf32>
    %add3A_113 = vector.broadcast %get3A_112 : vector<1x64xf32> to vector<8x64xf32>
    %add3A_114 = arith.addf %dot_general3A_107, %add3A_113 : vector<8x64xf32>
    %swap3A_115 = arith.constant 1 : index
    %swap3A_116 = arith.constant 0 : index
    %swap3A_117 = arith.constant 0 : index
    %swap3A_118 = vector.load %arg15[%swap3A_115, %swap3A_116, %swap3A_117] : memref<3x8x64xf32, #tpu.memory_space<vmem>>, vector<1x8x64xf32>
    %swap3A_119 = vector.shape_cast %swap3A_118 : vector<1x8x64xf32> to vector<8x64xf32>
    %swap3A_120 = vector.shape_cast %add3A_114 : vector<8x64xf32> to vector<1x8x64xf32>
    tpu.vector_store %arg15[%swap3A_115, %swap3A_116, %swap3A_117], %swap3A_120 {strides = array<i32>} : memref<3x8x64xf32, #tpu.memory_space<vmem>>, vector<1x8x64xf32>,
    %get3A_121 = arith.constant 2 : index
    %get3A_122 = arith.constant 0 : index
    %get3A_123 = arith.constant 0 : index
    %get3A_124 = vector.load %arg10[%get3A_121, %get3A_122, %get3A_123] : memref<3x64x64xf32, #tpu.memory_space<vmem>>, vector<1x64x64xf32>
    %get3A_125 = vector.shape_cast %get3A_124 : vector<1x64x64xf32> to vector<64x64xf32>
    %dot_general3A_126 = arith.constant dense<0.000000e+00> : vector<8x64xf32>
    %dot_general3A_127 = tpu.matmul %add3A_21, %get3A_125, %dot_general3A_126 {dimension_numbers = #tpu.dot_dimension_numbers<[1], [0], [0], [1], [0, 0, 1, 1], [], []>, transpose_lhs_hint = false} : vector<8x64xf32>, vector<64x64xf32>, vector<8x64xf32> -> vector<8x64xf32>
    %get3A_128 = arith.constant 2 : index
    %get3A_129 = arith.constant 0 : index
    %get3A_130 = arith.constant 0 : index
    %get3A_131 = vector.load %arg11[%get3A_128, %get3A_129, %get3A_130] : memref<3x1x64xf32, #tpu.memory_space<vmem>>, vector<1x1x64xf32>
    %get3A_132 = vector.shape_cast %get3A_131 : vector<1x1x64xf32> to vector<1x64xf32>
    %add3A_133 = vector.broadcast %get3A_132 : vector<1x64xf32> to vector<8x64xf32>
    %add3A_134 = arith.addf %dot_general3A_127, %add3A_133 : vector<8x64xf32>
    %swap3A_135 = arith.constant 2 : index
    %swap3A_136 = arith.constant 0 : index
    %swap3A_137 = arith.constant 0 : index
    %swap3A_138 = vector.load %arg14[%swap3A_135, %swap3A_136, %swap3A_137] : memref<3x8x64xf32, #tpu.memory_space<vmem>>, vector<1x8x64xf32>
    %swap3A_139 = vector.shape_cast %swap3A_138 : vector<1x8x64xf32> to vector<8x64xf32>
    %swap3A_140 = vector.shape_cast %add3A_134 : vector<8x64xf32> to vector<1x8x64xf32>
    tpu.vector_store %arg14[%swap3A_135, %swap3A_136, %swap3A_137], %swap3A_140 {strides = array<i32>} : memref<3x8x64xf32, #tpu.memory_space<vmem>>, vector<1x8x64xf32>,
    %get3A_141 = arith.constant 2 : index
    %get3A_142 = arith.constant 0 : index
    %get3A_143 = arith.constant 0 : index
    %get3A_144 = vector.load %arg12[%get3A_141, %get3A_142, %get3A_143] : memref<3x64x64xf32, #tpu.memory_space<vmem>>, vector<1x64x64xf32>
    %get3A_145 = vector.shape_cast %get3A_144 : vector<1x64x64xf32> to vector<64x64xf32>
    %dot_general3A_146 = arith.constant dense<0.000000e+00> : vector<8x64xf32>
    %dot_general3A_147 = tpu.matmul %add3A_41, %get3A_145, %dot_general3A_146 {dimension_numbers = #tpu.dot_dimension_numbers<[1], [0], [0], [1], [0, 0, 1, 1], [], []>, transpose_lhs_hint = false} : vector<8x64xf32>, vector<64x64xf32>, vector<8x64xf32> -> vector<8x64xf32>
    %get3A_148 = arith.constant 2 : index
    %get3A_149 = arith.constant 0 : index
    %get3A_150 = arith.constant 0 : index
    %get3A_151 = vector.load %arg13[%get3A_148, %get3A_149, %get3A_150] : memref<3x1x64xf32, #tpu.memory_space<vmem>>, vector<1x1x64xf32>
    %get3A_152 = vector.shape_cast %get3A_151 : vector<1x1x64xf32> to vector<1x64xf32>
    %add3A_153 = vector.broadcast %get3A_152 : vector<1x64xf32> to vector<8x64xf32>
    %add3A_154 = arith.addf %dot_general3A_147, %add3A_153 : vector<8x64xf32>
    %swap3A_155 = arith.constant 2 : index
    %swap3A_156 = arith.constant 0 : index
    %swap3A_157 = arith.constant 0 : index
    %swap3A_158 = vector.load %arg15[%swap3A_155, %swap3A_156, %swap3A_157] : memref<3x8x64xf32, #tpu.memory_space<vmem>>, vector<1x8x64xf32>
    %swap3A_159 = vector.shape_cast %swap3A_158 : vector<1x8x64xf32> to vector<8x64xf32>
    %swap3A_160 = vector.shape_cast %add3A_154 : vector<8x64xf32> to vector<1x8x64xf32>
    tpu.vector_store %arg15[%swap3A_155, %swap3A_156, %swap3A_157], %swap3A_160 {strides = array<i32>} : memref<3x8x64xf32, #tpu.memory_space<vmem>>, vector<1x8x64xf32>,
    return
  }
  func.func @transform_0(%arg0: i32) -> (i32, i32) {
    %c0_i32 = arith.constant 0 : i32
    %c0_i32_0 = arith.constant 0 : i32
    %c0_i32_1 = arith.constant 0 : i32
    return %c0_i32, %c0_i32_0 : i32, i32
  }
  func.func @transform_1(%arg0: i32) -> (i32, i32) {
    %c0_i32 = arith.constant 0 : i32
    %c0_i32_0 = arith.constant 0 : i32
    %c0_i32_1 = arith.constant 0 : i32
    return %c0_i32, %c0_i32_0 : i32, i32
  }
  func.func @transform_2(%arg0: i32) -> (i32, i32) {
    %c0_i32 = arith.constant 0 : i32
    %c0_i32_0 = arith.constant 0 : i32
    %c0_i32_1 = arith.constant 0 : i32
    return %c0_i32, %c0_i32_0 : i32, i32
  }
  func.func @transform_3(%arg0: i32) -> (i32, i32) {
    %c0_i32 = arith.constant 0 : i32
    %c0_i32_0 = arith.constant 0 : i32
    %c0_i32_1 = arith.constant 0 : i32
    return %c0_i32, %c0_i32_0 : i32, i32
  }
  func.func @transform_4(%arg0: i32) -> (i32, i32) {
    %c0_i32 = arith.constant 0 : i32
    %c0_i32_0 = arith.constant 0 : i32
    %c0_i32_1 = arith.constant 0 : i32
    return %c0_i32, %c0_i32_0 : i32, i32
  }
  func.func @transform_5(%arg0: i32) -> (i32, i32) {
    %c0_i32 = arith.constant 0 : i32
    %c0_i32_0 = arith.constant 0 : i32
    %c0_i32_1 = arith.constant 0 : i32
    return %c0_i32, %c0_i32_0 : i32, i32
  }
  func.func @transform_6(%arg0: i32) -> (i32, i32) {
    %c0_i32 = arith.constant 0 : i32
    %c0_i32_0 = arith.constant 0 : i32
    %c0_i32_1 = arith.constant 0 : i32
    return %c0_i32, %c0_i32_0 : i32, i32
  }
  func.func @transform_7(%arg0: i32) -> (i32, i32) {
    %c0_i32 = arith.constant 0 : i32
    %c0_i32_0 = arith.constant 0 : i32
    %c0_i32_1 = arith.constant 0 : i32
    return %c0_i32, %c0_i32_0 : i32, i32
  }
  func.func @transform_8(%arg0: i32) -> (i32, i32) {
    %c0_i32 = arith.constant 0 : i32
    %c0_i32_0 = arith.constant 0 : i32
    %c0_i32_1 = arith.constant 0 : i32
    return %c0_i32, %c0_i32_0 : i32, i32
  }
  func.func @transform_9(%arg0: i32) -> (i32, i32, i32) {
    %c0_i32 = arith.constant 0 : i32
    %c0_i32_0 = arith.constant 0 : i32
    %c0_i32_1 = arith.constant 0 : i32
    %c0_i32_2 = arith.constant 0 : i32
    return %c0_i32, %c0_i32_0, %c0_i32_1 : i32, i32, i32
  }
  func.func @transform_10(%arg0: i32) -> (i32, i32, i32) {
    %c0_i32 = arith.constant 0 : i32
    %c0_i32_0 = arith.constant 0 : i32
    %c0_i32_1 = arith.constant 0 : i32
    %c0_i32_2 = arith.constant 0 : i32
    return %c0_i32, %c0_i32_0, %c0_i32_1 : i32, i32, i32
  }
  func.func @transform_11(%arg0: i32) -> (i32, i32, i32) {
    %c0_i32 = arith.constant 0 : i32
    %c0_i32_0 = arith.constant 0 : i32
    %c0_i32_1 = arith.constant 0 : i32
    %c0_i32_2 = arith.constant 0 : i32
    return %c0_i32, %c0_i32_0, %c0_i32_1 : i32, i32, i32
  }
  func.func @transform_12(%arg0: i32) -> (i32, i32, i32) {
    %c0_i32 = arith.constant 0 : i32
    %c0_i32_0 = arith.constant 0 : i32
    %c0_i32_1 = arith.constant 0 : i32
    %c0_i32_2 = arith.constant 0 : i32
    return %c0_i32, %c0_i32_0, %c0_i32_1 : i32, i32, i32
  }
  func.func @transform_13(%arg0: i32) -> (i32, i32, i32) {
    %c0_i32 = arith.constant 0 : i32
    %c0_i32_0 = arith.constant 0 : i32
    %c0_i32_1 = arith.constant 0 : i32
    %c0_i32_2 = arith.constant 0 : i32
    return %c0_i32, %c0_i32_0, %c0_i32_1 : i32, i32, i32
  }
  func.func @transform_14(%arg0: i32) -> (i32, i32, i32) {
    %c0_i32 = arith.constant 0 : i32
    %c0_i32_0 = arith.constant 0 : i32
    %c0_i32_1 = arith.constant 0 : i32
    %c0_i32_2 = arith.constant 0 : i32
    return %c0_i32, %c0_i32_0, %c0_i32_1 : i32, i32, i32
  }
}

module attributes {stable_mosaic.version = 14 : i64} {
  func.func @_prep_body(%arg0: i32, %arg1: memref<2048x64xf32, #tpu.memory_space<vmem>>, %arg2: memref<1x1x2048xi32, #tpu.memory_space<vmem>>, %arg3: memref<8x64xf32, #tpu.memory_space<vmem>>, %arg4: memref<64x64xf32, #tpu.memory_space<vmem>>, %arg5: memref<64x64xf32, #tpu.memory_space<vmem>>, %arg6: memref<2048x64xf32, #tpu.memory_space<vmem>>, %arg7: memref<2048x64xf32, #tpu.memory_space<vmem>>) attributes {dimension_semantics = [#tpu.dimension_semantics<arbitrary>], iteration_bounds = array<i64: 5>, scalar_prefetch = 0 : i64, scratch_operands = 0 : i64, tpu.core_type = #tpu.core_type<tc>, window_params = [{transform_indices = @transform_0, window_bounds = array<i64: 2048, 64>}, {transform_indices = @transform_1, window_bounds = array<i64: 1, 1, 2048>}, {pipeline_mode = #tpu.pipeline_mode<synchronous>, transform_indices = @transform_2, window_bounds = array<i64: 8, 64>}, {pipeline_mode = #tpu.pipeline_mode<synchronous>, transform_indices = @transform_3, window_bounds = array<i64: 64, 64>}, {pipeline_mode = #tpu.pipeline_mode<synchronous>, transform_indices = @transform_4, window_bounds = array<i64: 64, 64>}, {transform_indices = @transform_5, window_bounds = array<i64: 2048, 64>}, {transform_indices = @transform_6, window_bounds = array<i64: 2048, 64>}]} {
    %get3A = arith.constant 0 : index
    %get3A_0 = arith.constant 0 : index
    %get3A_1 = vector.load %arg1[%get3A, %get3A_0] : memref<2048x64xf32, #tpu.memory_space<vmem>>, vector<2048x64xf32>
    %get3A_2 = arith.constant 0 : index
    %get3A_3 = arith.constant 0 : index
    %get3A_4 = arith.constant 0 : index
    %get3A_5 = vector.load %arg2[%get3A_2, %get3A_3, %get3A_4] : memref<1x1x2048xi32, #tpu.memory_space<vmem>>, vector<1x1x2048xi32>
    %get3A_6 = vector.shape_cast %get3A_5 : vector<1x1x2048xi32> to vector<2048xi32>
    %iota3A = tpu.iota {dimensions = array<i32: 1>} : vector<1x8xi32>
    %broadcast_in_dim3A = vector.shape_cast %get3A_6 : vector<2048xi32> to vector<2048x1xi32>
    %eq3A = vector.broadcast %broadcast_in_dim3A : vector<2048x1xi32> to vector<2048x8xi32>
    %eq3A_7 = vector.broadcast %iota3A : vector<1x8xi32> to vector<2048x8xi32>
    %eq3A_8 = arith.cmpi eq, %eq3A, %eq3A_7 : vector<2048x8xi32>
    %convert_element_type3A = arith.extui %eq3A_8 : vector<2048x8xi1> to vector<2048x8xi32>
    %convert_element_type3A_9 = arith.sitofp %convert_element_type3A : vector<2048x8xi32> to vector<2048x8xf32>
    %get3A_10 = arith.constant 0 : index
    %get3A_11 = arith.constant 0 : index
    %get3A_12 = vector.load %arg4[%get3A_10, %get3A_11] : memref<64x64xf32, #tpu.memory_space<vmem>>, vector<64x64xf32>
    %dot_general3A = arith.constant dense<0.000000e+00> : vector<2048x64xf32>
    %dot_general3A_13 = tpu.matmul %get3A_1, %get3A_12, %dot_general3A {dimension_numbers = #tpu.dot_dimension_numbers<[1], [0], [0], [1], [0, 0, 1, 1], [], []>, transpose_lhs_hint = false} : vector<2048x64xf32>, vector<64x64xf32>, vector<2048x64xf32> -> vector<2048x64xf32>
    %get3A_14 = arith.constant 0 : index
    %get3A_15 = arith.constant 0 : index
    %get3A_16 = vector.load %arg3[%get3A_14, %get3A_15] : memref<8x64xf32, #tpu.memory_space<vmem>>, vector<8x64xf32>
    %dot_general3A_17 = arith.constant dense<0.000000e+00> : vector<2048x64xf32>
    %dot_general3A_18 = tpu.matmul %convert_element_type3A_9, %get3A_16, %dot_general3A_17 {dimension_numbers = #tpu.dot_dimension_numbers<[1], [0], [0], [1], [0, 0, 1, 1], [], []>, transpose_lhs_hint = false} : vector<2048x8xf32>, vector<8x64xf32>, vector<2048x64xf32> -> vector<2048x64xf32>
    %add3A = arith.addf %dot_general3A_13, %dot_general3A_18 : vector<2048x64xf32>
    %swap3A = arith.constant 0 : index
    %swap3A_19 = arith.constant 0 : index
    %swap3A_20 = vector.load %arg6[%swap3A, %swap3A_19] : memref<2048x64xf32, #tpu.memory_space<vmem>>, vector<2048x64xf32>
    tpu.vector_store %arg6[%swap3A, %swap3A_19], %add3A {strides = array<i32>} : memref<2048x64xf32, #tpu.memory_space<vmem>>, vector<2048x64xf32>,
    %get3A_21 = arith.constant 0 : index
    %get3A_22 = arith.constant 0 : index
    %get3A_23 = vector.load %arg5[%get3A_21, %get3A_22] : memref<64x64xf32, #tpu.memory_space<vmem>>, vector<64x64xf32>
    %dot_general3A_24 = arith.constant dense<0.000000e+00> : vector<2048x64xf32>
    %dot_general3A_25 = tpu.matmul %get3A_1, %get3A_23, %dot_general3A_24 {dimension_numbers = #tpu.dot_dimension_numbers<[1], [0], [0], [1], [0, 0, 1, 1], [], []>, transpose_lhs_hint = false} : vector<2048x64xf32>, vector<64x64xf32>, vector<2048x64xf32> -> vector<2048x64xf32>
    %swap3A_26 = arith.constant 0 : index
    %swap3A_27 = arith.constant 0 : index
    %swap3A_28 = vector.load %arg7[%swap3A_26, %swap3A_27] : memref<2048x64xf32, #tpu.memory_space<vmem>>, vector<2048x64xf32>
    tpu.vector_store %arg7[%swap3A_26, %swap3A_27], %dot_general3A_25 {strides = array<i32>} : memref<2048x64xf32, #tpu.memory_space<vmem>>, vector<2048x64xf32>,
    return
  }
  func.func @transform_0(%arg0: i32) -> (i32, i32) {
    %c0_i32 = arith.constant 0 : i32
    %c0_i32_0 = arith.constant 0 : i32
    return %arg0, %c0_i32 : i32, i32
  }
  func.func @transform_1(%arg0: i32) -> (i32, i32, i32) {
    %c0_i32 = arith.constant 0 : i32
    %c0_i32_0 = arith.constant 0 : i32
    %c0_i32_1 = arith.constant 0 : i32
    return %arg0, %c0_i32, %c0_i32_0 : i32, i32, i32
  }
  func.func @transform_2(%arg0: i32) -> (i32, i32) {
    %c0_i32 = arith.constant 0 : i32
    %c0_i32_0 = arith.constant 0 : i32
    %c0_i32_1 = arith.constant 0 : i32
    return %c0_i32, %c0_i32_0 : i32, i32
  }
  func.func @transform_3(%arg0: i32) -> (i32, i32) {
    %c0_i32 = arith.constant 0 : i32
    %c0_i32_0 = arith.constant 0 : i32
    %c0_i32_1 = arith.constant 0 : i32
    return %c0_i32, %c0_i32_0 : i32, i32
  }
  func.func @transform_4(%arg0: i32) -> (i32, i32) {
    %c0_i32 = arith.constant 0 : i32
    %c0_i32_0 = arith.constant 0 : i32
    %c0_i32_1 = arith.constant 0 : i32
    return %c0_i32, %c0_i32_0 : i32, i32
  }
  func.func @transform_5(%arg0: i32) -> (i32, i32) {
    %c0_i32 = arith.constant 0 : i32
    %c0_i32_0 = arith.constant 0 : i32
    return %arg0, %c0_i32 : i32, i32
  }
  func.func @transform_6(%arg0: i32) -> (i32, i32) {
    %c0_i32 = arith.constant 0 : i32
    %c0_i32_0 = arith.constant 0 : i32
    return %arg0, %c0_i32 : i32, i32
  }
}

module attributes {stable_mosaic.version = 14 : i64} {
  func.func @_encode_body(%arg0: i32, %arg1: memref<2048x128xf32, #tpu.memory_space<vmem>>, %arg2: memref<128x64xf32, #tpu.memory_space<vmem>>, %arg3: memref<1x64xf32, #tpu.memory_space<vmem>>, %arg4: memref<64x64xf32, #tpu.memory_space<vmem>>, %arg5: memref<1x64xf32, #tpu.memory_space<vmem>>, %arg6: memref<2048x64xf32, #tpu.memory_space<vmem>>) attributes {dimension_semantics = [#tpu.dimension_semantics<arbitrary>], iteration_bounds = array<i64: 5>, scalar_prefetch = 0 : i64, scratch_operands = 0 : i64, tpu.core_type = #tpu.core_type<tc>, window_params = [{transform_indices = @transform_0, window_bounds = array<i64: 2048, 128>}, {pipeline_mode = #tpu.pipeline_mode<synchronous>, transform_indices = @transform_1, window_bounds = array<i64: 128, 64>}, {pipeline_mode = #tpu.pipeline_mode<synchronous>, transform_indices = @transform_2, window_bounds = array<i64: 1, 64>}, {pipeline_mode = #tpu.pipeline_mode<synchronous>, transform_indices = @transform_3, window_bounds = array<i64: 64, 64>}, {pipeline_mode = #tpu.pipeline_mode<synchronous>, transform_indices = @transform_4, window_bounds = array<i64: 1, 64>}, {transform_indices = @transform_5, window_bounds = array<i64: 2048, 64>}]} {
    %get3A = arith.constant 0 : index
    %get3A_0 = arith.constant 0 : index
    %get3A_1 = vector.load %arg1[%get3A, %get3A_0] : memref<2048x128xf32, #tpu.memory_space<vmem>>, vector<2048x128xf32>
    %get3A_2 = arith.constant 0 : index
    %get3A_3 = arith.constant 0 : index
    %get3A_4 = vector.load %arg2[%get3A_2, %get3A_3] : memref<128x64xf32, #tpu.memory_space<vmem>>, vector<128x64xf32>
    %dot_general3A = arith.constant dense<0.000000e+00> : vector<2048x64xf32>
    %dot_general3A_5 = tpu.matmul %get3A_1, %get3A_4, %dot_general3A {dimension_numbers = #tpu.dot_dimension_numbers<[1], [0], [0], [1], [0, 0, 1, 1], [], []>, transpose_lhs_hint = false} : vector<2048x128xf32>, vector<128x64xf32>, vector<2048x64xf32> -> vector<2048x64xf32>
    %get3A_6 = arith.constant 0 : index
    %get3A_7 = arith.constant 0 : index
    %get3A_8 = vector.load %arg3[%get3A_6, %get3A_7] : memref<1x64xf32, #tpu.memory_space<vmem>>, vector<1x64xf32>
    %add3A = vector.broadcast %get3A_8 : vector<1x64xf32> to vector<2048x64xf32>
    %add3A_9 = arith.addf %dot_general3A_5, %add3A : vector<2048x64xf32>
    %max3A = arith.constant 0.000000e+00 : f32
    %max3A_10 = vector.broadcast %max3A : f32 to vector<2048x64xf32>
    %max3A_11 = arith.maximumf %add3A_9, %max3A_10 : vector<2048x64xf32>
    %get3A_12 = arith.constant 0 : index
    %get3A_13 = arith.constant 0 : index
    %get3A_14 = vector.load %arg4[%get3A_12, %get3A_13] : memref<64x64xf32, #tpu.memory_space<vmem>>, vector<64x64xf32>
    %dot_general3A_15 = arith.constant dense<0.000000e+00> : vector<2048x64xf32>
    %dot_general3A_16 = tpu.matmul %max3A_11, %get3A_14, %dot_general3A_15 {dimension_numbers = #tpu.dot_dimension_numbers<[1], [0], [0], [1], [0, 0, 1, 1], [], []>, transpose_lhs_hint = false} : vector<2048x64xf32>, vector<64x64xf32>, vector<2048x64xf32> -> vector<2048x64xf32>
    %get3A_17 = arith.constant 0 : index
    %get3A_18 = arith.constant 0 : index
    %get3A_19 = vector.load %arg5[%get3A_17, %get3A_18] : memref<1x64xf32, #tpu.memory_space<vmem>>, vector<1x64xf32>
    %add3A_20 = vector.broadcast %get3A_19 : vector<1x64xf32> to vector<2048x64xf32>
    %add3A_21 = arith.addf %dot_general3A_16, %add3A_20 : vector<2048x64xf32>
    %swap3A = arith.constant 0 : index
    %swap3A_22 = arith.constant 0 : index
    %swap3A_23 = vector.load %arg6[%swap3A, %swap3A_22] : memref<2048x64xf32, #tpu.memory_space<vmem>>, vector<2048x64xf32>
    tpu.vector_store %arg6[%swap3A, %swap3A_22], %add3A_21 {strides = array<i32>} : memref<2048x64xf32, #tpu.memory_space<vmem>>, vector<2048x64xf32>,
    return
  }
  func.func @transform_0(%arg0: i32) -> (i32, i32) {
    %c0_i32 = arith.constant 0 : i32
    %c0_i32_0 = arith.constant 0 : i32
    return %arg0, %c0_i32 : i32, i32
  }
  func.func @transform_1(%arg0: i32) -> (i32, i32) {
    %c0_i32 = arith.constant 0 : i32
    %c0_i32_0 = arith.constant 0 : i32
    %c0_i32_1 = arith.constant 0 : i32
    return %c0_i32, %c0_i32_0 : i32, i32
  }
  func.func @transform_2(%arg0: i32) -> (i32, i32) {
    %c0_i32 = arith.constant 0 : i32
    %c0_i32_0 = arith.constant 0 : i32
    %c0_i32_1 = arith.constant 0 : i32
    return %c0_i32, %c0_i32_0 : i32, i32
  }
  func.func @transform_3(%arg0: i32) -> (i32, i32) {
    %c0_i32 = arith.constant 0 : i32
    %c0_i32_0 = arith.constant 0 : i32
    %c0_i32_1 = arith.constant 0 : i32
    return %c0_i32, %c0_i32_0 : i32, i32
  }
  func.func @transform_4(%arg0: i32) -> (i32, i32) {
    %c0_i32 = arith.constant 0 : i32
    %c0_i32_0 = arith.constant 0 : i32
    %c0_i32_1 = arith.constant 0 : i32
    return %c0_i32, %c0_i32_0 : i32, i32
  }
  func.func @transform_5(%arg0: i32) -> (i32, i32) {
    %c0_i32 = arith.constant 0 : i32
    %c0_i32_0 = arith.constant 0 : i32
    return %arg0, %c0_i32 : i32, i32
  }
}

module attributes {stable_mosaic.version = 14 : i64} {
  func.func @_edge0_body(%arg0: i32, %arg1: memref<1024x128xf32, #tpu.memory_space<vmem>>, %arg2: memref<1024x128xf32, #tpu.memory_space<vmem>>, %arg3: memref<1024x32xf32, #tpu.memory_space<vmem>>, %arg4: memref<32x128xf32, #tpu.memory_space<vmem>>, %arg5: memref<1x128xf32, #tpu.memory_space<vmem>>, %arg6: memref<128x128xf32, #tpu.memory_space<vmem>>, %arg7: memref<1x128xf32, #tpu.memory_space<vmem>>, %arg8: memref<128x128xf32, #tpu.memory_space<vmem>>, %arg9: memref<128x128xf32, #tpu.memory_space<vmem>>, %arg10: memref<1x128xf32, #tpu.memory_space<vmem>>, %arg11: memref<1024x128xf32, #tpu.memory_space<vmem>>) attributes {dimension_semantics = [#tpu.dimension_semantics<arbitrary>], iteration_bounds = array<i64: 160>, scalar_prefetch = 0 : i64, scratch_operands = 0 : i64, tpu.core_type = #tpu.core_type<tc>, window_params = [{transform_indices = @transform_0, window_bounds = array<i64: 1024, 128>}, {transform_indices = @transform_1, window_bounds = array<i64: 1024, 128>}, {transform_indices = @transform_2, window_bounds = array<i64: 1024, 32>}, {pipeline_mode = #tpu.pipeline_mode<synchronous>, transform_indices = @transform_3, window_bounds = array<i64: 32, 128>}, {pipeline_mode = #tpu.pipeline_mode<synchronous>, transform_indices = @transform_4, window_bounds = array<i64: 1, 128>}, {pipeline_mode = #tpu.pipeline_mode<synchronous>, transform_indices = @transform_5, window_bounds = array<i64: 128, 128>}, {pipeline_mode = #tpu.pipeline_mode<synchronous>, transform_indices = @transform_6, window_bounds = array<i64: 1, 128>}, {pipeline_mode = #tpu.pipeline_mode<synchronous>, transform_indices = @transform_7, window_bounds = array<i64: 128, 128>}, {pipeline_mode = #tpu.pipeline_mode<synchronous>, transform_indices = @transform_8, window_bounds = array<i64: 128, 128>}, {pipeline_mode = #tpu.pipeline_mode<synchronous>, transform_indices = @transform_9, window_bounds = array<i64: 1, 128>}, {transform_indices = @transform_10, window_bounds = array<i64: 1024, 128>}]} {
    %get3A = arith.constant 0 : index
    %get3A_0 = arith.constant 0 : index
    %get3A_1 = vector.load %arg3[%get3A, %get3A_0] : memref<1024x32xf32, #tpu.memory_space<vmem>>, vector<1024x32xf32>
    %get3A_2 = arith.constant 0 : index
    %get3A_3 = arith.constant 0 : index
    %get3A_4 = vector.load %arg4[%get3A_2, %get3A_3] : memref<32x128xf32, #tpu.memory_space<vmem>>, vector<32x128xf32>
    %dot_general3A = arith.constant dense<0.000000e+00> : vector<1024x128xf32>
    %dot_general3A_5 = tpu.matmul %get3A_1, %get3A_4, %dot_general3A {dimension_numbers = #tpu.dot_dimension_numbers<[1], [0], [0], [1], [0, 0, 1, 1], [], []>, transpose_lhs_hint = false} : vector<1024x32xf32>, vector<32x128xf32>, vector<1024x128xf32> -> vector<1024x128xf32>
    %get3A_6 = arith.constant 0 : index
    %get3A_7 = arith.constant 0 : index
    %get3A_8 = vector.load %arg5[%get3A_6, %get3A_7] : memref<1x128xf32, #tpu.memory_space<vmem>>, vector<1x128xf32>
    %add3A = vector.broadcast %get3A_8 : vector<1x128xf32> to vector<1024x128xf32>
    %add3A_9 = arith.addf %dot_general3A_5, %add3A : vector<1024x128xf32>
    %max3A = arith.constant 0.000000e+00 : f32
    %max3A_10 = vector.broadcast %max3A : f32 to vector<1024x128xf32>
    %max3A_11 = arith.maximumf %add3A_9, %max3A_10 : vector<1024x128xf32>
    %get3A_12 = arith.constant 0 : index
    %get3A_13 = arith.constant 0 : index
    %get3A_14 = vector.load %arg6[%get3A_12, %get3A_13] : memref<128x128xf32, #tpu.memory_space<vmem>>, vector<128x128xf32>
    %dot_general3A_15 = arith.constant dense<0.000000e+00> : vector<1024x128xf32>
    %dot_general3A_16 = tpu.matmul %max3A_11, %get3A_14, %dot_general3A_15 {dimension_numbers = #tpu.dot_dimension_numbers<[1], [0], [0], [1], [0, 0, 1, 1], [], []>, transpose_lhs_hint = false} : vector<1024x128xf32>, vector<128x128xf32>, vector<1024x128xf32> -> vector<1024x128xf32>
    %get3A_17 = arith.constant 0 : index
    %get3A_18 = arith.constant 0 : index
    %get3A_19 = vector.load %arg7[%get3A_17, %get3A_18] : memref<1x128xf32, #tpu.memory_space<vmem>>, vector<1x128xf32>
    %add3A_20 = vector.broadcast %get3A_19 : vector<1x128xf32> to vector<1024x128xf32>
    %add3A_21 = arith.addf %dot_general3A_16, %add3A_20 : vector<1024x128xf32>
    %get3A_22 = arith.constant 0 : index
    %get3A_23 = arith.constant 0 : index
    %get3A_24 = vector.load %arg1[%get3A_22, %get3A_23] : memref<1024x128xf32, #tpu.memory_space<vmem>>, vector<1024x128xf32>
    %get3A_25 = arith.constant 0 : index
    %get3A_26 = arith.constant 0 : index
    %get3A_27 = vector.load %arg2[%get3A_25, %get3A_26] : memref<1024x128xf32, #tpu.memory_space<vmem>>, vector<1024x128xf32>
    %add3A_28 = arith.addf %get3A_24, %get3A_27 : vector<1024x128xf32>
    %get3A_29 = arith.constant 0 : index
    %get3A_30 = arith.constant 0 : index
    %get3A_31 = vector.load %arg8[%get3A_29, %get3A_30] : memref<128x128xf32, #tpu.memory_space<vmem>>, vector<128x128xf32>
    %dot_general3A_32 = arith.constant dense<0.000000e+00> : vector<1024x128xf32>
    %dot_general3A_33 = tpu.matmul %add3A_21, %get3A_31, %dot_general3A_32 {dimension_numbers = #tpu.dot_dimension_numbers<[1], [0], [0], [1], [0, 0, 1, 1], [], []>, transpose_lhs_hint = false} : vector<1024x128xf32>, vector<128x128xf32>, vector<1024x128xf32> -> vector<1024x128xf32>
    %add3A_34 = arith.addf %add3A_28, %dot_general3A_33 : vector<1024x128xf32>
    %max3A_35 = arith.constant 0.000000e+00 : f32
    %max3A_36 = vector.broadcast %max3A_35 : f32 to vector<1024x128xf32>
    %max3A_37 = arith.maximumf %add3A_34, %max3A_36 : vector<1024x128xf32>
    %get3A_38 = arith.constant 0 : index
    %get3A_39 = arith.constant 0 : index
    %get3A_40 = vector.load %arg9[%get3A_38, %get3A_39] : memref<128x128xf32, #tpu.memory_space<vmem>>, vector<128x128xf32>
    %dot_general3A_41 = arith.constant dense<0.000000e+00> : vector<1024x128xf32>
    %dot_general3A_42 = tpu.matmul %max3A_37, %get3A_40, %dot_general3A_41 {dimension_numbers = #tpu.dot_dimension_numbers<[1], [0], [0], [1], [0, 0, 1, 1], [], []>, transpose_lhs_hint = false} : vector<1024x128xf32>, vector<128x128xf32>, vector<1024x128xf32> -> vector<1024x128xf32>
    %get3A_43 = arith.constant 0 : index
    %get3A_44 = arith.constant 0 : index
    %get3A_45 = vector.load %arg10[%get3A_43, %get3A_44] : memref<1x128xf32, #tpu.memory_space<vmem>>, vector<1x128xf32>
    %add3A_46 = vector.broadcast %get3A_45 : vector<1x128xf32> to vector<1024x128xf32>
    %add3A_47 = arith.addf %dot_general3A_42, %add3A_46 : vector<1024x128xf32>
    %swap3A = arith.constant 0 : index
    %swap3A_48 = arith.constant 0 : index
    %swap3A_49 = vector.load %arg11[%swap3A, %swap3A_48] : memref<1024x128xf32, #tpu.memory_space<vmem>>, vector<1024x128xf32>
    tpu.vector_store %arg11[%swap3A, %swap3A_48], %add3A_47 {strides = array<i32>} : memref<1024x128xf32, #tpu.memory_space<vmem>>, vector<1024x128xf32>,
    return
  }
  func.func @transform_0(%arg0: i32) -> (i32, i32) {
    %c0_i32 = arith.constant 0 : i32
    %c0_i32_0 = arith.constant 0 : i32
    return %arg0, %c0_i32 : i32, i32
  }
  func.func @transform_1(%arg0: i32) -> (i32, i32) {
    %c0_i32 = arith.constant 0 : i32
    %c0_i32_0 = arith.constant 0 : i32
    return %arg0, %c0_i32 : i32, i32
  }
  func.func @transform_2(%arg0: i32) -> (i32, i32) {
    %c0_i32 = arith.constant 0 : i32
    %c0_i32_0 = arith.constant 0 : i32
    return %arg0, %c0_i32 : i32, i32
  }
  func.func @transform_3(%arg0: i32) -> (i32, i32) {
    %c0_i32 = arith.constant 0 : i32
    %c0_i32_0 = arith.constant 0 : i32
    %c0_i32_1 = arith.constant 0 : i32
    return %c0_i32, %c0_i32_0 : i32, i32
  }
  func.func @transform_4(%arg0: i32) -> (i32, i32) {
    %c0_i32 = arith.constant 0 : i32
    %c0_i32_0 = arith.constant 0 : i32
    %c0_i32_1 = arith.constant 0 : i32
    return %c0_i32, %c0_i32_0 : i32, i32
  }
  func.func @transform_5(%arg0: i32) -> (i32, i32) {
    %c0_i32 = arith.constant 0 : i32
    %c0_i32_0 = arith.constant 0 : i32
    %c0_i32_1 = arith.constant 0 : i32
    return %c0_i32, %c0_i32_0 : i32, i32
  }
  func.func @transform_6(%arg0: i32) -> (i32, i32) {
    %c0_i32 = arith.constant 0 : i32
    %c0_i32_0 = arith.constant 0 : i32
    %c0_i32_1 = arith.constant 0 : i32
    return %c0_i32, %c0_i32_0 : i32, i32
  }
  func.func @transform_7(%arg0: i32) -> (i32, i32) {
    %c0_i32 = arith.constant 0 : i32
    %c0_i32_0 = arith.constant 0 : i32
    %c0_i32_1 = arith.constant 0 : i32
    return %c0_i32, %c0_i32_0 : i32, i32
  }
  func.func @transform_8(%arg0: i32) -> (i32, i32) {
    %c0_i32 = arith.constant 0 : i32
    %c0_i32_0 = arith.constant 0 : i32
    %c0_i32_1 = arith.constant 0 : i32
    return %c0_i32, %c0_i32_0 : i32, i32
  }
  func.func @transform_9(%arg0: i32) -> (i32, i32) {
    %c0_i32 = arith.constant 0 : i32
    %c0_i32_0 = arith.constant 0 : i32
    %c0_i32_1 = arith.constant 0 : i32
    return %c0_i32, %c0_i32_0 : i32, i32
  }
  func.func @transform_10(%arg0: i32) -> (i32, i32) {
    %c0_i32 = arith.constant 0 : i32
    %c0_i32_0 = arith.constant 0 : i32
    return %arg0, %c0_i32 : i32, i32
  }
}

module attributes {stable_mosaic.version = 14 : i64} {
  func.func @_node_body(%arg0: i32, %arg1: memref<2048x64xf32, #tpu.memory_space<vmem>>, %arg2: memref<2x2048x64xf32, #tpu.memory_space<vmem>>, %arg3: memref<1x1x2048xi32, #tpu.memory_space<vmem>>, %arg4: memref<8x64xf32, #tpu.memory_space<vmem>>, %arg5: memref<64x64xf32, #tpu.memory_space<vmem>>, %arg6: memref<64x64xf32, #tpu.memory_space<vmem>>, %arg7: memref<64x64xf32, #tpu.memory_space<vmem>>, %arg8: memref<1x64xf32, #tpu.memory_space<vmem>>, %arg9: memref<2048x64xf32, #tpu.memory_space<vmem>>) attributes {dimension_semantics = [#tpu.dimension_semantics<arbitrary>], iteration_bounds = array<i64: 5>, scalar_prefetch = 0 : i64, scratch_operands = 0 : i64, tpu.core_type = #tpu.core_type<tc>, window_params = [{transform_indices = @transform_0, window_bounds = array<i64: 2048, 64>}, {transform_indices = @transform_1, window_bounds = array<i64: 2, 2048, 64>}, {transform_indices = @transform_2, window_bounds = array<i64: 1, 1, 2048>}, {pipeline_mode = #tpu.pipeline_mode<synchronous>, transform_indices = @transform_3, window_bounds = array<i64: 8, 64>}, {pipeline_mode = #tpu.pipeline_mode<synchronous>, transform_indices = @transform_4, window_bounds = array<i64: 64, 64>}, {pipeline_mode = #tpu.pipeline_mode<synchronous>, transform_indices = @transform_5, window_bounds = array<i64: 64, 64>}, {pipeline_mode = #tpu.pipeline_mode<synchronous>, transform_indices = @transform_6, window_bounds = array<i64: 64, 64>}, {pipeline_mode = #tpu.pipeline_mode<synchronous>, transform_indices = @transform_7, window_bounds = array<i64: 1, 64>}, {transform_indices = @transform_8, window_bounds = array<i64: 2048, 64>}]} {
    %get3A = arith.constant 0 : index
    %get3A_0 = arith.constant 0 : index
    %get3A_1 = vector.load %arg1[%get3A, %get3A_0] : memref<2048x64xf32, #tpu.memory_space<vmem>>, vector<2048x64xf32>
    %get3A_2 = arith.constant 0 : index
    %get3A_3 = arith.constant 0 : index
    %get3A_4 = arith.constant 0 : index
    %get3A_5 = vector.load %arg2[%get3A_2, %get3A_3, %get3A_4] : memref<2x2048x64xf32, #tpu.memory_space<vmem>>, vector<1x2048x64xf32>
    %get3A_6 = vector.shape_cast %get3A_5 : vector<1x2048x64xf32> to vector<2048x64xf32>
    %get3A_7 = arith.constant 1 : index
    %get3A_8 = arith.constant 0 : index
    %get3A_9 = arith.constant 0 : index
    %get3A_10 = vector.load %arg2[%get3A_7, %get3A_8, %get3A_9] : memref<2x2048x64xf32, #tpu.memory_space<vmem>>, vector<1x2048x64xf32>
    %get3A_11 = vector.shape_cast %get3A_10 : vector<1x2048x64xf32> to vector<2048x64xf32>
    %add3A = arith.addf %get3A_6, %get3A_11 : vector<2048x64xf32>
    %get3A_12 = arith.constant 0 : index
    %get3A_13 = arith.constant 0 : index
    %get3A_14 = arith.constant 0 : index
    %get3A_15 = vector.load %arg3[%get3A_12, %get3A_13, %get3A_14] : memref<1x1x2048xi32, #tpu.memory_space<vmem>>, vector<1x1x2048xi32>
    %get3A_16 = vector.shape_cast %get3A_15 : vector<1x1x2048xi32> to vector<2048xi32>
    %iota3A = tpu.iota {dimensions = array<i32: 1>} : vector<1x8xi32>
    %broadcast_in_dim3A = vector.shape_cast %get3A_16 : vector<2048xi32> to vector<2048x1xi32>
    %eq3A = vector.broadcast %broadcast_in_dim3A : vector<2048x1xi32> to vector<2048x8xi32>
    %eq3A_17 = vector.broadcast %iota3A : vector<1x8xi32> to vector<2048x8xi32>
    %eq3A_18 = arith.cmpi eq, %eq3A, %eq3A_17 : vector<2048x8xi32>
    %convert_element_type3A = arith.extui %eq3A_18 : vector<2048x8xi1> to vector<2048x8xi32>
    %convert_element_type3A_19 = arith.sitofp %convert_element_type3A : vector<2048x8xi32> to vector<2048x8xf32>
    %get3A_20 = arith.constant 0 : index
    %get3A_21 = arith.constant 0 : index
    %get3A_22 = vector.load %arg5[%get3A_20, %get3A_21] : memref<64x64xf32, #tpu.memory_space<vmem>>, vector<64x64xf32>
    %dot_general3A = arith.constant dense<0.000000e+00> : vector<2048x64xf32>
    %dot_general3A_23 = tpu.matmul %get3A_1, %get3A_22, %dot_general3A {dimension_numbers = #tpu.dot_dimension_numbers<[1], [0], [0], [1], [0, 0, 1, 1], [], []>, transpose_lhs_hint = false} : vector<2048x64xf32>, vector<64x64xf32>, vector<2048x64xf32> -> vector<2048x64xf32>
    %get3A_24 = arith.constant 0 : index
    %get3A_25 = arith.constant 0 : index
    %get3A_26 = vector.load %arg6[%get3A_24, %get3A_25] : memref<64x64xf32, #tpu.memory_space<vmem>>, vector<64x64xf32>
    %dot_general3A_27 = arith.constant dense<0.000000e+00> : vector<2048x64xf32>
    %dot_general3A_28 = tpu.matmul %add3A, %get3A_26, %dot_general3A_27 {dimension_numbers = #tpu.dot_dimension_numbers<[1], [0], [0], [1], [0, 0, 1, 1], [], []>, transpose_lhs_hint = false} : vector<2048x64xf32>, vector<64x64xf32>, vector<2048x64xf32> -> vector<2048x64xf32>
    %add3A_29 = arith.addf %dot_general3A_23, %dot_general3A_28 : vector<2048x64xf32>
    %get3A_30 = arith.constant 0 : index
    %get3A_31 = arith.constant 0 : index
    %get3A_32 = vector.load %arg4[%get3A_30, %get3A_31] : memref<8x64xf32, #tpu.memory_space<vmem>>, vector<8x64xf32>
    %dot_general3A_33 = arith.constant dense<0.000000e+00> : vector<2048x64xf32>
    %dot_general3A_34 = tpu.matmul %convert_element_type3A_19, %get3A_32, %dot_general3A_33 {dimension_numbers = #tpu.dot_dimension_numbers<[1], [0], [0], [1], [0, 0, 1, 1], [], []>, transpose_lhs_hint = false} : vector<2048x8xf32>, vector<8x64xf32>, vector<2048x64xf32> -> vector<2048x64xf32>
    %add3A_35 = arith.addf %add3A_29, %dot_general3A_34 : vector<2048x64xf32>
    %max3A = arith.constant 0.000000e+00 : f32
    %max3A_36 = vector.broadcast %max3A : f32 to vector<2048x64xf32>
    %max3A_37 = arith.maximumf %add3A_35, %max3A_36 : vector<2048x64xf32>
    %get3A_38 = arith.constant 0 : index
    %get3A_39 = arith.constant 0 : index
    %get3A_40 = vector.load %arg7[%get3A_38, %get3A_39] : memref<64x64xf32, #tpu.memory_space<vmem>>, vector<64x64xf32>
    %dot_general3A_41 = arith.constant dense<0.000000e+00> : vector<2048x64xf32>
    %dot_general3A_42 = tpu.matmul %max3A_37, %get3A_40, %dot_general3A_41 {dimension_numbers = #tpu.dot_dimension_numbers<[1], [0], [0], [1], [0, 0, 1, 1], [], []>, transpose_lhs_hint = false} : vector<2048x64xf32>, vector<64x64xf32>, vector<2048x64xf32> -> vector<2048x64xf32>
    %get3A_43 = arith.constant 0 : index
    %get3A_44 = arith.constant 0 : index
    %get3A_45 = vector.load %arg8[%get3A_43, %get3A_44] : memref<1x64xf32, #tpu.memory_space<vmem>>, vector<1x64xf32>
    %add3A_46 = vector.broadcast %get3A_45 : vector<1x64xf32> to vector<2048x64xf32>
    %add3A_47 = arith.addf %dot_general3A_42, %add3A_46 : vector<2048x64xf32>
    %add3A_48 = arith.addf %add3A_47, %get3A_1 : vector<2048x64xf32>
    %swap3A = arith.constant 0 : index
    %swap3A_49 = arith.constant 0 : index
    %swap3A_50 = vector.load %arg9[%swap3A, %swap3A_49] : memref<2048x64xf32, #tpu.memory_space<vmem>>, vector<2048x64xf32>
    tpu.vector_store %arg9[%swap3A, %swap3A_49], %add3A_48 {strides = array<i32>} : memref<2048x64xf32, #tpu.memory_space<vmem>>, vector<2048x64xf32>,
    return
  }
  func.func @transform_0(%arg0: i32) -> (i32, i32) {
    %c0_i32 = arith.constant 0 : i32
    %c0_i32_0 = arith.constant 0 : i32
    return %arg0, %c0_i32 : i32, i32
  }
  func.func @transform_1(%arg0: i32) -> (i32, i32, i32) {
    %c0_i32 = arith.constant 0 : i32
    %c0_i32_0 = arith.constant 0 : i32
    %c0_i32_1 = arith.constant 0 : i32
    return %c0_i32, %arg0, %c0_i32_0 : i32, i32, i32
  }
  func.func @transform_2(%arg0: i32) -> (i32, i32, i32) {
    %c0_i32 = arith.constant 0 : i32
    %c0_i32_0 = arith.constant 0 : i32
    %c0_i32_1 = arith.constant 0 : i32
    return %arg0, %c0_i32, %c0_i32_0 : i32, i32, i32
  }
  func.func @transform_3(%arg0: i32) -> (i32, i32) {
    %c0_i32 = arith.constant 0 : i32
    %c0_i32_0 = arith.constant 0 : i32
    %c0_i32_1 = arith.constant 0 : i32
    return %c0_i32, %c0_i32_0 : i32, i32
  }
  func.func @transform_4(%arg0: i32) -> (i32, i32) {
    %c0_i32 = arith.constant 0 : i32
    %c0_i32_0 = arith.constant 0 : i32
    %c0_i32_1 = arith.constant 0 : i32
    return %c0_i32, %c0_i32_0 : i32, i32
  }
  func.func @transform_5(%arg0: i32) -> (i32, i32) {
    %c0_i32 = arith.constant 0 : i32
    %c0_i32_0 = arith.constant 0 : i32
    %c0_i32_1 = arith.constant 0 : i32
    return %c0_i32, %c0_i32_0 : i32, i32
  }
  func.func @transform_6(%arg0: i32) -> (i32, i32) {
    %c0_i32 = arith.constant 0 : i32
    %c0_i32_0 = arith.constant 0 : i32
    %c0_i32_1 = arith.constant 0 : i32
    return %c0_i32, %c0_i32_0 : i32, i32
  }
  func.func @transform_7(%arg0: i32) -> (i32, i32) {
    %c0_i32 = arith.constant 0 : i32
    %c0_i32_0 = arith.constant 0 : i32
    %c0_i32_1 = arith.constant 0 : i32
    return %c0_i32, %c0_i32_0 : i32, i32
  }
  func.func @transform_8(%arg0: i32) -> (i32, i32) {
    %c0_i32 = arith.constant 0 : i32
    %c0_i32_0 = arith.constant 0 : i32
    return %arg0, %c0_i32 : i32, i32
  }
}

module attributes {stable_mosaic.version = 14 : i64} {
  func.func @_edge_body(%arg0: i32, %arg1: memref<1024x128xf32, #tpu.memory_space<vmem>>, %arg2: memref<1024x128xf32, #tpu.memory_space<vmem>>, %arg3: memref<1024x128xf32, #tpu.memory_space<vmem>>, %arg4: memref<128x128xf32, #tpu.memory_space<vmem>>, %arg5: memref<128x128xf32, #tpu.memory_space<vmem>>, %arg6: memref<1x128xf32, #tpu.memory_space<vmem>>, %arg7: memref<1024x128xf32, #tpu.memory_space<vmem>>) attributes {dimension_semantics = [#tpu.dimension_semantics<arbitrary>], iteration_bounds = array<i64: 160>, scalar_prefetch = 0 : i64, scratch_operands = 0 : i64, tpu.core_type = #tpu.core_type<tc>, window_params = [{transform_indices = @transform_0, window_bounds = array<i64: 1024, 128>}, {transform_indices = @transform_1, window_bounds = array<i64: 1024, 128>}, {transform_indices = @transform_2, window_bounds = array<i64: 1024, 128>}, {pipeline_mode = #tpu.pipeline_mode<synchronous>, transform_indices = @transform_3, window_bounds = array<i64: 128, 128>}, {pipeline_mode = #tpu.pipeline_mode<synchronous>, transform_indices = @transform_4, window_bounds = array<i64: 128, 128>}, {pipeline_mode = #tpu.pipeline_mode<synchronous>, transform_indices = @transform_5, window_bounds = array<i64: 1, 128>}, {transform_indices = @transform_6, window_bounds = array<i64: 1024, 128>}]} {
    %get3A = arith.constant 0 : index
    %get3A_0 = arith.constant 0 : index
    %get3A_1 = vector.load %arg1[%get3A, %get3A_0] : memref<1024x128xf32, #tpu.memory_space<vmem>>, vector<1024x128xf32>
    %get3A_2 = arith.constant 0 : index
    %get3A_3 = arith.constant 0 : index
    %get3A_4 = vector.load %arg2[%get3A_2, %get3A_3] : memref<1024x128xf32, #tpu.memory_space<vmem>>, vector<1024x128xf32>
    %add3A = arith.addf %get3A_1, %get3A_4 : vector<1024x128xf32>
    %get3A_5 = arith.constant 0 : index
    %get3A_6 = arith.constant 0 : index
    %get3A_7 = vector.load %arg3[%get3A_5, %get3A_6] : memref<1024x128xf32, #tpu.memory_space<vmem>>, vector<1024x128xf32>
    %get3A_8 = arith.constant 0 : index
    %get3A_9 = arith.constant 0 : index
    %get3A_10 = vector.load %arg4[%get3A_8, %get3A_9] : memref<128x128xf32, #tpu.memory_space<vmem>>, vector<128x128xf32>
    %dot_general3A = arith.constant dense<0.000000e+00> : vector<1024x128xf32>
    %dot_general3A_11 = tpu.matmul %get3A_7, %get3A_10, %dot_general3A {dimension_numbers = #tpu.dot_dimension_numbers<[1], [0], [0], [1], [0, 0, 1, 1], [], []>, transpose_lhs_hint = false} : vector<1024x128xf32>, vector<128x128xf32>, vector<1024x128xf32> -> vector<1024x128xf32>
    %add3A_12 = arith.addf %add3A, %dot_general3A_11 : vector<1024x128xf32>
    %max3A = arith.constant 0.000000e+00 : f32
    %max3A_13 = vector.broadcast %max3A : f32 to vector<1024x128xf32>
    %max3A_14 = arith.maximumf %add3A_12, %max3A_13 : vector<1024x128xf32>
    %get3A_15 = arith.constant 0 : index
    %get3A_16 = arith.constant 0 : index
    %get3A_17 = vector.load %arg5[%get3A_15, %get3A_16] : memref<128x128xf32, #tpu.memory_space<vmem>>, vector<128x128xf32>
    %dot_general3A_18 = arith.constant dense<0.000000e+00> : vector<1024x128xf32>
    %dot_general3A_19 = tpu.matmul %max3A_14, %get3A_17, %dot_general3A_18 {dimension_numbers = #tpu.dot_dimension_numbers<[1], [0], [0], [1], [0, 0, 1, 1], [], []>, transpose_lhs_hint = false} : vector<1024x128xf32>, vector<128x128xf32>, vector<1024x128xf32> -> vector<1024x128xf32>
    %get3A_20 = arith.constant 0 : index
    %get3A_21 = arith.constant 0 : index
    %get3A_22 = vector.load %arg6[%get3A_20, %get3A_21] : memref<1x128xf32, #tpu.memory_space<vmem>>, vector<1x128xf32>
    %add3A_23 = vector.broadcast %get3A_22 : vector<1x128xf32> to vector<1024x128xf32>
    %add3A_24 = arith.addf %dot_general3A_19, %add3A_23 : vector<1024x128xf32>
    %swap3A = arith.constant 0 : index
    %swap3A_25 = arith.constant 0 : index
    %swap3A_26 = vector.load %arg7[%swap3A, %swap3A_25] : memref<1024x128xf32, #tpu.memory_space<vmem>>, vector<1024x128xf32>
    tpu.vector_store %arg7[%swap3A, %swap3A_25], %add3A_24 {strides = array<i32>} : memref<1024x128xf32, #tpu.memory_space<vmem>>, vector<1024x128xf32>,
    return
  }
  func.func @transform_0(%arg0: i32) -> (i32, i32) {
    %c0_i32 = arith.constant 0 : i32
    %c0_i32_0 = arith.constant 0 : i32
    return %arg0, %c0_i32 : i32, i32
  }
  func.func @transform_1(%arg0: i32) -> (i32, i32) {
    %c0_i32 = arith.constant 0 : i32
    %c0_i32_0 = arith.constant 0 : i32
    return %arg0, %c0_i32 : i32, i32
  }
  func.func @transform_2(%arg0: i32) -> (i32, i32) {
    %c0_i32 = arith.constant 0 : i32
    %c0_i32_0 = arith.constant 0 : i32
    return %arg0, %c0_i32 : i32, i32
  }
  func.func @transform_3(%arg0: i32) -> (i32, i32) {
    %c0_i32 = arith.constant 0 : i32
    %c0_i32_0 = arith.constant 0 : i32
    %c0_i32_1 = arith.constant 0 : i32
    return %c0_i32, %c0_i32_0 : i32, i32
  }
  func.func @transform_4(%arg0: i32) -> (i32, i32) {
    %c0_i32 = arith.constant 0 : i32
    %c0_i32_0 = arith.constant 0 : i32
    %c0_i32_1 = arith.constant 0 : i32
    return %c0_i32, %c0_i32_0 : i32, i32
  }
  func.func @transform_5(%arg0: i32) -> (i32, i32) {
    %c0_i32 = arith.constant 0 : i32
    %c0_i32_0 = arith.constant 0 : i32
    %c0_i32_1 = arith.constant 0 : i32
    return %c0_i32, %c0_i32_0 : i32, i32
  }
  func.func @transform_6(%arg0: i32) -> (i32, i32) {
    %c0_i32 = arith.constant 0 : i32
    %c0_i32_0 = arith.constant 0 : i32
    return %arg0, %c0_i32 : i32, i32
  }
}

module attributes {stable_mosaic.version = 14 : i64} {
  func.func @_encode_body(%arg0: i32, %arg1: memref<2048x64xf32, #tpu.memory_space<vmem>>, %arg2: memref<64x64xf32, #tpu.memory_space<vmem>>, %arg3: memref<1x64xf32, #tpu.memory_space<vmem>>, %arg4: memref<64x128xf32, #tpu.memory_space<vmem>>, %arg5: memref<1x128xf32, #tpu.memory_space<vmem>>, %arg6: memref<2048x128xf32, #tpu.memory_space<vmem>>) attributes {dimension_semantics = [#tpu.dimension_semantics<arbitrary>], iteration_bounds = array<i64: 5>, scalar_prefetch = 0 : i64, scratch_operands = 0 : i64, tpu.core_type = #tpu.core_type<tc>, window_params = [{transform_indices = @transform_0, window_bounds = array<i64: 2048, 64>}, {pipeline_mode = #tpu.pipeline_mode<synchronous>, transform_indices = @transform_1, window_bounds = array<i64: 64, 64>}, {pipeline_mode = #tpu.pipeline_mode<synchronous>, transform_indices = @transform_2, window_bounds = array<i64: 1, 64>}, {pipeline_mode = #tpu.pipeline_mode<synchronous>, transform_indices = @transform_3, window_bounds = array<i64: 64, 128>}, {pipeline_mode = #tpu.pipeline_mode<synchronous>, transform_indices = @transform_4, window_bounds = array<i64: 1, 128>}, {transform_indices = @transform_5, window_bounds = array<i64: 2048, 128>}]} {
    %get3A = arith.constant 0 : index
    %get3A_0 = arith.constant 0 : index
    %get3A_1 = vector.load %arg1[%get3A, %get3A_0] : memref<2048x64xf32, #tpu.memory_space<vmem>>, vector<2048x64xf32>
    %get3A_2 = arith.constant 0 : index
    %get3A_3 = arith.constant 0 : index
    %get3A_4 = vector.load %arg2[%get3A_2, %get3A_3] : memref<64x64xf32, #tpu.memory_space<vmem>>, vector<64x64xf32>
    %dot_general3A = arith.constant dense<0.000000e+00> : vector<2048x64xf32>
    %dot_general3A_5 = tpu.matmul %get3A_1, %get3A_4, %dot_general3A {dimension_numbers = #tpu.dot_dimension_numbers<[1], [0], [0], [1], [0, 0, 1, 1], [], []>, transpose_lhs_hint = false} : vector<2048x64xf32>, vector<64x64xf32>, vector<2048x64xf32> -> vector<2048x64xf32>
    %get3A_6 = arith.constant 0 : index
    %get3A_7 = arith.constant 0 : index
    %get3A_8 = vector.load %arg3[%get3A_6, %get3A_7] : memref<1x64xf32, #tpu.memory_space<vmem>>, vector<1x64xf32>
    %add3A = vector.broadcast %get3A_8 : vector<1x64xf32> to vector<2048x64xf32>
    %add3A_9 = arith.addf %dot_general3A_5, %add3A : vector<2048x64xf32>
    %max3A = arith.constant 0.000000e+00 : f32
    %max3A_10 = vector.broadcast %max3A : f32 to vector<2048x64xf32>
    %max3A_11 = arith.maximumf %add3A_9, %max3A_10 : vector<2048x64xf32>
    %get3A_12 = arith.constant 0 : index
    %get3A_13 = arith.constant 0 : index
    %get3A_14 = vector.load %arg4[%get3A_12, %get3A_13] : memref<64x128xf32, #tpu.memory_space<vmem>>, vector<64x128xf32>
    %dot_general3A_15 = arith.constant dense<0.000000e+00> : vector<2048x128xf32>
    %dot_general3A_16 = tpu.matmul %max3A_11, %get3A_14, %dot_general3A_15 {dimension_numbers = #tpu.dot_dimension_numbers<[1], [0], [0], [1], [0, 0, 1, 1], [], []>, transpose_lhs_hint = false} : vector<2048x64xf32>, vector<64x128xf32>, vector<2048x128xf32> -> vector<2048x128xf32>
    %get3A_17 = arith.constant 0 : index
    %get3A_18 = arith.constant 0 : index
    %get3A_19 = vector.load %arg5[%get3A_17, %get3A_18] : memref<1x128xf32, #tpu.memory_space<vmem>>, vector<1x128xf32>
    %add3A_20 = vector.broadcast %get3A_19 : vector<1x128xf32> to vector<2048x128xf32>
    %add3A_21 = arith.addf %dot_general3A_16, %add3A_20 : vector<2048x128xf32>
    %swap3A = arith.constant 0 : index
    %swap3A_22 = arith.constant 0 : index
    %swap3A_23 = vector.load %arg6[%swap3A, %swap3A_22] : memref<2048x128xf32, #tpu.memory_space<vmem>>, vector<2048x128xf32>
    tpu.vector_store %arg6[%swap3A, %swap3A_22], %add3A_21 {strides = array<i32>} : memref<2048x128xf32, #tpu.memory_space<vmem>>, vector<2048x128xf32>,
    return
  }
  func.func @transform_0(%arg0: i32) -> (i32, i32) {
    %c0_i32 = arith.constant 0 : i32
    %c0_i32_0 = arith.constant 0 : i32
    return %arg0, %c0_i32 : i32, i32
  }
  func.func @transform_1(%arg0: i32) -> (i32, i32) {
    %c0_i32 = arith.constant 0 : i32
    %c0_i32_0 = arith.constant 0 : i32
    %c0_i32_1 = arith.constant 0 : i32
    return %c0_i32, %c0_i32_0 : i32, i32
  }
  func.func @transform_2(%arg0: i32) -> (i32, i32) {
    %c0_i32 = arith.constant 0 : i32
    %c0_i32_0 = arith.constant 0 : i32
    %c0_i32_1 = arith.constant 0 : i32
    return %c0_i32, %c0_i32_0 : i32, i32
  }
  func.func @transform_3(%arg0: i32) -> (i32, i32) {
    %c0_i32 = arith.constant 0 : i32
    %c0_i32_0 = arith.constant 0 : i32
    %c0_i32_1 = arith.constant 0 : i32
    return %c0_i32, %c0_i32_0 : i32, i32
  }
  func.func @transform_4(%arg0: i32) -> (i32, i32) {
    %c0_i32 = arith.constant 0 : i32
    %c0_i32_0 = arith.constant 0 : i32
    %c0_i32_1 = arith.constant 0 : i32
    return %c0_i32, %c0_i32_0 : i32, i32
  }
  func.func @transform_5(%arg0: i32) -> (i32, i32) {
    %c0_i32 = arith.constant 0 : i32
    %c0_i32_0 = arith.constant 0 : i32
    return %arg0, %c0_i32 : i32, i32
  }
}

</mosaic_0001>

<sc_bundles>
// kernel: kernel.20.cloned.1.call-start
scs
__scs_entry_jumppad:
0x0: {  	(pc) =	sbr.rel $0x88, $3  }
0x1: {  	(tag) =	ssettag $0x0;
	lr =	simm.s32 $0x1  }
0x2: {  	[smem:$0x3F80] =	sst lr;
	_ =	strace $0xD0000000  }
0x3: {  	_ = 	snop  }
0x4: {  	_ = 	snop  }
0x5: {  	_ = 	snop  }
0x6: {  	_ = 	snop  }
0x7: {  	_ = 	snop  }
__scs_overlays_trampoline_lowered:
0x8: {  	[smem:$0x3F8F] =	sst s0  }
0x9: {  	[smem:$0x3F90] =	sst s1  }
0xa: {  	[smem:$0x3F91] =	sst s2  }
0xb: {  	[smem:$0x3F92] =	sst s3  }
0xc: {  	[smem:$0x3F93] =	sst s4  }
0xd: {  	[smem:$0x3F94] =	sst s5  }
0xe: {  	[smem:$0x3F95] =	sst s6  }
0xf: {  	[smem:$0x3F96] =	sst s7  }
0x10: {  	[smem:$0x3F97] =	sst s8  }
0x11: {  	[smem:$0x3F98] =	sst s9;
	s0 =	simm.s32 @!p0 $0x0  }
0x12: {  	s1 =	sld [smem:$0x3F7E];
	s0 =	simm.s32 @p0 $0x1  }
0x13: {  	[smem:$0x3F99] =	sst s0;
	s0 =	simm.s32 @!p1 $0x0  }
0x14: {  	s2 =	sld [smem:$0x3F7D];
	s0 =	simm.s32 @p1 $0x1  }
0x15: {  	[smem:$0x3F9A] =	sst s0;
	s0 =	simm.s32 @!p2 $0x0  }
0x16: {  	s3 =	sld [smem:$0x3FDB];
	s0 =	simm.s32 @p2 $0x1  }
0x17: {  	s4 =	simm.s32 $0x1BF5;
	[smem:$0x3F9C] =	sst s0  }
0x18: {  	s0 =	sld [smem:$0x3F7F];
	_ =	swait.ge [sflag:s4], $0x0  }
0x19: {  	s7 =	sld [smem:$0x3F80]  }
0x1a: {  	s8 =	sadd.s32 $0xFFFFE003, lr  }
0x1b: {  	s9 =	sadd.s32 $0xFFFFFEF7, lr;
	s5 =	simm.s32 $0xFFFFFFFF;
	p2 =	slt.u32 s8, $0xFFFFF086  }
0x1c: {  	p1 =	slt.u32 s9, $0xF7A;
	s5 =	simm.s32 @!p2 $0x0  }
0x1d: {  	s5 =	simm.s32 @p1 $0x1;
	p0 =	seq.s32 s7, s2  }
0x1e: {  	s7 =	smul.u32 @!p0 $0xF7A, s2;
	p2 =	seq.s32 @!p0 s5, $0x0  }
0x1f: {  	s9 =	smul.u32 $0xF7A, s1;
	s8 =	simm.s32 @!p0 $0x1BF5;
	p2 =	por !p2, p0  }
0x20: {  	[sflag:s8] =	ssyncset.s32 @!p0 $0xFFFFF086;
	s6 =	sadd.s32 @!p0 s3, s7;
	s7 =	simm.s32 @!p0 $0x108  }
0x21: {  	s3 =	sadd.s32 s3, s9;
	s6 =	sadd.s32 @!p0 $0x88, s6;
	s7 =	simm.s32 @p2 $0x1082  }
0x22: {  	[simem:s7], [sflag:s8] =	dma.local @!p0 [hbm:s6], $0xF7A  }
0x23: {  	s9 =	sor.u32 $0xD0000000, s2;
	s6 =	simm.s32 $0x108;
	_ =	swait.ge @!p0 [sflag:s8], $0x0  }
0x24: {  	s3 =	sadd.s32 $0x88, s3;
	s6 =	simm.s32 @!p1 $0x1082;
	[sflag:s4] =	ssyncset.s32 $0xFFFFF086  }
0x25: {  	[simem:s6], [sflag:s4] =	dma.local [hbm:s3], $0xF7A  }
0x26: {  	[smem:$0x3F80] =	sst s1;
	(tag) =	ssettag s2;
	_ =	strace s9  }
0x27: {  	s1 =	sld [smem:$0x3F90]  }
0x28: {  	s2 =	sld [smem:$0x3F91]  }
0x29: {  	s4 =	sld [smem:$0x3F93]  }
0x2a: {  	p0 =	seq.s32 s5, $0x0;
	s5 =	sld [smem:$0x3F94]  }
0x2b: {  	s6 =	sld [smem:$0x3F95]  }
0x2c: {  	s7 =	sld [smem:$0x3F96]  }
0x2d: {  	s3 =	simm.s32 $0x108;
	s8 =	sld [smem:$0x3F97]  }
0x2e: {  	s3 =	simm.s32 @!p0 $0x1082;
	s9 =	sld [smem:$0x3F98]  }
0x2f: {  	lr =	sadd.s32 s0, s3;
	s0 =	sld [smem:$0x3F8F]  }
0x30: {  	s3 =	sld [smem:$0x3F92]  }
0x31: {  	[smem:$0x3F9B] =	sst s10  }
0x32: {  	s10 =	sld [smem:$0x3F99];
	_ =	sdelay $0x3  }
0x33: {  	p0 =	seq.s32 s10, $0x1;
	s10 =	sld [smem:$0x3F9B];
	_ =	sdelay $0x3  }
0x34: {  	[smem:$0x3F9B] =	sst s10  }
0x35: {  	s10 =	sld [smem:$0x3F9A];
	_ =	sdelay $0x3  }
0x36: {  	p1 =	seq.s32 s10, $0x1;
	s10 =	sld [smem:$0x3F9B];
	_ =	sdelay $0x3  }
0x37: {  	[smem:$0x3F9B] =	sst s10  }
0x38: {  	s10 =	sld [smem:$0x3F9C]  }
0x39: {  	_ = 	snop;
	(pc) =	sbr.ind lr, $3  }
0x3a: {  	_ = 	snop  }
0x3b: {  	_ = 	snop  }
0x3c: {  	p2 =	seq.s32 s10, $0x1;
	s10 =	sld [smem:$0x3F9B]  }
0x3d: {  	_ =	shalt  }
0x3e: {  	_ =	shalt  }
0x3f: {  	_ =	shalt  }
0x40: {  	_ =	shalt  }
0x41: {  	_ =	shalt  }
0x42: {  	_ =	shalt  }
0x43: {  	_ =	shalt  }
0x44: {  	_ =	shalt  }
0x45: {  	_ =	shalt  }
0x46: {  	_ =	shalt  }
0x47: {  	_ =	shalt  }
0x48: {  	_ =	shalt  }
0x49: {  	_ =	shalt  }
0x4a: {  	_ =	shalt  }
0x4b: {  	_ =	shalt  }
0x4c: {  	_ =	shalt  }
0x4d: {  	_ =	shalt  }
0x4e: {  	_ =	shalt  }
0x4f: {  	_ =	shalt  }
0x50: {  	_ =	shalt  }
0x51: {  	_ =	shalt  }
0x52: {  	_ =	shalt  }
0x53: {  	_ =	shalt  }
0x54: {  	_ =	shalt  }
0x55: {  	_ =	shalt  }
0x56: {  	_ =	shalt  }
0x57: {  	_ =	shalt  }
0x58: {  	_ =	shalt  }
0x59: {  	_ =	shalt  }
0x5a: {  	_ =	shalt  }
0x5b: {  	_ =	shalt  }
0x5c: {  	_ =	shalt  }
0x5d: {  	_ =	shalt  }
0x5e: {  	_ =	shalt  }
0x5f: {  	_ =	shalt  }
0x60: {  	_ =	shalt  }
0x61: {  	_ =	shalt  }
0x62: {  	_ =	shalt  }
0x63: {  	_ =	shalt  }
0x64: {  	_ =	shalt  }
0x65: {  	_ =	shalt  }
0x66: {  	_ =	shalt  }
0x67: {  	_ =	shalt  }
0x68: {  	_ =	shalt  }
0x69: {  	_ =	shalt  }
0x6a: {  	_ =	shalt  }
0x6b: {  	_ =	shalt  }
0x6c: {  	_ =	shalt  }
0x6d: {  	_ =	shalt  }
0x6e: {  	_ =	shalt  }
0x6f: {  	_ =	shalt  }
0x70: {  	_ =	shalt  }
0x71: {  	_ =	shalt  }
0x72: {  	_ =	shalt  }
0x73: {  	_ =	shalt  }
0x74: {  	_ =	shalt  }
0x75: {  	_ =	shalt  }
0x76: {  	_ =	shalt  }
0x77: {  	_ =	shalt  }
0x78: {  	_ =	shalt  }
0x79: {  	_ =	shalt  }
0x7a: {  	_ =	shalt  }
0x7b: {  	_ =	shalt  }
0x7c: {  	_ =	shalt  }
0x7d: {  	_ =	shalt  }
0x7e: {  	_ =	shalt  }
0x7f: {  	_ =	shalt  }
0x80: {  	_ =	shalt  }
0x81: {  	_ =	shalt  }
0x82: {  	_ =	shalt  }
0x83: {  	_ =	shalt  }
0x84: {  	_ =	shalt  }
0x85: {  	_ =	shalt  }
0x86: {  	_ =	shalt  }
0x87: {  	_ =	shalt  }
.Lfunc_end0:
.L_simem_size_0:
called_computation_lowered:
.L_overlay_start_0:
0x88: {  	s2 =	sld [smem:$0x3FD9]  }
0x89: {  	s3 =	sld [smem:$0x3FFE];
	_ =	sdelay $0x1  }
0x8a: {  	s1 =	srdreg.scid  }
0x8b: {  	s0 =	sand.u32 $0x1, s1  }
0x8c: {  	s17 =	sshll.u32 s0, $0xA;
	s2 =	sadd.s32 s3, s2  }
0x8d: {  	s2 =	sadd.s32 s2, s17  }
0x8e: {  	[smem:$0x3FA7] =	sst s2  }
0x8f: {  	_ = 	snop  }
0x90: {  	s2 =	sld [smem:$0x3FD0];
	(tm) =	ssettm $0x1  }
0x91: {  	s18 =	sld [smem:$0x3FFB];
	_ =	sdelay $0x3  }
0x92: {  	_ =	strace s18  }
0x93: {  	s3 =	sld [smem:$0x3FFC];
	_ =	sdelay $0x3  }
0x94: {  	_ =	strace s3  }
0x95: {  	s3 =	sld [smem:$0x3FFD];
	_ =	sdelay $0x3  }
0x96: {  	_ =	strace s3  }
0x97: {  	_ =	strace $0x8FFFFFFF  }
0x98: {  	s19 =	sld [smem:$0x3FDB];
	_ =	sdelay $0x1  }
0x99: {  	s4 =	simm.s32 $_scs_section_size  }
0x9a: {  	s5 =	simm.s32 $_size__tile_overlayer_lowered;
	s6 =	simm.s32 $_tile_overlayer_lowered  }
0x9b: {  	s22 =	simm.s32 $0x1BFF;
	s21 =	sshll.u32 s6, $0x1;
	s3 =	sadd.s32 s4, s19  }
0x9c: {  	s7 =	simm.s32 $0x0;
	s20 =	sshll.u32 s5, $0x1;
	s5 =	sadd.s32 s21, s3  }
0x9d: {  	[timem:s7], [sflag:s22] =	dma.local [hbm:s5], s20  }
0x9e: {  	_ =	swait.ge [sflag:s22], s20  }
0x9f: {  	s4 =	ssub.s32 $0x0, s20;
	[sflag:s22] =	ssyncset.done $0x0  }
0xa0: {  	[sflag:s22] =	ssyncadd.s32 s4;
	_ =	sdelay $0x1  }
0xa1: {  	s23 =	simm.s32 $0x1B8B  }
0xa2: {  	_ =	swait.ge [sflag:s23], $0x1  }
0xa3: {  	[sflag:s23] =	ssyncset.done $0x0  }
0xa4: {  	s25 =	simm.s32 $0x1B8E;
	s24 =	sld [smem:$0x3FFE];
	[sflag:s23] =	ssyncadd.s32 $0xFFFFFFFF  }
0xa5: {  	s26 =	simm.s32 $execute0_lowered;
	[smem:$0x3FD2] =	sst s25  }
0xa6: {  	s5 =	sshll.u32 s26, $0x1;
	_ =	strace $0x80000046;
	[dreg:$0x1] =	wrdreg $0xFFFFFFFF  }
0xa7: {  	s28 =	simm.s32 $_size_execute0_lowered;
	s3 =	sadd.s32 s3, s5;
	[dreg:$0x0] =	wrdreg $0x0  }
0xa8: {  	s5 =	sshll.u32 s28, $0x1;
	[dreg:$0x2] =	wrdreg s3  }
0xa9: {  	[dreg:$0x3] =	wrdreg s5  }
0xaa: {  	[dreg:$0x4] =	wrdreg $0xC0  }
0xab: {  	_ =	task [dreg:s7], $0x5FFFF  }
0xac: {  	[dreg:$0x1] =	wrdreg $0xFFFFFFFF  }
0xad: {  	[dreg:$0x0] =	wrdreg $0x60  }
0xae: {  	[dreg:$0x2] =	wrdreg s2  }
0xaf: {  	[dreg:$0x3] =	wrdreg s24  }
0xb0: {  	[dreg:$0x4] =	wrdreg $0x9  }
0xb1: {  	_ =	task.clear_ibuf [dreg:s7], $0x5FFFF;
	_ =	strace $0x90000046  }
0xb2: {  	s29 =	simm.s32 $0x9;
	_ =	strace $0x80000048  }
0xb3: {  	_ =	swait.ge [sflag:s29], $0x1  }
0xb4: {  	[sflag:s29] =	ssyncadd.s32 $0xFFFFFFFF  }
0xb5: {  	_ =	strace $0x90000048  }
0xb6: {  	_ =	sfence  }
0xb7: {  	s30 =	sld [smem:$0x0];
	_ =	sdelay $0x2  }
0xb8: {  	s31 =	sshll.u32 s1, $0xD;
	s1 =	sshrl.u32 s1, $0x2  }
0xb9: {  	s3 =	sand.u32 $0x4000, s31;
	s1 =	sadd.s32 s1, s30  }
0xba: {  	s0 =	sor.u32 s3, s0;
	s1 =	sshll.u32 s1, $0x11  }
0xbb: {  	s0 =	sor.u32 s1, s0  }
0xbc: {  	s0 =	sadd.s32 $0x8F2B, s0  }
0xbd: {  	[sflag:s0] =	ssyncadd.remote.s32 $0x1  }
0xbe: {  	_ =	sfence.sel $0xFFFF  }
0xbf: {  	[dreg:$0x0] =	wrdreg $0xFFFFFFFF;
	(pc) =	sbr.abs _section_cstart, $3  }
0xc0: {  	[dreg:$0x1] =	wrdreg $0xFFFFFFFF  }
0xc1: {  	_ =	task.clear_ibuf [dreg:s7], $0x2FFFF;
	_ =	strace $0x9FFFFFFF  }
0xc2: {  	(tm) =	ssettm $0x7FFFFFFF  }
0xc3: {  	_ =	shalt  }
tec
execute0_lowered:
.L_overlay_start_1:
0x0: {  	(tag) =	ssettag $0x1  }
0x1: {  	s2 =	rddreg [dreg:$0x0];
	s0 =	srdreg.scid  }
0x2: {  	s11 =	stileid.u32;
	s1 =	rddreg [dreg:$0x1];
	s3 =	simm.s32 $0x0  }
0x3: {  	s29 =	simm.s32 $0xD000;
	s28 =	simm.s32 $0x4;
	s30 =	simm.s32 $0x5  }
0x4: {  	s0 =	sand.u32 $0x1, s0;
	s4 =	sshll.u32 s11, $0x1;
	[smem:$0x7FF] =	sst s3  }
0x5: {  	s6 =	sadd.s32 $0x2EA400, s1;
	s21 =	smul.u32 $0x28000, s11;
	s7 =	sor.u32 s0, s4  }
0x6: {  	_ =	strace $0x80000047;
	s9 =	ssub.s32 $0x2, s0;
	s0 =	smul.u32 $0x14000, s0  }
0x7: {  	s4 =	sadd.s32 $0x56400, s1;
	[dreg:$0x3] =	wrdreg s29;
	s5 =	smul.u32 $0x500, s7  }
0x8: {  	s10 =	smul.u32 $0xA0000, s7;
	s16 =	sshrl.u32 s9, $0x1;
	s24 =	sadd.s32 s21, s6  }
0x9: {  	s26 =	sadd.s32 s0, s24;
	s8 =	sadd.s32 s5, s1;
	s5 =	sadd.s32 $0x6A400, s1  }
0xa: {  	s1 =	ssub.s32 s9, s16;
	[dreg:$0xb] =	wrdreg s26;
	s18 =	sadd.s32 $0x19A00, s8  }
0xb: {  	s17 =	sshrl.u32 s10, $0x3;
	s8 =	sadd.s32 $0xFA00, s8;
	[dreg:$0x4] =	wrdreg s18  }
0xc: {  	s19 =	sadd.s32 $0x13800, s17;
	s1 =	smax.u32 s1, $0x1;
	[dreg:$0x5] =	wrdreg s8  }
0xd: {  	s31 =	simm.s32 $0x6;
	s20 =	sadd.s32 s5, s19;
	[dreg:$0xa] =	wrdreg s1  }
0xe: {  	s9 =	sadd.s32 $0x13C00, s17;
	s8 =	sadd.s32 s6, s19;
	[dreg:$0x6] =	wrdreg s20  }
0xf: {  	s7 =	smul.u32 $0x50, s7;
	s22 =	sadd.s32 s5, s9;
	[dreg:$0x7] =	wrdreg s8  }
0x10: {  	s25 =	sadd.s32 s21, s5;
	s23 =	sadd.s32 s6, s9;
	[dreg:$0x8] =	wrdreg s22  }
0x11: {  	s10 =	simm.s32 $0xF000;
	s0 =	sadd.s32 s0, s25;
	[dreg:$0x9] =	wrdreg s23  }
0x12: {  	s21 =	simm.s32 $0x1;
	s25 =	simm.s32 $0x3;
	[dreg:$0xc] =	wrdreg s0  }
0x13: {  	s23 =	simm.s32 $0x2;
	s8 =	simm.s32 $0x0;
	s20 =	simm.s32 $0xF000  }
.LBB2_1:
0x14: {  	[dreg:$0xd] =	wrdreg s8  }
0x15: {  	s0 =	rddreg [dreg:$0x4];
	s1 =	simm.s32 $0xD  }
0x16: {  	[tilespmem:s3], [sflag:$0xD] =	stream.linear.gather [hbm4b:s0+s3], $0x2800, $0x38;
	[tilespmem:$0x11000] =	vst v63  }
0x17: {  	_ =	swait.ge [sflag:s1], $0x2800  }
0x18: {  	[sflag:s1] =	ssyncset.done $0x0  }
0x19: {  	s13 =	simm.s32 $0x2800;
	s12 =	rddreg [dreg:$0x5];
	[sflag:s1] =	ssyncadd.s32 $0xFFFFD800  }
0x1a: {  	[tilespmem:s13], [sflag:$0xD] =	stream.linear.gather [hbm4b:s12+s3], $0x2800, $0x38;
	[tilespmem:$0x11000] =	vst v63  }
0x1b: {  	p0 =	por $0x0, $0x0;
	_ =	swait.ge [sflag:s1], $0x2800  }
0x1c: {  	p1 =	por p0, p0;
	[sflag:s1] =	ssyncset.done $0x0  }
0x1d: {  	s0 =	simm.s32 @p1 $0x7;
	[sflag:s1] =	ssyncadd.s32 $0xFFFFD800  }
0x1e: {  	_ =	swait.ge @p1 [sflag:s0], $0x2000  }
0x1f: {  	s8 =	simm.s32 @p1 $0x8;
	s9 =	simm.s32 @p1 $0x80;
	[sflag:s0] =	ssyncset.done @p1 $0x0  }
0x20: {  	s1 =	simm.s32 @p1 $0x5000;
	[sflag:s0] =	ssyncadd.s32 @p1 $0xFFFFE000;
	s0 =	simm.s32 @p1 $0x0  }
0x21: {  	[tilespmem:s1], [sflag:$0x1] =	stream.indirect.gather @p1 [hbm4b:s2+s9], $0x40, s0, s9, $0xb8;
	[tilespmem:$0x11000] =	vst v63  }
0x22: {  	_ =	swait.ge @p1 [sflag:s8], $0x2000  }
0x23: {  	s0 =	simm.s32 @p1 $0x2800;
	[sflag:s8] =	ssyncset.done @p1 $0x0  }
0x24: {  	s1 =	simm.s32 @p1 $0x7000;
	[sflag:s8] =	ssyncadd.s32 @p1 $0xFFFFE000;
	s8 =	simm.s32 @p1 $0x9  }
0x25: {  	[tilespmem:s1], [sflag:$0x2] =	stream.indirect.gather @p1 [hbm4b:s4+s9], $0x40, s0, s9, $0xb8;
	[tilespmem:$0x11000] =	vst v63  }
0x26: {  	_ =	swait.ge @p1 [sflag:s8], $0x2000  }
0x27: {  	s0 =	simm.s32 @p1 $0x80;
	[sflag:s8] =	ssyncset.done @p1 $0x0  }
0x28: {  	s1 =	simm.s32 @p1 $0x9000;
	[sflag:s8] =	ssyncadd.s32 @p1 $0xFFFFE000;
	s8 =	simm.s32 @p1 $0xA  }
0x29: {  	[tilespmem:s1], [sflag:$0x3] =	stream.indirect.gather @p1 [hbm4b:s2+s9], $0x40, s0, s9, $0xb8;
	[tilespmem:$0x11000] =	vst v63  }
0x2a: {  	_ =	swait.ge @p1 [sflag:s8], $0x2000  }
0x2b: {  	s0 =	simm.s32 @p1 $0x2880;
	[sflag:s8] =	ssyncset.done @p1 $0x0  }
0x2c: {  	s1 =	simm.s32 @p1 $0xB000;
	[sflag:s8] =	ssyncadd.s32 @p1 $0xFFFFE000;
	s8 =	simm.s32 @p1 $0xB  }
0x2d: {  	[tilespmem:s1], [sflag:$0x4] =	stream.indirect.gather @p1 [hbm4b:s4+s9], $0x40, s0, s9, $0xb8;
	[tilespmem:$0x11000] =	vst v63  }
0x2e: {  	_ =	swait.ge @p1 [sflag:s8], $0x2000  }
0x2f: {  	s0 =	simm.s32 @p1 $0x100;
	[sflag:s8] =	ssyncset.done @p1 $0x0  }
0x30: {  	s1 =	simm.s32 @p1 $0xD000;
	[sflag:s8] =	ssyncadd.s32 @p1 $0xFFFFE000;
	s8 =	simm.s32 @p1 $0xC  }
0x31: {  	[tilespmem:s1], [sflag:$0x5] =	stream.indirect.gather @p1 [hbm4b:s2+s9], $0x40, s0, s9, $0xb8;
	[tilespmem:$0x11000] =	vst v63  }
0x32: {  	_ =	swait.ge @p1 [sflag:s8], $0x2000  }
0x33: {  	s14 =	simm.s32 $0x80;
	s0 =	simm.s32 @!p1 $0x5000;
	[sflag:s8] =	ssyncset.done @p1 $0x0  }
0x34: {  	s1 =	simm.s32 @!p1 $0x80;
	[sflag:s8] =	ssyncadd.s32 @p1 $0xFFFFE000;
	s8 =	simm.s32 @!p1 $0x0  }
0x35: {  	[tilespmem:s0], [sflag:$0x1] =	stream.indirect.gather @!p1 [hbm4b:s2+s1], $0x40, s8, s1, $0xb8;
	[tilespmem:$0x11000] =	vst v63  }
0x36: {  	s16 =	simm.s32 $0x600;
	s0 =	simm.s32 @!p1 $0x2800;
	s8 =	simm.s32 @!p1 $0x7000  }
0x37: {  	[tilespmem:s8], [sflag:$0x2] =	stream.indirect.gather @!p1 [hbm4b:s4+s1], $0x40, s0, s1, $0xb8;
	[tilespmem:$0x11000] =	vst v63  }
0x38: {  	s15 =	simm.s32 $0x5000;
	s17 =	simm.s32 $0x7000;
	s0 =	simm.s32 @!p1 $0x9000  }
0x39: {  	[tilespmem:s0], [sflag:$0x3] =	stream.indirect.gather @!p1 [hbm4b:s2+s1], $0x40, s1, s1, $0xb8;
	[tilespmem:$0x11000] =	vst v63  }
0x3a: {  	s9 =	simm.s32 @!p1 $0xB000;
	s8 =	simm.s32 @!p1 $0x2880;
	s0 =	simm.s32 $0x100  }
0x3b: {  	[tilespmem:s9], [sflag:$0x4] =	stream.indirect.gather @!p1 [hbm4b:s4+s1], $0x40, s8, s1, $0xb8;
	[tilespmem:$0x11000] =	vst v63  }
0x3c: {  	s0 =	simm.s32 @!p0 $0x100;
	s8 =	simm.s32 @!p1 $0x100;
	s9 =	simm.s32 @!p1 $0xD000  }
0x3d: {  	[tilespmem:s9], [sflag:$0x5] =	stream.indirect.gather @!p1 [hbm4b:s2+s1], $0x40, s8, s1, $0xb8;
	[tilespmem:$0x11000] =	vst v63  }
0x3e: {  	s19 =	simm.s32 $0x9000;
	s22 =	simm.s32 $0xB000;
	s0 =	sadd.s32 $0x2800, s0  }
0x3f: {  	[tilespmem:s10], [sflag:$0x6] =	stream.indirect.gather [hbm4b:s4+s14], $0x40, s0, s14, $0xb8;
	[tilespmem:$0x11000] =	vst v63  }
0x40: {  	s12 =	simm.s32 $0x280;
	s1 =	simm.s32 $0x2;
	_ =	swait.ge [sflag:s21], $0x2000  }
0x41: {  	s8 =	simm.s32 $0x5;
	s1 =	simm.s32 @!p0 $0x2;
	[sflag:s21] =	ssyncset.done $0x0  }
0x42: {  	s0 =	simm.s32 @p0 $0x1;
	s14 =	rddreg [dreg:$0xc];
	[sflag:s21] =	ssyncadd.s32 $0xFFFFE000  }
0x43: {  	[hbm4b:s14+s3] =	stream.linear.scatter [tilespmem:s15], [sflag:$0x7], $0x2000, $0x38;
	[tilespmem:$0x11000] =	vst v63  }
0x44: {  	s1 =	sadd.s32 s7, s1;
	s0 =	simm.s32 @!p0 $0x1;
	_ =	swait.ge [sflag:s23], $0x2000  }
0x45: {  	s1 =	sshll.u32 s1, $0xA;
	p0 =	por $0x1, $0x1;
	[sflag:s23] =	ssyncset.done $0x0  }
0x46: {  	s0 =	sadd.s32 s7, s0;
	s11 =	rddreg [dreg:$0xb];
	[sflag:s23] =	ssyncadd.s32 $0xFFFFE000  }
0x47: {  	[hbm4b:s11+s3] =	stream.linear.scatter [tilespmem:s17], [sflag:$0x8], $0x2000, $0x38;
	[tilespmem:$0x11000] =	vst v63  }
0x48: {  	s1 =	sand.u32 $0x1FFFFC00, s1;
	s0 =	sshll.u32 s0, $0xA;
	_ =	swait.ge [sflag:s25], $0x2000  }
0x49: {  	s9 =	simm.s32 @p0 $0x4;
	s0 =	sand.u32 $0x1FFFFC00, s0;
	[sflag:s25] =	ssyncset.done $0x0  }
0x4a: {  	s12 =	simm.s32 @!p0 $0x100;
	s18 =	sadd.s32 s5, s0;
	[sflag:s25] =	ssyncadd.s32 $0xFFFFE000  }
0x4b: {  	[hbm4b:s18+s3] =	stream.linear.scatter [tilespmem:s19], [sflag:$0x9], $0x2000, $0x38;
	[tilespmem:$0x11000] =	vst v63  }
0x4c: {  	s8 =	simm.s32 @!p0 $0x2;
	s9 =	simm.s32 @!p0 $0x1;
	_ =	swait.ge [sflag:s28], $0x2000  }
0x4d: {  	s8 =	sadd.s32 s7, s8;
	s29 =	sadd.s32 s5, s1;
	[sflag:s28] =	ssyncset.done $0x0  }
0x4e: {  	p0 =	por p0, p0;
	s0 =	sadd.s32 s6, s0;
	[sflag:s28] =	ssyncadd.s32 $0xFFFFE000  }
0x4f: {  	[hbm4b:s0+s3] =	stream.linear.scatter [tilespmem:s22], [sflag:$0xA], $0x2000, $0x38;
	[tilespmem:$0x11000] =	vst v63  }
0x50: {  	s15 =	simm.s32 $0xC00;
	s24 =	sadd.s32 s7, s9;
	_ =	swait.ge [sflag:s30], $0x2000  }
0x51: {  	s8 =	sshll.u32 s8, $0xA;
	s9 =	sadd.s32 $0xC00, s14;
	[sflag:s30] =	ssyncset.done $0x0  }
0x52: {  	s10 =	sand.u32 $0x1FFFFC00, s8;
	s26 =	rddreg [dreg:$0x3];
	[sflag:s30] =	ssyncadd.s32 $0xFFFFE000  }
0x53: {  	[hbm4b:s29+s3] =	stream.linear.scatter [tilespmem:s26], [sflag:$0xB], $0x2000, $0x38;
	[tilespmem:$0x11000] =	vst v63  }
0x54: {  	s14 =	sadd.s32 $0xC00, s11;
	s0 =	sshll.u32 s24, $0xA;
	_ =	swait.ge [sflag:s31], $0x2000  }
0x55: {  	s17 =	simm.s32 $0x400;
	s13 =	sand.u32 $0x1FFFFC00, s0;
	[sflag:s31] =	ssyncset.done $0x0  }
0x56: {  	s0 =	sadd.s32 s6, s1;
	s1 =	simm.s32 $0x8;
	[sflag:s31] =	ssyncadd.s32 $0xFFFFE000  }
.LBB2_2:
0x57: {  	[hbm4b:s0+s3] =	stream.linear.scatter [tilespmem:s20], [sflag:$0xC], $0x2000, $0x38;
	[tilespmem:$0x11000] =	vst v63  }
0x58: {  	s8 =	simm.s32 @p0 $0x7  }
0x59: {  	_ =	swait.ge @p0 [sflag:s8], $0x2000  }
0x5a: {  	s19 =	simm.s32 @p0 $0x5000;
	s22 =	simm.s32 @p0 $0x8;
	[sflag:s8] =	ssyncset.done @p0 $0x0  }
0x5b: {  	s24 =	simm.s32 @p0 $0x80;
	[sflag:s8] =	ssyncadd.s32 @p0 $0xFFFFE000;
	s8 =	sshra.s32 @p0 s16, $0x2  }
0x5c: {  	[tilespmem:s19], [sflag:$0x1] =	stream.indirect.gather @p0 [hbm4b:s2+s24], $0x40, s8, s24, $0xb8;
	[tilespmem:$0x11000] =	vst v63  }
0x5d: {  	s16 =	sadd.s32 @p0 $0x2800, s8;
	s19 =	sadd.s32 @p0 $0x2880, s8;
	_ =	swait.ge @p0 [sflag:s22], $0x2000  }
0x5e: {  	s26 =	sadd.s32 @p0 $0x80, s8;
	s29 =	sadd.s32 @p0 $0x100, s8;
	[sflag:s22] =	ssyncset.done @p0 $0x0  }
0x5f: {  	s8 =	simm.s32 @p0 $0x7000;
	[sflag:s22] =	ssyncadd.s32 @p0 $0xFFFFE000;
	s22 =	simm.s32 @p0 $0x9  }
0x60: {  	[tilespmem:s8], [sflag:$0x2] =	stream.indirect.gather @p0 [hbm4b:s4+s24], $0x40, s16, s24, $0xb8;
	[tilespmem:$0x11000] =	vst v63  }
0x61: {  	_ =	swait.ge @p0 [sflag:s22], $0x2000  }
0x62: {  	[sflag:s22] =	ssyncset.done @p0 $0x0  }
0x63: {  	s16 =	simm.s32 @p0 $0x9000;
	[sflag:s22] =	ssyncadd.s32 @p0 $0xFFFFE000;
	s22 =	simm.s32 @p0 $0xA  }
0x64: {  	[tilespmem:s16], [sflag:$0x3] =	stream.indirect.gather @p0 [hbm4b:s2+s24], $0x40, s26, s24, $0xb8;
	[tilespmem:$0x11000] =	vst v63  }
0x65: {  	_ =	swait.ge @p0 [sflag:s22], $0x2000  }
0x66: {  	[sflag:s22] =	ssyncset.done @p0 $0x0  }
0x67: {  	s16 =	simm.s32 @p0 $0xB000;
	[sflag:s22] =	ssyncadd.s32 @p0 $0xFFFFE000;
	s22 =	simm.s32 @p0 $0xB  }
0x68: {  	[tilespmem:s16], [sflag:$0x4] =	stream.indirect.gather @p0 [hbm4b:s4+s24], $0x40, s19, s24, $0xb8;
	[tilespmem:$0x11000] =	vst v63  }
0x69: {  	s11 =	smov.u32 s15;
	_ =	swait.ge @p0 [sflag:s22], $0x2000  }
0x6a: {  	p1 =	sne.s32 s11, $0x0;
	s16 =	smov.u32 s11;
	[sflag:s22] =	ssyncset.done @p0 $0x0  }
0x6b: {  	s11 =	simm.s32 @p0 $0xD000;
	s19 =	simm.s32 @p0 $0xC;
	[sflag:s22] =	ssyncadd.s32 @p0 $0xFFFFE000  }
0x6c: {  	[tilespmem:s11], [sflag:$0x5] =	stream.indirect.gather @p0 [hbm4b:s2+s24], $0x40, s29, s24, $0xb8;
	[tilespmem:$0x11000] =	vst v63  }
0x6d: {  	_ =	swait.ge @p0 [sflag:s19], $0x2000  }
0x6e: {  	s18 =	smov.u32 s10;
	s22 =	simm.s32 @!p0 $0x0;
	[sflag:s19] =	ssyncset.done @p0 $0x0  }
0x6f: {  	s11 =	simm.s32 @!p0 $0x5000;
	[sflag:s19] =	ssyncadd.s32 @p0 $0xFFFFE000;
	s19 =	simm.s32 @!p0 $0x80  }
0x70: {  	[tilespmem:s11], [sflag:$0x1] =	stream.indirect.gather @!p0 [hbm4b:s2+s19], $0x40, s22, s19, $0xb8;
	[tilespmem:$0x11000] =	vst v63  }
0x71: {  	s10 =	sadd.s32 @p1 $0xFFFFFFFF, s1;
	s11 =	simm.s32 @!p0 $0x2800;
	s22 =	simm.s32 @!p0 $0x7000  }
0x72: {  	[tilespmem:s22], [sflag:$0x2] =	stream.indirect.gather @!p0 [hbm4b:s4+s19], $0x40, s11, s19, $0xb8;
	[tilespmem:$0x11000] =	vst v63  }
0x73: {  	s10 =	simm.s32 @!p1 $0x1;
	s11 =	simm.s32 @!p0 $0x9000  }
0x74: {  	[tilespmem:s11], [sflag:$0x3] =	stream.indirect.gather @!p0 [hbm4b:s2+s19], $0x40, s19, s19, $0xb8;
	[tilespmem:$0x11000] =	vst v63  }
0x75: {  	s10 =	sadd.s32 s7, s10;
	s22 =	simm.s32 @!p0 $0xB000;
	s11 =	simm.s32 @!p0 $0x2880  }
0x76: {  	[tilespmem:s22], [sflag:$0x4] =	stream.indirect.gather @!p0 [hbm4b:s4+s19], $0x40, s11, s19, $0xb8;
	[tilespmem:$0x11000] =	vst v63  }
0x77: {  	s8 =	smov.u32 s1;
	s11 =	simm.s32 @!p0 $0x100;
	s22 =	simm.s32 @!p0 $0xD000  }
0x78: {  	[tilespmem:s22], [sflag:$0x5] =	stream.indirect.gather @!p0 [hbm4b:s2+s19], $0x40, s11, s19, $0xb8;
	[tilespmem:$0x11000] =	vst v63  }
0x79: {  	s8 =	simm.s32 @!p1 $0x2;
	s24 =	simm.s32 $0x80;
	s22 =	sadd.s32 $0x2800, s12  }
0x7a: {  	[tilespmem:s20], [sflag:$0x6] =	stream.indirect.gather [hbm4b:s4+s24], $0x40, s22, s24, $0xb8;
	[tilespmem:$0x11000] =	vst v63  }
0x7b: {  	s10 =	sshll.u32 s10, $0xA;
	s8 =	sadd.s32 s7, s8;
	_ =	swait.ge [sflag:s21], $0x2000  }
0x7c: {  	s26 =	sshll.u32 s8, $0xA;
	s8 =	sand.u32 $0x1FFFFC00, s10;
	[sflag:s21] =	ssyncset.done $0x0  }
0x7d: {  	s10 =	sand.u32 $0x1FFFFC00, s26;
	s26 =	simm.s32 $0x5000;
	[sflag:s21] =	ssyncadd.s32 $0xFFFFE000  }
0x7e: {  	[hbm4b:s9+s3] =	stream.linear.scatter [tilespmem:s26], [sflag:$0x7], $0x2000, $0x38;
	[tilespmem:$0x11000] =	vst v63  }
0x7f: {  	_ =	swait.ge [sflag:s23], $0x2000  }
0x80: {  	[sflag:s23] =	ssyncset.done $0x0  }
0x81: {  	s29 =	simm.s32 $0x7000;
	[sflag:s23] =	ssyncadd.s32 $0xFFFFE000  }
0x82: {  	[hbm4b:s14+s3] =	stream.linear.scatter [tilespmem:s29], [sflag:$0x8], $0x2000, $0x38;
	[tilespmem:$0x11000] =	vst v63  }
0x83: {  	_ =	swait.ge [sflag:s25], $0x2000  }
0x84: {  	[sflag:s25] =	ssyncset.done $0x0  }
0x85: {  	s11 =	sadd.s32 s5, s13;
	s19 =	simm.s32 $0x9000;
	[sflag:s25] =	ssyncadd.s32 $0xFFFFE000  }
0x86: {  	[hbm4b:s11+s3] =	stream.linear.scatter [tilespmem:s19], [sflag:$0x9], $0x2000, $0x38;
	[tilespmem:$0x11000] =	vst v63  }
0x87: {  	s15 =	sadd.s32 $0x600, s15;
	_ =	swait.ge [sflag:s28], $0x2000  }
0x88: {  	s0 =	smov.u32 s17;
	s17 =	sadd.s32 $0x180, s17;
	[sflag:s28] =	ssyncset.done $0x0  }
0x89: {  	s22 =	sadd.s32 s6, s13;
	s24 =	simm.s32 $0xB000;
	[sflag:s28] =	ssyncadd.s32 $0xFFFFE000  }
0x8a: {  	[hbm4b:s22+s3] =	stream.linear.scatter [tilespmem:s24], [sflag:$0xA], $0x2000, $0x38;
	[tilespmem:$0x11000] =	vst v63  }
0x8b: {  	p2 =	sne.s32 s15, $0x9C00;
	s0 =	simm.s32 @!p1 $0x100;
	_ =	swait.ge [sflag:s30], $0x2000  }
0x8c: {  	s1 =	sadd.s32 $0x3, s1;
	s29 =	sadd.s32 s5, s18;
	[sflag:s30] =	ssyncset.done $0x0  }
.Ltmp0:
0x8d: {  	s26 =	rddreg [dreg:$0x3];
	[sflag:s30] =	ssyncadd.s32 $0xFFFFE000;
	(pc) =	sbr.rel @p2 .LBB2_2-.Ltmp0, $4  }
0x8e: {  	[hbm4b:s29+s3] =	stream.linear.scatter [tilespmem:s26], [sflag:$0xB], $0x2000, $0x38;
	[tilespmem:$0x11000] =	vst v63  }
0x8f: {  	s12 =	smov.u32 s0;
	p0 =	por p1, p1;
	_ =	swait.ge [sflag:s31], $0x2000  }
0x90: {  	s0 =	sadd.s32 s6, s18;
	s13 =	smov.u32 s8;
	[sflag:s31] =	ssyncset.done $0x0  }
0x91: {  	s9 =	sadd.s32 $0xC00, s9;
	s14 =	sadd.s32 $0xC00, s14;
	[sflag:s31] =	ssyncadd.s32 $0xFFFFE000  }
0x92: {  	s15 =	simm.s32 $0xF000  }
0x93: {  	[hbm4b:s0+s3] =	stream.linear.scatter [tilespmem:s15], [sflag:$0xC], $0x2000, $0x38;
	[tilespmem:$0x11000] =	vst v63  }
0x94: {  	s0 =	simm.s32 @p0 $0x7  }
0x95: {  	_ =	swait.ge @p0 [sflag:s0], $0x2000  }
0x96: {  	s1 =	simm.s32 @p0 $0x5000;
	s8 =	simm.s32 @p0 $0x8;
	[sflag:s0] =	ssyncset.done @p0 $0x0  }
0x97: {  	s11 =	simm.s32 @p0 $0x80;
	[sflag:s0] =	ssyncadd.s32 @p0 $0xFFFFE000;
	s0 =	sshra.s32 @p0 s16, $0x2  }
0x98: {  	[tilespmem:s1], [sflag:$0x1] =	stream.indirect.gather @p0 [hbm4b:s2+s11], $0x40, s0, s11, $0xb8;
	[tilespmem:$0x11000] =	vst v63  }
0x99: {  	_ =	swait.ge @p0 [sflag:s8], $0x2000  }
0x9a: {  	[sflag:s8] =	ssyncset.done @p0 $0x0  }
0x9b: {  	s1 =	sadd.s32 @p0 $0x2800, s0;
	[sflag:s8] =	ssyncadd.s32 @p0 $0xFFFFE000;
	s8 =	simm.s32 @p0 $0x7000  }
0x9c: {  	[tilespmem:s8], [sflag:$0x2] =	stream.indirect.gather @p0 [hbm4b:s4+s11], $0x40, s1, s11, $0xb8;
	[tilespmem:$0x11000] =	vst v63  }
0x9d: {  	s1 =	simm.s32 @p0 $0x9  }
0x9e: {  	_ =	swait.ge @p0 [sflag:s1], $0x2000  }
0x9f: {  	[sflag:s1] =	ssyncset.done @p0 $0x0  }
0xa0: {  	s8 =	sadd.s32 @p0 $0x80, s0;
	[sflag:s1] =	ssyncadd.s32 @p0 $0xFFFFE000;
	s1 =	simm.s32 @p0 $0x9000  }
0xa1: {  	[tilespmem:s1], [sflag:$0x3] =	stream.indirect.gather @p0 [hbm4b:s2+s11], $0x40, s8, s11, $0xb8;
	[tilespmem:$0x11000] =	vst v63  }
0xa2: {  	s1 =	simm.s32 @p0 $0xA  }
0xa3: {  	_ =	swait.ge @p0 [sflag:s1], $0x2000  }
0xa4: {  	[sflag:s1] =	ssyncset.done @p0 $0x0  }
0xa5: {  	s8 =	sadd.s32 @p0 $0x2880, s0;
	[sflag:s1] =	ssyncadd.s32 @p0 $0xFFFFE000;
	s1 =	simm.s32 @p0 $0xB000  }
0xa6: {  	[tilespmem:s1], [sflag:$0x4] =	stream.indirect.gather @p0 [hbm4b:s4+s11], $0x40, s8, s11, $0xb8;
	[tilespmem:$0x11000] =	vst v63  }
0xa7: {  	s1 =	simm.s32 @p0 $0xB  }
0xa8: {  	_ =	swait.ge @p0 [sflag:s1], $0x2000  }
0xa9: {  	[sflag:s1] =	ssyncset.done @p0 $0x0  }
0xaa: {  	s0 =	sadd.s32 @p0 $0x100, s0;
	[sflag:s1] =	ssyncadd.s32 @p0 $0xFFFFE000;
	s1 =	simm.s32 @p0 $0xD000  }
0xab: {  	[tilespmem:s1], [sflag:$0x5] =	stream.indirect.gather @p0 [hbm4b:s2+s11], $0x40, s0, s11, $0xb8;
	[tilespmem:$0x11000] =	vst v63  }
0xac: {  	s0 =	simm.s32 @p0 $0xC  }
0xad: {  	_ =	swait.ge @p0 [sflag:s0], $0x2000  }
0xae: {  	s8 =	simm.s32 @!p0 $0x0;
	[sflag:s0] =	ssyncset.done @p0 $0x0  }
0xaf: {  	s1 =	simm.s32 @!p0 $0x5000;
	[sflag:s0] =	ssyncadd.s32 @p0 $0xFFFFE000;
	s0 =	simm.s32 @!p0 $0x80  }
0xb0: {  	[tilespmem:s1], [sflag:$0x1] =	stream.indirect.gather @!p0 [hbm4b:s2+s0], $0x40, s8, s0, $0xb8;
	[tilespmem:$0x11000] =	vst v63  }
0xb1: {  	s1 =	simm.s32 @!p0 $0x2800;
	s8 =	simm.s32 @!p0 $0x7000  }
0xb2: {  	[tilespmem:s8], [sflag:$0x2] =	stream.indirect.gather @!p0 [hbm4b:s4+s0], $0x40, s1, s0, $0xb8;
	[tilespmem:$0x11000] =	vst v63  }
0xb3: {  	s1 =	simm.s32 @!p0 $0x9000  }
0xb4: {  	[tilespmem:s1], [sflag:$0x3] =	stream.indirect.gather @!p0 [hbm4b:s2+s0], $0x40, s0, s0, $0xb8;
	[tilespmem:$0x11000] =	vst v63  }
0xb5: {  	s8 =	simm.s32 @!p0 $0xB000;
	s1 =	simm.s32 @!p0 $0x2880  }
0xb6: {  	[tilespmem:s8], [sflag:$0x4] =	stream.indirect.gather @!p0 [hbm4b:s4+s0], $0x40, s1, s0, $0xb8;
	[tilespmem:$0x11000] =	vst v63  }
0xb7: {  	s1 =	simm.s32 @!p0 $0x100;
	s8 =	simm.s32 @!p0 $0xD000  }
0xb8: {  	[tilespmem:s8], [sflag:$0x5] =	stream.indirect.gather @!p0 [hbm4b:s2+s0], $0x40, s1, s0, $0xb8;
	[tilespmem:$0x11000] =	vst v63  }
0xb9: {  	s11 =	simm.s32 $0x80;
	s8 =	sadd.s32 $0x2800, s12  }
0xba: {  	[tilespmem:s15], [sflag:$0x6] =	stream.indirect.gather [hbm4b:s4+s11], $0x40, s8, s11, $0xb8;
	[tilespmem:$0x11000] =	vst v63  }
0xbb: {  	_ =	swait.ge [sflag:s21], $0x2000  }
0xbc: {  	[sflag:s21] =	ssyncset.done $0x0  }
0xbd: {  	s17 =	simm.s32 $0x5000;
	[sflag:s21] =	ssyncadd.s32 $0xFFFFE000  }
0xbe: {  	[hbm4b:s9+s3] =	stream.linear.scatter [tilespmem:s17], [sflag:$0x7], $0x2000, $0x38;
	[tilespmem:$0x11000] =	vst v63  }
0xbf: {  	_ =	swait.ge [sflag:s23], $0x2000  }
0xc0: {  	[sflag:s23] =	ssyncset.done $0x0  }
0xc1: {  	s18 =	simm.s32 $0x7000;
	[sflag:s23] =	ssyncadd.s32 $0xFFFFE000  }
0xc2: {  	[hbm4b:s14+s3] =	stream.linear.scatter [tilespmem:s18], [sflag:$0x8], $0x2000, $0x38;
	[tilespmem:$0x11000] =	vst v63  }
0xc3: {  	_ =	swait.ge [sflag:s25], $0x2000  }
0xc4: {  	[sflag:s25] =	ssyncset.done $0x0  }
0xc5: {  	s22 =	sadd.s32 s5, s13;
	s12 =	simm.s32 $0x9000;
	[sflag:s25] =	ssyncadd.s32 $0xFFFFE000  }
0xc6: {  	[hbm4b:s22+s3] =	stream.linear.scatter [tilespmem:s12], [sflag:$0x9], $0x2000, $0x38;
	[tilespmem:$0x11000] =	vst v63  }
0xc7: {  	_ =	swait.ge [sflag:s28], $0x2000  }
0xc8: {  	[sflag:s28] =	ssyncset.done $0x0  }
0xc9: {  	s24 =	sadd.s32 s6, s13;
	s13 =	simm.s32 $0xB000;
	[sflag:s28] =	ssyncadd.s32 $0xFFFFE000  }
0xca: {  	[hbm4b:s24+s3] =	stream.linear.scatter [tilespmem:s13], [sflag:$0xA], $0x2000, $0x38;
	[tilespmem:$0x11000] =	vst v63  }
0xcb: {  	_ =	swait.ge [sflag:s30], $0x2000  }
0xcc: {  	[sflag:s30] =	ssyncset.done $0x0  }
0xcd: {  	s29 =	sadd.s32 s5, s10;
	s26 =	rddreg [dreg:$0x3];
	[sflag:s30] =	ssyncadd.s32 $0xFFFFE000  }
0xce: {  	[hbm4b:s29+s3] =	stream.linear.scatter [tilespmem:s26], [sflag:$0xB], $0x2000, $0x38;
	[tilespmem:$0x11000] =	vst v63  }
0xcf: {  	_ =	swait.ge [sflag:s31], $0x2000  }
0xd0: {  	[sflag:s31] =	ssyncset.done $0x0  }
0xd1: {  	s1 =	sadd.s32 s6, s10;
	s14 =	simm.s32 $0x7;
	[sflag:s31] =	ssyncadd.s32 $0xFFFFE000  }
0xd2: {  	[hbm4b:s1+s3] =	stream.linear.scatter [tilespmem:s15], [sflag:$0xC], $0x2000, $0x38;
	[tilespmem:$0x11000] =	vst v63  }
0xd3: {  	_ =	swait.ge [sflag:s14], $0x2000  }
0xd4: {  	[sflag:s14] =	ssyncset.done $0x0  }
0xd5: {  	s16 =	simm.s32 $0x8;
	s15 =	simm.s32 $0x2700;
	[sflag:s14] =	ssyncadd.s32 $0xFFFFE000  }
0xd6: {  	[tilespmem:s17], [sflag:$0x1] =	stream.indirect.gather [hbm4b:s2+s11], $0x40, s15, s11, $0xb8;
	[tilespmem:$0x11000] =	vst v63  }
0xd7: {  	_ =	swait.ge [sflag:s16], $0x2000  }
0xd8: {  	[sflag:s16] =	ssyncset.done $0x0  }
0xd9: {  	s19 =	simm.s32 $0x4F00;
	s22 =	simm.s32 $0x9;
	[sflag:s16] =	ssyncadd.s32 $0xFFFFE000  }
0xda: {  	[tilespmem:s18], [sflag:$0x2] =	stream.indirect.gather [hbm4b:s4+s11], $0x40, s19, s11, $0xb8;
	[tilespmem:$0x11000] =	vst v63  }
0xdb: {  	_ =	swait.ge [sflag:s22], $0x2000  }
0xdc: {  	[sflag:s22] =	ssyncset.done $0x0  }
0xdd: {  	s24 =	simm.s32 $0x2780;
	s26 =	simm.s32 $0xA;
	[sflag:s22] =	ssyncadd.s32 $0xFFFFE000  }
0xde: {  	[tilespmem:s12], [sflag:$0x3] =	stream.indirect.gather [hbm4b:s2+s11], $0x40, s24, s11, $0xb8;
	[tilespmem:$0x11000] =	vst v63  }
0xdf: {  	_ =	swait.ge [sflag:s26], $0x2000  }
0xe0: {  	[sflag:s26] =	ssyncset.done $0x0  }
0xe1: {  	s29 =	simm.s32 $0x4F80;
	[sflag:s26] =	ssyncadd.s32 $0xFFFFE000  }
0xe2: {  	[tilespmem:s13], [sflag:$0x4] =	stream.indirect.gather [hbm4b:s4+s11], $0x40, s29, s11, $0xb8;
	[tilespmem:$0x11000] =	vst v63  }
0xe3: {  	_ =	swait.ge [sflag:s21], $0x2000  }
0xe4: {  	[sflag:s21] =	ssyncset.done $0x0  }
0xe5: {  	s8 =	rddreg [dreg:$0x6];
	[sflag:s21] =	ssyncadd.s32 $0xFFFFE000  }
0xe6: {  	[hbm4b:s8+s3] =	stream.linear.scatter [tilespmem:s17], [sflag:$0x7], $0x2000, $0x38;
	[tilespmem:$0x11000] =	vst v63  }
0xe7: {  	_ =	swait.ge [sflag:s23], $0x2000  }
0xe8: {  	[sflag:s23] =	ssyncset.done $0x0  }
0xe9: {  	s17 =	rddreg [dreg:$0x7];
	[sflag:s23] =	ssyncadd.s32 $0xFFFFE000  }
0xea: {  	[hbm4b:s17+s3] =	stream.linear.scatter [tilespmem:s18], [sflag:$0x8], $0x2000, $0x38;
	[tilespmem:$0x11000] =	vst v63  }
0xeb: {  	_ =	swait.ge [sflag:s25], $0x2000  }
0xec: {  	[sflag:s25] =	ssyncset.done $0x0  }
0xed: {  	s18 =	rddreg [dreg:$0x8];
	[sflag:s25] =	ssyncadd.s32 $0xFFFFE000  }
0xee: {  	[hbm4b:s18+s3] =	stream.linear.scatter [tilespmem:s12], [sflag:$0x9], $0x2000, $0x38;
	[tilespmem:$0x11000] =	vst v63  }
0xef: {  	_ =	swait.ge [sflag:s28], $0x2000  }
0xf0: {  	[sflag:s28] =	ssyncset.done $0x0  }
0xf1: {  	s19 =	rddreg [dreg:$0x9];
	[sflag:s28] =	ssyncadd.s32 $0xFFFFE000  }
0xf2: {  	[hbm4b:s19+s3] =	stream.linear.scatter [tilespmem:s13], [sflag:$0xA], $0x2000, $0x38;
	[tilespmem:$0x11000] =	vst v63  }
0xf3: {  	_ =	swait.ge [sflag:s14], $0x2000  }
0xf4: {  	[sflag:s14] =	ssyncset.done $0x0  }
0xf5: {  	[sflag:s14] =	ssyncadd.s32 $0xFFFFE000  }
0xf6: {  	_ =	swait.ge [sflag:s16], $0x2000  }
0xf7: {  	[sflag:s16] =	ssyncset.done $0x0  }
0xf8: {  	[sflag:s16] =	ssyncadd.s32 $0xFFFFE000  }
0xf9: {  	_ =	swait.ge [sflag:s22], $0x2000  }
0xfa: {  	[sflag:s22] =	ssyncset.done $0x0  }
0xfb: {  	[sflag:s22] =	ssyncadd.s32 $0xFFFFE000  }
0xfc: {  	_ =	swait.ge [sflag:s26], $0x2000  }
0xfd: {  	[sflag:s26] =	ssyncset.done $0x0  }
0xfe: {  	s22 =	simm.s32 $0xB;
	[sflag:s26] =	ssyncadd.s32 $0xFFFFE000  }
0xff: {  	_ =	swait.ge [sflag:s22], $0x2000  }
0x100: {  	[sflag:s22] =	ssyncset.done $0x0  }
0x101: {  	s24 =	simm.s32 $0xC;
	[sflag:s22] =	ssyncadd.s32 $0xFFFFE000  }
0x102: {  	_ =	swait.ge [sflag:s24], $0x2000  }
0x103: {  	s26 =	rddreg [dreg:$0xd]  }
0x104: {  	s29 =	rddreg [dreg:$0xa];
	s8 =	sadd.s32 $0x1, s26  }
0x105: {  	p0 =	sne.s32 s8, s29  }
.Ltmp1:
0x106: {  	_ = 	snop;
	(pc) =	sbr.rel @p0 .LBB2_1-.Ltmp1, $3  }
0x107: {  	_ =	sdelay $0x1  }
0x108: {  	[sflag:s24] =	ssyncset.done $0x0  }
0x109: {  	s10 =	simm.s32 $0xF000;
	[sflag:s24] =	ssyncadd.s32 $0xFFFFE000  }
0x10a: {  	_ =	sfence.sel $0x180000  }
0x10b: {  	[bflag:$0x0] =	sbarrier.arrive $0xFFFF  }
0x10c: {  	_ =	strace $0x90000047  }
0x10d: {  	s0 =	stileid.u32;
	[bflag:$0x2] =	sbarrier.arrive $0xFFFF  }
0x10e: {  	p0 =	sne.s32 s0, $0x0;
	s0 =	rddreg [dreg:$0x2]  }
0x10f: {  	s0 =	sadd.s32 @!p0 $0x100000, s0  }
0x110: {  	[sflag:s0] =	ssyncadd.tile.s32 @!p0 $0x1;
	_ =	shalt  }
.Lfunc_end2:
_tile_overlayer_lowered:
.L_overlay_start_2:
0x111: {  	(tag) =	ssettag $0x2  }
0x112: {  	s0 =	rddreg [dreg:$0x0];
	s2 =	stileid.u32  }
0x113: {  	s1 =	rddreg [dreg:$0x1];
	p0 =	sne.s32 s2, $0x0  }
0x114: {  	s3 =	rddreg [dreg:$0x2];
	[bflag:$0x3] =	sbarrier.arrive $0xFFFF;
	s2 =	simm.s32 @!p0 $0x1C0D  }
0x115: {  	[timem:s3], [sflag:s2] =	dma.local @!p0 [hbm:s0], s1  }
0x116: {  	s0 =	simm.s32 @!p0 $0xD  }
0x117: {  	_ =	swait.ge @!p0 [sflag:s0], s1  }
0x118: {  	s1 =	ssub.s32 @!p0 $0x0, s1;
	[sflag:s0] =	ssyncset.done @!p0 $0x0  }
0x119: {  	[sflag:s0] =	ssyncadd.s32 @!p0 s1  }
0x11a: {  	[bflag:$0x3] =	sbarrier.arrive $0xFFFF  }
0x11b: {  	_ =	shalt  }

// kernel: kernel.23.cloned.1.call-start
scs
__scs_entry_jumppad:
0x0: {  	(pc) =	sbr.rel $0x88, $3  }
0x1: {  	(tag) =	ssettag $0x0;
	lr =	simm.s32 $0x1  }
0x2: {  	[smem:$0x3F80] =	sst lr;
	_ =	strace $0xD0000000  }
0x3: {  	_ = 	snop  }
0x4: {  	_ = 	snop  }
0x5: {  	_ = 	snop  }
0x6: {  	_ = 	snop  }
0x7: {  	_ = 	snop  }
__scs_overlays_trampoline_lowered:
0x8: {  	[smem:$0x3F8F] =	sst s0  }
0x9: {  	[smem:$0x3F90] =	sst s1  }
0xa: {  	[smem:$0x3F91] =	sst s2  }
0xb: {  	[smem:$0x3F92] =	sst s3  }
0xc: {  	[smem:$0x3F93] =	sst s4  }
0xd: {  	[smem:$0x3F94] =	sst s5  }
0xe: {  	[smem:$0x3F95] =	sst s6  }
0xf: {  	[smem:$0x3F96] =	sst s7  }
0x10: {  	[smem:$0x3F97] =	sst s8  }
0x11: {  	[smem:$0x3F98] =	sst s9;
	s0 =	simm.s32 @!p0 $0x0  }
0x12: {  	s1 =	sld [smem:$0x3F7E];
	s0 =	simm.s32 @p0 $0x1  }
0x13: {  	[smem:$0x3F99] =	sst s0;
	s0 =	simm.s32 @!p1 $0x0  }
0x14: {  	s2 =	sld [smem:$0x3F7D];
	s0 =	simm.s32 @p1 $0x1  }
0x15: {  	[smem:$0x3F9A] =	sst s0;
	s0 =	simm.s32 @!p2 $0x0  }
0x16: {  	s3 =	sld [smem:$0x3FDB];
	s0 =	simm.s32 @p2 $0x1  }
0x17: {  	s4 =	simm.s32 $0x1BF5;
	[smem:$0x3F9C] =	sst s0  }
0x18: {  	s0 =	sld [smem:$0x3F7F];
	_ =	swait.ge [sflag:s4], $0x0  }
0x19: {  	s7 =	sld [smem:$0x3F80]  }
0x1a: {  	s8 =	sadd.s32 $0xFFFFE003, lr  }
0x1b: {  	s9 =	sadd.s32 $0xFFFFFEF7, lr;
	s5 =	simm.s32 $0xFFFFFFFF;
	p2 =	slt.u32 s8, $0xFFFFF086  }
0x1c: {  	p1 =	slt.u32 s9, $0xF7A;
	s5 =	simm.s32 @!p2 $0x0  }
0x1d: {  	s5 =	simm.s32 @p1 $0x1;
	p0 =	seq.s32 s7, s2  }
0x1e: {  	s7 =	smul.u32 @!p0 $0xF7A, s2;
	p2 =	seq.s32 @!p0 s5, $0x0  }
0x1f: {  	s9 =	smul.u32 $0xF7A, s1;
	s8 =	simm.s32 @!p0 $0x1BF5;
	p2 =	por !p2, p0  }
0x20: {  	[sflag:s8] =	ssyncset.s32 @!p0 $0xFFFFF086;
	s6 =	sadd.s32 @!p0 s3, s7;
	s7 =	simm.s32 @!p0 $0x108  }
0x21: {  	s3 =	sadd.s32 s3, s9;
	s6 =	sadd.s32 @!p0 $0x88, s6;
	s7 =	simm.s32 @p2 $0x1082  }
0x22: {  	[simem:s7], [sflag:s8] =	dma.local @!p0 [hbm:s6], $0xF7A  }
0x23: {  	s9 =	sor.u32 $0xD0000000, s2;
	s6 =	simm.s32 $0x108;
	_ =	swait.ge @!p0 [sflag:s8], $0x0  }
0x24: {  	s3 =	sadd.s32 $0x88, s3;
	s6 =	simm.s32 @!p1 $0x1082;
	[sflag:s4] =	ssyncset.s32 $0xFFFFF086  }
0x25: {  	[simem:s6], [sflag:s4] =	dma.local [hbm:s3], $0xF7A  }
0x26: {  	[smem:$0x3F80] =	sst s1;
	(tag) =	ssettag s2;
	_ =	strace s9  }
0x27: {  	s1 =	sld [smem:$0x3F90]  }
0x28: {  	s2 =	sld [smem:$0x3F91]  }
0x29: {  	s4 =	sld [smem:$0x3F93]  }
0x2a: {  	p0 =	seq.s32 s5, $0x0;
	s5 =	sld [smem:$0x3F94]  }
0x2b: {  	s6 =	sld [smem:$0x3F95]  }
0x2c: {  	s7 =	sld [smem:$0x3F96]  }
0x2d: {  	s3 =	simm.s32 $0x108;
	s8 =	sld [smem:$0x3F97]  }
0x2e: {  	s3 =	simm.s32 @!p0 $0x1082;
	s9 =	sld [smem:$0x3F98]  }
0x2f: {  	lr =	sadd.s32 s0, s3;
	s0 =	sld [smem:$0x3F8F]  }
0x30: {  	s3 =	sld [smem:$0x3F92]  }
0x31: {  	[smem:$0x3F9B] =	sst s10  }
0x32: {  	s10 =	sld [smem:$0x3F99];
	_ =	sdelay $0x3  }
0x33: {  	p0 =	seq.s32 s10, $0x1;
	s10 =	sld [smem:$0x3F9B];
	_ =	sdelay $0x3  }
0x34: {  	[smem:$0x3F9B] =	sst s10  }
0x35: {  	s10 =	sld [smem:$0x3F9A];
	_ =	sdelay $0x3  }
0x36: {  	p1 =	seq.s32 s10, $0x1;
	s10 =	sld [smem:$0x3F9B];
	_ =	sdelay $0x3  }
0x37: {  	[smem:$0x3F9B] =	sst s10  }
0x38: {  	s10 =	sld [smem:$0x3F9C]  }
0x39: {  	_ = 	snop;
	(pc) =	sbr.ind lr, $3  }
0x3a: {  	_ = 	snop  }
0x3b: {  	_ = 	snop  }
0x3c: {  	p2 =	seq.s32 s10, $0x1;
	s10 =	sld [smem:$0x3F9B]  }
0x3d: {  	_ =	shalt  }
0x3e: {  	_ =	shalt  }
0x3f: {  	_ =	shalt  }
0x40: {  	_ =	shalt  }
0x41: {  	_ =	shalt  }
0x42: {  	_ =	shalt  }
0x43: {  	_ =	shalt  }
0x44: {  	_ =	shalt  }
0x45: {  	_ =	shalt  }
0x46: {  	_ =	shalt  }
0x47: {  	_ =	shalt  }
0x48: {  	_ =	shalt  }
0x49: {  	_ =	shalt  }
0x4a: {  	_ =	shalt  }
0x4b: {  	_ =	shalt  }
0x4c: {  	_ =	shalt  }
0x4d: {  	_ =	shalt  }
0x4e: {  	_ =	shalt  }
0x4f: {  	_ =	shalt  }
0x50: {  	_ =	shalt  }
0x51: {  	_ =	shalt  }
0x52: {  	_ =	shalt  }
0x53: {  	_ =	shalt  }
0x54: {  	_ =	shalt  }
0x55: {  	_ =	shalt  }
0x56: {  	_ =	shalt  }
0x57: {  	_ =	shalt  }
0x58: {  	_ =	shalt  }
0x59: {  	_ =	shalt  }
0x5a: {  	_ =	shalt  }
0x5b: {  	_ =	shalt  }
0x5c: {  	_ =	shalt  }
0x5d: {  	_ =	shalt  }
0x5e: {  	_ =	shalt  }
0x5f: {  	_ =	shalt  }
0x60: {  	_ =	shalt  }
0x61: {  	_ =	shalt  }
0x62: {  	_ =	shalt  }
0x63: {  	_ =	shalt  }
0x64: {  	_ =	shalt  }
0x65: {  	_ =	shalt  }
0x66: {  	_ =	shalt  }
0x67: {  	_ =	shalt  }
0x68: {  	_ =	shalt  }
0x69: {  	_ =	shalt  }
0x6a: {  	_ =	shalt  }
0x6b: {  	_ =	shalt  }
0x6c: {  	_ =	shalt  }
0x6d: {  	_ =	shalt  }
0x6e: {  	_ =	shalt  }
0x6f: {  	_ =	shalt  }
0x70: {  	_ =	shalt  }
0x71: {  	_ =	shalt  }
0x72: {  	_ =	shalt  }
0x73: {  	_ =	shalt  }
0x74: {  	_ =	shalt  }
0x75: {  	_ =	shalt  }
0x76: {  	_ =	shalt  }
0x77: {  	_ =	shalt  }
0x78: {  	_ =	shalt  }
0x79: {  	_ =	shalt  }
0x7a: {  	_ =	shalt  }
0x7b: {  	_ =	shalt  }
0x7c: {  	_ =	shalt  }
0x7d: {  	_ =	shalt  }
0x7e: {  	_ =	shalt  }
0x7f: {  	_ =	shalt  }
0x80: {  	_ =	shalt  }
0x81: {  	_ =	shalt  }
0x82: {  	_ =	shalt  }
0x83: {  	_ =	shalt  }
0x84: {  	_ =	shalt  }
0x85: {  	_ =	shalt  }
0x86: {  	_ =	shalt  }
0x87: {  	_ =	shalt  }
.Lfunc_end0:
.L_simem_size_0:
called_computation.1_lowered:
.L_overlay_start_0:
0x88: {  	s2 =	sld [smem:$0x3FD9]  }
0x89: {  	s3 =	sld [smem:$0x3FFE];
	_ =	sdelay $0x1  }
0x8a: {  	s1 =	srdreg.scid  }
0x8b: {  	s0 =	sand.u32 $0x1, s1  }
0x8c: {  	s16 =	sshll.u32 s0, $0xA;
	s2 =	sadd.s32 s3, s2  }
0x8d: {  	s2 =	sadd.s32 s2, s16  }
0x8e: {  	[smem:$0x3FA7] =	sst s2  }
0x8f: {  	_ = 	snop  }
0x90: {  	(tm) =	ssettm $0x1  }
0x91: {  	s17 =	sld [smem:$0x3FFB];
	_ =	sdelay $0x3  }
0x92: {  	_ =	strace s17  }
0x93: {  	s2 =	sld [smem:$0x3FFC];
	_ =	sdelay $0x3  }
0x94: {  	_ =	strace s2  }
0x95: {  	s2 =	sld [smem:$0x3FFD];
	_ =	sdelay $0x3  }
0x96: {  	_ =	strace s2  }
0x97: {  	_ =	strace $0x8FFFFFFF  }
0x98: {  	s18 =	sld [smem:$0x3FDB];
	_ =	sdelay $0x1  }
0x99: {  	s19 =	simm.s32 $_scs_section_size  }
0x9a: {  	s4 =	simm.s32 $_size__tile_overlayer_lowered;
	s5 =	simm.s32 $_tile_overlayer_lowered  }
0x9b: {  	s22 =	simm.s32 $0x1BFF;
	s21 =	sshll.u32 s5, $0x1;
	s2 =	sadd.s32 s19, s18  }
0x9c: {  	s6 =	simm.s32 $0x0;
	s20 =	sshll.u32 s4, $0x1;
	s4 =	sadd.s32 s21, s2  }
0x9d: {  	[timem:s6], [sflag:s22] =	dma.local [hbm:s4], s20  }
0x9e: {  	_ =	swait.ge [sflag:s22], s20  }
0x9f: {  	s3 =	ssub.s32 $0x0, s20;
	[sflag:s22] =	ssyncset.done $0x0  }
0xa0: {  	[sflag:s22] =	ssyncadd.s32 s3;
	_ =	sdelay $0x1  }
0xa1: {  	s23 =	simm.s32 $0x1B8B  }
0xa2: {  	_ =	swait.ge [sflag:s23], $0x1  }
0xa3: {  	[sflag:s23] =	ssyncset.done $0x0  }
0xa4: {  	s25 =	simm.s32 $0x1B8E;
	s24 =	sld [smem:$0x3FFE];
	[sflag:s23] =	ssyncadd.s32 $0xFFFFFFFF  }
0xa5: {  	s26 =	simm.s32 $execute0_lowered;
	[smem:$0x3FD2] =	sst s25  }
0xa6: {  	s4 =	sshll.u32 s26, $0x1;
	_ =	strace $0x80000049;
	[dreg:$0x1] =	wrdreg $0xFFFFFFFF  }
0xa7: {  	s28 =	simm.s32 $_size_execute0_lowered;
	s2 =	sadd.s32 s2, s4;
	[dreg:$0x0] =	wrdreg $0x0  }
0xa8: {  	s4 =	sshll.u32 s28, $0x1;
	[dreg:$0x2] =	wrdreg s2  }
0xa9: {  	[dreg:$0x3] =	wrdreg s4  }
0xaa: {  	[dreg:$0x4] =	wrdreg $0xC0  }
0xab: {  	_ =	task [dreg:s6], $0x5FFFF  }
0xac: {  	[dreg:$0x1] =	wrdreg $0xFFFFFFFF  }
0xad: {  	[dreg:$0x0] =	wrdreg $0x60  }
0xae: {  	[dreg:$0x2] =	wrdreg s24  }
0xaf: {  	[dreg:$0x3] =	wrdreg $0x72000  }
0xb0: {  	[dreg:$0x4] =	wrdreg $0x9  }
0xb1: {  	_ =	task.clear_ibuf [dreg:s6], $0x5FFFF;
	_ =	strace $0x90000049  }
0xb2: {  	s29 =	simm.s32 $0x9;
	_ =	strace $0x8000004B  }
0xb3: {  	_ =	swait.ge [sflag:s29], $0x1  }
0xb4: {  	[sflag:s29] =	ssyncadd.s32 $0xFFFFFFFF  }
0xb5: {  	_ =	strace $0x9000004B  }
0xb6: {  	_ =	sfence  }
0xb7: {  	s30 =	sld [smem:$0x0];
	_ =	sdelay $0x2  }
0xb8: {  	s31 =	sshll.u32 s1, $0xD;
	s1 =	sshrl.u32 s1, $0x2  }
0xb9: {  	s3 =	sand.u32 $0x4000, s31;
	s1 =	sadd.s32 s1, s30  }
0xba: {  	s0 =	sor.u32 s3, s0;
	s1 =	sshll.u32 s1, $0x11  }
0xbb: {  	s0 =	sor.u32 s1, s0  }
0xbc: {  	s0 =	sadd.s32 $0x8F2B, s0  }
0xbd: {  	[sflag:s0] =	ssyncadd.remote.s32 $0x1  }
0xbe: {  	_ =	sfence.sel $0xFFFF  }
0xbf: {  	[dreg:$0x0] =	wrdreg $0xFFFFFFFF;
	(pc) =	sbr.abs _section_cstart, $3  }
0xc0: {  	[dreg:$0x1] =	wrdreg $0xFFFFFFFF  }
0xc1: {  	_ =	task.clear_ibuf [dreg:s6], $0x2FFFF;
	_ =	strace $0x9FFFFFFF  }
0xc2: {  	(tm) =	ssettm $0x7FFFFFFF  }
0xc3: {  	_ =	shalt  }
tec
execute0_lowered:
.L_overlay_start_1:
0x0: {  	(tag) =	ssettag $0x1  }
0x1: {  	s0 =	rddreg [dreg:$0x0];
	s1 =	srdreg.scid  }
0x2: {  	s12 =	stileid.u32;
	s2 =	rddreg [dreg:$0x1]  }
0x3: {  	s3 =	simm.s32 $0x0;
	s29 =	simm.s32 $0x5;
	s30 =	simm.s32 $0x6800  }
0x4: {  	s31 =	simm.s32 $0x2800;
	s1 =	sand.u32 $0x1, s1;
	s7 =	smul.u32 $0x28000, s12  }
0x5: {  	s4 =	sshll.u32 s12, $0x1;
	[smem:$0x7FF] =	sst s3;
	s23 =	smul.u32 $0xA0, s12  }
0x6: {  	s6 =	sadd.s32 $0x7EB000, s0;
	s10 =	sadd.s32 $0xF000, s0;
	s26 =	smul.u32 $0x1400, s12  }
0x7: {  	s4 =	sor.u32 s1, s4;
	_ =	strace $0x8000004A;
	s9 =	smul.u32 $0x14000, s1  }
0x8: {  	s15 =	ssub.s32 $0x2, s1;
	[dreg:$0x3] =	wrdreg s10;
	s1 =	smul.u32 $0x50, s1  }
0x9: {  	s5 =	smul.u32 $0x500, s4;
	s16 =	sshrl.u32 s15, $0x1;
	s11 =	sshrl.u32 s7, $0x2  }
0xa: {  	s4 =	smul.u32 $0x14000, s4;
	s25 =	sadd.s32 s7, s6;
	s7 =	simm.s32 $0x3  }
0xb: {  	s10 =	ssub.s32 s15, s16;
	s1 =	sadd.s32 s1, s23;
	s8 =	sadd.s32 s5, s0  }
0xc: {  	s0 =	sadd.s32 s9, s0;
	s5 =	sadd.s32 s11, s2;
	s17 =	smax.u32 s10, $0x1  }
0xd: {  	s1 =	sshll.u32 s1, $0xA;
	s8 =	sadd.s32 $0x23A00, s8;
	[dreg:$0x5] =	wrdreg s17  }
0xe: {  	s18 =	sadd.s32 $0xA00, s5;
	s19 =	sadd.s32 $0x1400, s5;
	[dreg:$0x4] =	wrdreg s8  }
0xf: {  	s20 =	sadd.s32 $0x1E00, s5;
	s21 =	sadd.s32 $0x2800, s5;
	[dreg:$0x6] =	wrdreg s18  }
0x10: {  	s22 =	sadd.s32 $0x3200, s5;
	s24 =	sadd.s32 $0x3C00, s5;
	[dreg:$0x7] =	wrdreg s19  }
0x11: {  	s14 =	sadd.s32 $0x4600, s5;
	s15 =	sadd.s32 $0x5000, s5;
	[dreg:$0x8] =	wrdreg s20  }
0x12: {  	s16 =	sadd.s32 $0x5A00, s5;
	s17 =	sadd.s32 $0x6400, s5;
	[dreg:$0x9] =	wrdreg s21  }
0x13: {  	s1 =	sadd.s32 s1, s6;
	s0 =	sadd.s32 s26, s0;
	[dreg:$0xa] =	wrdreg s22  }
0x14: {  	s26 =	sadd.s32 $0x9600, s5;
	[dreg:$0xb] =	wrdreg s24;
	s18 =	sadd.s32 $0x6E00, s5  }
0x15: {  	s19 =	sadd.s32 s6, s4;
	s20 =	sadd.s32 $0x7800, s5;
	s4 =	sadd.s32 s9, s25  }
0x16: {  	s21 =	sadd.s32 $0x8200, s5;
	s22 =	sadd.s32 $0x8C00, s5;
	s23 =	sadd.s32 $0xC00, s1  }
0x17: {  	s25 =	sadd.s32 $0x56400, s0;
	s1 =	simm.s32 $0x4800;
	s0 =	simm.s32 $0x1  }
0x18: {  	s6 =	simm.s32 $0x2;
	s8 =	simm.s32 $0x4;
	s9 =	simm.s32 $0x0  }
0x19: {  	s24 =	sadd.s32 $0x800, s4;
	s28 =	sadd.s32 $0x400, s19;
	s4 =	simm.s32 $0x80  }
.LBB2_1:
0x1a: {  	s10 =	rddreg [dreg:$0x4]  }
0x1b: {  	[tilespmem:s3], [sflag:$0x5] =	stream.linear.gather [hbm4b:s10+s3], $0x2800, $0x38;
	[tilespmem:$0x11200] =	vst v63  }
0x1c: {  	_ =	swait.ge [sflag:s29], $0x2800  }
0x1d: {  	[sflag:s29] =	ssyncset.done $0x0  }
0x1e: {  	s13 =	rddreg [dreg:$0x3];
	[sflag:s29] =	ssyncadd.s32 $0xFFFFD800  }
0x1f: {  	[tilespmem:s30], [sflag:$0x5] =	stream.linear.gather [hbm4b:s13+s3], $0xA00, $0x38;
	[tilespmem:$0x11200] =	vst v63  }
0x20: {  	_ =	swait.ge [sflag:s29], $0xA00  }
0x21: {  	[sflag:s29] =	ssyncset.done $0x0  }
0x22: {  	[sflag:s29] =	ssyncadd.s32 $0xFFFFF600  }
0x23: {  	[spmem:s5] =	stream.linear.scatter [tilespmem:s30], [sflag:$0x5], $0xA00, $0x38;
	[tilespmem:$0x11200] =	vst v63  }
0x24: {  	_ =	swait.ge [sflag:s29], $0xA00  }
0x25: {  	[sflag:s29] =	ssyncset.done $0x0  }
0x26: {  	s11 =	rddreg [dreg:$0x6];
	[sflag:s29] =	ssyncadd.s32 $0xFFFFF600  }
0x27: {  	[spmem:s11] =	stream.linear.scatter [tilespmem:s30], [sflag:$0x5], $0xA00, $0x38;
	[tilespmem:$0x11200] =	vst v63  }
0x28: {  	_ =	swait.ge [sflag:s29], $0xA00  }
0x29: {  	[sflag:s29] =	ssyncset.done $0x0  }
0x2a: {  	s12 =	rddreg [dreg:$0x7];
	[sflag:s29] =	ssyncadd.s32 $0xFFFFF600  }
0x2b: {  	[spmem:s12] =	stream.linear.scatter [tilespmem:s30], [sflag:$0x5], $0xA00, $0x38;
	[tilespmem:$0x11200] =	vst v63  }
0x2c: {  	_ =	swait.ge [sflag:s29], $0xA00  }
0x2d: {  	[sflag:s29] =	ssyncset.done $0x0  }
0x2e: {  	s13 =	rddreg [dreg:$0x8];
	[sflag:s29] =	ssyncadd.s32 $0xFFFFF600  }
0x2f: {  	[spmem:s13] =	stream.linear.scatter [tilespmem:s30], [sflag:$0x5], $0xA00, $0x38;
	[tilespmem:$0x11200] =	vst v63  }
0x30: {  	_ =	swait.ge [sflag:s29], $0xA00  }
0x31: {  	[sflag:s29] =	ssyncset.done $0x0  }
0x32: {  	s11 =	rddreg [dreg:$0x9];
	[sflag:s29] =	ssyncadd.s32 $0xFFFFF600  }
0x33: {  	[spmem:s11] =	stream.linear.scatter [tilespmem:s30], [sflag:$0x5], $0xA00, $0x38;
	[tilespmem:$0x11200] =	vst v63  }
0x34: {  	_ =	swait.ge [sflag:s29], $0xA00  }
0x35: {  	[sflag:s29] =	ssyncset.done $0x0  }
0x36: {  	s12 =	rddreg [dreg:$0xa];
	[sflag:s29] =	ssyncadd.s32 $0xFFFFF600  }
0x37: {  	[spmem:s12] =	stream.linear.scatter [tilespmem:s30], [sflag:$0x5], $0xA00, $0x38;
	[tilespmem:$0x11200] =	vst v63  }
0x38: {  	_ =	swait.ge [sflag:s29], $0xA00  }
0x39: {  	[sflag:s29] =	ssyncset.done $0x0  }
0x3a: {  	s13 =	rddreg [dreg:$0xb];
	[sflag:s29] =	ssyncadd.s32 $0xFFFFF600  }
0x3b: {  	[spmem:s13] =	stream.linear.scatter [tilespmem:s30], [sflag:$0x5], $0xA00, $0x38;
	[tilespmem:$0x11200] =	vst v63  }
0x3c: {  	_ =	swait.ge [sflag:s29], $0xA00  }
0x3d: {  	[sflag:s29] =	ssyncset.done $0x0  }
0x3e: {  	[sflag:s29] =	ssyncadd.s32 $0xFFFFF600  }
0x3f: {  	[spmem:s14] =	stream.linear.scatter [tilespmem:s30], [sflag:$0x5], $0xA00, $0x38;
	[tilespmem:$0x11200] =	vst v63  }
0x40: {  	_ =	swait.ge [sflag:s29], $0xA00  }
0x41: {  	[sflag:s29] =	ssyncset.done $0x0  }
0x42: {  	[sflag:s29] =	ssyncadd.s32 $0xFFFFF600  }
0x43: {  	[spmem:s15] =	stream.linear.scatter [tilespmem:s30], [sflag:$0x5], $0xA00, $0x38;
	[tilespmem:$0x11200] =	vst v63  }
0x44: {  	_ =	swait.ge [sflag:s29], $0xA00  }
0x45: {  	[sflag:s29] =	ssyncset.done $0x0  }
0x46: {  	[sflag:s29] =	ssyncadd.s32 $0xFFFFF600  }
0x47: {  	[spmem:s16] =	stream.linear.scatter [tilespmem:s30], [sflag:$0x5], $0xA00, $0x38;
	[tilespmem:$0x11200] =	vst v63  }
0x48: {  	_ =	swait.ge [sflag:s29], $0xA00  }
0x49: {  	[sflag:s29] =	ssyncset.done $0x0  }
0x4a: {  	[sflag:s29] =	ssyncadd.s32 $0xFFFFF600  }
0x4b: {  	[spmem:s17] =	stream.linear.scatter [tilespmem:s30], [sflag:$0x5], $0xA00, $0x38;
	[tilespmem:$0x11200] =	vst v63  }
0x4c: {  	_ =	swait.ge [sflag:s29], $0xA00  }
0x4d: {  	[sflag:s29] =	ssyncset.done $0x0  }
0x4e: {  	[sflag:s29] =	ssyncadd.s32 $0xFFFFF600  }
0x4f: {  	[spmem:s18] =	stream.linear.scatter [tilespmem:s30], [sflag:$0x5], $0xA00, $0x38;
	[tilespmem:$0x11200] =	vst v63  }
0x50: {  	_ =	swait.ge [sflag:s29], $0xA00  }
0x51: {  	[sflag:s29] =	ssyncset.done $0x0  }
0x52: {  	[sflag:s29] =	ssyncadd.s32 $0xFFFFF600  }
0x53: {  	[spmem:s20] =	stream.linear.scatter [tilespmem:s30], [sflag:$0x5], $0xA00, $0x38;
	[tilespmem:$0x11200] =	vst v63  }
0x54: {  	_ =	swait.ge [sflag:s29], $0xA00  }
0x55: {  	[sflag:s29] =	ssyncset.done $0x0  }
0x56: {  	[sflag:s29] =	ssyncadd.s32 $0xFFFFF600  }
0x57: {  	[spmem:s21] =	stream.linear.scatter [tilespmem:s30], [sflag:$0x5], $0xA00, $0x38;
	[tilespmem:$0x11200] =	vst v63  }
0x58: {  	_ =	swait.ge [sflag:s29], $0xA00  }
0x59: {  	[sflag:s29] =	ssyncset.done $0x0  }
0x5a: {  	[sflag:s29] =	ssyncadd.s32 $0xFFFFF600  }
0x5b: {  	[spmem:s22] =	stream.linear.scatter [tilespmem:s30], [sflag:$0x5], $0xA00, $0x38;
	[tilespmem:$0x11200] =	vst v63  }
0x5c: {  	_ =	swait.ge [sflag:s29], $0xA00  }
0x5d: {  	[sflag:s29] =	ssyncset.done $0x0  }
0x5e: {  	[sflag:s29] =	ssyncadd.s32 $0xFFFFF600  }
0x5f: {  	[spmem:s26] =	stream.linear.scatter [tilespmem:s30], [sflag:$0x5], $0xA00, $0x38;
	[tilespmem:$0x11200] =	vst v63  }
0x60: {  	_ =	swait.ge [sflag:s29], $0xA00  }
0x61: {  	[sflag:s29] =	ssyncset.done $0x0  }
0x62: {  	[sflag:s29] =	ssyncadd.s32 $0xFFFFF600  }
0x63: {  	[bflag:$0x0] =	sbarrier.arrive $0xFFFF  }
0x64: {  	[tilespmem:s31], [sflag:$0x1] =	stream.linear.gather [hbm4b:s19+s3], $0x2000, $0x38;
	[tilespmem:$0x11200] =	vst v63  }
0x65: {  	_ = 	snop  }
0x66: {  	[tilespmem:s1], [sflag:$0x2] =	stream.linear.gather [hbm4b:s28+s3], $0x2000, $0x38;
	[tilespmem:$0x11200] =	vst v63  }
0x67: {  	_ =	swait.ge [sflag:s0], $0x2000  }
0x68: {  	[sflag:s0] =	ssyncset.done $0x0  }
0x69: {  	[sflag:s0] =	ssyncadd.s32 $0xFFFFE000  }
0x6a: {  	[spmem:s2] =	stream.indirect.scatter.add.f32 [tilespmem:s31], [sflag:$0x3], $0x40, s3, s4, $0xb8;
	[tilespmem:$0x11200] =	vst v63  }
0x6b: {  	_ =	swait.ge [sflag:s6], $0x2000  }
0x6c: {  	[sflag:s6] =	ssyncset.done $0x0  }
0x6d: {  	[sflag:s6] =	ssyncadd.s32 $0xFFFFE000  }
0x6e: {  	[spmem:s2] =	stream.indirect.scatter.add.f32 [tilespmem:s1], [sflag:$0x4], $0x40, s4, s4, $0xb8;
	[tilespmem:$0x11200] =	vst v63  }
0x6f: {  	_ =	swait.ge [sflag:s7], $0x2000  }
0x70: {  	[sflag:s7] =	ssyncset.done $0x0  }
0x71: {  	s11 =	sadd.s32 $0x0, s24;
	[sflag:s7] =	ssyncadd.s32 $0xFFFFE000  }
0x72: {  	[tilespmem:s31], [sflag:$0x1] =	stream.linear.gather [hbm4b:s11+s3], $0x2000, $0x38;
	[tilespmem:$0x11200] =	vst v63  }
0x73: {  	_ =	swait.ge [sflag:s8], $0x2000  }
0x74: {  	[sflag:s8] =	ssyncset.done $0x0  }
0x75: {  	s12 =	sadd.s32 $0x0, s23;
	[sflag:s8] =	ssyncadd.s32 $0xFFFFE000  }
0x76: {  	[tilespmem:s1], [sflag:$0x2] =	stream.linear.gather [hbm4b:s12+s3], $0x2000, $0x38;
	[tilespmem:$0x11200] =	vst v63  }
0x77: {  	_ =	swait.ge [sflag:s0], $0x2000  }
0x78: {  	[sflag:s0] =	ssyncset.done $0x0  }
0x79: {  	s13 =	simm.s32 $0x100;
	[sflag:s0] =	ssyncadd.s32 $0xFFFFE000  }
0x7a: {  	[spmem:s2] =	stream.indirect.scatter.add.f32 [tilespmem:s31], [sflag:$0x3], $0x40, s13, s4, $0xb8;
	[tilespmem:$0x11200] =	vst v63  }
0x7b: {  	_ =	swait.ge [sflag:s6], $0x2000  }
0x7c: {  	s10 =	simm.s32 $0x800;
	[sflag:s6] =	ssyncset.done $0x0  }
0x7d: {  	s11 =	simm.s32 $0x200;
	s12 =	simm.s32 $0x180;
	[sflag:s6] =	ssyncadd.s32 $0xFFFFE000  }
.LBB2_2:
0x7e: {  	[spmem:s2] =	stream.indirect.scatter.add.f32 [tilespmem:s1], [sflag:$0x4], $0x40, s12, s4, $0xb8;
	[tilespmem:$0x11200] =	vst v63  }
0x7f: {  	s12 =	smov.u32 s10  }
0x80: {  	p0 =	sne.s32 s10, $0x13000;
	s10 =	sadd.s32 $0x800, s10;
	_ =	swait.ge [sflag:s7], $0x2000  }
0x81: {  	[sflag:s7] =	ssyncset.done $0x0  }
0x82: {  	s13 =	sadd.s32 s12, s24;
	[sflag:s7] =	ssyncadd.s32 $0xFFFFE000  }
0x83: {  	[tilespmem:s31], [sflag:$0x1] =	stream.linear.gather [hbm4b:s13+s3], $0x2000, $0x38;
	[tilespmem:$0x11200] =	vst v63  }
0x84: {  	_ =	swait.ge [sflag:s8], $0x2000  }
0x85: {  	[sflag:s8] =	ssyncset.done $0x0  }
0x86: {  	s12 =	sadd.s32 s12, s23;
	[sflag:s8] =	ssyncadd.s32 $0xFFFFE000  }
0x87: {  	[tilespmem:s1], [sflag:$0x2] =	stream.linear.gather [hbm4b:s12+s3], $0x2000, $0x38;
	[tilespmem:$0x11200] =	vst v63  }
0x88: {  	_ =	swait.ge [sflag:s0], $0x2000  }
0x89: {  	[sflag:s0] =	ssyncset.done $0x0  }
.Ltmp0:
0x8a: {  	[sflag:s0] =	ssyncadd.s32 $0xFFFFE000;
	(pc) =	sbr.rel @p0 .LBB2_2-.Ltmp0, $4  }
0x8b: {  	[spmem:s2] =	stream.indirect.scatter.add.f32 [tilespmem:s31], [sflag:$0x3], $0x40, s11, s4, $0xb8;
	[tilespmem:$0x11200] =	vst v63  }
0x8c: {  	_ =	swait.ge [sflag:s6], $0x2000  }
0x8d: {  	[sflag:s6] =	ssyncset.done $0x0  }
0x8e: {  	s12 =	sadd.s32 $0x80, s11;
	s11 =	sadd.s32 $0x100, s11;
	[sflag:s6] =	ssyncadd.s32 $0xFFFFE000  }
0x8f: {  	[spmem:s2] =	stream.indirect.scatter.add.f32 [tilespmem:s1], [sflag:$0x4], $0x40, s12, s4, $0xb8;
	[tilespmem:$0x11200] =	vst v63  }
0x90: {  	_ =	swait.ge [sflag:s7], $0x2000  }
0x91: {  	[sflag:s7] =	ssyncset.done $0x0  }
0x92: {  	[sflag:s7] =	ssyncadd.s32 $0xFFFFE000  }
0x93: {  	_ =	swait.ge [sflag:s8], $0x2000  }
0x94: {  	[sflag:s8] =	ssyncset.done $0x0  }
0x95: {  	[sflag:s8] =	ssyncadd.s32 $0xFFFFE000  }
0x96: {  	[bflag:$0x0] =	sbarrier.arrive $0xFFFF  }
0x97: {  	[tilespmem:s30], [sflag:$0x5] =	stream.linear.gather [spmem:s5], $0xA00, $0x38;
	[tilespmem:$0x11200] =	vst v63  }
0x98: {  	_ =	swait.ge [sflag:s29], $0xA00  }
0x99: {  	[sflag:s29] =	ssyncset.done $0x0  }
0x9a: {  	s10 =	sadd.s32 $0x0, s25;
	[sflag:s29] =	ssyncadd.s32 $0xFFFFF600  }
0x9b: {  	[hbm4b:s10+s3] =	stream.linear.scatter [tilespmem:s30], [sflag:$0x5], $0xA00, $0x38;
	[tilespmem:$0x11200] =	vst v63  }
0x9c: {  	_ =	swait.ge [sflag:s29], $0xA00  }
0x9d: {  	s11 =	smov.u32 s5;
	s10 =	simm.s32 $0x140;
	[sflag:s29] =	ssyncset.done $0x0  }
.LBB2_4:
0x9e: {  	p0 =	sne.s32 s10, $0x12C0;
	[sflag:s29] =	ssyncadd.s32 $0xFFFFF600;
	s11 =	sadd.s32 $0xA00, s11  }
0x9f: {  	[tilespmem:s30], [sflag:$0x5] =	stream.linear.gather [spmem:s11], $0xA00, $0x38;
	[tilespmem:$0x11200] =	vst v63  }
0xa0: {  	s12 =	smov.u32 s10;
	s10 =	sadd.s32 $0x140, s10;
	_ =	swait.ge [sflag:s29], $0xA00  }
.Ltmp1:
0xa1: {  	[sflag:s29] =	ssyncset.done $0x0;
	(pc) =	sbr.rel @p0 .LBB2_4-.Ltmp1, $4  }
0xa2: {  	s12 =	sadd.s32 s12, s25;
	[sflag:s29] =	ssyncadd.s32 $0xFFFFF600  }
0xa3: {  	[hbm4b:s12+s3] =	stream.linear.scatter [tilespmem:s30], [sflag:$0x5], $0xA00, $0x38;
	[tilespmem:$0x11200] =	vst v63  }
0xa4: {  	_ =	swait.ge [sflag:s29], $0xA00  }
0xa5: {  	[sflag:s29] =	ssyncset.done $0x0  }
0xa6: {  	s9 =	sadd.s32 $0x1, s9;
	s10 =	rddreg [dreg:$0x5]  }
0xa7: {  	p0 =	sne.s32 s9, s10  }
.Ltmp2:
0xa8: {  	_ = 	snop;
	(pc) =	sbr.rel @p0 .LBB2_1-.Ltmp2, $2  }
0xa9: {  	_ =	sdelay $0x2  }
0xaa: {  	[sflag:s29] =	ssyncadd.s32 $0xFFFFF600  }
0xab: {  	_ =	sfence.sel $0x180000  }
0xac: {  	[bflag:$0x0] =	sbarrier.arrive $0xFFFF  }
0xad: {  	_ =	strace $0x9000004A  }
0xae: {  	s0 =	stileid.u32;
	[bflag:$0x2] =	sbarrier.arrive $0xFFFF  }
0xaf: {  	p0 =	sne.s32 s0, $0x0;
	s0 =	rddreg [dreg:$0x2]  }
0xb0: {  	s0 =	sadd.s32 @!p0 $0x100000, s0  }
0xb1: {  	[sflag:s0] =	ssyncadd.tile.s32 @!p0 $0x1;
	_ =	shalt  }
.Lfunc_end2:
_tile_overlayer_lowered:
.L_overlay_start_2:
0xb2: {  	(tag) =	ssettag $0x2  }
0xb3: {  	s0 =	rddreg [dreg:$0x0];
	s2 =	stileid.u32  }
0xb4: {  	s1 =	rddreg [dreg:$0x1];
	p0 =	sne.s32 s2, $0x0  }
0xb5: {  	s3 =	rddreg [dreg:$0x2];
	[bflag:$0x3] =	sbarrier.arrive $0xFFFF;
	s2 =	simm.s32 @!p0 $0x1C05  }
0xb6: {  	[timem:s3], [sflag:s2] =	dma.local @!p0 [hbm:s0], s1  }
0xb7: {  	s0 =	simm.s32 @!p0 $0x5  }
0xb8: {  	_ =	swait.ge @!p0 [sflag:s0], s1  }
0xb9: {  	s1 =	ssub.s32 @!p0 $0x0, s1;
	[sflag:s0] =	ssyncset.done @!p0 $0x0  }
0xba: {  	[sflag:s0] =	ssyncadd.s32 @!p0 s1  }
0xbb: {  	[bflag:$0x3] =	sbarrier.arrive $0xFFFF  }
0xbc: {  	_ =	shalt  }

// kernel: kernel.26.cloned.1.call-start
scs
__scs_entry_jumppad:
0x0: {  	(pc) =	sbr.rel $0x88, $3  }
0x1: {  	(tag) =	ssettag $0x0;
	lr =	simm.s32 $0x1  }
0x2: {  	[smem:$0x3F80] =	sst lr;
	_ =	strace $0xD0000000  }
0x3: {  	_ = 	snop  }
0x4: {  	_ = 	snop  }
0x5: {  	_ = 	snop  }
0x6: {  	_ = 	snop  }
0x7: {  	_ = 	snop  }
__scs_overlays_trampoline_lowered:
0x8: {  	[smem:$0x3F8F] =	sst s0  }
0x9: {  	[smem:$0x3F90] =	sst s1  }
0xa: {  	[smem:$0x3F91] =	sst s2  }
0xb: {  	[smem:$0x3F92] =	sst s3  }
0xc: {  	[smem:$0x3F93] =	sst s4  }
0xd: {  	[smem:$0x3F94] =	sst s5  }
0xe: {  	[smem:$0x3F95] =	sst s6  }
0xf: {  	[smem:$0x3F96] =	sst s7  }
0x10: {  	[smem:$0x3F97] =	sst s8  }
0x11: {  	[smem:$0x3F98] =	sst s9;
	s0 =	simm.s32 @!p0 $0x0  }
0x12: {  	s1 =	sld [smem:$0x3F7E];
	s0 =	simm.s32 @p0 $0x1  }
0x13: {  	[smem:$0x3F99] =	sst s0;
	s0 =	simm.s32 @!p1 $0x0  }
0x14: {  	s2 =	sld [smem:$0x3F7D];
	s0 =	simm.s32 @p1 $0x1  }
0x15: {  	[smem:$0x3F9A] =	sst s0;
	s0 =	simm.s32 @!p2 $0x0  }
0x16: {  	s3 =	sld [smem:$0x3FDB];
	s0 =	simm.s32 @p2 $0x1  }
0x17: {  	s4 =	simm.s32 $0x1BF5;
	[smem:$0x3F9C] =	sst s0  }
0x18: {  	s0 =	sld [smem:$0x3F7F];
	_ =	swait.ge [sflag:s4], $0x0  }
0x19: {  	s7 =	sld [smem:$0x3F80]  }
0x1a: {  	s8 =	sadd.s32 $0xFFFFE003, lr  }
0x1b: {  	s9 =	sadd.s32 $0xFFFFFEF7, lr;
	s5 =	simm.s32 $0xFFFFFFFF;
	p2 =	slt.u32 s8, $0xFFFFF086  }
0x1c: {  	p1 =	slt.u32 s9, $0xF7A;
	s5 =	simm.s32 @!p2 $0x0  }
0x1d: {  	s5 =	simm.s32 @p1 $0x1;
	p0 =	seq.s32 s7, s2  }
0x1e: {  	s7 =	smul.u32 @!p0 $0xF7A, s2;
	p2 =	seq.s32 @!p0 s5, $0x0  }
0x1f: {  	s9 =	smul.u32 $0xF7A, s1;
	s8 =	simm.s32 @!p0 $0x1BF5;
	p2 =	por !p2, p0  }
0x20: {  	[sflag:s8] =	ssyncset.s32 @!p0 $0xFFFFF086;
	s6 =	sadd.s32 @!p0 s3, s7;
	s7 =	simm.s32 @!p0 $0x108  }
0x21: {  	s3 =	sadd.s32 s3, s9;
	s6 =	sadd.s32 @!p0 $0x88, s6;
	s7 =	simm.s32 @p2 $0x1082  }
0x22: {  	[simem:s7], [sflag:s8] =	dma.local @!p0 [hbm:s6], $0xF7A  }
0x23: {  	s9 =	sor.u32 $0xD0000000, s2;
	s6 =	simm.s32 $0x108;
	_ =	swait.ge @!p0 [sflag:s8], $0x0  }
0x24: {  	s3 =	sadd.s32 $0x88, s3;
	s6 =	simm.s32 @!p1 $0x1082;
	[sflag:s4] =	ssyncset.s32 $0xFFFFF086  }
0x25: {  	[simem:s6], [sflag:s4] =	dma.local [hbm:s3], $0xF7A  }
0x26: {  	[smem:$0x3F80] =	sst s1;
	(tag) =	ssettag s2;
	_ =	strace s9  }
0x27: {  	s1 =	sld [smem:$0x3F90]  }
0x28: {  	s2 =	sld [smem:$0x3F91]  }
0x29: {  	s4 =	sld [smem:$0x3F93]  }
0x2a: {  	p0 =	seq.s32 s5, $0x0;
	s5 =	sld [smem:$0x3F94]  }
0x2b: {  	s6 =	sld [smem:$0x3F95]  }
0x2c: {  	s7 =	sld [smem:$0x3F96]  }
0x2d: {  	s3 =	simm.s32 $0x108;
	s8 =	sld [smem:$0x3F97]  }
0x2e: {  	s3 =	simm.s32 @!p0 $0x1082;
	s9 =	sld [smem:$0x3F98]  }
0x2f: {  	lr =	sadd.s32 s0, s3;
	s0 =	sld [smem:$0x3F8F]  }
0x30: {  	s3 =	sld [smem:$0x3F92]  }
0x31: {  	[smem:$0x3F9B] =	sst s10  }
0x32: {  	s10 =	sld [smem:$0x3F99];
	_ =	sdelay $0x3  }
0x33: {  	p0 =	seq.s32 s10, $0x1;
	s10 =	sld [smem:$0x3F9B];
	_ =	sdelay $0x3  }
0x34: {  	[smem:$0x3F9B] =	sst s10  }
0x35: {  	s10 =	sld [smem:$0x3F9A];
	_ =	sdelay $0x3  }
0x36: {  	p1 =	seq.s32 s10, $0x1;
	s10 =	sld [smem:$0x3F9B];
	_ =	sdelay $0x3  }
0x37: {  	[smem:$0x3F9B] =	sst s10  }
0x38: {  	s10 =	sld [smem:$0x3F9C]  }
0x39: {  	_ = 	snop;
	(pc) =	sbr.ind lr, $3  }
0x3a: {  	_ = 	snop  }
0x3b: {  	_ = 	snop  }
0x3c: {  	p2 =	seq.s32 s10, $0x1;
	s10 =	sld [smem:$0x3F9B]  }
0x3d: {  	_ =	shalt  }
0x3e: {  	_ =	shalt  }
0x3f: {  	_ =	shalt  }
0x40: {  	_ =	shalt  }
0x41: {  	_ =	shalt  }
0x42: {  	_ =	shalt  }
0x43: {  	_ =	shalt  }
0x44: {  	_ =	shalt  }
0x45: {  	_ =	shalt  }
0x46: {  	_ =	shalt  }
0x47: {  	_ =	shalt  }
0x48: {  	_ =	shalt  }
0x49: {  	_ =	shalt  }
0x4a: {  	_ =	shalt  }
0x4b: {  	_ =	shalt  }
0x4c: {  	_ =	shalt  }
0x4d: {  	_ =	shalt  }
0x4e: {  	_ =	shalt  }
0x4f: {  	_ =	shalt  }
0x50: {  	_ =	shalt  }
0x51: {  	_ =	shalt  }
0x52: {  	_ =	shalt  }
0x53: {  	_ =	shalt  }
0x54: {  	_ =	shalt  }
0x55: {  	_ =	shalt  }
0x56: {  	_ =	shalt  }
0x57: {  	_ =	shalt  }
0x58: {  	_ =	shalt  }
0x59: {  	_ =	shalt  }
0x5a: {  	_ =	shalt  }
0x5b: {  	_ =	shalt  }
0x5c: {  	_ =	shalt  }
0x5d: {  	_ =	shalt  }
0x5e: {  	_ =	shalt  }
0x5f: {  	_ =	shalt  }
0x60: {  	_ =	shalt  }
0x61: {  	_ =	shalt  }
0x62: {  	_ =	shalt  }
0x63: {  	_ =	shalt  }
0x64: {  	_ =	shalt  }
0x65: {  	_ =	shalt  }
0x66: {  	_ =	shalt  }
0x67: {  	_ =	shalt  }
0x68: {  	_ =	shalt  }
0x69: {  	_ =	shalt  }
0x6a: {  	_ =	shalt  }
0x6b: {  	_ =	shalt  }
0x6c: {  	_ =	shalt  }
0x6d: {  	_ =	shalt  }
0x6e: {  	_ =	shalt  }
0x6f: {  	_ =	shalt  }
0x70: {  	_ =	shalt  }
0x71: {  	_ =	shalt  }
0x72: {  	_ =	shalt  }
0x73: {  	_ =	shalt  }
0x74: {  	_ =	shalt  }
0x75: {  	_ =	shalt  }
0x76: {  	_ =	shalt  }
0x77: {  	_ =	shalt  }
0x78: {  	_ =	shalt  }
0x79: {  	_ =	shalt  }
0x7a: {  	_ =	shalt  }
0x7b: {  	_ =	shalt  }
0x7c: {  	_ =	shalt  }
0x7d: {  	_ =	shalt  }
0x7e: {  	_ =	shalt  }
0x7f: {  	_ =	shalt  }
0x80: {  	_ =	shalt  }
0x81: {  	_ =	shalt  }
0x82: {  	_ =	shalt  }
0x83: {  	_ =	shalt  }
0x84: {  	_ =	shalt  }
0x85: {  	_ =	shalt  }
0x86: {  	_ =	shalt  }
0x87: {  	_ =	shalt  }
.Lfunc_end0:
.L_simem_size_0:
called_computation.2_lowered:
.L_overlay_start_0:
0x88: {  	s2 =	sld [smem:$0x3FD9]  }
0x89: {  	s3 =	sld [smem:$0x3FFE];
	_ =	sdelay $0x1  }
0x8a: {  	s1 =	srdreg.scid  }
0x8b: {  	s0 =	sand.u32 $0x1, s1  }
0x8c: {  	s17 =	sshll.u32 s0, $0xA;
	s2 =	sadd.s32 s3, s2  }
0x8d: {  	s2 =	sadd.s32 s2, s17  }
0x8e: {  	[smem:$0x3FA7] =	sst s2  }
0x8f: {  	_ = 	snop  }
0x90: {  	s2 =	sld [smem:$0x3FD0];
	(tm) =	ssettm $0x1  }
0x91: {  	s18 =	sld [smem:$0x3FFB];
	_ =	sdelay $0x3  }
0x92: {  	_ =	strace s18  }
0x93: {  	s3 =	sld [smem:$0x3FFC];
	_ =	sdelay $0x3  }
0x94: {  	_ =	strace s3  }
0x95: {  	s3 =	sld [smem:$0x3FFD];
	_ =	sdelay $0x3  }
0x96: {  	_ =	strace s3  }
0x97: {  	_ =	strace $0x8FFFFFFF  }
0x98: {  	s19 =	sld [smem:$0x3FDB];
	_ =	sdelay $0x1  }
0x99: {  	s4 =	simm.s32 $_scs_section_size  }
0x9a: {  	s5 =	simm.s32 $_size__tile_overlayer_lowered;
	s6 =	simm.s32 $_tile_overlayer_lowered  }
0x9b: {  	s22 =	simm.s32 $0x1BFF;
	s21 =	sshll.u32 s6, $0x1;
	s3 =	sadd.s32 s4, s19  }
0x9c: {  	s7 =	simm.s32 $0x0;
	s20 =	sshll.u32 s5, $0x1;
	s5 =	sadd.s32 s21, s3  }
0x9d: {  	[timem:s7], [sflag:s22] =	dma.local [hbm:s5], s20  }
0x9e: {  	_ =	swait.ge [sflag:s22], s20  }
0x9f: {  	s4 =	ssub.s32 $0x0, s20;
	[sflag:s22] =	ssyncset.done $0x0  }
0xa0: {  	[sflag:s22] =	ssyncadd.s32 s4;
	_ =	sdelay $0x1  }
0xa1: {  	s23 =	simm.s32 $0x1B8B  }
0xa2: {  	_ =	swait.ge [sflag:s23], $0x1  }
0xa3: {  	[sflag:s23] =	ssyncset.done $0x0  }
0xa4: {  	s25 =	simm.s32 $0x1B8E;
	s24 =	sld [smem:$0x3FFE];
	[sflag:s23] =	ssyncadd.s32 $0xFFFFFFFF  }
0xa5: {  	s26 =	simm.s32 $execute0_lowered;
	[smem:$0x3FD2] =	sst s25  }
0xa6: {  	s5 =	sshll.u32 s26, $0x1;
	_ =	strace $0x8000004C;
	[dreg:$0x1] =	wrdreg $0xFFFFFFFF  }
0xa7: {  	s28 =	simm.s32 $_size_execute0_lowered;
	s3 =	sadd.s32 s3, s5;
	[dreg:$0x0] =	wrdreg $0x0  }
0xa8: {  	s5 =	sshll.u32 s28, $0x1;
	[dreg:$0x2] =	wrdreg s3  }
0xa9: {  	[dreg:$0x3] =	wrdreg s5  }
0xaa: {  	[dreg:$0x4] =	wrdreg $0xC0  }
0xab: {  	_ =	task [dreg:s7], $0x5FFFF  }
0xac: {  	[dreg:$0x1] =	wrdreg $0xFFFFFFFF  }
0xad: {  	[dreg:$0x0] =	wrdreg $0x60  }
0xae: {  	[dreg:$0x2] =	wrdreg s2  }
0xaf: {  	[dreg:$0x3] =	wrdreg s24  }
0xb0: {  	[dreg:$0x4] =	wrdreg $0x9  }
0xb1: {  	_ =	task.clear_ibuf [dreg:s7], $0x5FFFF;
	_ =	strace $0x9000004C  }
0xb2: {  	s29 =	simm.s32 $0x9;
	_ =	strace $0x8000004E  }
0xb3: {  	_ =	swait.ge [sflag:s29], $0x1  }
0xb4: {  	[sflag:s29] =	ssyncadd.s32 $0xFFFFFFFF  }
0xb5: {  	_ =	strace $0x9000004E  }
0xb6: {  	_ =	sfence  }
0xb7: {  	s30 =	sld [smem:$0x0];
	_ =	sdelay $0x2  }
0xb8: {  	s31 =	sshll.u32 s1, $0xD;
	s1 =	sshrl.u32 s1, $0x2  }
0xb9: {  	s3 =	sand.u32 $0x4000, s31;
	s1 =	sadd.s32 s1, s30  }
0xba: {  	s0 =	sor.u32 s3, s0;
	s1 =	sshll.u32 s1, $0x11  }
0xbb: {  	s0 =	sor.u32 s1, s0  }
0xbc: {  	s0 =	sadd.s32 $0x8F2B, s0  }
0xbd: {  	[sflag:s0] =	ssyncadd.remote.s32 $0x1  }
0xbe: {  	_ =	sfence.sel $0xFFFF  }
0xbf: {  	[dreg:$0x0] =	wrdreg $0xFFFFFFFF;
	(pc) =	sbr.abs _section_cstart, $3  }
0xc0: {  	[dreg:$0x1] =	wrdreg $0xFFFFFFFF  }
0xc1: {  	_ =	task.clear_ibuf [dreg:s7], $0x2FFFF;
	_ =	strace $0x9FFFFFFF  }
0xc2: {  	(tm) =	ssettm $0x7FFFFFFF  }
0xc3: {  	_ =	shalt  }
tec
execute0_lowered:
.L_overlay_start_1:
0x0: {  	(tag) =	ssettag $0x1  }
0x1: {  	s2 =	rddreg [dreg:$0x0];
	s0 =	srdreg.scid  }
0x2: {  	s11 =	stileid.u32;
	s1 =	rddreg [dreg:$0x1];
	s3 =	simm.s32 $0x0  }
0x3: {  	s29 =	simm.s32 $0xD000;
	s28 =	simm.s32 $0x4;
	s30 =	simm.s32 $0x5  }
0x4: {  	s0 =	sand.u32 $0x1, s0;
	s4 =	sshll.u32 s11, $0x1;
	[smem:$0x7FF] =	sst s3  }
0x5: {  	s6 =	sadd.s32 $0x2FFA00, s1;
	s21 =	smul.u32 $0x28000, s11;
	s7 =	sor.u32 s0, s4  }
0x6: {  	_ =	strace $0x8000004D;
	s9 =	ssub.s32 $0x2, s0;
	s0 =	smul.u32 $0x14000, s0  }
0x7: {  	s4 =	sadd.s32 $0x56400, s1;
	[dreg:$0x3] =	wrdreg s29;
	s5 =	smul.u32 $0x500, s7  }
0x8: {  	s10 =	smul.u32 $0xA0000, s7;
	s16 =	sshrl.u32 s9, $0x1;
	s24 =	sadd.s32 s21, s6  }
0x9: {  	s26 =	sadd.s32 s0, s24;
	s8 =	sadd.s32 s5, s1;
	s5 =	sadd.s32 $0x7FA00, s1  }
0xa: {  	s1 =	ssub.s32 s9, s16;
	[dreg:$0xb] =	wrdreg s26;
	s18 =	sadd.s32 $0x19A00, s8  }
0xb: {  	s17 =	sshrl.u32 s10, $0x3;
	s8 =	sadd.s32 $0xFA00, s8;
	[dreg:$0x4] =	wrdreg s18  }
0xc: {  	s19 =	sadd.s32 $0x13800, s17;
	s1 =	smax.u32 s1, $0x1;
	[dreg:$0x5] =	wrdreg s8  }
0xd: {  	s31 =	simm.s32 $0x6;
	s20 =	sadd.s32 s5, s19;
	[dreg:$0xa] =	wrdreg s1  }
0xe: {  	s9 =	sadd.s32 $0x13C00, s17;
	s8 =	sadd.s32 s6, s19;
	[dreg:$0x6] =	wrdreg s20  }
0xf: {  	s7 =	smul.u32 $0x50, s7;
	s22 =	sadd.s32 s5, s9;
	[dreg:$0x7] =	wrdreg s8  }
0x10: {  	s25 =	sadd.s32 s21, s5;
	s23 =	sadd.s32 s6, s9;
	[dreg:$0x8] =	wrdreg s22  }
0x11: {  	s10 =	simm.s32 $0xF000;
	s0 =	sadd.s32 s0, s25;
	[dreg:$0x9] =	wrdreg s23  }
0x12: {  	s21 =	simm.s32 $0x1;
	s25 =	simm.s32 $0x3;
	[dreg:$0xc] =	wrdreg s0  }
0x13: {  	s23 =	simm.s32 $0x2;
	s8 =	simm.s32 $0x0;
	s20 =	simm.s32 $0xF000  }
.LBB2_1:
0x14: {  	[dreg:$0xd] =	wrdreg s8  }
0x15: {  	s0 =	rddreg [dreg:$0x4];
	s1 =	simm.s32 $0xD  }
0x16: {  	[tilespmem:s3], [sflag:$0xD] =	stream.linear.gather [hbm4b:s0+s3], $0x2800, $0x38;
	[tilespmem:$0x11000] =	vst v63  }
0x17: {  	_ =	swait.ge [sflag:s1], $0x2800  }
0x18: {  	[sflag:s1] =	ssyncset.done $0x0  }
0x19: {  	s13 =	simm.s32 $0x2800;
	s12 =	rddreg [dreg:$0x5];
	[sflag:s1] =	ssyncadd.s32 $0xFFFFD800  }
0x1a: {  	[tilespmem:s13], [sflag:$0xD] =	stream.linear.gather [hbm4b:s12+s3], $0x2800, $0x38;
	[tilespmem:$0x11000] =	vst v63  }
0x1b: {  	p0 =	por $0x0, $0x0;
	_ =	swait.ge [sflag:s1], $0x2800  }
0x1c: {  	p1 =	por p0, p0;
	[sflag:s1] =	ssyncset.done $0x0  }
0x1d: {  	s0 =	simm.s32 @p1 $0x7;
	[sflag:s1] =	ssyncadd.s32 $0xFFFFD800  }
0x1e: {  	_ =	swait.ge @p1 [sflag:s0], $0x2000  }
0x1f: {  	s8 =	simm.s32 @p1 $0x8;
	s9 =	simm.s32 @p1 $0x80;
	[sflag:s0] =	ssyncset.done @p1 $0x0  }
0x20: {  	s1 =	simm.s32 @p1 $0x5000;
	[sflag:s0] =	ssyncadd.s32 @p1 $0xFFFFE000;
	s0 =	simm.s32 @p1 $0x0  }
0x21: {  	[tilespmem:s1], [sflag:$0x1] =	stream.indirect.gather @p1 [hbm4b:s2+s9], $0x40, s0, s9, $0xb8;
	[tilespmem:$0x11000] =	vst v63  }
0x22: {  	_ =	swait.ge @p1 [sflag:s8], $0x2000  }
0x23: {  	s0 =	simm.s32 @p1 $0x2800;
	[sflag:s8] =	ssyncset.done @p1 $0x0  }
0x24: {  	s1 =	simm.s32 @p1 $0x7000;
	[sflag:s8] =	ssyncadd.s32 @p1 $0xFFFFE000;
	s8 =	simm.s32 @p1 $0x9  }
0x25: {  	[tilespmem:s1], [sflag:$0x2] =	stream.indirect.gather @p1 [hbm4b:s4+s9], $0x40, s0, s9, $0xb8;
	[tilespmem:$0x11000] =	vst v63  }
0x26: {  	_ =	swait.ge @p1 [sflag:s8], $0x2000  }
0x27: {  	s0 =	simm.s32 @p1 $0x80;
	[sflag:s8] =	ssyncset.done @p1 $0x0  }
0x28: {  	s1 =	simm.s32 @p1 $0x9000;
	[sflag:s8] =	ssyncadd.s32 @p1 $0xFFFFE000;
	s8 =	simm.s32 @p1 $0xA  }
0x29: {  	[tilespmem:s1], [sflag:$0x3] =	stream.indirect.gather @p1 [hbm4b:s2+s9], $0x40, s0, s9, $0xb8;
	[tilespmem:$0x11000] =	vst v63  }
0x2a: {  	_ =	swait.ge @p1 [sflag:s8], $0x2000  }
0x2b: {  	s0 =	simm.s32 @p1 $0x2880;
	[sflag:s8] =	ssyncset.done @p1 $0x0  }
0x2c: {  	s1 =	simm.s32 @p1 $0xB000;
	[sflag:s8] =	ssyncadd.s32 @p1 $0xFFFFE000;
	s8 =	simm.s32 @p1 $0xB  }
0x2d: {  	[tilespmem:s1], [sflag:$0x4] =	stream.indirect.gather @p1 [hbm4b:s4+s9], $0x40, s0, s9, $0xb8;
	[tilespmem:$0x11000] =	vst v63  }
0x2e: {  	_ =	swait.ge @p1 [sflag:s8], $0x2000  }
0x2f: {  	s0 =	simm.s32 @p1 $0x100;
	[sflag:s8] =	ssyncset.done @p1 $0x0  }
0x30: {  	s1 =	simm.s32 @p1 $0xD000;
	[sflag:s8] =	ssyncadd.s32 @p1 $0xFFFFE000;
	s8 =	simm.s32 @p1 $0xC  }
0x31: {  	[tilespmem:s1], [sflag:$0x5] =	stream.indirect.gather @p1 [hbm4b:s2+s9], $0x40, s0, s9, $0xb8;
	[tilespmem:$0x11000] =	vst v63  }
0x32: {  	_ =	swait.ge @p1 [sflag:s8], $0x2000  }
0x33: {  	s14 =	simm.s32 $0x80;
	s0 =	simm.s32 @!p1 $0x5000;
	[sflag:s8] =	ssyncset.done @p1 $0x0  }
0x34: {  	s1 =	simm.s32 @!p1 $0x80;
	[sflag:s8] =	ssyncadd.s32 @p1 $0xFFFFE000;
	s8 =	simm.s32 @!p1 $0x0  }
0x35: {  	[tilespmem:s0], [sflag:$0x1] =	stream.indirect.gather @!p1 [hbm4b:s2+s1], $0x40, s8, s1, $0xb8;
	[tilespmem:$0x11000] =	vst v63  }
0x36: {  	s16 =	simm.s32 $0x600;
	s0 =	simm.s32 @!p1 $0x2800;
	s8 =	simm.s32 @!p1 $0x7000  }
0x37: {  	[tilespmem:s8], [sflag:$0x2] =	stream.indirect.gather @!p1 [hbm4b:s4+s1], $0x40, s0, s1, $0xb8;
	[tilespmem:$0x11000] =	vst v63  }
0x38: {  	s15 =	simm.s32 $0x5000;
	s17 =	simm.s32 $0x7000;
	s0 =	simm.s32 @!p1 $0x9000  }
0x39: {  	[tilespmem:s0], [sflag:$0x3] =	stream.indirect.gather @!p1 [hbm4b:s2+s1], $0x40, s1, s1, $0xb8;
	[tilespmem:$0x11000] =	vst v63  }
0x3a: {  	s9 =	simm.s32 @!p1 $0xB000;
	s8 =	simm.s32 @!p1 $0x2880;
	s0 =	simm.s32 $0x100  }
0x3b: {  	[tilespmem:s9], [sflag:$0x4] =	stream.indirect.gather @!p1 [hbm4b:s4+s1], $0x40, s8, s1, $0xb8;
	[tilespmem:$0x11000] =	vst v63  }
0x3c: {  	s0 =	simm.s32 @!p0 $0x100;
	s8 =	simm.s32 @!p1 $0x100;
	s9 =	simm.s32 @!p1 $0xD000  }
0x3d: {  	[tilespmem:s9], [sflag:$0x5] =	stream.indirect.gather @!p1 [hbm4b:s2+s1], $0x40, s8, s1, $0xb8;
	[tilespmem:$0x11000] =	vst v63  }
0x3e: {  	s19 =	simm.s32 $0x9000;
	s22 =	simm.s32 $0xB000;
	s0 =	sadd.s32 $0x2800, s0  }
0x3f: {  	[tilespmem:s10], [sflag:$0x6] =	stream.indirect.gather [hbm4b:s4+s14], $0x40, s0, s14, $0xb8;
	[tilespmem:$0x11000] =	vst v63  }
0x40: {  	s12 =	simm.s32 $0x280;
	s1 =	simm.s32 $0x2;
	_ =	swait.ge [sflag:s21], $0x2000  }
0x41: {  	s8 =	simm.s32 $0x5;
	s1 =	simm.s32 @!p0 $0x2;
	[sflag:s21] =	ssyncset.done $0x0  }
0x42: {  	s0 =	simm.s32 @p0 $0x1;
	s14 =	rddreg [dreg:$0xc];
	[sflag:s21] =	ssyncadd.s32 $0xFFFFE000  }
0x43: {  	[hbm4b:s14+s3] =	stream.linear.scatter [tilespmem:s15], [sflag:$0x7], $0x2000, $0x38;
	[tilespmem:$0x11000] =	vst v63  }
0x44: {  	s1 =	sadd.s32 s7, s1;
	s0 =	simm.s32 @!p0 $0x1;
	_ =	swait.ge [sflag:s23], $0x2000  }
0x45: {  	s1 =	sshll.u32 s1, $0xA;
	p0 =	por $0x1, $0x1;
	[sflag:s23] =	ssyncset.done $0x0  }
0x46: {  	s0 =	sadd.s32 s7, s0;
	s11 =	rddreg [dreg:$0xb];
	[sflag:s23] =	ssyncadd.s32 $0xFFFFE000  }
0x47: {  	[hbm4b:s11+s3] =	stream.linear.scatter [tilespmem:s17], [sflag:$0x8], $0x2000, $0x38;
	[tilespmem:$0x11000] =	vst v63  }
0x48: {  	s1 =	sand.u32 $0x1FFFFC00, s1;
	s0 =	sshll.u32 s0, $0xA;
	_ =	swait.ge [sflag:s25], $0x2000  }
0x49: {  	s9 =	simm.s32 @p0 $0x4;
	s0 =	sand.u32 $0x1FFFFC00, s0;
	[sflag:s25] =	ssyncset.done $0x0  }
0x4a: {  	s12 =	simm.s32 @!p0 $0x100;
	s18 =	sadd.s32 s5, s0;
	[sflag:s25] =	ssyncadd.s32 $0xFFFFE000  }
0x4b: {  	[hbm4b:s18+s3] =	stream.linear.scatter [tilespmem:s19], [sflag:$0x9], $0x2000, $0x38;
	[tilespmem:$0x11000] =	vst v63  }
0x4c: {  	s8 =	simm.s32 @!p0 $0x2;
	s9 =	simm.s32 @!p0 $0x1;
	_ =	swait.ge [sflag:s28], $0x2000  }
0x4d: {  	s8 =	sadd.s32 s7, s8;
	s29 =	sadd.s32 s5, s1;
	[sflag:s28] =	ssyncset.done $0x0  }
0x4e: {  	p0 =	por p0, p0;
	s0 =	sadd.s32 s6, s0;
	[sflag:s28] =	ssyncadd.s32 $0xFFFFE000  }
0x4f: {  	[hbm4b:s0+s3] =	stream.linear.scatter [tilespmem:s22], [sflag:$0xA], $0x2000, $0x38;
	[tilespmem:$0x11000] =	vst v63  }
0x50: {  	s15 =	simm.s32 $0xC00;
	s24 =	sadd.s32 s7, s9;
	_ =	swait.ge [sflag:s30], $0x2000  }
0x51: {  	s8 =	sshll.u32 s8, $0xA;
	s9 =	sadd.s32 $0xC00, s14;
	[sflag:s30] =	ssyncset.done $0x0  }
0x52: {  	s10 =	sand.u32 $0x1FFFFC00, s8;
	s26 =	rddreg [dreg:$0x3];
	[sflag:s30] =	ssyncadd.s32 $0xFFFFE000  }
0x53: {  	[hbm4b:s29+s3] =	stream.linear.scatter [tilespmem:s26], [sflag:$0xB], $0x2000, $0x38;
	[tilespmem:$0x11000] =	vst v63  }
0x54: {  	s14 =	sadd.s32 $0xC00, s11;
	s0 =	sshll.u32 s24, $0xA;
	_ =	swait.ge [sflag:s31], $0x2000  }
0x55: {  	s17 =	simm.s32 $0x400;
	s13 =	sand.u32 $0x1FFFFC00, s0;
	[sflag:s31] =	ssyncset.done $0x0  }
0x56: {  	s0 =	sadd.s32 s6, s1;
	s1 =	simm.s32 $0x8;
	[sflag:s31] =	ssyncadd.s32 $0xFFFFE000  }
.LBB2_2:
0x57: {  	[hbm4b:s0+s3] =	stream.linear.scatter [tilespmem:s20], [sflag:$0xC], $0x2000, $0x38;
	[tilespmem:$0x11000] =	vst v63  }
0x58: {  	s8 =	simm.s32 @p0 $0x7  }
0x59: {  	_ =	swait.ge @p0 [sflag:s8], $0x2000  }
0x5a: {  	s19 =	simm.s32 @p0 $0x5000;
	s22 =	simm.s32 @p0 $0x8;
	[sflag:s8] =	ssyncset.done @p0 $0x0  }
0x5b: {  	s24 =	simm.s32 @p0 $0x80;
	[sflag:s8] =	ssyncadd.s32 @p0 $0xFFFFE000;
	s8 =	sshra.s32 @p0 s16, $0x2  }
0x5c: {  	[tilespmem:s19], [sflag:$0x1] =	stream.indirect.gather @p0 [hbm4b:s2+s24], $0x40, s8, s24, $0xb8;
	[tilespmem:$0x11000] =	vst v63  }
0x5d: {  	s16 =	sadd.s32 @p0 $0x2800, s8;
	s19 =	sadd.s32 @p0 $0x2880, s8;
	_ =	swait.ge @p0 [sflag:s22], $0x2000  }
0x5e: {  	s26 =	sadd.s32 @p0 $0x80, s8;
	s29 =	sadd.s32 @p0 $0x100, s8;
	[sflag:s22] =	ssyncset.done @p0 $0x0  }
0x5f: {  	s8 =	simm.s32 @p0 $0x7000;
	[sflag:s22] =	ssyncadd.s32 @p0 $0xFFFFE000;
	s22 =	simm.s32 @p0 $0x9  }
0x60: {  	[tilespmem:s8], [sflag:$0x2] =	stream.indirect.gather @p0 [hbm4b:s4+s24], $0x40, s16, s24, $0xb8;
	[tilespmem:$0x11000] =	vst v63  }
0x61: {  	_ =	swait.ge @p0 [sflag:s22], $0x2000  }
0x62: {  	[sflag:s22] =	ssyncset.done @p0 $0x0  }
0x63: {  	s16 =	simm.s32 @p0 $0x9000;
	[sflag:s22] =	ssyncadd.s32 @p0 $0xFFFFE000;
	s22 =	simm.s32 @p0 $0xA  }
0x64: {  	[tilespmem:s16], [sflag:$0x3] =	stream.indirect.gather @p0 [hbm4b:s2+s24], $0x40, s26, s24, $0xb8;
	[tilespmem:$0x11000] =	vst v63  }
0x65: {  	_ =	swait.ge @p0 [sflag:s22], $0x2000  }
0x66: {  	[sflag:s22] =	ssyncset.done @p0 $0x0  }
0x67: {  	s16 =	simm.s32 @p0 $0xB000;
	[sflag:s22] =	ssyncadd.s32 @p0 $0xFFFFE000;
	s22 =	simm.s32 @p0 $0xB  }
0x68: {  	[tilespmem:s16], [sflag:$0x4] =	stream.indirect.gather @p0 [hbm4b:s4+s24], $0x40, s19, s24, $0xb8;
	[tilespmem:$0x11000] =	vst v63  }
0x69: {  	s11 =	smov.u32 s15;
	_ =	swait.ge @p0 [sflag:s22], $0x2000  }
0x6a: {  	p1 =	sne.s32 s11, $0x0;
	s16 =	smov.u32 s11;
	[sflag:s22] =	ssyncset.done @p0 $0x0  }
0x6b: {  	s11 =	simm.s32 @p0 $0xD000;
	s19 =	simm.s32 @p0 $0xC;
	[sflag:s22] =	ssyncadd.s32 @p0 $0xFFFFE000  }
0x6c: {  	[tilespmem:s11], [sflag:$0x5] =	stream.indirect.gather @p0 [hbm4b:s2+s24], $0x40, s29, s24, $0xb8;
	[tilespmem:$0x11000] =	vst v63  }
0x6d: {  	_ =	swait.ge @p0 [sflag:s19], $0x2000  }
0x6e: {  	s18 =	smov.u32 s10;
	s22 =	simm.s32 @!p0 $0x0;
	[sflag:s19] =	ssyncset.done @p0 $0x0  }
0x6f: {  	s11 =	simm.s32 @!p0 $0x5000;
	[sflag:s19] =	ssyncadd.s32 @p0 $0xFFFFE000;
	s19 =	simm.s32 @!p0 $0x80  }
0x70: {  	[tilespmem:s11], [sflag:$0x1] =	stream.indirect.gather @!p0 [hbm4b:s2+s19], $0x40, s22, s19, $0xb8;
	[tilespmem:$0x11000] =	vst v63  }
0x71: {  	s10 =	sadd.s32 @p1 $0xFFFFFFFF, s1;
	s11 =	simm.s32 @!p0 $0x2800;
	s22 =	simm.s32 @!p0 $0x7000  }
0x72: {  	[tilespmem:s22], [sflag:$0x2] =	stream.indirect.gather @!p0 [hbm4b:s4+s19], $0x40, s11, s19, $0xb8;
	[tilespmem:$0x11000] =	vst v63  }
0x73: {  	s10 =	simm.s32 @!p1 $0x1;
	s11 =	simm.s32 @!p0 $0x9000  }
0x74: {  	[tilespmem:s11], [sflag:$0x3] =	stream.indirect.gather @!p0 [hbm4b:s2+s19], $0x40, s19, s19, $0xb8;
	[tilespmem:$0x11000] =	vst v63  }
0x75: {  	s10 =	sadd.s32 s7, s10;
	s22 =	simm.s32 @!p0 $0xB000;
	s11 =	simm.s32 @!p0 $0x2880  }
0x76: {  	[tilespmem:s22], [sflag:$0x4] =	stream.indirect.gather @!p0 [hbm4b:s4+s19], $0x40, s11, s19, $0xb8;
	[tilespmem:$0x11000] =	vst v63  }
0x77: {  	s8 =	smov.u32 s1;
	s11 =	simm.s32 @!p0 $0x100;
	s22 =	simm.s32 @!p0 $0xD000  }
0x78: {  	[tilespmem:s22], [sflag:$0x5] =	stream.indirect.gather @!p0 [hbm4b:s2+s19], $0x40, s11, s19, $0xb8;
	[tilespmem:$0x11000] =	vst v63  }
0x79: {  	s8 =	simm.s32 @!p1 $0x2;
	s24 =	simm.s32 $0x80;
	s22 =	sadd.s32 $0x2800, s12  }
0x7a: {  	[tilespmem:s20], [sflag:$0x6] =	stream.indirect.gather [hbm4b:s4+s24], $0x40, s22, s24, $0xb8;
	[tilespmem:$0x11000] =	vst v63  }
0x7b: {  	s10 =	sshll.u32 s10, $0xA;
	s8 =	sadd.s32 s7, s8;
	_ =	swait.ge [sflag:s21], $0x2000  }
0x7c: {  	s26 =	sshll.u32 s8, $0xA;
	s8 =	sand.u32 $0x1FFFFC00, s10;
	[sflag:s21] =	ssyncset.done $0x0  }
0x7d: {  	s10 =	sand.u32 $0x1FFFFC00, s26;
	s26 =	simm.s32 $0x5000;
	[sflag:s21] =	ssyncadd.s32 $0xFFFFE000  }
0x7e: {  	[hbm4b:s9+s3] =	stream.linear.scatter [tilespmem:s26], [sflag:$0x7], $0x2000, $0x38;
	[tilespmem:$0x11000] =	vst v63  }
0x7f: {  	_ =	swait.ge [sflag:s23], $0x2000  }
0x80: {  	[sflag:s23] =	ssyncset.done $0x0  }
0x81: {  	s29 =	simm.s32 $0x7000;
	[sflag:s23] =	ssyncadd.s32 $0xFFFFE000  }
0x82: {  	[hbm4b:s14+s3] =	stream.linear.scatter [tilespmem:s29], [sflag:$0x8], $0x2000, $0x38;
	[tilespmem:$0x11000] =	vst v63  }
0x83: {  	_ =	swait.ge [sflag:s25], $0x2000  }
0x84: {  	[sflag:s25] =	ssyncset.done $0x0  }
0x85: {  	s11 =	sadd.s32 s5, s13;
	s19 =	simm.s32 $0x9000;
	[sflag:s25] =	ssyncadd.s32 $0xFFFFE000  }
0x86: {  	[hbm4b:s11+s3] =	stream.linear.scatter [tilespmem:s19], [sflag:$0x9], $0x2000, $0x38;
	[tilespmem:$0x11000] =	vst v63  }
0x87: {  	s15 =	sadd.s32 $0x600, s15;
	_ =	swait.ge [sflag:s28], $0x2000  }
0x88: {  	s0 =	smov.u32 s17;
	s17 =	sadd.s32 $0x180, s17;
	[sflag:s28] =	ssyncset.done $0x0  }
0x89: {  	s22 =	sadd.s32 s6, s13;
	s24 =	simm.s32 $0xB000;
	[sflag:s28] =	ssyncadd.s32 $0xFFFFE000  }
0x8a: {  	[hbm4b:s22+s3] =	stream.linear.scatter [tilespmem:s24], [sflag:$0xA], $0x2000, $0x38;
	[tilespmem:$0x11000] =	vst v63  }
0x8b: {  	p2 =	sne.s32 s15, $0x9C00;
	s0 =	simm.s32 @!p1 $0x100;
	_ =	swait.ge [sflag:s30], $0x2000  }
0x8c: {  	s1 =	sadd.s32 $0x3, s1;
	s29 =	sadd.s32 s5, s18;
	[sflag:s30] =	ssyncset.done $0x0  }
.Ltmp0:
0x8d: {  	s26 =	rddreg [dreg:$0x3];
	[sflag:s30] =	ssyncadd.s32 $0xFFFFE000;
	(pc) =	sbr.rel @p2 .LBB2_2-.Ltmp0, $4  }
0x8e: {  	[hbm4b:s29+s3] =	stream.linear.scatter [tilespmem:s26], [sflag:$0xB], $0x2000, $0x38;
	[tilespmem:$0x11000] =	vst v63  }
0x8f: {  	s12 =	smov.u32 s0;
	p0 =	por p1, p1;
	_ =	swait.ge [sflag:s31], $0x2000  }
0x90: {  	s0 =	sadd.s32 s6, s18;
	s13 =	smov.u32 s8;
	[sflag:s31] =	ssyncset.done $0x0  }
0x91: {  	s9 =	sadd.s32 $0xC00, s9;
	s14 =	sadd.s32 $0xC00, s14;
	[sflag:s31] =	ssyncadd.s32 $0xFFFFE000  }
0x92: {  	s15 =	simm.s32 $0xF000  }
0x93: {  	[hbm4b:s0+s3] =	stream.linear.scatter [tilespmem:s15], [sflag:$0xC], $0x2000, $0x38;
	[tilespmem:$0x11000] =	vst v63  }
0x94: {  	s0 =	simm.s32 @p0 $0x7  }
0x95: {  	_ =	swait.ge @p0 [sflag:s0], $0x2000  }
0x96: {  	s1 =	simm.s32 @p0 $0x5000;
	s8 =	simm.s32 @p0 $0x8;
	[sflag:s0] =	ssyncset.done @p0 $0x0  }
0x97: {  	s11 =	simm.s32 @p0 $0x80;
	[sflag:s0] =	ssyncadd.s32 @p0 $0xFFFFE000;
	s0 =	sshra.s32 @p0 s16, $0x2  }
0x98: {  	[tilespmem:s1], [sflag:$0x1] =	stream.indirect.gather @p0 [hbm4b:s2+s11], $0x40, s0, s11, $0xb8;
	[tilespmem:$0x11000] =	vst v63  }
0x99: {  	_ =	swait.ge @p0 [sflag:s8], $0x2000  }
0x9a: {  	[sflag:s8] =	ssyncset.done @p0 $0x0  }
0x9b: {  	s1 =	sadd.s32 @p0 $0x2800, s0;
	[sflag:s8] =	ssyncadd.s32 @p0 $0xFFFFE000;
	s8 =	simm.s32 @p0 $0x7000  }
0x9c: {  	[tilespmem:s8], [sflag:$0x2] =	stream.indirect.gather @p0 [hbm4b:s4+s11], $0x40, s1, s11, $0xb8;
	[tilespmem:$0x11000] =	vst v63  }
0x9d: {  	s1 =	simm.s32 @p0 $0x9  }
0x9e: {  	_ =	swait.ge @p0 [sflag:s1], $0x2000  }
0x9f: {  	[sflag:s1] =	ssyncset.done @p0 $0x0  }
0xa0: {  	s8 =	sadd.s32 @p0 $0x80, s0;
	[sflag:s1] =	ssyncadd.s32 @p0 $0xFFFFE000;
	s1 =	simm.s32 @p0 $0x9000  }
0xa1: {  	[tilespmem:s1], [sflag:$0x3] =	stream.indirect.gather @p0 [hbm4b:s2+s11], $0x40, s8, s11, $0xb8;
	[tilespmem:$0x11000] =	vst v63  }
0xa2: {  	s1 =	simm.s32 @p0 $0xA  }
0xa3: {  	_ =	swait.ge @p0 [sflag:s1], $0x2000  }
0xa4: {  	[sflag:s1] =	ssyncset.done @p0 $0x0  }
0xa5: {  	s8 =	sadd.s32 @p0 $0x2880, s0;
	[sflag:s1] =	ssyncadd.s32 @p0 $0xFFFFE000;
	s1 =	simm.s32 @p0 $0xB000  }
0xa6: {  	[tilespmem:s1], [sflag:$0x4] =	stream.indirect.gather @p0 [hbm4b:s4+s11], $0x40, s8, s11, $0xb8;
	[tilespmem:$0x11000] =	vst v63  }
0xa7: {  	s1 =	simm.s32 @p0 $0xB  }
0xa8: {  	_ =	swait.ge @p0 [sflag:s1], $0x2000  }
0xa9: {  	[sflag:s1] =	ssyncset.done @p0 $0x0  }
0xaa: {  	s0 =	sadd.s32 @p0 $0x100, s0;
	[sflag:s1] =	ssyncadd.s32 @p0 $0xFFFFE000;
	s1 =	simm.s32 @p0 $0xD000  }
0xab: {  	[tilespmem:s1], [sflag:$0x5] =	stream.indirect.gather @p0 [hbm4b:s2+s11], $0x40, s0, s11, $0xb8;
	[tilespmem:$0x11000] =	vst v63  }
0xac: {  	s0 =	simm.s32 @p0 $0xC  }
0xad: {  	_ =	swait.ge @p0 [sflag:s0], $0x2000  }
0xae: {  	s8 =	simm.s32 @!p0 $0x0;
	[sflag:s0] =	ssyncset.done @p0 $0x0  }
0xaf: {  	s1 =	simm.s32 @!p0 $0x5000;
	[sflag:s0] =	ssyncadd.s32 @p0 $0xFFFFE000;
	s0 =	simm.s32 @!p0 $0x80  }
0xb0: {  	[tilespmem:s1], [sflag:$0x1] =	stream.indirect.gather @!p0 [hbm4b:s2+s0], $0x40, s8, s0, $0xb8;
	[tilespmem:$0x11000] =	vst v63  }
0xb1: {  	s1 =	simm.s32 @!p0 $0x2800;
	s8 =	simm.s32 @!p0 $0x7000  }
0xb2: {  	[tilespmem:s8], [sflag:$0x2] =	stream.indirect.gather @!p0 [hbm4b:s4+s0], $0x40, s1, s0, $0xb8;
	[tilespmem:$0x11000] =	vst v63  }
0xb3: {  	s1 =	simm.s32 @!p0 $0x9000  }
0xb4: {  	[tilespmem:s1], [sflag:$0x3] =	stream.indirect.gather @!p0 [hbm4b:s2+s0], $0x40, s0, s0, $0xb8;
	[tilespmem:$0x11000] =	vst v63  }
0xb5: {  	s8 =	simm.s32 @!p0 $0xB000;
	s1 =	simm.s32 @!p0 $0x2880  }
0xb6: {  	[tilespmem:s8], [sflag:$0x4] =	stream.indirect.gather @!p0 [hbm4b:s4+s0], $0x40, s1, s0, $0xb8;
	[tilespmem:$0x11000] =	vst v63  }
0xb7: {  	s1 =	simm.s32 @!p0 $0x100;
	s8 =	simm.s32 @!p0 $0xD000  }
0xb8: {  	[tilespmem:s8], [sflag:$0x5] =	stream.indirect.gather @!p0 [hbm4b:s2+s0], $0x40, s1, s0, $0xb8;
	[tilespmem:$0x11000] =	vst v63  }
0xb9: {  	s11 =	simm.s32 $0x80;
	s8 =	sadd.s32 $0x2800, s12  }
0xba: {  	[tilespmem:s15], [sflag:$0x6] =	stream.indirect.gather [hbm4b:s4+s11], $0x40, s8, s11, $0xb8;
	[tilespmem:$0x11000] =	vst v63  }
0xbb: {  	_ =	swait.ge [sflag:s21], $0x2000  }
0xbc: {  	[sflag:s21] =	ssyncset.done $0x0  }
0xbd: {  	s17 =	simm.s32 $0x5000;
	[sflag:s21] =	ssyncadd.s32 $0xFFFFE000  }
0xbe: {  	[hbm4b:s9+s3] =	stream.linear.scatter [tilespmem:s17], [sflag:$0x7], $0x2000, $0x38;
	[tilespmem:$0x11000] =	vst v63  }
0xbf: {  	_ =	swait.ge [sflag:s23], $0x2000  }
0xc0: {  	[sflag:s23] =	ssyncset.done $0x0  }
0xc1: {  	s18 =	simm.s32 $0x7000;
	[sflag:s23] =	ssyncadd.s32 $0xFFFFE000  }
0xc2: {  	[hbm4b:s14+s3] =	stream.linear.scatter [tilespmem:s18], [sflag:$0x8], $0x2000, $0x38;
	[tilespmem:$0x11000] =	vst v63  }
0xc3: {  	_ =	swait.ge [sflag:s25], $0x2000  }
0xc4: {  	[sflag:s25] =	ssyncset.done $0x0  }
0xc5: {  	s22 =	sadd.s32 s5, s13;
	s12 =	simm.s32 $0x9000;
	[sflag:s25] =	ssyncadd.s32 $0xFFFFE000  }
0xc6: {  	[hbm4b:s22+s3] =	stream.linear.scatter [tilespmem:s12], [sflag:$0x9], $0x2000, $0x38;
	[tilespmem:$0x11000] =	vst v63  }
0xc7: {  	_ =	swait.ge [sflag:s28], $0x2000  }
0xc8: {  	[sflag:s28] =	ssyncset.done $0x0  }
0xc9: {  	s24 =	sadd.s32 s6, s13;
	s13 =	simm.s32 $0xB000;
	[sflag:s28] =	ssyncadd.s32 $0xFFFFE000  }
0xca: {  	[hbm4b:s24+s3] =	stream.linear.scatter [tilespmem:s13], [sflag:$0xA], $0x2000, $0x38;
	[tilespmem:$0x11000] =	vst v63  }
0xcb: {  	_ =	swait.ge [sflag:s30], $0x2000  }
0xcc: {  	[sflag:s30] =	ssyncset.done $0x0  }
0xcd: {  	s29 =	sadd.s32 s5, s10;
	s26 =	rddreg [dreg:$0x3];
	[sflag:s30] =	ssyncadd.s32 $0xFFFFE000  }
0xce: {  	[hbm4b:s29+s3] =	stream.linear.scatter [tilespmem:s26], [sflag:$0xB], $0x2000, $0x38;
	[tilespmem:$0x11000] =	vst v63  }
0xcf: {  	_ =	swait.ge [sflag:s31], $0x2000  }
0xd0: {  	[sflag:s31] =	ssyncset.done $0x0  }
0xd1: {  	s1 =	sadd.s32 s6, s10;
	s14 =	simm.s32 $0x7;
	[sflag:s31] =	ssyncadd.s32 $0xFFFFE000  }
0xd2: {  	[hbm4b:s1+s3] =	stream.linear.scatter [tilespmem:s15], [sflag:$0xC], $0x2000, $0x38;
	[tilespmem:$0x11000] =	vst v63  }
0xd3: {  	_ =	swait.ge [sflag:s14], $0x2000  }
0xd4: {  	[sflag:s14] =	ssyncset.done $0x0  }
0xd5: {  	s16 =	simm.s32 $0x8;
	s15 =	simm.s32 $0x2700;
	[sflag:s14] =	ssyncadd.s32 $0xFFFFE000  }
0xd6: {  	[tilespmem:s17], [sflag:$0x1] =	stream.indirect.gather [hbm4b:s2+s11], $0x40, s15, s11, $0xb8;
	[tilespmem:$0x11000] =	vst v63  }
0xd7: {  	_ =	swait.ge [sflag:s16], $0x2000  }
0xd8: {  	[sflag:s16] =	ssyncset.done $0x0  }
0xd9: {  	s19 =	simm.s32 $0x4F00;
	s22 =	simm.s32 $0x9;
	[sflag:s16] =	ssyncadd.s32 $0xFFFFE000  }
0xda: {  	[tilespmem:s18], [sflag:$0x2] =	stream.indirect.gather [hbm4b:s4+s11], $0x40, s19, s11, $0xb8;
	[tilespmem:$0x11000] =	vst v63  }
0xdb: {  	_ =	swait.ge [sflag:s22], $0x2000  }
0xdc: {  	[sflag:s22] =	ssyncset.done $0x0  }
0xdd: {  	s24 =	simm.s32 $0x2780;
	s26 =	simm.s32 $0xA;
	[sflag:s22] =	ssyncadd.s32 $0xFFFFE000  }
0xde: {  	[tilespmem:s12], [sflag:$0x3] =	stream.indirect.gather [hbm4b:s2+s11], $0x40, s24, s11, $0xb8;
	[tilespmem:$0x11000] =	vst v63  }
0xdf: {  	_ =	swait.ge [sflag:s26], $0x2000  }
0xe0: {  	[sflag:s26] =	ssyncset.done $0x0  }
0xe1: {  	s29 =	simm.s32 $0x4F80;
	[sflag:s26] =	ssyncadd.s32 $0xFFFFE000  }
0xe2: {  	[tilespmem:s13], [sflag:$0x4] =	stream.indirect.gather [hbm4b:s4+s11], $0x40, s29, s11, $0xb8;
	[tilespmem:$0x11000] =	vst v63  }
0xe3: {  	_ =	swait.ge [sflag:s21], $0x2000  }
0xe4: {  	[sflag:s21] =	ssyncset.done $0x0  }
0xe5: {  	s8 =	rddreg [dreg:$0x6];
	[sflag:s21] =	ssyncadd.s32 $0xFFFFE000  }
0xe6: {  	[hbm4b:s8+s3] =	stream.linear.scatter [tilespmem:s17], [sflag:$0x7], $0x2000, $0x38;
	[tilespmem:$0x11000] =	vst v63  }
0xe7: {  	_ =	swait.ge [sflag:s23], $0x2000  }
0xe8: {  	[sflag:s23] =	ssyncset.done $0x0  }
0xe9: {  	s17 =	rddreg [dreg:$0x7];
	[sflag:s23] =	ssyncadd.s32 $0xFFFFE000  }
0xea: {  	[hbm4b:s17+s3] =	stream.linear.scatter [tilespmem:s18], [sflag:$0x8], $0x2000, $0x38;
	[tilespmem:$0x11000] =	vst v63  }
0xeb: {  	_ =	swait.ge [sflag:s25], $0x2000  }
0xec: {  	[sflag:s25] =	ssyncset.done $0x0  }
0xed: {  	s18 =	rddreg [dreg:$0x8];
	[sflag:s25] =	ssyncadd.s32 $0xFFFFE000  }
0xee: {  	[hbm4b:s18+s3] =	stream.linear.scatter [tilespmem:s12], [sflag:$0x9], $0x2000, $0x38;
	[tilespmem:$0x11000] =	vst v63  }
0xef: {  	_ =	swait.ge [sflag:s28], $0x2000  }
0xf0: {  	[sflag:s28] =	ssyncset.done $0x0  }
0xf1: {  	s19 =	rddreg [dreg:$0x9];
	[sflag:s28] =	ssyncadd.s32 $0xFFFFE000  }
0xf2: {  	[hbm4b:s19+s3] =	stream.linear.scatter [tilespmem:s13], [sflag:$0xA], $0x2000, $0x38;
	[tilespmem:$0x11000] =	vst v63  }
0xf3: {  	_ =	swait.ge [sflag:s14], $0x2000  }
0xf4: {  	[sflag:s14] =	ssyncset.done $0x0  }
0xf5: {  	[sflag:s14] =	ssyncadd.s32 $0xFFFFE000  }
0xf6: {  	_ =	swait.ge [sflag:s16], $0x2000  }
0xf7: {  	[sflag:s16] =	ssyncset.done $0x0  }
0xf8: {  	[sflag:s16] =	ssyncadd.s32 $0xFFFFE000  }
0xf9: {  	_ =	swait.ge [sflag:s22], $0x2000  }
0xfa: {  	[sflag:s22] =	ssyncset.done $0x0  }
0xfb: {  	[sflag:s22] =	ssyncadd.s32 $0xFFFFE000  }
0xfc: {  	_ =	swait.ge [sflag:s26], $0x2000  }
0xfd: {  	[sflag:s26] =	ssyncset.done $0x0  }
0xfe: {  	s22 =	simm.s32 $0xB;
	[sflag:s26] =	ssyncadd.s32 $0xFFFFE000  }
0xff: {  	_ =	swait.ge [sflag:s22], $0x2000  }
0x100: {  	[sflag:s22] =	ssyncset.done $0x0  }
0x101: {  	s24 =	simm.s32 $0xC;
	[sflag:s22] =	ssyncadd.s32 $0xFFFFE000  }
0x102: {  	_ =	swait.ge [sflag:s24], $0x2000  }
0x103: {  	s26 =	rddreg [dreg:$0xd]  }
0x104: {  	s29 =	rddreg [dreg:$0xa];
	s8 =	sadd.s32 $0x1, s26  }
0x105: {  	p0 =	sne.s32 s8, s29  }
.Ltmp1:
0x106: {  	_ = 	snop;
	(pc) =	sbr.rel @p0 .LBB2_1-.Ltmp1, $3  }
0x107: {  	_ =	sdelay $0x1  }
0x108: {  	[sflag:s24] =	ssyncset.done $0x0  }
0x109: {  	s10 =	simm.s32 $0xF000;
	[sflag:s24] =	ssyncadd.s32 $0xFFFFE000  }
0x10a: {  	_ =	sfence.sel $0x180000  }
0x10b: {  	[bflag:$0x0] =	sbarrier.arrive $0xFFFF  }
0x10c: {  	_ =	strace $0x9000004D  }
0x10d: {  	s0 =	stileid.u32;
	[bflag:$0x2] =	sbarrier.arrive $0xFFFF  }
0x10e: {  	p0 =	sne.s32 s0, $0x0;
	s0 =	rddreg [dreg:$0x2]  }
0x10f: {  	s0 =	sadd.s32 @!p0 $0x100000, s0  }
0x110: {  	[sflag:s0] =	ssyncadd.tile.s32 @!p0 $0x1;
	_ =	shalt  }
.Lfunc_end2:
_tile_overlayer_lowered:
.L_overlay_start_2:
0x111: {  	(tag) =	ssettag $0x2  }
0x112: {  	s0 =	rddreg [dreg:$0x0];
	s2 =	stileid.u32  }
0x113: {  	s1 =	rddreg [dreg:$0x1];
	p0 =	sne.s32 s2, $0x0  }
0x114: {  	s3 =	rddreg [dreg:$0x2];
	[bflag:$0x3] =	sbarrier.arrive $0xFFFF;
	s2 =	simm.s32 @!p0 $0x1C0D  }
0x115: {  	[timem:s3], [sflag:s2] =	dma.local @!p0 [hbm:s0], s1  }
0x116: {  	s0 =	simm.s32 @!p0 $0xD  }
0x117: {  	_ =	swait.ge @!p0 [sflag:s0], s1  }
0x118: {  	s1 =	ssub.s32 @!p0 $0x0, s1;
	[sflag:s0] =	ssyncset.done @!p0 $0x0  }
0x119: {  	[sflag:s0] =	ssyncadd.s32 @!p0 s1  }
0x11a: {  	[bflag:$0x3] =	sbarrier.arrive $0xFFFF  }
0x11b: {  	_ =	shalt  }

// kernel: kernel.29.cloned.1.call-start
scs
__scs_entry_jumppad:
0x0: {  	(pc) =	sbr.rel $0x88, $3  }
0x1: {  	(tag) =	ssettag $0x0;
	lr =	simm.s32 $0x1  }
0x2: {  	[smem:$0x3F80] =	sst lr;
	_ =	strace $0xD0000000  }
0x3: {  	_ = 	snop  }
0x4: {  	_ = 	snop  }
0x5: {  	_ = 	snop  }
0x6: {  	_ = 	snop  }
0x7: {  	_ = 	snop  }
__scs_overlays_trampoline_lowered:
0x8: {  	[smem:$0x3F8F] =	sst s0  }
0x9: {  	[smem:$0x3F90] =	sst s1  }
0xa: {  	[smem:$0x3F91] =	sst s2  }
0xb: {  	[smem:$0x3F92] =	sst s3  }
0xc: {  	[smem:$0x3F93] =	sst s4  }
0xd: {  	[smem:$0x3F94] =	sst s5  }
0xe: {  	[smem:$0x3F95] =	sst s6  }
0xf: {  	[smem:$0x3F96] =	sst s7  }
0x10: {  	[smem:$0x3F97] =	sst s8  }
0x11: {  	[smem:$0x3F98] =	sst s9;
	s0 =	simm.s32 @!p0 $0x0  }
0x12: {  	s1 =	sld [smem:$0x3F7E];
	s0 =	simm.s32 @p0 $0x1  }
0x13: {  	[smem:$0x3F99] =	sst s0;
	s0 =	simm.s32 @!p1 $0x0  }
0x14: {  	s2 =	sld [smem:$0x3F7D];
	s0 =	simm.s32 @p1 $0x1  }
0x15: {  	[smem:$0x3F9A] =	sst s0;
	s0 =	simm.s32 @!p2 $0x0  }
0x16: {  	s3 =	sld [smem:$0x3FDB];
	s0 =	simm.s32 @p2 $0x1  }
0x17: {  	s4 =	simm.s32 $0x1BF5;
	[smem:$0x3F9C] =	sst s0  }
0x18: {  	s0 =	sld [smem:$0x3F7F];
	_ =	swait.ge [sflag:s4], $0x0  }
0x19: {  	s7 =	sld [smem:$0x3F80]  }
0x1a: {  	s8 =	sadd.s32 $0xFFFFE003, lr  }
0x1b: {  	s9 =	sadd.s32 $0xFFFFFEF7, lr;
	s5 =	simm.s32 $0xFFFFFFFF;
	p2 =	slt.u32 s8, $0xFFFFF086  }
0x1c: {  	p1 =	slt.u32 s9, $0xF7A;
	s5 =	simm.s32 @!p2 $0x0  }
0x1d: {  	s5 =	simm.s32 @p1 $0x1;
	p0 =	seq.s32 s7, s2  }
0x1e: {  	s7 =	smul.u32 @!p0 $0xF7A, s2;
	p2 =	seq.s32 @!p0 s5, $0x0  }
0x1f: {  	s9 =	smul.u32 $0xF7A, s1;
	s8 =	simm.s32 @!p0 $0x1BF5;
	p2 =	por !p2, p0  }
0x20: {  	[sflag:s8] =	ssyncset.s32 @!p0 $0xFFFFF086;
	s6 =	sadd.s32 @!p0 s3, s7;
	s7 =	simm.s32 @!p0 $0x108  }
0x21: {  	s3 =	sadd.s32 s3, s9;
	s6 =	sadd.s32 @!p0 $0x88, s6;
	s7 =	simm.s32 @p2 $0x1082  }
0x22: {  	[simem:s7], [sflag:s8] =	dma.local @!p0 [hbm:s6], $0xF7A  }
0x23: {  	s9 =	sor.u32 $0xD0000000, s2;
	s6 =	simm.s32 $0x108;
	_ =	swait.ge @!p0 [sflag:s8], $0x0  }
0x24: {  	s3 =	sadd.s32 $0x88, s3;
	s6 =	simm.s32 @!p1 $0x1082;
	[sflag:s4] =	ssyncset.s32 $0xFFFFF086  }
0x25: {  	[simem:s6], [sflag:s4] =	dma.local [hbm:s3], $0xF7A  }
0x26: {  	[smem:$0x3F80] =	sst s1;
	(tag) =	ssettag s2;
	_ =	strace s9  }
0x27: {  	s1 =	sld [smem:$0x3F90]  }
0x28: {  	s2 =	sld [smem:$0x3F91]  }
0x29: {  	s4 =	sld [smem:$0x3F93]  }
0x2a: {  	p0 =	seq.s32 s5, $0x0;
	s5 =	sld [smem:$0x3F94]  }
0x2b: {  	s6 =	sld [smem:$0x3F95]  }
0x2c: {  	s7 =	sld [smem:$0x3F96]  }
0x2d: {  	s3 =	simm.s32 $0x108;
	s8 =	sld [smem:$0x3F97]  }
0x2e: {  	s3 =	simm.s32 @!p0 $0x1082;
	s9 =	sld [smem:$0x3F98]  }
0x2f: {  	lr =	sadd.s32 s0, s3;
	s0 =	sld [smem:$0x3F8F]  }
0x30: {  	s3 =	sld [smem:$0x3F92]  }
0x31: {  	[smem:$0x3F9B] =	sst s10  }
0x32: {  	s10 =	sld [smem:$0x3F99];
	_ =	sdelay $0x3  }
0x33: {  	p0 =	seq.s32 s10, $0x1;
	s10 =	sld [smem:$0x3F9B];
	_ =	sdelay $0x3  }
0x34: {  	[smem:$0x3F9B] =	sst s10  }
0x35: {  	s10 =	sld [smem:$0x3F9A];
	_ =	sdelay $0x3  }
0x36: {  	p1 =	seq.s32 s10, $0x1;
	s10 =	sld [smem:$0x3F9B];
	_ =	sdelay $0x3  }
0x37: {  	[smem:$0x3F9B] =	sst s10  }
0x38: {  	s10 =	sld [smem:$0x3F9C]  }
0x39: {  	_ = 	snop;
	(pc) =	sbr.ind lr, $3  }
0x3a: {  	_ = 	snop  }
0x3b: {  	_ = 	snop  }
0x3c: {  	p2 =	seq.s32 s10, $0x1;
	s10 =	sld [smem:$0x3F9B]  }
0x3d: {  	_ =	shalt  }
0x3e: {  	_ =	shalt  }
0x3f: {  	_ =	shalt  }
0x40: {  	_ =	shalt  }
0x41: {  	_ =	shalt  }
0x42: {  	_ =	shalt  }
0x43: {  	_ =	shalt  }
0x44: {  	_ =	shalt  }
0x45: {  	_ =	shalt  }
0x46: {  	_ =	shalt  }
0x47: {  	_ =	shalt  }
0x48: {  	_ =	shalt  }
0x49: {  	_ =	shalt  }
0x4a: {  	_ =	shalt  }
0x4b: {  	_ =	shalt  }
0x4c: {  	_ =	shalt  }
0x4d: {  	_ =	shalt  }
0x4e: {  	_ =	shalt  }
0x4f: {  	_ =	shalt  }
0x50: {  	_ =	shalt  }
0x51: {  	_ =	shalt  }
0x52: {  	_ =	shalt  }
0x53: {  	_ =	shalt  }
0x54: {  	_ =	shalt  }
0x55: {  	_ =	shalt  }
0x56: {  	_ =	shalt  }
0x57: {  	_ =	shalt  }
0x58: {  	_ =	shalt  }
0x59: {  	_ =	shalt  }
0x5a: {  	_ =	shalt  }
0x5b: {  	_ =	shalt  }
0x5c: {  	_ =	shalt  }
0x5d: {  	_ =	shalt  }
0x5e: {  	_ =	shalt  }
0x5f: {  	_ =	shalt  }
0x60: {  	_ =	shalt  }
0x61: {  	_ =	shalt  }
0x62: {  	_ =	shalt  }
0x63: {  	_ =	shalt  }
0x64: {  	_ =	shalt  }
0x65: {  	_ =	shalt  }
0x66: {  	_ =	shalt  }
0x67: {  	_ =	shalt  }
0x68: {  	_ =	shalt  }
0x69: {  	_ =	shalt  }
0x6a: {  	_ =	shalt  }
0x6b: {  	_ =	shalt  }
0x6c: {  	_ =	shalt  }
0x6d: {  	_ =	shalt  }
0x6e: {  	_ =	shalt  }
0x6f: {  	_ =	shalt  }
0x70: {  	_ =	shalt  }
0x71: {  	_ =	shalt  }
0x72: {  	_ =	shalt  }
0x73: {  	_ =	shalt  }
0x74: {  	_ =	shalt  }
0x75: {  	_ =	shalt  }
0x76: {  	_ =	shalt  }
0x77: {  	_ =	shalt  }
0x78: {  	_ =	shalt  }
0x79: {  	_ =	shalt  }
0x7a: {  	_ =	shalt  }
0x7b: {  	_ =	shalt  }
0x7c: {  	_ =	shalt  }
0x7d: {  	_ =	shalt  }
0x7e: {  	_ =	shalt  }
0x7f: {  	_ =	shalt  }
0x80: {  	_ =	shalt  }
0x81: {  	_ =	shalt  }
0x82: {  	_ =	shalt  }
0x83: {  	_ =	shalt  }
0x84: {  	_ =	shalt  }
0x85: {  	_ =	shalt  }
0x86: {  	_ =	shalt  }
0x87: {  	_ =	shalt  }
.Lfunc_end0:
.L_simem_size_0:
called_computation.3_lowered:
.L_overlay_start_0:
0x88: {  	s2 =	sld [smem:$0x3FD9]  }
0x89: {  	s3 =	sld [smem:$0x3FFE];
	_ =	sdelay $0x1  }
0x8a: {  	s1 =	srdreg.scid  }
0x8b: {  	s0 =	sand.u32 $0x1, s1  }
0x8c: {  	s16 =	sshll.u32 s0, $0xA;
	s2 =	sadd.s32 s3, s2  }
0x8d: {  	s2 =	sadd.s32 s2, s16  }
0x8e: {  	[smem:$0x3FA7] =	sst s2  }
0x8f: {  	_ = 	snop  }
0x90: {  	(tm) =	ssettm $0x1  }
0x91: {  	s17 =	sld [smem:$0x3FFB];
	_ =	sdelay $0x3  }
0x92: {  	_ =	strace s17  }
0x93: {  	s2 =	sld [smem:$0x3FFC];
	_ =	sdelay $0x3  }
0x94: {  	_ =	strace s2  }
0x95: {  	s2 =	sld [smem:$0x3FFD];
	_ =	sdelay $0x3  }
0x96: {  	_ =	strace s2  }
0x97: {  	_ =	strace $0x8FFFFFFF  }
0x98: {  	s18 =	sld [smem:$0x3FDB];
	_ =	sdelay $0x1  }
0x99: {  	s19 =	simm.s32 $_scs_section_size  }
0x9a: {  	s4 =	simm.s32 $_size__tile_overlayer_lowered;
	s5 =	simm.s32 $_tile_overlayer_lowered  }
0x9b: {  	s22 =	simm.s32 $0x1BFF;
	s21 =	sshll.u32 s5, $0x1;
	s2 =	sadd.s32 s19, s18  }
0x9c: {  	s6 =	simm.s32 $0x0;
	s20 =	sshll.u32 s4, $0x1;
	s4 =	sadd.s32 s21, s2  }
0x9d: {  	[timem:s6], [sflag:s22] =	dma.local [hbm:s4], s20  }
0x9e: {  	_ =	swait.ge [sflag:s22], s20  }
0x9f: {  	s3 =	ssub.s32 $0x0, s20;
	[sflag:s22] =	ssyncset.done $0x0  }
0xa0: {  	[sflag:s22] =	ssyncadd.s32 s3;
	_ =	sdelay $0x1  }
0xa1: {  	s23 =	simm.s32 $0x1B8B  }
0xa2: {  	_ =	swait.ge [sflag:s23], $0x1  }
0xa3: {  	[sflag:s23] =	ssyncset.done $0x0  }
0xa4: {  	s25 =	simm.s32 $0x1B8E;
	s24 =	sld [smem:$0x3FFE];
	[sflag:s23] =	ssyncadd.s32 $0xFFFFFFFF  }
0xa5: {  	s26 =	simm.s32 $execute0_lowered;
	[smem:$0x3FD2] =	sst s25  }
0xa6: {  	s4 =	sshll.u32 s26, $0x1;
	_ =	strace $0x8000004F;
	[dreg:$0x1] =	wrdreg $0xFFFFFFFF  }
0xa7: {  	s28 =	simm.s32 $_size_execute0_lowered;
	s2 =	sadd.s32 s2, s4;
	[dreg:$0x0] =	wrdreg $0x0  }
0xa8: {  	s4 =	sshll.u32 s28, $0x1;
	[dreg:$0x2] =	wrdreg s2  }
0xa9: {  	[dreg:$0x3] =	wrdreg s4  }
0xaa: {  	[dreg:$0x4] =	wrdreg $0xC0  }
0xab: {  	_ =	task [dreg:s6], $0x5FFFF  }
0xac: {  	[dreg:$0x1] =	wrdreg $0xFFFFFFFF  }
0xad: {  	[dreg:$0x0] =	wrdreg $0x60  }
0xae: {  	[dreg:$0x2] =	wrdreg s24  }
0xaf: {  	[dreg:$0x3] =	wrdreg $0x72000  }
0xb0: {  	[dreg:$0x4] =	wrdreg $0x9  }
0xb1: {  	_ =	task.clear_ibuf [dreg:s6], $0x5FFFF;
	_ =	strace $0x9000004F  }
0xb2: {  	s29 =	simm.s32 $0x9;
	_ =	strace $0x80000051  }
0xb3: {  	_ =	swait.ge [sflag:s29], $0x1  }
0xb4: {  	[sflag:s29] =	ssyncadd.s32 $0xFFFFFFFF  }
0xb5: {  	_ =	strace $0x90000051  }
0xb6: {  	_ =	sfence  }
0xb7: {  	s30 =	sld [smem:$0x0];
	_ =	sdelay $0x2  }
0xb8: {  	s31 =	sshll.u32 s1, $0xD;
	s1 =	sshrl.u32 s1, $0x2  }
0xb9: {  	s3 =	sand.u32 $0x4000, s31;
	s1 =	sadd.s32 s1, s30  }
0xba: {  	s0 =	sor.u32 s3, s0;
	s1 =	sshll.u32 s1, $0x11  }
0xbb: {  	s0 =	sor.u32 s1, s0  }
0xbc: {  	s0 =	sadd.s32 $0x8F2B, s0  }
0xbd: {  	[sflag:s0] =	ssyncadd.remote.s32 $0x1  }
0xbe: {  	_ =	sfence.sel $0xFFFF  }
0xbf: {  	[dreg:$0x0] =	wrdreg $0xFFFFFFFF;
	(pc) =	sbr.abs _section_cstart, $3  }
0xc0: {  	[dreg:$0x1] =	wrdreg $0xFFFFFFFF  }
0xc1: {  	_ =	task.clear_ibuf [dreg:s6], $0x2FFFF;
	_ =	strace $0x9FFFFFFF  }
0xc2: {  	(tm) =	ssettm $0x7FFFFFFF  }
0xc3: {  	_ =	shalt  }
tec
execute0_lowered:
.L_overlay_start_1:
0x0: {  	(tag) =	ssettag $0x1  }
0x1: {  	s0 =	rddreg [dreg:$0x0];
	s1 =	srdreg.scid  }
0x2: {  	s12 =	stileid.u32;
	s2 =	rddreg [dreg:$0x1]  }
0x3: {  	s3 =	simm.s32 $0x0;
	s29 =	simm.s32 $0x5;
	s30 =	simm.s32 $0x6800  }
0x4: {  	s31 =	simm.s32 $0x2800;
	s1 =	sand.u32 $0x1, s1;
	s7 =	smul.u32 $0x28000, s12  }
0x5: {  	s4 =	sshll.u32 s12, $0x1;
	[smem:$0x7FF] =	sst s3;
	s23 =	smul.u32 $0xA0, s12  }
0x6: {  	s6 =	sadd.s32 $0xA6B000, s0;
	s10 =	sadd.s32 $0xF000, s0;
	s26 =	smul.u32 $0x1400, s12  }
0x7: {  	s4 =	sor.u32 s1, s4;
	_ =	strace $0x80000050;
	s9 =	smul.u32 $0x14000, s1  }
0x8: {  	s15 =	ssub.s32 $0x2, s1;
	[dreg:$0x3] =	wrdreg s10;
	s1 =	smul.u32 $0x50, s1  }
0x9: {  	s5 =	smul.u32 $0x500, s4;
	s16 =	sshrl.u32 s15, $0x1;
	s11 =	sshrl.u32 s7, $0x2  }
0xa: {  	s4 =	smul.u32 $0x14000, s4;
	s25 =	sadd.s32 s7, s6;
	s7 =	simm.s32 $0x3  }
0xb: {  	s10 =	ssub.s32 s15, s16;
	s1 =	sadd.s32 s1, s23;
	s8 =	sadd.s32 s5, s0  }
0xc: {  	s0 =	sadd.s32 s9, s0;
	s5 =	sadd.s32 s11, s2;
	s17 =	smax.u32 s10, $0x1  }
0xd: {  	s1 =	sshll.u32 s1, $0xA;
	s8 =	sadd.s32 $0x23A00, s8;
	[dreg:$0x5] =	wrdreg s17  }
0xe: {  	s18 =	sadd.s32 $0xA00, s5;
	s19 =	sadd.s32 $0x1400, s5;
	[dreg:$0x4] =	wrdreg s8  }
0xf: {  	s20 =	sadd.s32 $0x1E00, s5;
	s21 =	sadd.s32 $0x2800, s5;
	[dreg:$0x6] =	wrdreg s18  }
0x10: {  	s22 =	sadd.s32 $0x3200, s5;
	s24 =	sadd.s32 $0x3C00, s5;
	[dreg:$0x7] =	wrdreg s19  }
0x11: {  	s14 =	sadd.s32 $0x4600, s5;
	s15 =	sadd.s32 $0x5000, s5;
	[dreg:$0x8] =	wrdreg s20  }
0x12: {  	s16 =	sadd.s32 $0x5A00, s5;
	s17 =	sadd.s32 $0x6400, s5;
	[dreg:$0x9] =	wrdreg s21  }
0x13: {  	s1 =	sadd.s32 s1, s6;
	s0 =	sadd.s32 s26, s0;
	[dreg:$0xa] =	wrdreg s22  }
0x14: {  	s26 =	sadd.s32 $0x9600, s5;
	[dreg:$0xb] =	wrdreg s24;
	s18 =	sadd.s32 $0x6E00, s5  }
0x15: {  	s19 =	sadd.s32 s6, s4;
	s20 =	sadd.s32 $0x7800, s5;
	s4 =	sadd.s32 s9, s25  }
0x16: {  	s21 =	sadd.s32 $0x8200, s5;
	s22 =	sadd.s32 $0x8C00, s5;
	s23 =	sadd.s32 $0xC00, s1  }
0x17: {  	s25 =	sadd.s32 $0x56400, s0;
	s1 =	simm.s32 $0x4800;
	s0 =	simm.s32 $0x1  }
0x18: {  	s6 =	simm.s32 $0x2;
	s8 =	simm.s32 $0x4;
	s9 =	simm.s32 $0x0  }
0x19: {  	s24 =	sadd.s32 $0x800, s4;
	s28 =	sadd.s32 $0x400, s19;
	s4 =	simm.s32 $0x80  }
.LBB2_1:
0x1a: {  	s10 =	rddreg [dreg:$0x4]  }
0x1b: {  	[tilespmem:s3], [sflag:$0x5] =	stream.linear.gather [hbm4b:s10+s3], $0x2800, $0x38;
	[tilespmem:$0x11200] =	vst v63  }
0x1c: {  	_ =	swait.ge [sflag:s29], $0x2800  }
0x1d: {  	[sflag:s29] =	ssyncset.done $0x0  }
0x1e: {  	s13 =	rddreg [dreg:$0x3];
	[sflag:s29] =	ssyncadd.s32 $0xFFFFD800  }
0x1f: {  	[tilespmem:s30], [sflag:$0x5] =	stream.linear.gather [hbm4b:s13+s3], $0xA00, $0x38;
	[tilespmem:$0x11200] =	vst v63  }
0x20: {  	_ =	swait.ge [sflag:s29], $0xA00  }
0x21: {  	[sflag:s29] =	ssyncset.done $0x0  }
0x22: {  	[sflag:s29] =	ssyncadd.s32 $0xFFFFF600  }
0x23: {  	[spmem:s5] =	stream.linear.scatter [tilespmem:s30], [sflag:$0x5], $0xA00, $0x38;
	[tilespmem:$0x11200] =	vst v63  }
0x24: {  	_ =	swait.ge [sflag:s29], $0xA00  }
0x25: {  	[sflag:s29] =	ssyncset.done $0x0  }
0x26: {  	s11 =	rddreg [dreg:$0x6];
	[sflag:s29] =	ssyncadd.s32 $0xFFFFF600  }
0x27: {  	[spmem:s11] =	stream.linear.scatter [tilespmem:s30], [sflag:$0x5], $0xA00, $0x38;
	[tilespmem:$0x11200] =	vst v63  }
0x28: {  	_ =	swait.ge [sflag:s29], $0xA00  }
0x29: {  	[sflag:s29] =	ssyncset.done $0x0  }
0x2a: {  	s12 =	rddreg [dreg:$0x7];
	[sflag:s29] =	ssyncadd.s32 $0xFFFFF600  }
0x2b: {  	[spmem:s12] =	stream.linear.scatter [tilespmem:s30], [sflag:$0x5], $0xA00, $0x38;
	[tilespmem:$0x11200] =	vst v63  }
0x2c: {  	_ =	swait.ge [sflag:s29], $0xA00  }
0x2d: {  	[sflag:s29] =	ssyncset.done $0x0  }
0x2e: {  	s13 =	rddreg [dreg:$0x8];
	[sflag:s29] =	ssyncadd.s32 $0xFFFFF600  }
0x2f: {  	[spmem:s13] =	stream.linear.scatter [tilespmem:s30], [sflag:$0x5], $0xA00, $0x38;
	[tilespmem:$0x11200] =	vst v63  }
0x30: {  	_ =	swait.ge [sflag:s29], $0xA00  }
0x31: {  	[sflag:s29] =	ssyncset.done $0x0  }
0x32: {  	s11 =	rddreg [dreg:$0x9];
	[sflag:s29] =	ssyncadd.s32 $0xFFFFF600  }
0x33: {  	[spmem:s11] =	stream.linear.scatter [tilespmem:s30], [sflag:$0x5], $0xA00, $0x38;
	[tilespmem:$0x11200] =	vst v63  }
0x34: {  	_ =	swait.ge [sflag:s29], $0xA00  }
0x35: {  	[sflag:s29] =	ssyncset.done $0x0  }
0x36: {  	s12 =	rddreg [dreg:$0xa];
	[sflag:s29] =	ssyncadd.s32 $0xFFFFF600  }
0x37: {  	[spmem:s12] =	stream.linear.scatter [tilespmem:s30], [sflag:$0x5], $0xA00, $0x38;
	[tilespmem:$0x11200] =	vst v63  }
0x38: {  	_ =	swait.ge [sflag:s29], $0xA00  }
0x39: {  	[sflag:s29] =	ssyncset.done $0x0  }
0x3a: {  	s13 =	rddreg [dreg:$0xb];
	[sflag:s29] =	ssyncadd.s32 $0xFFFFF600  }
0x3b: {  	[spmem:s13] =	stream.linear.scatter [tilespmem:s30], [sflag:$0x5], $0xA00, $0x38;
	[tilespmem:$0x11200] =	vst v63  }
0x3c: {  	_ =	swait.ge [sflag:s29], $0xA00  }
0x3d: {  	[sflag:s29] =	ssyncset.done $0x0  }
0x3e: {  	[sflag:s29] =	ssyncadd.s32 $0xFFFFF600  }
0x3f: {  	[spmem:s14] =	stream.linear.scatter [tilespmem:s30], [sflag:$0x5], $0xA00, $0x38;
	[tilespmem:$0x11200] =	vst v63  }
0x40: {  	_ =	swait.ge [sflag:s29], $0xA00  }
0x41: {  	[sflag:s29] =	ssyncset.done $0x0  }
0x42: {  	[sflag:s29] =	ssyncadd.s32 $0xFFFFF600  }
0x43: {  	[spmem:s15] =	stream.linear.scatter [tilespmem:s30], [sflag:$0x5], $0xA00, $0x38;
	[tilespmem:$0x11200] =	vst v63  }
0x44: {  	_ =	swait.ge [sflag:s29], $0xA00  }
0x45: {  	[sflag:s29] =	ssyncset.done $0x0  }
0x46: {  	[sflag:s29] =	ssyncadd.s32 $0xFFFFF600  }
0x47: {  	[spmem:s16] =	stream.linear.scatter [tilespmem:s30], [sflag:$0x5], $0xA00, $0x38;
	[tilespmem:$0x11200] =	vst v63  }
0x48: {  	_ =	swait.ge [sflag:s29], $0xA00  }
0x49: {  	[sflag:s29] =	ssyncset.done $0x0  }
0x4a: {  	[sflag:s29] =	ssyncadd.s32 $0xFFFFF600  }
0x4b: {  	[spmem:s17] =	stream.linear.scatter [tilespmem:s30], [sflag:$0x5], $0xA00, $0x38;
	[tilespmem:$0x11200] =	vst v63  }
0x4c: {  	_ =	swait.ge [sflag:s29], $0xA00  }
0x4d: {  	[sflag:s29] =	ssyncset.done $0x0  }
0x4e: {  	[sflag:s29] =	ssyncadd.s32 $0xFFFFF600  }
0x4f: {  	[spmem:s18] =	stream.linear.scatter [tilespmem:s30], [sflag:$0x5], $0xA00, $0x38;
	[tilespmem:$0x11200] =	vst v63  }
0x50: {  	_ =	swait.ge [sflag:s29], $0xA00  }
0x51: {  	[sflag:s29] =	ssyncset.done $0x0  }
0x52: {  	[sflag:s29] =	ssyncadd.s32 $0xFFFFF600  }
0x53: {  	[spmem:s20] =	stream.linear.scatter [tilespmem:s30], [sflag:$0x5], $0xA00, $0x38;
	[tilespmem:$0x11200] =	vst v63  }
0x54: {  	_ =	swait.ge [sflag:s29], $0xA00  }
0x55: {  	[sflag:s29] =	ssyncset.done $0x0  }
0x56: {  	[sflag:s29] =	ssyncadd.s32 $0xFFFFF600  }
0x57: {  	[spmem:s21] =	stream.linear.scatter [tilespmem:s30], [sflag:$0x5], $0xA00, $0x38;
	[tilespmem:$0x11200] =	vst v63  }
0x58: {  	_ =	swait.ge [sflag:s29], $0xA00  }
0x59: {  	[sflag:s29] =	ssyncset.done $0x0  }
0x5a: {  	[sflag:s29] =	ssyncadd.s32 $0xFFFFF600  }
0x5b: {  	[spmem:s22] =	stream.linear.scatter [tilespmem:s30], [sflag:$0x5], $0xA00, $0x38;
	[tilespmem:$0x11200] =	vst v63  }
0x5c: {  	_ =	swait.ge [sflag:s29], $0xA00  }
0x5d: {  	[sflag:s29] =	ssyncset.done $0x0  }
0x5e: {  	[sflag:s29] =	ssyncadd.s32 $0xFFFFF600  }
0x5f: {  	[spmem:s26] =	stream.linear.scatter [tilespmem:s30], [sflag:$0x5], $0xA00, $0x38;
	[tilespmem:$0x11200] =	vst v63  }
0x60: {  	_ =	swait.ge [sflag:s29], $0xA00  }
0x61: {  	[sflag:s29] =	ssyncset.done $0x0  }
0x62: {  	[sflag:s29] =	ssyncadd.s32 $0xFFFFF600  }
0x63: {  	[bflag:$0x0] =	sbarrier.arrive $0xFFFF  }
0x64: {  	[tilespmem:s31], [sflag:$0x1] =	stream.linear.gather [hbm4b:s19+s3], $0x2000, $0x38;
	[tilespmem:$0x11200] =	vst v63  }
0x65: {  	_ = 	snop  }
0x66: {  	[tilespmem:s1], [sflag:$0x2] =	stream.linear.gather [hbm4b:s28+s3], $0x2000, $0x38;
	[tilespmem:$0x11200] =	vst v63  }
0x67: {  	_ =	swait.ge [sflag:s0], $0x2000  }
0x68: {  	[sflag:s0] =	ssyncset.done $0x0  }
0x69: {  	[sflag:s0] =	ssyncadd.s32 $0xFFFFE000  }
0x6a: {  	[spmem:s2] =	stream.indirect.scatter.add.f32 [tilespmem:s31], [sflag:$0x3], $0x40, s3, s4, $0xb8;
	[tilespmem:$0x11200] =	vst v63  }
0x6b: {  	_ =	swait.ge [sflag:s6], $0x2000  }
0x6c: {  	[sflag:s6] =	ssyncset.done $0x0  }
0x6d: {  	[sflag:s6] =	ssyncadd.s32 $0xFFFFE000  }
0x6e: {  	[spmem:s2] =	stream.indirect.scatter.add.f32 [tilespmem:s1], [sflag:$0x4], $0x40, s4, s4, $0xb8;
	[tilespmem:$0x11200] =	vst v63  }
0x6f: {  	_ =	swait.ge [sflag:s7], $0x2000  }
0x70: {  	[sflag:s7] =	ssyncset.done $0x0  }
0x71: {  	s11 =	sadd.s32 $0x0, s24;
	[sflag:s7] =	ssyncadd.s32 $0xFFFFE000  }
0x72: {  	[tilespmem:s31], [sflag:$0x1] =	stream.linear.gather [hbm4b:s11+s3], $0x2000, $0x38;
	[tilespmem:$0x11200] =	vst v63  }
0x73: {  	_ =	swait.ge [sflag:s8], $0x2000  }
0x74: {  	[sflag:s8] =	ssyncset.done $0x0  }
0x75: {  	s12 =	sadd.s32 $0x0, s23;
	[sflag:s8] =	ssyncadd.s32 $0xFFFFE000  }
0x76: {  	[tilespmem:s1], [sflag:$0x2] =	stream.linear.gather [hbm4b:s12+s3], $0x2000, $0x38;
	[tilespmem:$0x11200] =	vst v63  }
0x77: {  	_ =	swait.ge [sflag:s0], $0x2000  }
0x78: {  	[sflag:s0] =	ssyncset.done $0x0  }
0x79: {  	s13 =	simm.s32 $0x100;
	[sflag:s0] =	ssyncadd.s32 $0xFFFFE000  }
0x7a: {  	[spmem:s2] =	stream.indirect.scatter.add.f32 [tilespmem:s31], [sflag:$0x3], $0x40, s13, s4, $0xb8;
	[tilespmem:$0x11200] =	vst v63  }
0x7b: {  	_ =	swait.ge [sflag:s6], $0x2000  }
0x7c: {  	s10 =	simm.s32 $0x800;
	[sflag:s6] =	ssyncset.done $0x0  }
0x7d: {  	s11 =	simm.s32 $0x200;
	s12 =	simm.s32 $0x180;
	[sflag:s6] =	ssyncadd.s32 $0xFFFFE000  }
.LBB2_2:
0x7e: {  	[spmem:s2] =	stream.indirect.scatter.add.f32 [tilespmem:s1], [sflag:$0x4], $0x40, s12, s4, $0xb8;
	[tilespmem:$0x11200] =	vst v63  }
0x7f: {  	s12 =	smov.u32 s10  }
0x80: {  	p0 =	sne.s32 s10, $0x13000;
	s10 =	sadd.s32 $0x800, s10;
	_ =	swait.ge [sflag:s7], $0x2000  }
0x81: {  	[sflag:s7] =	ssyncset.done $0x0  }
0x82: {  	s13 =	sadd.s32 s12, s24;
	[sflag:s7] =	ssyncadd.s32 $0xFFFFE000  }
0x83: {  	[tilespmem:s31], [sflag:$0x1] =	stream.linear.gather [hbm4b:s13+s3], $0x2000, $0x38;
	[tilespmem:$0x11200] =	vst v63  }
0x84: {  	_ =	swait.ge [sflag:s8], $0x2000  }
0x85: {  	[sflag:s8] =	ssyncset.done $0x0  }
0x86: {  	s12 =	sadd.s32 s12, s23;
	[sflag:s8] =	ssyncadd.s32 $0xFFFFE000  }
0x87: {  	[tilespmem:s1], [sflag:$0x2] =	stream.linear.gather [hbm4b:s12+s3], $0x2000, $0x38;
	[tilespmem:$0x11200] =	vst v63  }
0x88: {  	_ =	swait.ge [sflag:s0], $0x2000  }
0x89: {  	[sflag:s0] =	ssyncset.done $0x0  }
.Ltmp0:
0x8a: {  	[sflag:s0] =	ssyncadd.s32 $0xFFFFE000;
	(pc) =	sbr.rel @p0 .LBB2_2-.Ltmp0, $4  }
0x8b: {  	[spmem:s2] =	stream.indirect.scatter.add.f32 [tilespmem:s31], [sflag:$0x3], $0x40, s11, s4, $0xb8;
	[tilespmem:$0x11200] =	vst v63  }
0x8c: {  	_ =	swait.ge [sflag:s6], $0x2000  }
0x8d: {  	[sflag:s6] =	ssyncset.done $0x0  }
0x8e: {  	s12 =	sadd.s32 $0x80, s11;
	s11 =	sadd.s32 $0x100, s11;
	[sflag:s6] =	ssyncadd.s32 $0xFFFFE000  }
0x8f: {  	[spmem:s2] =	stream.indirect.scatter.add.f32 [tilespmem:s1], [sflag:$0x4], $0x40, s12, s4, $0xb8;
	[tilespmem:$0x11200] =	vst v63  }
0x90: {  	_ =	swait.ge [sflag:s7], $0x2000  }
0x91: {  	[sflag:s7] =	ssyncset.done $0x0  }
0x92: {  	[sflag:s7] =	ssyncadd.s32 $0xFFFFE000  }
0x93: {  	_ =	swait.ge [sflag:s8], $0x2000  }
0x94: {  	[sflag:s8] =	ssyncset.done $0x0  }
0x95: {  	[sflag:s8] =	ssyncadd.s32 $0xFFFFE000  }
0x96: {  	[bflag:$0x0] =	sbarrier.arrive $0xFFFF  }
0x97: {  	[tilespmem:s30], [sflag:$0x5] =	stream.linear.gather [spmem:s5], $0xA00, $0x38;
	[tilespmem:$0x11200] =	vst v63  }
0x98: {  	_ =	swait.ge [sflag:s29], $0xA00  }
0x99: {  	[sflag:s29] =	ssyncset.done $0x0  }
0x9a: {  	s10 =	sadd.s32 $0x0, s25;
	[sflag:s29] =	ssyncadd.s32 $0xFFFFF600  }
0x9b: {  	[hbm4b:s10+s3] =	stream.linear.scatter [tilespmem:s30], [sflag:$0x5], $0xA00, $0x38;
	[tilespmem:$0x11200] =	vst v63  }
0x9c: {  	_ =	swait.ge [sflag:s29], $0xA00  }
0x9d: {  	s11 =	smov.u32 s5;
	s10 =	simm.s32 $0x140;
	[sflag:s29] =	ssyncset.done $0x0  }
.LBB2_4:
0x9e: {  	p0 =	sne.s32 s10, $0x12C0;
	[sflag:s29] =	ssyncadd.s32 $0xFFFFF600;
	s11 =	sadd.s32 $0xA00, s11  }
0x9f: {  	[tilespmem:s30], [sflag:$0x5] =	stream.linear.gather [spmem:s11], $0xA00, $0x38;
	[tilespmem:$0x11200] =	vst v63  }
0xa0: {  	s12 =	smov.u32 s10;
	s10 =	sadd.s32 $0x140, s10;
	_ =	swait.ge [sflag:s29], $0xA00  }
.Ltmp1:
0xa1: {  	[sflag:s29] =	ssyncset.done $0x0;
	(pc) =	sbr.rel @p0 .LBB2_4-.Ltmp1, $4  }
0xa2: {  	s12 =	sadd.s32 s12, s25;
	[sflag:s29] =	ssyncadd.s32 $0xFFFFF600  }
0xa3: {  	[hbm4b:s12+s3] =	stream.linear.scatter [tilespmem:s30], [sflag:$0x5], $0xA00, $0x38;
	[tilespmem:$0x11200] =	vst v63  }
0xa4: {  	_ =	swait.ge [sflag:s29], $0xA00  }
0xa5: {  	[sflag:s29] =	ssyncset.done $0x0  }
0xa6: {  	s9 =	sadd.s32 $0x1, s9;
	s10 =	rddreg [dreg:$0x5]  }
0xa7: {  	p0 =	sne.s32 s9, s10  }
.Ltmp2:
0xa8: {  	_ = 	snop;
	(pc) =	sbr.rel @p0 .LBB2_1-.Ltmp2, $2  }
0xa9: {  	_ =	sdelay $0x2  }
0xaa: {  	[sflag:s29] =	ssyncadd.s32 $0xFFFFF600  }
0xab: {  	_ =	sfence.sel $0x180000  }
0xac: {  	[bflag:$0x0] =	sbarrier.arrive $0xFFFF  }
0xad: {  	_ =	strace $0x90000050  }
0xae: {  	s0 =	stileid.u32;
	[bflag:$0x2] =	sbarrier.arrive $0xFFFF  }
0xaf: {  	p0 =	sne.s32 s0, $0x0;
	s0 =	rddreg [dreg:$0x2]  }
0xb0: {  	s0 =	sadd.s32 @!p0 $0x100000, s0  }
0xb1: {  	[sflag:s0] =	ssyncadd.tile.s32 @!p0 $0x1;
	_ =	shalt  }
.Lfunc_end2:
_tile_overlayer_lowered:
.L_overlay_start_2:
0xb2: {  	(tag) =	ssettag $0x2  }
0xb3: {  	s0 =	rddreg [dreg:$0x0];
	s2 =	stileid.u32  }
0xb4: {  	s1 =	rddreg [dreg:$0x1];
	p0 =	sne.s32 s2, $0x0  }
0xb5: {  	s3 =	rddreg [dreg:$0x2];
	[bflag:$0x3] =	sbarrier.arrive $0xFFFF;
	s2 =	simm.s32 @!p0 $0x1C05  }
0xb6: {  	[timem:s3], [sflag:s2] =	dma.local @!p0 [hbm:s0], s1  }
0xb7: {  	s0 =	simm.s32 @!p0 $0x5  }
0xb8: {  	_ =	swait.ge @!p0 [sflag:s0], s1  }
0xb9: {  	s1 =	ssub.s32 @!p0 $0x0, s1;
	[sflag:s0] =	ssyncset.done @!p0 $0x0  }
0xba: {  	[sflag:s0] =	ssyncadd.s32 @!p0 s1  }
0xbb: {  	[bflag:$0x3] =	sbarrier.arrive $0xFFFF  }
0xbc: {  	_ =	shalt  }

// kernel: kernel.32.cloned.1.call-start
scs
__scs_entry_jumppad:
0x0: {  	(pc) =	sbr.rel $0x88, $3  }
0x1: {  	(tag) =	ssettag $0x0;
	lr =	simm.s32 $0x1  }
0x2: {  	[smem:$0x3F80] =	sst lr;
	_ =	strace $0xD0000000  }
0x3: {  	_ = 	snop  }
0x4: {  	_ = 	snop  }
0x5: {  	_ = 	snop  }
0x6: {  	_ = 	snop  }
0x7: {  	_ = 	snop  }
__scs_overlays_trampoline_lowered:
0x8: {  	[smem:$0x3F8F] =	sst s0  }
0x9: {  	[smem:$0x3F90] =	sst s1  }
0xa: {  	[smem:$0x3F91] =	sst s2  }
0xb: {  	[smem:$0x3F92] =	sst s3  }
0xc: {  	[smem:$0x3F93] =	sst s4  }
0xd: {  	[smem:$0x3F94] =	sst s5  }
0xe: {  	[smem:$0x3F95] =	sst s6  }
0xf: {  	[smem:$0x3F96] =	sst s7  }
0x10: {  	[smem:$0x3F97] =	sst s8  }
0x11: {  	[smem:$0x3F98] =	sst s9;
	s0 =	simm.s32 @!p0 $0x0  }
0x12: {  	s1 =	sld [smem:$0x3F7E];
	s0 =	simm.s32 @p0 $0x1  }
0x13: {  	[smem:$0x3F99] =	sst s0;
	s0 =	simm.s32 @!p1 $0x0  }
0x14: {  	s2 =	sld [smem:$0x3F7D];
	s0 =	simm.s32 @p1 $0x1  }
0x15: {  	[smem:$0x3F9A] =	sst s0;
	s0 =	simm.s32 @!p2 $0x0  }
0x16: {  	s3 =	sld [smem:$0x3FDB];
	s0 =	simm.s32 @p2 $0x1  }
0x17: {  	s4 =	simm.s32 $0x1BF5;
	[smem:$0x3F9C] =	sst s0  }
0x18: {  	s0 =	sld [smem:$0x3F7F];
	_ =	swait.ge [sflag:s4], $0x0  }
0x19: {  	s7 =	sld [smem:$0x3F80]  }
0x1a: {  	s8 =	sadd.s32 $0xFFFFE003, lr  }
0x1b: {  	s9 =	sadd.s32 $0xFFFFFEF7, lr;
	s5 =	simm.s32 $0xFFFFFFFF;
	p2 =	slt.u32 s8, $0xFFFFF086  }
0x1c: {  	p1 =	slt.u32 s9, $0xF7A;
	s5 =	simm.s32 @!p2 $0x0  }
0x1d: {  	s5 =	simm.s32 @p1 $0x1;
	p0 =	seq.s32 s7, s2  }
0x1e: {  	s7 =	smul.u32 @!p0 $0xF7A, s2;
	p2 =	seq.s32 @!p0 s5, $0x0  }
0x1f: {  	s9 =	smul.u32 $0xF7A, s1;
	s8 =	simm.s32 @!p0 $0x1BF5;
	p2 =	por !p2, p0  }
0x20: {  	[sflag:s8] =	ssyncset.s32 @!p0 $0xFFFFF086;
	s6 =	sadd.s32 @!p0 s3, s7;
	s7 =	simm.s32 @!p0 $0x108  }
0x21: {  	s3 =	sadd.s32 s3, s9;
	s6 =	sadd.s32 @!p0 $0x88, s6;
	s7 =	simm.s32 @p2 $0x1082  }
0x22: {  	[simem:s7], [sflag:s8] =	dma.local @!p0 [hbm:s6], $0xF7A  }
0x23: {  	s9 =	sor.u32 $0xD0000000, s2;
	s6 =	simm.s32 $0x108;
	_ =	swait.ge @!p0 [sflag:s8], $0x0  }
0x24: {  	s3 =	sadd.s32 $0x88, s3;
	s6 =	simm.s32 @!p1 $0x1082;
	[sflag:s4] =	ssyncset.s32 $0xFFFFF086  }
0x25: {  	[simem:s6], [sflag:s4] =	dma.local [hbm:s3], $0xF7A  }
0x26: {  	[smem:$0x3F80] =	sst s1;
	(tag) =	ssettag s2;
	_ =	strace s9  }
0x27: {  	s1 =	sld [smem:$0x3F90]  }
0x28: {  	s2 =	sld [smem:$0x3F91]  }
0x29: {  	s4 =	sld [smem:$0x3F93]  }
0x2a: {  	p0 =	seq.s32 s5, $0x0;
	s5 =	sld [smem:$0x3F94]  }
0x2b: {  	s6 =	sld [smem:$0x3F95]  }
0x2c: {  	s7 =	sld [smem:$0x3F96]  }
0x2d: {  	s3 =	simm.s32 $0x108;
	s8 =	sld [smem:$0x3F97]  }
0x2e: {  	s3 =	simm.s32 @!p0 $0x1082;
	s9 =	sld [smem:$0x3F98]  }
0x2f: {  	lr =	sadd.s32 s0, s3;
	s0 =	sld [smem:$0x3F8F]  }
0x30: {  	s3 =	sld [smem:$0x3F92]  }
0x31: {  	[smem:$0x3F9B] =	sst s10  }
0x32: {  	s10 =	sld [smem:$0x3F99];
	_ =	sdelay $0x3  }
0x33: {  	p0 =	seq.s32 s10, $0x1;
	s10 =	sld [smem:$0x3F9B];
	_ =	sdelay $0x3  }
0x34: {  	[smem:$0x3F9B] =	sst s10  }
0x35: {  	s10 =	sld [smem:$0x3F9A];
	_ =	sdelay $0x3  }
0x36: {  	p1 =	seq.s32 s10, $0x1;
	s10 =	sld [smem:$0x3F9B];
	_ =	sdelay $0x3  }
0x37: {  	[smem:$0x3F9B] =	sst s10  }
0x38: {  	s10 =	sld [smem:$0x3F9C]  }
0x39: {  	_ = 	snop;
	(pc) =	sbr.ind lr, $3  }
0x3a: {  	_ = 	snop  }
0x3b: {  	_ = 	snop  }
0x3c: {  	p2 =	seq.s32 s10, $0x1;
	s10 =	sld [smem:$0x3F9B]  }
0x3d: {  	_ =	shalt  }
0x3e: {  	_ =	shalt  }
0x3f: {  	_ =	shalt  }
0x40: {  	_ =	shalt  }
0x41: {  	_ =	shalt  }
0x42: {  	_ =	shalt  }
0x43: {  	_ =	shalt  }
0x44: {  	_ =	shalt  }
0x45: {  	_ =	shalt  }
0x46: {  	_ =	shalt  }
0x47: {  	_ =	shalt  }
0x48: {  	_ =	shalt  }
0x49: {  	_ =	shalt  }
0x4a: {  	_ =	shalt  }
0x4b: {  	_ =	shalt  }
0x4c: {  	_ =	shalt  }
0x4d: {  	_ =	shalt  }
0x4e: {  	_ =	shalt  }
0x4f: {  	_ =	shalt  }
0x50: {  	_ =	shalt  }
0x51: {  	_ =	shalt  }
0x52: {  	_ =	shalt  }
0x53: {  	_ =	shalt  }
0x54: {  	_ =	shalt  }
0x55: {  	_ =	shalt  }
0x56: {  	_ =	shalt  }
0x57: {  	_ =	shalt  }
0x58: {  	_ =	shalt  }
0x59: {  	_ =	shalt  }
0x5a: {  	_ =	shalt  }
0x5b: {  	_ =	shalt  }
0x5c: {  	_ =	shalt  }
0x5d: {  	_ =	shalt  }
0x5e: {  	_ =	shalt  }
0x5f: {  	_ =	shalt  }
0x60: {  	_ =	shalt  }
0x61: {  	_ =	shalt  }
0x62: {  	_ =	shalt  }
0x63: {  	_ =	shalt  }
0x64: {  	_ =	shalt  }
0x65: {  	_ =	shalt  }
0x66: {  	_ =	shalt  }
0x67: {  	_ =	shalt  }
0x68: {  	_ =	shalt  }
0x69: {  	_ =	shalt  }
0x6a: {  	_ =	shalt  }
0x6b: {  	_ =	shalt  }
0x6c: {  	_ =	shalt  }
0x6d: {  	_ =	shalt  }
0x6e: {  	_ =	shalt  }
0x6f: {  	_ =	shalt  }
0x70: {  	_ =	shalt  }
0x71: {  	_ =	shalt  }
0x72: {  	_ =	shalt  }
0x73: {  	_ =	shalt  }
0x74: {  	_ =	shalt  }
0x75: {  	_ =	shalt  }
0x76: {  	_ =	shalt  }
0x77: {  	_ =	shalt  }
0x78: {  	_ =	shalt  }
0x79: {  	_ =	shalt  }
0x7a: {  	_ =	shalt  }
0x7b: {  	_ =	shalt  }
0x7c: {  	_ =	shalt  }
0x7d: {  	_ =	shalt  }
0x7e: {  	_ =	shalt  }
0x7f: {  	_ =	shalt  }
0x80: {  	_ =	shalt  }
0x81: {  	_ =	shalt  }
0x82: {  	_ =	shalt  }
0x83: {  	_ =	shalt  }
0x84: {  	_ =	shalt  }
0x85: {  	_ =	shalt  }
0x86: {  	_ =	shalt  }
0x87: {  	_ =	shalt  }
.Lfunc_end0:
.L_simem_size_0:
called_computation.4_lowered:
.L_overlay_start_0:
0x88: {  	s2 =	sld [smem:$0x3FD9]  }
0x89: {  	s3 =	sld [smem:$0x3FFE];
	_ =	sdelay $0x1  }
0x8a: {  	s1 =	srdreg.scid  }
0x8b: {  	s0 =	sand.u32 $0x1, s1  }
0x8c: {  	s17 =	sshll.u32 s0, $0xA;
	s2 =	sadd.s32 s3, s2  }
0x8d: {  	s2 =	sadd.s32 s2, s17  }
0x8e: {  	[smem:$0x3FA7] =	sst s2  }
0x8f: {  	_ = 	snop  }
0x90: {  	s2 =	sld [smem:$0x3FD0];
	(tm) =	ssettm $0x1  }
0x91: {  	s18 =	sld [smem:$0x3FFB];
	_ =	sdelay $0x3  }
0x92: {  	_ =	strace s18  }
0x93: {  	s3 =	sld [smem:$0x3FFC];
	_ =	sdelay $0x3  }
0x94: {  	_ =	strace s3  }
0x95: {  	s3 =	sld [smem:$0x3FFD];
	_ =	sdelay $0x3  }
0x96: {  	_ =	strace s3  }
0x97: {  	_ =	strace $0x8FFFFFFF  }
0x98: {  	s19 =	sld [smem:$0x3FDB];
	_ =	sdelay $0x1  }
0x99: {  	s4 =	simm.s32 $_scs_section_size  }
0x9a: {  	s5 =	simm.s32 $_size__tile_overlayer_lowered;
	s6 =	simm.s32 $_tile_overlayer_lowered  }
0x9b: {  	s22 =	simm.s32 $0x1BFF;
	s21 =	sshll.u32 s6, $0x1;
	s3 =	sadd.s32 s4, s19  }
0x9c: {  	s7 =	simm.s32 $0x0;
	s20 =	sshll.u32 s5, $0x1;
	s5 =	sadd.s32 s21, s3  }
0x9d: {  	[timem:s7], [sflag:s22] =	dma.local [hbm:s5], s20  }
0x9e: {  	_ =	swait.ge [sflag:s22], s20  }
0x9f: {  	s4 =	ssub.s32 $0x0, s20;
	[sflag:s22] =	ssyncset.done $0x0  }
0xa0: {  	[sflag:s22] =	ssyncadd.s32 s4;
	_ =	sdelay $0x1  }
0xa1: {  	s23 =	simm.s32 $0x1B8B  }
0xa2: {  	_ =	swait.ge [sflag:s23], $0x1  }
0xa3: {  	[sflag:s23] =	ssyncset.done $0x0  }
0xa4: {  	s25 =	simm.s32 $0x1B8E;
	s24 =	sld [smem:$0x3FFE];
	[sflag:s23] =	ssyncadd.s32 $0xFFFFFFFF  }
0xa5: {  	s26 =	simm.s32 $execute0_lowered;
	[smem:$0x3FD2] =	sst s25  }
0xa6: {  	s5 =	sshll.u32 s26, $0x1;
	_ =	strace $0x80000052;
	[dreg:$0x1] =	wrdreg $0xFFFFFFFF  }
0xa7: {  	s28 =	simm.s32 $_size_execute0_lowered;
	s3 =	sadd.s32 s3, s5;
	[dreg:$0x0] =	wrdreg $0x0  }
0xa8: {  	s5 =	sshll.u32 s28, $0x1;
	[dreg:$0x2] =	wrdreg s3  }
0xa9: {  	[dreg:$0x3] =	wrdreg s5  }
0xaa: {  	[dreg:$0x4] =	wrdreg $0xC0  }
0xab: {  	_ =	task [dreg:s7], $0x5FFFF  }
0xac: {  	[dreg:$0x1] =	wrdreg $0xFFFFFFFF  }
0xad: {  	[dreg:$0x0] =	wrdreg $0x60  }
0xae: {  	[dreg:$0x2] =	wrdreg s2  }
0xaf: {  	[dreg:$0x3] =	wrdreg s24  }
0xb0: {  	[dreg:$0x4] =	wrdreg $0x9  }
0xb1: {  	_ =	task.clear_ibuf [dreg:s7], $0x5FFFF;
	_ =	strace $0x90000052  }
0xb2: {  	s29 =	simm.s32 $0x9;
	_ =	strace $0x80000054  }
0xb3: {  	_ =	swait.ge [sflag:s29], $0x1  }
0xb4: {  	[sflag:s29] =	ssyncadd.s32 $0xFFFFFFFF  }
0xb5: {  	_ =	strace $0x90000054  }
0xb6: {  	_ =	sfence  }
0xb7: {  	s30 =	sld [smem:$0x0];
	_ =	sdelay $0x2  }
0xb8: {  	s31 =	sshll.u32 s1, $0xD;
	s1 =	sshrl.u32 s1, $0x2  }
0xb9: {  	s3 =	sand.u32 $0x4000, s31;
	s1 =	sadd.s32 s1, s30  }
0xba: {  	s0 =	sor.u32 s3, s0;
	s1 =	sshll.u32 s1, $0x11  }
0xbb: {  	s0 =	sor.u32 s1, s0  }
0xbc: {  	s0 =	sadd.s32 $0x8F2B, s0  }
0xbd: {  	[sflag:s0] =	ssyncadd.remote.s32 $0x1  }
0xbe: {  	_ =	sfence.sel $0xFFFF  }
0xbf: {  	[dreg:$0x0] =	wrdreg $0xFFFFFFFF;
	(pc) =	sbr.abs _section_cstart, $3  }
0xc0: {  	[dreg:$0x1] =	wrdreg $0xFFFFFFFF  }
0xc1: {  	_ =	task.clear_ibuf [dreg:s7], $0x2FFFF;
	_ =	strace $0x9FFFFFFF  }
0xc2: {  	(tm) =	ssettm $0x7FFFFFFF  }
0xc3: {  	_ =	shalt  }
tec
execute0_lowered:
.L_overlay_start_1:
0x0: {  	(tag) =	ssettag $0x1  }
0x1: {  	s2 =	rddreg [dreg:$0x0];
	s0 =	srdreg.scid  }
0x2: {  	s11 =	stileid.u32;
	s1 =	rddreg [dreg:$0x1];
	s3 =	simm.s32 $0x0  }
0x3: {  	s29 =	simm.s32 $0xD000;
	s28 =	simm.s32 $0x4;
	s30 =	simm.s32 $0x5  }
0x4: {  	s0 =	sand.u32 $0x1, s0;
	s4 =	sshll.u32 s11, $0x1;
	[smem:$0x7FF] =	sst s3  }
0x5: {  	s6 =	sadd.s32 $0x7FA00, s1;
	s21 =	smul.u32 $0x28000, s11;
	s7 =	sor.u32 s0, s4  }
0x6: {  	_ =	strace $0x80000053;
	s9 =	ssub.s32 $0x2, s0;
	s0 =	smul.u32 $0x14000, s0  }
0x7: {  	s4 =	sadd.s32 $0x56400, s1;
	[dreg:$0x3] =	wrdreg s29;
	s5 =	smul.u32 $0x500, s7  }
0x8: {  	s10 =	smul.u32 $0xA0000, s7;
	s16 =	sshrl.u32 s9, $0x1;
	s24 =	sadd.s32 s21, s6  }
0x9: {  	s26 =	sadd.s32 s0, s24;
	s8 =	sadd.s32 s5, s1;
	s5 =	sadd.s32 $0x7EB000, s1  }
0xa: {  	s1 =	ssub.s32 s9, s16;
	[dreg:$0xb] =	wrdreg s26;
	s18 =	sadd.s32 $0x19A00, s8  }
0xb: {  	s17 =	sshrl.u32 s10, $0x3;
	s8 =	sadd.s32 $0xFA00, s8;
	[dreg:$0x4] =	wrdreg s18  }
0xc: {  	s19 =	sadd.s32 $0x13800, s17;
	s1 =	smax.u32 s1, $0x1;
	[dreg:$0x5] =	wrdreg s8  }
0xd: {  	s31 =	simm.s32 $0x6;
	s20 =	sadd.s32 s5, s19;
	[dreg:$0xa] =	wrdreg s1  }
0xe: {  	s9 =	sadd.s32 $0x13C00, s17;
	s8 =	sadd.s32 s6, s19;
	[dreg:$0x6] =	wrdreg s20  }
0xf: {  	s7 =	smul.u32 $0x50, s7;
	s22 =	sadd.s32 s5, s9;
	[dreg:$0x7] =	wrdreg s8  }
0x10: {  	s25 =	sadd.s32 s21, s5;
	s23 =	sadd.s32 s6, s9;
	[dreg:$0x8] =	wrdreg s22  }
0x11: {  	s10 =	simm.s32 $0xF000;
	s0 =	sadd.s32 s0, s25;
	[dreg:$0x9] =	wrdreg s23  }
0x12: {  	s21 =	simm.s32 $0x1;
	s25 =	simm.s32 $0x3;
	[dreg:$0xc] =	wrdreg s0  }
0x13: {  	s23 =	simm.s32 $0x2;
	s8 =	simm.s32 $0x0;
	s20 =	simm.s32 $0xF000  }
.LBB2_1:
0x14: {  	[dreg:$0xd] =	wrdreg s8  }
0x15: {  	s0 =	rddreg [dreg:$0x4];
	s1 =	simm.s32 $0xD  }
0x16: {  	[tilespmem:s3], [sflag:$0xD] =	stream.linear.gather [hbm4b:s0+s3], $0x2800, $0x38;
	[tilespmem:$0x11000] =	vst v63  }
0x17: {  	_ =	swait.ge [sflag:s1], $0x2800  }
0x18: {  	[sflag:s1] =	ssyncset.done $0x0  }
0x19: {  	s13 =	simm.s32 $0x2800;
	s12 =	rddreg [dreg:$0x5];
	[sflag:s1] =	ssyncadd.s32 $0xFFFFD800  }
0x1a: {  	[tilespmem:s13], [sflag:$0xD] =	stream.linear.gather [hbm4b:s12+s3], $0x2800, $0x38;
	[tilespmem:$0x11000] =	vst v63  }
0x1b: {  	p0 =	por $0x0, $0x0;
	_ =	swait.ge [sflag:s1], $0x2800  }
0x1c: {  	p1 =	por p0, p0;
	[sflag:s1] =	ssyncset.done $0x0  }
0x1d: {  	s0 =	simm.s32 @p1 $0x7;
	[sflag:s1] =	ssyncadd.s32 $0xFFFFD800  }
0x1e: {  	_ =	swait.ge @p1 [sflag:s0], $0x2000  }
0x1f: {  	s8 =	simm.s32 @p1 $0x8;
	s9 =	simm.s32 @p1 $0x80;
	[sflag:s0] =	ssyncset.done @p1 $0x0  }
0x20: {  	s1 =	simm.s32 @p1 $0x5000;
	[sflag:s0] =	ssyncadd.s32 @p1 $0xFFFFE000;
	s0 =	simm.s32 @p1 $0x0  }
0x21: {  	[tilespmem:s1], [sflag:$0x1] =	stream.indirect.gather @p1 [hbm4b:s2+s9], $0x40, s0, s9, $0xb8;
	[tilespmem:$0x11000] =	vst v63  }
0x22: {  	_ =	swait.ge @p1 [sflag:s8], $0x2000  }
0x23: {  	s0 =	simm.s32 @p1 $0x2800;
	[sflag:s8] =	ssyncset.done @p1 $0x0  }
0x24: {  	s1 =	simm.s32 @p1 $0x7000;
	[sflag:s8] =	ssyncadd.s32 @p1 $0xFFFFE000;
	s8 =	simm.s32 @p1 $0x9  }
0x25: {  	[tilespmem:s1], [sflag:$0x2] =	stream.indirect.gather @p1 [hbm4b:s4+s9], $0x40, s0, s9, $0xb8;
	[tilespmem:$0x11000] =	vst v63  }
0x26: {  	_ =	swait.ge @p1 [sflag:s8], $0x2000  }
0x27: {  	s0 =	simm.s32 @p1 $0x80;
	[sflag:s8] =	ssyncset.done @p1 $0x0  }
0x28: {  	s1 =	simm.s32 @p1 $0x9000;
	[sflag:s8] =	ssyncadd.s32 @p1 $0xFFFFE000;
	s8 =	simm.s32 @p1 $0xA  }
0x29: {  	[tilespmem:s1], [sflag:$0x3] =	stream.indirect.gather @p1 [hbm4b:s2+s9], $0x40, s0, s9, $0xb8;
	[tilespmem:$0x11000] =	vst v63  }
0x2a: {  	_ =	swait.ge @p1 [sflag:s8], $0x2000  }
0x2b: {  	s0 =	simm.s32 @p1 $0x2880;
	[sflag:s8] =	ssyncset.done @p1 $0x0  }
0x2c: {  	s1 =	simm.s32 @p1 $0xB000;
	[sflag:s8] =	ssyncadd.s32 @p1 $0xFFFFE000;
	s8 =	simm.s32 @p1 $0xB  }
0x2d: {  	[tilespmem:s1], [sflag:$0x4] =	stream.indirect.gather @p1 [hbm4b:s4+s9], $0x40, s0, s9, $0xb8;
	[tilespmem:$0x11000] =	vst v63  }
0x2e: {  	_ =	swait.ge @p1 [sflag:s8], $0x2000  }
0x2f: {  	s0 =	simm.s32 @p1 $0x100;
	[sflag:s8] =	ssyncset.done @p1 $0x0  }
0x30: {  	s1 =	simm.s32 @p1 $0xD000;
	[sflag:s8] =	ssyncadd.s32 @p1 $0xFFFFE000;
	s8 =	simm.s32 @p1 $0xC  }
0x31: {  	[tilespmem:s1], [sflag:$0x5] =	stream.indirect.gather @p1 [hbm4b:s2+s9], $0x40, s0, s9, $0xb8;
	[tilespmem:$0x11000] =	vst v63  }
0x32: {  	_ =	swait.ge @p1 [sflag:s8], $0x2000  }
0x33: {  	s14 =	simm.s32 $0x80;
	s0 =	simm.s32 @!p1 $0x5000;
	[sflag:s8] =	ssyncset.done @p1 $0x0  }
0x34: {  	s1 =	simm.s32 @!p1 $0x80;
	[sflag:s8] =	ssyncadd.s32 @p1 $0xFFFFE000;
	s8 =	simm.s32 @!p1 $0x0  }
0x35: {  	[tilespmem:s0], [sflag:$0x1] =	stream.indirect.gather @!p1 [hbm4b:s2+s1], $0x40, s8, s1, $0xb8;
	[tilespmem:$0x11000] =	vst v63  }
0x36: {  	s16 =	simm.s32 $0x600;
	s0 =	simm.s32 @!p1 $0x2800;
	s8 =	simm.s32 @!p1 $0x7000  }
0x37: {  	[tilespmem:s8], [sflag:$0x2] =	stream.indirect.gather @!p1 [hbm4b:s4+s1], $0x40, s0, s1, $0xb8;
	[tilespmem:$0x11000] =	vst v63  }
0x38: {  	s15 =	simm.s32 $0x5000;
	s17 =	simm.s32 $0x7000;
	s0 =	simm.s32 @!p1 $0x9000  }
0x39: {  	[tilespmem:s0], [sflag:$0x3] =	stream.indirect.gather @!p1 [hbm4b:s2+s1], $0x40, s1, s1, $0xb8;
	[tilespmem:$0x11000] =	vst v63  }
0x3a: {  	s9 =	simm.s32 @!p1 $0xB000;
	s8 =	simm.s32 @!p1 $0x2880;
	s0 =	simm.s32 $0x100  }
0x3b: {  	[tilespmem:s9], [sflag:$0x4] =	stream.indirect.gather @!p1 [hbm4b:s4+s1], $0x40, s8, s1, $0xb8;
	[tilespmem:$0x11000] =	vst v63  }
0x3c: {  	s0 =	simm.s32 @!p0 $0x100;
	s8 =	simm.s32 @!p1 $0x100;
	s9 =	simm.s32 @!p1 $0xD000  }
0x3d: {  	[tilespmem:s9], [sflag:$0x5] =	stream.indirect.gather @!p1 [hbm4b:s2+s1], $0x40, s8, s1, $0xb8;
	[tilespmem:$0x11000] =	vst v63  }
0x3e: {  	s19 =	simm.s32 $0x9000;
	s22 =	simm.s32 $0xB000;
	s0 =	sadd.s32 $0x2800, s0  }
0x3f: {  	[tilespmem:s10], [sflag:$0x6] =	stream.indirect.gather [hbm4b:s4+s14], $0x40, s0, s14, $0xb8;
	[tilespmem:$0x11000] =	vst v63  }
0x40: {  	s12 =	simm.s32 $0x280;
	s1 =	simm.s32 $0x2;
	_ =	swait.ge [sflag:s21], $0x2000  }
0x41: {  	s8 =	simm.s32 $0x5;
	s1 =	simm.s32 @!p0 $0x2;
	[sflag:s21] =	ssyncset.done $0x0  }
0x42: {  	s0 =	simm.s32 @p0 $0x1;
	s14 =	rddreg [dreg:$0xc];
	[sflag:s21] =	ssyncadd.s32 $0xFFFFE000  }
0x43: {  	[hbm4b:s14+s3] =	stream.linear.scatter [tilespmem:s15], [sflag:$0x7], $0x2000, $0x38;
	[tilespmem:$0x11000] =	vst v63  }
0x44: {  	s1 =	sadd.s32 s7, s1;
	s0 =	simm.s32 @!p0 $0x1;
	_ =	swait.ge [sflag:s23], $0x2000  }
0x45: {  	s1 =	sshll.u32 s1, $0xA;
	p0 =	por $0x1, $0x1;
	[sflag:s23] =	ssyncset.done $0x0  }
0x46: {  	s0 =	sadd.s32 s7, s0;
	s11 =	rddreg [dreg:$0xb];
	[sflag:s23] =	ssyncadd.s32 $0xFFFFE000  }
0x47: {  	[hbm4b:s11+s3] =	stream.linear.scatter [tilespmem:s17], [sflag:$0x8], $0x2000, $0x38;
	[tilespmem:$0x11000] =	vst v63  }
0x48: {  	s1 =	sand.u32 $0x1FFFFC00, s1;
	s0 =	sshll.u32 s0, $0xA;
	_ =	swait.ge [sflag:s25], $0x2000  }
0x49: {  	s9 =	simm.s32 @p0 $0x4;
	s0 =	sand.u32 $0x1FFFFC00, s0;
	[sflag:s25] =	ssyncset.done $0x0  }
0x4a: {  	s12 =	simm.s32 @!p0 $0x100;
	s18 =	sadd.s32 s5, s0;
	[sflag:s25] =	ssyncadd.s32 $0xFFFFE000  }
0x4b: {  	[hbm4b:s18+s3] =	stream.linear.scatter [tilespmem:s19], [sflag:$0x9], $0x2000, $0x38;
	[tilespmem:$0x11000] =	vst v63  }
0x4c: {  	s8 =	simm.s32 @!p0 $0x2;
	s9 =	simm.s32 @!p0 $0x1;
	_ =	swait.ge [sflag:s28], $0x2000  }
0x4d: {  	s8 =	sadd.s32 s7, s8;
	s29 =	sadd.s32 s5, s1;
	[sflag:s28] =	ssyncset.done $0x0  }
0x4e: {  	p0 =	por p0, p0;
	s0 =	sadd.s32 s6, s0;
	[sflag:s28] =	ssyncadd.s32 $0xFFFFE000  }
0x4f: {  	[hbm4b:s0+s3] =	stream.linear.scatter [tilespmem:s22], [sflag:$0xA], $0x2000, $0x38;
	[tilespmem:$0x11000] =	vst v63  }
0x50: {  	s15 =	simm.s32 $0xC00;
	s24 =	sadd.s32 s7, s9;
	_ =	swait.ge [sflag:s30], $0x2000  }
0x51: {  	s8 =	sshll.u32 s8, $0xA;
	s9 =	sadd.s32 $0xC00, s14;
	[sflag:s30] =	ssyncset.done $0x0  }
0x52: {  	s10 =	sand.u32 $0x1FFFFC00, s8;
	s26 =	rddreg [dreg:$0x3];
	[sflag:s30] =	ssyncadd.s32 $0xFFFFE000  }
0x53: {  	[hbm4b:s29+s3] =	stream.linear.scatter [tilespmem:s26], [sflag:$0xB], $0x2000, $0x38;
	[tilespmem:$0x11000] =	vst v63  }
0x54: {  	s14 =	sadd.s32 $0xC00, s11;
	s0 =	sshll.u32 s24, $0xA;
	_ =	swait.ge [sflag:s31], $0x2000  }
0x55: {  	s17 =	simm.s32 $0x400;
	s13 =	sand.u32 $0x1FFFFC00, s0;
	[sflag:s31] =	ssyncset.done $0x0  }
0x56: {  	s0 =	sadd.s32 s6, s1;
	s1 =	simm.s32 $0x8;
	[sflag:s31] =	ssyncadd.s32 $0xFFFFE000  }
.LBB2_2:
0x57: {  	[hbm4b:s0+s3] =	stream.linear.scatter [tilespmem:s20], [sflag:$0xC], $0x2000, $0x38;
	[tilespmem:$0x11000] =	vst v63  }
0x58: {  	s8 =	simm.s32 @p0 $0x7  }
0x59: {  	_ =	swait.ge @p0 [sflag:s8], $0x2000  }
0x5a: {  	s19 =	simm.s32 @p0 $0x5000;
	s22 =	simm.s32 @p0 $0x8;
	[sflag:s8] =	ssyncset.done @p0 $0x0  }
0x5b: {  	s24 =	simm.s32 @p0 $0x80;
	[sflag:s8] =	ssyncadd.s32 @p0 $0xFFFFE000;
	s8 =	sshra.s32 @p0 s16, $0x2  }
0x5c: {  	[tilespmem:s19], [sflag:$0x1] =	stream.indirect.gather @p0 [hbm4b:s2+s24], $0x40, s8, s24, $0xb8;
	[tilespmem:$0x11000] =	vst v63  }
0x5d: {  	s16 =	sadd.s32 @p0 $0x2800, s8;
	s19 =	sadd.s32 @p0 $0x2880, s8;
	_ =	swait.ge @p0 [sflag:s22], $0x2000  }
0x5e: {  	s26 =	sadd.s32 @p0 $0x80, s8;
	s29 =	sadd.s32 @p0 $0x100, s8;
	[sflag:s22] =	ssyncset.done @p0 $0x0  }
0x5f: {  	s8 =	simm.s32 @p0 $0x7000;
	[sflag:s22] =	ssyncadd.s32 @p0 $0xFFFFE000;
	s22 =	simm.s32 @p0 $0x9  }
0x60: {  	[tilespmem:s8], [sflag:$0x2] =	stream.indirect.gather @p0 [hbm4b:s4+s24], $0x40, s16, s24, $0xb8;
	[tilespmem:$0x11000] =	vst v63  }
0x61: {  	_ =	swait.ge @p0 [sflag:s22], $0x2000  }
0x62: {  	[sflag:s22] =	ssyncset.done @p0 $0x0  }
0x63: {  	s16 =	simm.s32 @p0 $0x9000;
	[sflag:s22] =	ssyncadd.s32 @p0 $0xFFFFE000;
	s22 =	simm.s32 @p0 $0xA  }
0x64: {  	[tilespmem:s16], [sflag:$0x3] =	stream.indirect.gather @p0 [hbm4b:s2+s24], $0x40, s26, s24, $0xb8;
	[tilespmem:$0x11000] =	vst v63  }
0x65: {  	_ =	swait.ge @p0 [sflag:s22], $0x2000  }
0x66: {  	[sflag:s22] =	ssyncset.done @p0 $0x0  }
0x67: {  	s16 =	simm.s32 @p0 $0xB000;
	[sflag:s22] =	ssyncadd.s32 @p0 $0xFFFFE000;
	s22 =	simm.s32 @p0 $0xB  }
0x68: {  	[tilespmem:s16], [sflag:$0x4] =	stream.indirect.gather @p0 [hbm4b:s4+s24], $0x40, s19, s24, $0xb8;
	[tilespmem:$0x11000] =	vst v63  }
0x69: {  	s11 =	smov.u32 s15;
	_ =	swait.ge @p0 [sflag:s22], $0x2000  }
0x6a: {  	p1 =	sne.s32 s11, $0x0;
	s16 =	smov.u32 s11;
	[sflag:s22] =	ssyncset.done @p0 $0x0  }
0x6b: {  	s11 =	simm.s32 @p0 $0xD000;
	s19 =	simm.s32 @p0 $0xC;
	[sflag:s22] =	ssyncadd.s32 @p0 $0xFFFFE000  }
0x6c: {  	[tilespmem:s11], [sflag:$0x5] =	stream.indirect.gather @p0 [hbm4b:s2+s24], $0x40, s29, s24, $0xb8;
	[tilespmem:$0x11000] =	vst v63  }
0x6d: {  	_ =	swait.ge @p0 [sflag:s19], $0x2000  }
0x6e: {  	s18 =	smov.u32 s10;
	s22 =	simm.s32 @!p0 $0x0;
	[sflag:s19] =	ssyncset.done @p0 $0x0  }
0x6f: {  	s11 =	simm.s32 @!p0 $0x5000;
	[sflag:s19] =	ssyncadd.s32 @p0 $0xFFFFE000;
	s19 =	simm.s32 @!p0 $0x80  }
0x70: {  	[tilespmem:s11], [sflag:$0x1] =	stream.indirect.gather @!p0 [hbm4b:s2+s19], $0x40, s22, s19, $0xb8;
	[tilespmem:$0x11000] =	vst v63  }
0x71: {  	s10 =	sadd.s32 @p1 $0xFFFFFFFF, s1;
	s11 =	simm.s32 @!p0 $0x2800;
	s22 =	simm.s32 @!p0 $0x7000  }
0x72: {  	[tilespmem:s22], [sflag:$0x2] =	stream.indirect.gather @!p0 [hbm4b:s4+s19], $0x40, s11, s19, $0xb8;
	[tilespmem:$0x11000] =	vst v63  }
0x73: {  	s10 =	simm.s32 @!p1 $0x1;
	s11 =	simm.s32 @!p0 $0x9000  }
0x74: {  	[tilespmem:s11], [sflag:$0x3] =	stream.indirect.gather @!p0 [hbm4b:s2+s19], $0x40, s19, s19, $0xb8;
	[tilespmem:$0x11000] =	vst v63  }
0x75: {  	s10 =	sadd.s32 s7, s10;
	s22 =	simm.s32 @!p0 $0xB000;
	s11 =	simm.s32 @!p0 $0x2880  }
0x76: {  	[tilespmem:s22], [sflag:$0x4] =	stream.indirect.gather @!p0 [hbm4b:s4+s19], $0x40, s11, s19, $0xb8;
	[tilespmem:$0x11000] =	vst v63  }
0x77: {  	s8 =	smov.u32 s1;
	s11 =	simm.s32 @!p0 $0x100;
	s22 =	simm.s32 @!p0 $0xD000  }
0x78: {  	[tilespmem:s22], [sflag:$0x5] =	stream.indirect.gather @!p0 [hbm4b:s2+s19], $0x40, s11, s19, $0xb8;
	[tilespmem:$0x11000] =	vst v63  }
0x79: {  	s8 =	simm.s32 @!p1 $0x2;
	s24 =	simm.s32 $0x80;
	s22 =	sadd.s32 $0x2800, s12  }
0x7a: {  	[tilespmem:s20], [sflag:$0x6] =	stream.indirect.gather [hbm4b:s4+s24], $0x40, s22, s24, $0xb8;
	[tilespmem:$0x11000] =	vst v63  }
0x7b: {  	s10 =	sshll.u32 s10, $0xA;
	s8 =	sadd.s32 s7, s8;
	_ =	swait.ge [sflag:s21], $0x2000  }
0x7c: {  	s26 =	sshll.u32 s8, $0xA;
	s8 =	sand.u32 $0x1FFFFC00, s10;
	[sflag:s21] =	ssyncset.done $0x0  }
0x7d: {  	s10 =	sand.u32 $0x1FFFFC00, s26;
	s26 =	simm.s32 $0x5000;
	[sflag:s21] =	ssyncadd.s32 $0xFFFFE000  }
0x7e: {  	[hbm4b:s9+s3] =	stream.linear.scatter [tilespmem:s26], [sflag:$0x7], $0x2000, $0x38;
	[tilespmem:$0x11000] =	vst v63  }
0x7f: {  	_ =	swait.ge [sflag:s23], $0x2000  }
0x80: {  	[sflag:s23] =	ssyncset.done $0x0  }
0x81: {  	s29 =	simm.s32 $0x7000;
	[sflag:s23] =	ssyncadd.s32 $0xFFFFE000  }
0x82: {  	[hbm4b:s14+s3] =	stream.linear.scatter [tilespmem:s29], [sflag:$0x8], $0x2000, $0x38;
	[tilespmem:$0x11000] =	vst v63  }
0x83: {  	_ =	swait.ge [sflag:s25], $0x2000  }
0x84: {  	[sflag:s25] =	ssyncset.done $0x0  }
0x85: {  	s11 =	sadd.s32 s5, s13;
	s19 =	simm.s32 $0x9000;
	[sflag:s25] =	ssyncadd.s32 $0xFFFFE000  }
0x86: {  	[hbm4b:s11+s3] =	stream.linear.scatter [tilespmem:s19], [sflag:$0x9], $0x2000, $0x38;
	[tilespmem:$0x11000] =	vst v63  }
0x87: {  	s15 =	sadd.s32 $0x600, s15;
	_ =	swait.ge [sflag:s28], $0x2000  }
0x88: {  	s0 =	smov.u32 s17;
	s17 =	sadd.s32 $0x180, s17;
	[sflag:s28] =	ssyncset.done $0x0  }
0x89: {  	s22 =	sadd.s32 s6, s13;
	s24 =	simm.s32 $0xB000;
	[sflag:s28] =	ssyncadd.s32 $0xFFFFE000  }
0x8a: {  	[hbm4b:s22+s3] =	stream.linear.scatter [tilespmem:s24], [sflag:$0xA], $0x2000, $0x38;
	[tilespmem:$0x11000] =	vst v63  }
0x8b: {  	p2 =	sne.s32 s15, $0x9C00;
	s0 =	simm.s32 @!p1 $0x100;
	_ =	swait.ge [sflag:s30], $0x2000  }
0x8c: {  	s1 =	sadd.s32 $0x3, s1;
	s29 =	sadd.s32 s5, s18;
	[sflag:s30] =	ssyncset.done $0x0  }
.Ltmp0:
0x8d: {  	s26 =	rddreg [dreg:$0x3];
	[sflag:s30] =	ssyncadd.s32 $0xFFFFE000;
	(pc) =	sbr.rel @p2 .LBB2_2-.Ltmp0, $4  }
0x8e: {  	[hbm4b:s29+s3] =	stream.linear.scatter [tilespmem:s26], [sflag:$0xB], $0x2000, $0x38;
	[tilespmem:$0x11000] =	vst v63  }
0x8f: {  	s12 =	smov.u32 s0;
	p0 =	por p1, p1;
	_ =	swait.ge [sflag:s31], $0x2000  }
0x90: {  	s0 =	sadd.s32 s6, s18;
	s13 =	smov.u32 s8;
	[sflag:s31] =	ssyncset.done $0x0  }
0x91: {  	s9 =	sadd.s32 $0xC00, s9;
	s14 =	sadd.s32 $0xC00, s14;
	[sflag:s31] =	ssyncadd.s32 $0xFFFFE000  }
0x92: {  	s15 =	simm.s32 $0xF000  }
0x93: {  	[hbm4b:s0+s3] =	stream.linear.scatter [tilespmem:s15], [sflag:$0xC], $0x2000, $0x38;
	[tilespmem:$0x11000] =	vst v63  }
0x94: {  	s0 =	simm.s32 @p0 $0x7  }
0x95: {  	_ =	swait.ge @p0 [sflag:s0], $0x2000  }
0x96: {  	s1 =	simm.s32 @p0 $0x5000;
	s8 =	simm.s32 @p0 $0x8;
	[sflag:s0] =	ssyncset.done @p0 $0x0  }
0x97: {  	s11 =	simm.s32 @p0 $0x80;
	[sflag:s0] =	ssyncadd.s32 @p0 $0xFFFFE000;
	s0 =	sshra.s32 @p0 s16, $0x2  }
0x98: {  	[tilespmem:s1], [sflag:$0x1] =	stream.indirect.gather @p0 [hbm4b:s2+s11], $0x40, s0, s11, $0xb8;
	[tilespmem:$0x11000] =	vst v63  }
0x99: {  	_ =	swait.ge @p0 [sflag:s8], $0x2000  }
0x9a: {  	[sflag:s8] =	ssyncset.done @p0 $0x0  }
0x9b: {  	s1 =	sadd.s32 @p0 $0x2800, s0;
	[sflag:s8] =	ssyncadd.s32 @p0 $0xFFFFE000;
	s8 =	simm.s32 @p0 $0x7000  }
0x9c: {  	[tilespmem:s8], [sflag:$0x2] =	stream.indirect.gather @p0 [hbm4b:s4+s11], $0x40, s1, s11, $0xb8;
	[tilespmem:$0x11000] =	vst v63  }
0x9d: {  	s1 =	simm.s32 @p0 $0x9  }
0x9e: {  	_ =	swait.ge @p0 [sflag:s1], $0x2000  }
0x9f: {  	[sflag:s1] =	ssyncset.done @p0 $0x0  }
0xa0: {  	s8 =	sadd.s32 @p0 $0x80, s0;
	[sflag:s1] =	ssyncadd.s32 @p0 $0xFFFFE000;
	s1 =	simm.s32 @p0 $0x9000  }
0xa1: {  	[tilespmem:s1], [sflag:$0x3] =	stream.indirect.gather @p0 [hbm4b:s2+s11], $0x40, s8, s11, $0xb8;
	[tilespmem:$0x11000] =	vst v63  }
0xa2: {  	s1 =	simm.s32 @p0 $0xA  }
0xa3: {  	_ =	swait.ge @p0 [sflag:s1], $0x2000  }
0xa4: {  	[sflag:s1] =	ssyncset.done @p0 $0x0  }
0xa5: {  	s8 =	sadd.s32 @p0 $0x2880, s0;
	[sflag:s1] =	ssyncadd.s32 @p0 $0xFFFFE000;
	s1 =	simm.s32 @p0 $0xB000  }
0xa6: {  	[tilespmem:s1], [sflag:$0x4] =	stream.indirect.gather @p0 [hbm4b:s4+s11], $0x40, s8, s11, $0xb8;
	[tilespmem:$0x11000] =	vst v63  }
0xa7: {  	s1 =	simm.s32 @p0 $0xB  }
0xa8: {  	_ =	swait.ge @p0 [sflag:s1], $0x2000  }
0xa9: {  	[sflag:s1] =	ssyncset.done @p0 $0x0  }
0xaa: {  	s0 =	sadd.s32 @p0 $0x100, s0;
	[sflag:s1] =	ssyncadd.s32 @p0 $0xFFFFE000;
	s1 =	simm.s32 @p0 $0xD000  }
0xab: {  	[tilespmem:s1], [sflag:$0x5] =	stream.indirect.gather @p0 [hbm4b:s2+s11], $0x40, s0, s11, $0xb8;
	[tilespmem:$0x11000] =	vst v63  }
0xac: {  	s0 =	simm.s32 @p0 $0xC  }
0xad: {  	_ =	swait.ge @p0 [sflag:s0], $0x2000  }
0xae: {  	s8 =	simm.s32 @!p0 $0x0;
	[sflag:s0] =	ssyncset.done @p0 $0x0  }
0xaf: {  	s1 =	simm.s32 @!p0 $0x5000;
	[sflag:s0] =	ssyncadd.s32 @p0 $0xFFFFE000;
	s0 =	simm.s32 @!p0 $0x80  }
0xb0: {  	[tilespmem:s1], [sflag:$0x1] =	stream.indirect.gather @!p0 [hbm4b:s2+s0], $0x40, s8, s0, $0xb8;
	[tilespmem:$0x11000] =	vst v63  }
0xb1: {  	s1 =	simm.s32 @!p0 $0x2800;
	s8 =	simm.s32 @!p0 $0x7000  }
0xb2: {  	[tilespmem:s8], [sflag:$0x2] =	stream.indirect.gather @!p0 [hbm4b:s4+s0], $0x40, s1, s0, $0xb8;
	[tilespmem:$0x11000] =	vst v63  }
0xb3: {  	s1 =	simm.s32 @!p0 $0x9000  }
0xb4: {  	[tilespmem:s1], [sflag:$0x3] =	stream.indirect.gather @!p0 [hbm4b:s2+s0], $0x40, s0, s0, $0xb8;
	[tilespmem:$0x11000] =	vst v63  }
0xb5: {  	s8 =	simm.s32 @!p0 $0xB000;
	s1 =	simm.s32 @!p0 $0x2880  }
0xb6: {  	[tilespmem:s8], [sflag:$0x4] =	stream.indirect.gather @!p0 [hbm4b:s4+s0], $0x40, s1, s0, $0xb8;
	[tilespmem:$0x11000] =	vst v63  }
0xb7: {  	s1 =	simm.s32 @!p0 $0x100;
	s8 =	simm.s32 @!p0 $0xD000  }
0xb8: {  	[tilespmem:s8], [sflag:$0x5] =	stream.indirect.gather @!p0 [hbm4b:s2+s0], $0x40, s1, s0, $0xb8;
	[tilespmem:$0x11000] =	vst v63  }
0xb9: {  	s11 =	simm.s32 $0x80;
	s8 =	sadd.s32 $0x2800, s12  }
0xba: {  	[tilespmem:s15], [sflag:$0x6] =	stream.indirect.gather [hbm4b:s4+s11], $0x40, s8, s11, $0xb8;
	[tilespmem:$0x11000] =	vst v63  }
0xbb: {  	_ =	swait.ge [sflag:s21], $0x2000  }
0xbc: {  	[sflag:s21] =	ssyncset.done $0x0  }
0xbd: {  	s17 =	simm.s32 $0x5000;
	[sflag:s21] =	ssyncadd.s32 $0xFFFFE000  }
0xbe: {  	[hbm4b:s9+s3] =	stream.linear.scatter [tilespmem:s17], [sflag:$0x7], $0x2000, $0x38;
	[tilespmem:$0x11000] =	vst v63  }
0xbf: {  	_ =	swait.ge [sflag:s23], $0x2000  }
0xc0: {  	[sflag:s23] =	ssyncset.done $0x0  }
0xc1: {  	s18 =	simm.s32 $0x7000;
	[sflag:s23] =	ssyncadd.s32 $0xFFFFE000  }
0xc2: {  	[hbm4b:s14+s3] =	stream.linear.scatter [tilespmem:s18], [sflag:$0x8], $0x2000, $0x38;
	[tilespmem:$0x11000] =	vst v63  }
0xc3: {  	_ =	swait.ge [sflag:s25], $0x2000  }
0xc4: {  	[sflag:s25] =	ssyncset.done $0x0  }
0xc5: {  	s22 =	sadd.s32 s5, s13;
	s12 =	simm.s32 $0x9000;
	[sflag:s25] =	ssyncadd.s32 $0xFFFFE000  }
0xc6: {  	[hbm4b:s22+s3] =	stream.linear.scatter [tilespmem:s12], [sflag:$0x9], $0x2000, $0x38;
	[tilespmem:$0x11000] =	vst v63  }
0xc7: {  	_ =	swait.ge [sflag:s28], $0x2000  }
0xc8: {  	[sflag:s28] =	ssyncset.done $0x0  }
0xc9: {  	s24 =	sadd.s32 s6, s13;
	s13 =	simm.s32 $0xB000;
	[sflag:s28] =	ssyncadd.s32 $0xFFFFE000  }
0xca: {  	[hbm4b:s24+s3] =	stream.linear.scatter [tilespmem:s13], [sflag:$0xA], $0x2000, $0x38;
	[tilespmem:$0x11000] =	vst v63  }
0xcb: {  	_ =	swait.ge [sflag:s30], $0x2000  }
0xcc: {  	[sflag:s30] =	ssyncset.done $0x0  }
0xcd: {  	s29 =	sadd.s32 s5, s10;
	s26 =	rddreg [dreg:$0x3];
	[sflag:s30] =	ssyncadd.s32 $0xFFFFE000  }
0xce: {  	[hbm4b:s29+s3] =	stream.linear.scatter [tilespmem:s26], [sflag:$0xB], $0x2000, $0x38;
	[tilespmem:$0x11000] =	vst v63  }
0xcf: {  	_ =	swait.ge [sflag:s31], $0x2000  }
0xd0: {  	[sflag:s31] =	ssyncset.done $0x0  }
0xd1: {  	s1 =	sadd.s32 s6, s10;
	s14 =	simm.s32 $0x7;
	[sflag:s31] =	ssyncadd.s32 $0xFFFFE000  }
0xd2: {  	[hbm4b:s1+s3] =	stream.linear.scatter [tilespmem:s15], [sflag:$0xC], $0x2000, $0x38;
	[tilespmem:$0x11000] =	vst v63  }
0xd3: {  	_ =	swait.ge [sflag:s14], $0x2000  }
0xd4: {  	[sflag:s14] =	ssyncset.done $0x0  }
0xd5: {  	s16 =	simm.s32 $0x8;
	s15 =	simm.s32 $0x2700;
	[sflag:s14] =	ssyncadd.s32 $0xFFFFE000  }
0xd6: {  	[tilespmem:s17], [sflag:$0x1] =	stream.indirect.gather [hbm4b:s2+s11], $0x40, s15, s11, $0xb8;
	[tilespmem:$0x11000] =	vst v63  }
0xd7: {  	_ =	swait.ge [sflag:s16], $0x2000  }
0xd8: {  	[sflag:s16] =	ssyncset.done $0x0  }
0xd9: {  	s19 =	simm.s32 $0x4F00;
	s22 =	simm.s32 $0x9;
	[sflag:s16] =	ssyncadd.s32 $0xFFFFE000  }
0xda: {  	[tilespmem:s18], [sflag:$0x2] =	stream.indirect.gather [hbm4b:s4+s11], $0x40, s19, s11, $0xb8;
	[tilespmem:$0x11000] =	vst v63  }
0xdb: {  	_ =	swait.ge [sflag:s22], $0x2000  }
0xdc: {  	[sflag:s22] =	ssyncset.done $0x0  }
0xdd: {  	s24 =	simm.s32 $0x2780;
	s26 =	simm.s32 $0xA;
	[sflag:s22] =	ssyncadd.s32 $0xFFFFE000  }
0xde: {  	[tilespmem:s12], [sflag:$0x3] =	stream.indirect.gather [hbm4b:s2+s11], $0x40, s24, s11, $0xb8;
	[tilespmem:$0x11000] =	vst v63  }
0xdf: {  	_ =	swait.ge [sflag:s26], $0x2000  }
0xe0: {  	[sflag:s26] =	ssyncset.done $0x0  }
0xe1: {  	s29 =	simm.s32 $0x4F80;
	[sflag:s26] =	ssyncadd.s32 $0xFFFFE000  }
0xe2: {  	[tilespmem:s13], [sflag:$0x4] =	stream.indirect.gather [hbm4b:s4+s11], $0x40, s29, s11, $0xb8;
	[tilespmem:$0x11000] =	vst v63  }
0xe3: {  	_ =	swait.ge [sflag:s21], $0x2000  }
0xe4: {  	[sflag:s21] =	ssyncset.done $0x0  }
0xe5: {  	s8 =	rddreg [dreg:$0x6];
	[sflag:s21] =	ssyncadd.s32 $0xFFFFE000  }
0xe6: {  	[hbm4b:s8+s3] =	stream.linear.scatter [tilespmem:s17], [sflag:$0x7], $0x2000, $0x38;
	[tilespmem:$0x11000] =	vst v63  }
0xe7: {  	_ =	swait.ge [sflag:s23], $0x2000  }
0xe8: {  	[sflag:s23] =	ssyncset.done $0x0  }
0xe9: {  	s17 =	rddreg [dreg:$0x7];
	[sflag:s23] =	ssyncadd.s32 $0xFFFFE000  }
0xea: {  	[hbm4b:s17+s3] =	stream.linear.scatter [tilespmem:s18], [sflag:$0x8], $0x2000, $0x38;
	[tilespmem:$0x11000] =	vst v63  }
0xeb: {  	_ =	swait.ge [sflag:s25], $0x2000  }
0xec: {  	[sflag:s25] =	ssyncset.done $0x0  }
0xed: {  	s18 =	rddreg [dreg:$0x8];
	[sflag:s25] =	ssyncadd.s32 $0xFFFFE000  }
0xee: {  	[hbm4b:s18+s3] =	stream.linear.scatter [tilespmem:s12], [sflag:$0x9], $0x2000, $0x38;
	[tilespmem:$0x11000] =	vst v63  }
0xef: {  	_ =	swait.ge [sflag:s28], $0x2000  }
0xf0: {  	[sflag:s28] =	ssyncset.done $0x0  }
0xf1: {  	s19 =	rddreg [dreg:$0x9];
	[sflag:s28] =	ssyncadd.s32 $0xFFFFE000  }
0xf2: {  	[hbm4b:s19+s3] =	stream.linear.scatter [tilespmem:s13], [sflag:$0xA], $0x2000, $0x38;
	[tilespmem:$0x11000] =	vst v63  }
0xf3: {  	_ =	swait.ge [sflag:s14], $0x2000  }
0xf4: {  	[sflag:s14] =	ssyncset.done $0x0  }
0xf5: {  	[sflag:s14] =	ssyncadd.s32 $0xFFFFE000  }
0xf6: {  	_ =	swait.ge [sflag:s16], $0x2000  }
0xf7: {  	[sflag:s16] =	ssyncset.done $0x0  }
0xf8: {  	[sflag:s16] =	ssyncadd.s32 $0xFFFFE000  }
0xf9: {  	_ =	swait.ge [sflag:s22], $0x2000  }
0xfa: {  	[sflag:s22] =	ssyncset.done $0x0  }
0xfb: {  	[sflag:s22] =	ssyncadd.s32 $0xFFFFE000  }
0xfc: {  	_ =	swait.ge [sflag:s26], $0x2000  }
0xfd: {  	[sflag:s26] =	ssyncset.done $0x0  }
0xfe: {  	s22 =	simm.s32 $0xB;
	[sflag:s26] =	ssyncadd.s32 $0xFFFFE000  }
0xff: {  	_ =	swait.ge [sflag:s22], $0x2000  }
0x100: {  	[sflag:s22] =	ssyncset.done $0x0  }
0x101: {  	s24 =	simm.s32 $0xC;
	[sflag:s22] =	ssyncadd.s32 $0xFFFFE000  }
0x102: {  	_ =	swait.ge [sflag:s24], $0x2000  }
0x103: {  	s26 =	rddreg [dreg:$0xd]  }
0x104: {  	s29 =	rddreg [dreg:$0xa];
	s8 =	sadd.s32 $0x1, s26  }
0x105: {  	p0 =	sne.s32 s8, s29  }
.Ltmp1:
0x106: {  	_ = 	snop;
	(pc) =	sbr.rel @p0 .LBB2_1-.Ltmp1, $3  }
0x107: {  	_ =	sdelay $0x1  }
0x108: {  	[sflag:s24] =	ssyncset.done $0x0  }
0x109: {  	s10 =	simm.s32 $0xF000;
	[sflag:s24] =	ssyncadd.s32 $0xFFFFE000  }
0x10a: {  	_ =	sfence.sel $0x180000  }
0x10b: {  	[bflag:$0x0] =	sbarrier.arrive $0xFFFF  }
0x10c: {  	_ =	strace $0x90000053  }
0x10d: {  	s0 =	stileid.u32;
	[bflag:$0x2] =	sbarrier.arrive $0xFFFF  }
0x10e: {  	p0 =	sne.s32 s0, $0x0;
	s0 =	rddreg [dreg:$0x2]  }
0x10f: {  	s0 =	sadd.s32 @!p0 $0x100000, s0  }
0x110: {  	[sflag:s0] =	ssyncadd.tile.s32 @!p0 $0x1;
	_ =	shalt  }
.Lfunc_end2:
_tile_overlayer_lowered:
.L_overlay_start_2:
0x111: {  	(tag) =	ssettag $0x2  }
0x112: {  	s0 =	rddreg [dreg:$0x0];
	s2 =	stileid.u32  }
0x113: {  	s1 =	rddreg [dreg:$0x1];
	p0 =	sne.s32 s2, $0x0  }
0x114: {  	s3 =	rddreg [dreg:$0x2];
	[bflag:$0x3] =	sbarrier.arrive $0xFFFF;
	s2 =	simm.s32 @!p0 $0x1C0D  }
0x115: {  	[timem:s3], [sflag:s2] =	dma.local @!p0 [hbm:s0], s1  }
0x116: {  	s0 =	simm.s32 @!p0 $0xD  }
0x117: {  	_ =	swait.ge @!p0 [sflag:s0], s1  }
0x118: {  	s1 =	ssub.s32 @!p0 $0x0, s1;
	[sflag:s0] =	ssyncset.done @!p0 $0x0  }
0x119: {  	[sflag:s0] =	ssyncadd.s32 @!p0 s1  }
0x11a: {  	[bflag:$0x3] =	sbarrier.arrive $0xFFFF  }
0x11b: {  	_ =	shalt  }

// kernel: kernel.35.cloned.1.call-start
scs
__scs_entry_jumppad:
0x0: {  	(pc) =	sbr.rel $0x88, $3  }
0x1: {  	(tag) =	ssettag $0x0;
	lr =	simm.s32 $0x1  }
0x2: {  	[smem:$0x3F80] =	sst lr;
	_ =	strace $0xD0000000  }
0x3: {  	_ = 	snop  }
0x4: {  	_ = 	snop  }
0x5: {  	_ = 	snop  }
0x6: {  	_ = 	snop  }
0x7: {  	_ = 	snop  }
__scs_overlays_trampoline_lowered:
0x8: {  	[smem:$0x3F8F] =	sst s0  }
0x9: {  	[smem:$0x3F90] =	sst s1  }
0xa: {  	[smem:$0x3F91] =	sst s2  }
0xb: {  	[smem:$0x3F92] =	sst s3  }
0xc: {  	[smem:$0x3F93] =	sst s4  }
0xd: {  	[smem:$0x3F94] =	sst s5  }
0xe: {  	[smem:$0x3F95] =	sst s6  }
0xf: {  	[smem:$0x3F96] =	sst s7  }
0x10: {  	[smem:$0x3F97] =	sst s8  }
0x11: {  	[smem:$0x3F98] =	sst s9;
	s0 =	simm.s32 @!p0 $0x0  }
0x12: {  	s1 =	sld [smem:$0x3F7E];
	s0 =	simm.s32 @p0 $0x1  }
0x13: {  	[smem:$0x3F99] =	sst s0;
	s0 =	simm.s32 @!p1 $0x0  }
0x14: {  	s2 =	sld [smem:$0x3F7D];
	s0 =	simm.s32 @p1 $0x1  }
0x15: {  	[smem:$0x3F9A] =	sst s0;
	s0 =	simm.s32 @!p2 $0x0  }
0x16: {  	s3 =	sld [smem:$0x3FDB];
	s0 =	simm.s32 @p2 $0x1  }
0x17: {  	s4 =	simm.s32 $0x1BF5;
	[smem:$0x3F9C] =	sst s0  }
0x18: {  	s0 =	sld [smem:$0x3F7F];
	_ =	swait.ge [sflag:s4], $0x0  }
0x19: {  	s7 =	sld [smem:$0x3F80]  }
0x1a: {  	s8 =	sadd.s32 $0xFFFFE003, lr  }
0x1b: {  	s9 =	sadd.s32 $0xFFFFFEF7, lr;
	s5 =	simm.s32 $0xFFFFFFFF;
	p2 =	slt.u32 s8, $0xFFFFF086  }
0x1c: {  	p1 =	slt.u32 s9, $0xF7A;
	s5 =	simm.s32 @!p2 $0x0  }
0x1d: {  	s5 =	simm.s32 @p1 $0x1;
	p0 =	seq.s32 s7, s2  }
0x1e: {  	s7 =	smul.u32 @!p0 $0xF7A, s2;
	p2 =	seq.s32 @!p0 s5, $0x0  }
0x1f: {  	s9 =	smul.u32 $0xF7A, s1;
	s8 =	simm.s32 @!p0 $0x1BF5;
	p2 =	por !p2, p0  }
0x20: {  	[sflag:s8] =	ssyncset.s32 @!p0 $0xFFFFF086;
	s6 =	sadd.s32 @!p0 s3, s7;
	s7 =	simm.s32 @!p0 $0x108  }
0x21: {  	s3 =	sadd.s32 s3, s9;
	s6 =	sadd.s32 @!p0 $0x88, s6;
	s7 =	simm.s32 @p2 $0x1082  }
0x22: {  	[simem:s7], [sflag:s8] =	dma.local @!p0 [hbm:s6], $0xF7A  }
0x23: {  	s9 =	sor.u32 $0xD0000000, s2;
	s6 =	simm.s32 $0x108;
	_ =	swait.ge @!p0 [sflag:s8], $0x0  }
0x24: {  	s3 =	sadd.s32 $0x88, s3;
	s6 =	simm.s32 @!p1 $0x1082;
	[sflag:s4] =	ssyncset.s32 $0xFFFFF086  }
0x25: {  	[simem:s6], [sflag:s4] =	dma.local [hbm:s3], $0xF7A  }
0x26: {  	[smem:$0x3F80] =	sst s1;
	(tag) =	ssettag s2;
	_ =	strace s9  }
0x27: {  	s1 =	sld [smem:$0x3F90]  }
0x28: {  	s2 =	sld [smem:$0x3F91]  }
0x29: {  	s4 =	sld [smem:$0x3F93]  }
0x2a: {  	p0 =	seq.s32 s5, $0x0;
	s5 =	sld [smem:$0x3F94]  }
0x2b: {  	s6 =	sld [smem:$0x3F95]  }
0x2c: {  	s7 =	sld [smem:$0x3F96]  }
0x2d: {  	s3 =	simm.s32 $0x108;
	s8 =	sld [smem:$0x3F97]  }
0x2e: {  	s3 =	simm.s32 @!p0 $0x1082;
	s9 =	sld [smem:$0x3F98]  }
0x2f: {  	lr =	sadd.s32 s0, s3;
	s0 =	sld [smem:$0x3F8F]  }
0x30: {  	s3 =	sld [smem:$0x3F92]  }
0x31: {  	[smem:$0x3F9B] =	sst s10  }
0x32: {  	s10 =	sld [smem:$0x3F99];
	_ =	sdelay $0x3  }
0x33: {  	p0 =	seq.s32 s10, $0x1;
	s10 =	sld [smem:$0x3F9B];
	_ =	sdelay $0x3  }
0x34: {  	[smem:$0x3F9B] =	sst s10  }
0x35: {  	s10 =	sld [smem:$0x3F9A];
	_ =	sdelay $0x3  }
0x36: {  	p1 =	seq.s32 s10, $0x1;
	s10 =	sld [smem:$0x3F9B];
	_ =	sdelay $0x3  }
0x37: {  	[smem:$0x3F9B] =	sst s10  }
0x38: {  	s10 =	sld [smem:$0x3F9C]  }
0x39: {  	_ = 	snop;
	(pc) =	sbr.ind lr, $3  }
0x3a: {  	_ = 	snop  }
0x3b: {  	_ = 	snop  }
0x3c: {  	p2 =	seq.s32 s10, $0x1;
	s10 =	sld [smem:$0x3F9B]  }
0x3d: {  	_ =	shalt  }
0x3e: {  	_ =	shalt  }
0x3f: {  	_ =	shalt  }
0x40: {  	_ =	shalt  }
0x41: {  	_ =	shalt  }
0x42: {  	_ =	shalt  }
0x43: {  	_ =	shalt  }
0x44: {  	_ =	shalt  }
0x45: {  	_ =	shalt  }
0x46: {  	_ =	shalt  }
0x47: {  	_ =	shalt  }
0x48: {  	_ =	shalt  }
0x49: {  	_ =	shalt  }
0x4a: {  	_ =	shalt  }
0x4b: {  	_ =	shalt  }
0x4c: {  	_ =	shalt  }
0x4d: {  	_ =	shalt  }
0x4e: {  	_ =	shalt  }
0x4f: {  	_ =	shalt  }
0x50: {  	_ =	shalt  }
0x51: {  	_ =	shalt  }
0x52: {  	_ =	shalt  }
0x53: {  	_ =	shalt  }
0x54: {  	_ =	shalt  }
0x55: {  	_ =	shalt  }
0x56: {  	_ =	shalt  }
0x57: {  	_ =	shalt  }
0x58: {  	_ =	shalt  }
0x59: {  	_ =	shalt  }
0x5a: {  	_ =	shalt  }
0x5b: {  	_ =	shalt  }
0x5c: {  	_ =	shalt  }
0x5d: {  	_ =	shalt  }
0x5e: {  	_ =	shalt  }
0x5f: {  	_ =	shalt  }
0x60: {  	_ =	shalt  }
0x61: {  	_ =	shalt  }
0x62: {  	_ =	shalt  }
0x63: {  	_ =	shalt  }
0x64: {  	_ =	shalt  }
0x65: {  	_ =	shalt  }
0x66: {  	_ =	shalt  }
0x67: {  	_ =	shalt  }
0x68: {  	_ =	shalt  }
0x69: {  	_ =	shalt  }
0x6a: {  	_ =	shalt  }
0x6b: {  	_ =	shalt  }
0x6c: {  	_ =	shalt  }
0x6d: {  	_ =	shalt  }
0x6e: {  	_ =	shalt  }
0x6f: {  	_ =	shalt  }
0x70: {  	_ =	shalt  }
0x71: {  	_ =	shalt  }
0x72: {  	_ =	shalt  }
0x73: {  	_ =	shalt  }
0x74: {  	_ =	shalt  }
0x75: {  	_ =	shalt  }
0x76: {  	_ =	shalt  }
0x77: {  	_ =	shalt  }
0x78: {  	_ =	shalt  }
0x79: {  	_ =	shalt  }
0x7a: {  	_ =	shalt  }
0x7b: {  	_ =	shalt  }
0x7c: {  	_ =	shalt  }
0x7d: {  	_ =	shalt  }
0x7e: {  	_ =	shalt  }
0x7f: {  	_ =	shalt  }
0x80: {  	_ =	shalt  }
0x81: {  	_ =	shalt  }
0x82: {  	_ =	shalt  }
0x83: {  	_ =	shalt  }
0x84: {  	_ =	shalt  }
0x85: {  	_ =	shalt  }
0x86: {  	_ =	shalt  }
0x87: {  	_ =	shalt  }
.Lfunc_end0:
.L_simem_size_0:
called_computation.5_lowered:
.L_overlay_start_0:
0x88: {  	s2 =	sld [smem:$0x3FD9]  }
0x89: {  	s3 =	sld [smem:$0x3FFE];
	_ =	sdelay $0x1  }
0x8a: {  	s1 =	srdreg.scid  }
0x8b: {  	s0 =	sand.u32 $0x1, s1  }
0x8c: {  	s16 =	sshll.u32 s0, $0xA;
	s2 =	sadd.s32 s3, s2  }
0x8d: {  	s2 =	sadd.s32 s2, s16  }
0x8e: {  	[smem:$0x3FA7] =	sst s2  }
0x8f: {  	_ = 	snop  }
0x90: {  	(tm) =	ssettm $0x1  }
0x91: {  	s17 =	sld [smem:$0x3FFB];
	_ =	sdelay $0x3  }
0x92: {  	_ =	strace s17  }
0x93: {  	s2 =	sld [smem:$0x3FFC];
	_ =	sdelay $0x3  }
0x94: {  	_ =	strace s2  }
0x95: {  	s2 =	sld [smem:$0x3FFD];
	_ =	sdelay $0x3  }
0x96: {  	_ =	strace s2  }
0x97: {  	_ =	strace $0x8FFFFFFF  }
0x98: {  	s18 =	sld [smem:$0x3FDB];
	_ =	sdelay $0x1  }
0x99: {  	s19 =	simm.s32 $_scs_section_size  }
0x9a: {  	s4 =	simm.s32 $_size__tile_overlayer_lowered;
	s5 =	simm.s32 $_tile_overlayer_lowered  }
0x9b: {  	s22 =	simm.s32 $0x1BFF;
	s21 =	sshll.u32 s5, $0x1;
	s2 =	sadd.s32 s19, s18  }
0x9c: {  	s6 =	simm.s32 $0x0;
	s20 =	sshll.u32 s4, $0x1;
	s4 =	sadd.s32 s21, s2  }
0x9d: {  	[timem:s6], [sflag:s22] =	dma.local [hbm:s4], s20  }
0x9e: {  	_ =	swait.ge [sflag:s22], s20  }
0x9f: {  	s3 =	ssub.s32 $0x0, s20;
	[sflag:s22] =	ssyncset.done $0x0  }
0xa0: {  	[sflag:s22] =	ssyncadd.s32 s3;
	_ =	sdelay $0x1  }
0xa1: {  	s23 =	simm.s32 $0x1B8B  }
0xa2: {  	_ =	swait.ge [sflag:s23], $0x1  }
0xa3: {  	[sflag:s23] =	ssyncset.done $0x0  }
0xa4: {  	s25 =	simm.s32 $0x1B8E;
	s24 =	sld [smem:$0x3FFE];
	[sflag:s23] =	ssyncadd.s32 $0xFFFFFFFF  }
0xa5: {  	s26 =	simm.s32 $execute0_lowered;
	[smem:$0x3FD2] =	sst s25  }
0xa6: {  	s4 =	sshll.u32 s26, $0x1;
	_ =	strace $0x80000055;
	[dreg:$0x1] =	wrdreg $0xFFFFFFFF  }
0xa7: {  	s28 =	simm.s32 $_size_execute0_lowered;
	s2 =	sadd.s32 s2, s4;
	[dreg:$0x0] =	wrdreg $0x0  }
0xa8: {  	s4 =	sshll.u32 s28, $0x1;
	[dreg:$0x2] =	wrdreg s2  }
0xa9: {  	[dreg:$0x3] =	wrdreg s4  }
0xaa: {  	[dreg:$0x4] =	wrdreg $0xC0  }
0xab: {  	_ =	task [dreg:s6], $0x5FFFF  }
0xac: {  	[dreg:$0x1] =	wrdreg $0xFFFFFFFF  }
0xad: {  	[dreg:$0x0] =	wrdreg $0x60  }
0xae: {  	[dreg:$0x2] =	wrdreg s24  }
0xaf: {  	[dreg:$0x3] =	wrdreg $0x72000  }
0xb0: {  	[dreg:$0x4] =	wrdreg $0x9  }
0xb1: {  	_ =	task.clear_ibuf [dreg:s6], $0x5FFFF;
	_ =	strace $0x90000055  }
0xb2: {  	s29 =	simm.s32 $0x9;
	_ =	strace $0x80000057  }
0xb3: {  	_ =	swait.ge [sflag:s29], $0x1  }
0xb4: {  	[sflag:s29] =	ssyncadd.s32 $0xFFFFFFFF  }
0xb5: {  	_ =	strace $0x90000057  }
0xb6: {  	_ =	sfence  }
0xb7: {  	s30 =	sld [smem:$0x0];
	_ =	sdelay $0x2  }
0xb8: {  	s31 =	sshll.u32 s1, $0xD;
	s1 =	sshrl.u32 s1, $0x2  }
0xb9: {  	s3 =	sand.u32 $0x4000, s31;
	s1 =	sadd.s32 s1, s30  }
0xba: {  	s0 =	sor.u32 s3, s0;
	s1 =	sshll.u32 s1, $0x11  }
0xbb: {  	s0 =	sor.u32 s1, s0  }
0xbc: {  	s0 =	sadd.s32 $0x8F2B, s0  }
0xbd: {  	[sflag:s0] =	ssyncadd.remote.s32 $0x1  }
0xbe: {  	_ =	sfence.sel $0xFFFF  }
0xbf: {  	[dreg:$0x0] =	wrdreg $0xFFFFFFFF;
	(pc) =	sbr.abs _section_cstart, $3  }
0xc0: {  	[dreg:$0x1] =	wrdreg $0xFFFFFFFF  }
0xc1: {  	_ =	task.clear_ibuf [dreg:s6], $0x2FFFF;
	_ =	strace $0x9FFFFFFF  }
0xc2: {  	(tm) =	ssettm $0x7FFFFFFF  }
0xc3: {  	_ =	shalt  }
tec
execute0_lowered:
.L_overlay_start_1:
0x0: {  	(tag) =	ssettag $0x1  }
0x1: {  	s0 =	rddreg [dreg:$0x0]  }
0x2: {  	s2 =	rddreg [dreg:$0x1]  }
0x3: {  	s1 =	srdreg.scid;
	s12 =	stileid.u32  }
0x4: {  	s3 =	simm.s32 $0x0;
	s29 =	simm.s32 $0x5;
	s30 =	simm.s32 $0x6800  }
0x5: {  	s31 =	simm.s32 $0x2800;
	s1 =	sand.u32 $0x1, s1;
	s7 =	smul.u32 $0x28000, s12  }
0x6: {  	s4 =	sshll.u32 s12, $0x1;
	[smem:$0x7FF] =	sst s3;
	s23 =	smul.u32 $0xA0, s12  }
0x7: {  	s6 =	sadd.s32 $0x2FFA00, s0;
	s10 =	sadd.s32 $0xF000, s0;
	s26 =	smul.u32 $0x1400, s12  }
0x8: {  	s4 =	sor.u32 s1, s4;
	_ =	strace $0x80000056;
	s9 =	smul.u32 $0x14000, s1  }
0x9: {  	s15 =	ssub.s32 $0x2, s1;
	[dreg:$0x3] =	wrdreg s10;
	s1 =	smul.u32 $0x50, s1  }
0xa: {  	s5 =	smul.u32 $0x500, s4;
	s16 =	sshrl.u32 s15, $0x1;
	s11 =	sshrl.u32 s7, $0x2  }
0xb: {  	s4 =	smul.u32 $0x14000, s4;
	s25 =	sadd.s32 s7, s6;
	s7 =	simm.s32 $0x3  }
0xc: {  	s10 =	ssub.s32 s15, s16;
	s1 =	sadd.s32 s1, s23;
	s8 =	sadd.s32 s5, s0  }
0xd: {  	s0 =	sadd.s32 s9, s0;
	s5 =	sadd.s32 s11, s2;
	s17 =	smax.u32 s10, $0x1  }
0xe: {  	s1 =	sshll.u32 s1, $0xA;
	s8 =	sadd.s32 $0x23A00, s8;
	[dreg:$0x5] =	wrdreg s17  }
0xf: {  	s18 =	sadd.s32 $0xA00, s5;
	s19 =	sadd.s32 $0x1400, s5;
	[dreg:$0x4] =	wrdreg s8  }
0x10: {  	s20 =	sadd.s32 $0x1E00, s5;
	s21 =	sadd.s32 $0x2800, s5;
	[dreg:$0x6] =	wrdreg s18  }
0x11: {  	s22 =	sadd.s32 $0x3200, s5;
	s24 =	sadd.s32 $0x3C00, s5;
	[dreg:$0x7] =	wrdreg s19  }
0x12: {  	s14 =	sadd.s32 $0x4600, s5;
	s15 =	sadd.s32 $0x5000, s5;
	[dreg:$0x8] =	wrdreg s20  }
0x13: {  	s16 =	sadd.s32 $0x5A00, s5;
	s17 =	sadd.s32 $0x6400, s5;
	[dreg:$0x9] =	wrdreg s21  }
0x14: {  	s1 =	sadd.s32 s1, s6;
	s0 =	sadd.s32 s26, s0;
	[dreg:$0xa] =	wrdreg s22  }
0x15: {  	s26 =	sadd.s32 $0x9600, s5;
	[dreg:$0xb] =	wrdreg s24;
	s18 =	sadd.s32 $0x6E00, s5  }
0x16: {  	s19 =	sadd.s32 s6, s4;
	s20 =	sadd.s32 $0x7800, s5;
	s4 =	sadd.s32 s9, s25  }
0x17: {  	s21 =	sadd.s32 $0x8200, s5;
	s22 =	sadd.s32 $0x8C00, s5;
	s23 =	sadd.s32 $0xC00, s1  }
0x18: {  	s25 =	sadd.s32 $0x56400, s0;
	s0 =	simm.s32 $0x4800;
	s1 =	simm.s32 $0x1  }
0x19: {  	s6 =	simm.s32 $0x2;
	s8 =	simm.s32 $0x4;
	s9 =	simm.s32 $0x0  }
0x1a: {  	s24 =	sadd.s32 $0x800, s4;
	s28 =	sadd.s32 $0x400, s19;
	s4 =	simm.s32 $0x80  }
.LBB2_1:
0x1b: {  	s10 =	rddreg [dreg:$0x4]  }
0x1c: {  	[tilespmem:s3], [sflag:$0x5] =	stream.linear.gather [hbm4b:s10+s3], $0x2800, $0x38;
	[tilespmem:$0x11200] =	vst v63  }
0x1d: {  	_ =	swait.ge [sflag:s29], $0x2800  }
0x1e: {  	[sflag:s29] =	ssyncset.done $0x0  }
0x1f: {  	s13 =	rddreg [dreg:$0x3];
	[sflag:s29] =	ssyncadd.s32 $0xFFFFD800  }
0x20: {  	[tilespmem:s30], [sflag:$0x5] =	stream.linear.gather [hbm4b:s13+s3], $0xA00, $0x38;
	[tilespmem:$0x11200] =	vst v63  }
0x21: {  	_ =	swait.ge [sflag:s29], $0xA00  }
0x22: {  	[sflag:s29] =	ssyncset.done $0x0  }
0x23: {  	[sflag:s29] =	ssyncadd.s32 $0xFFFFF600  }
0x24: {  	[spmem:s5] =	stream.linear.scatter [tilespmem:s30], [sflag:$0x5], $0xA00, $0x38;
	[tilespmem:$0x11200] =	vst v63  }
0x25: {  	_ =	swait.ge [sflag:s29], $0xA00  }
0x26: {  	[sflag:s29] =	ssyncset.done $0x0  }
0x27: {  	s11 =	rddreg [dreg:$0x6];
	[sflag:s29] =	ssyncadd.s32 $0xFFFFF600  }
0x28: {  	[spmem:s11] =	stream.linear.scatter [tilespmem:s30], [sflag:$0x5], $0xA00, $0x38;
	[tilespmem:$0x11200] =	vst v63  }
0x29: {  	_ =	swait.ge [sflag:s29], $0xA00  }
0x2a: {  	[sflag:s29] =	ssyncset.done $0x0  }
0x2b: {  	s12 =	rddreg [dreg:$0x7];
	[sflag:s29] =	ssyncadd.s32 $0xFFFFF600  }
0x2c: {  	[spmem:s12] =	stream.linear.scatter [tilespmem:s30], [sflag:$0x5], $0xA00, $0x38;
	[tilespmem:$0x11200] =	vst v63  }
0x2d: {  	_ =	swait.ge [sflag:s29], $0xA00  }
0x2e: {  	[sflag:s29] =	ssyncset.done $0x0  }
0x2f: {  	s13 =	rddreg [dreg:$0x8];
	[sflag:s29] =	ssyncadd.s32 $0xFFFFF600  }
0x30: {  	[spmem:s13] =	stream.linear.scatter [tilespmem:s30], [sflag:$0x5], $0xA00, $0x38;
	[tilespmem:$0x11200] =	vst v63  }
0x31: {  	_ =	swait.ge [sflag:s29], $0xA00  }
0x32: {  	[sflag:s29] =	ssyncset.done $0x0  }
0x33: {  	s11 =	rddreg [dreg:$0x9];
	[sflag:s29] =	ssyncadd.s32 $0xFFFFF600  }
0x34: {  	[spmem:s11] =	stream.linear.scatter [tilespmem:s30], [sflag:$0x5], $0xA00, $0x38;
	[tilespmem:$0x11200] =	vst v63  }
0x35: {  	_ =	swait.ge [sflag:s29], $0xA00  }
0x36: {  	[sflag:s29] =	ssyncset.done $0x0  }
0x37: {  	s12 =	rddreg [dreg:$0xa];
	[sflag:s29] =	ssyncadd.s32 $0xFFFFF600  }
0x38: {  	[spmem:s12] =	stream.linear.scatter [tilespmem:s30], [sflag:$0x5], $0xA00, $0x38;
	[tilespmem:$0x11200] =	vst v63  }
0x39: {  	_ =	swait.ge [sflag:s29], $0xA00  }
0x3a: {  	[sflag:s29] =	ssyncset.done $0x0  }
0x3b: {  	s13 =	rddreg [dreg:$0xb];
	[sflag:s29] =	ssyncadd.s32 $0xFFFFF600  }
0x3c: {  	[spmem:s13] =	stream.linear.scatter [tilespmem:s30], [sflag:$0x5], $0xA00, $0x38;
	[tilespmem:$0x11200] =	vst v63  }
0x3d: {  	_ =	swait.ge [sflag:s29], $0xA00  }
0x3e: {  	[sflag:s29] =	ssyncset.done $0x0  }
0x3f: {  	[sflag:s29] =	ssyncadd.s32 $0xFFFFF600  }
0x40: {  	[spmem:s14] =	stream.linear.scatter [tilespmem:s30], [sflag:$0x5], $0xA00, $0x38;
	[tilespmem:$0x11200] =	vst v63  }
0x41: {  	_ =	swait.ge [sflag:s29], $0xA00  }
0x42: {  	[sflag:s29] =	ssyncset.done $0x0  }
0x43: {  	[sflag:s29] =	ssyncadd.s32 $0xFFFFF600  }
0x44: {  	[spmem:s15] =	stream.linear.scatter [tilespmem:s30], [sflag:$0x5], $0xA00, $0x38;
	[tilespmem:$0x11200] =	vst v63  }
0x45: {  	_ =	swait.ge [sflag:s29], $0xA00  }
0x46: {  	[sflag:s29] =	ssyncset.done $0x0  }
0x47: {  	[sflag:s29] =	ssyncadd.s32 $0xFFFFF600  }
0x48: {  	[spmem:s16] =	stream.linear.scatter [tilespmem:s30], [sflag:$0x5], $0xA00, $0x38;
	[tilespmem:$0x11200] =	vst v63  }
0x49: {  	_ =	swait.ge [sflag:s29], $0xA00  }
0x4a: {  	[sflag:s29] =	ssyncset.done $0x0  }
0x4b: {  	[sflag:s29] =	ssyncadd.s32 $0xFFFFF600  }
0x4c: {  	[spmem:s17] =	stream.linear.scatter [tilespmem:s30], [sflag:$0x5], $0xA00, $0x38;
	[tilespmem:$0x11200] =	vst v63  }
0x4d: {  	_ =	swait.ge [sflag:s29], $0xA00  }
0x4e: {  	[sflag:s29] =	ssyncset.done $0x0  }
0x4f: {  	[sflag:s29] =	ssyncadd.s32 $0xFFFFF600  }
0x50: {  	[spmem:s18] =	stream.linear.scatter [tilespmem:s30], [sflag:$0x5], $0xA00, $0x38;
	[tilespmem:$0x11200] =	vst v63  }
0x51: {  	_ =	swait.ge [sflag:s29], $0xA00  }
0x52: {  	[sflag:s29] =	ssyncset.done $0x0  }
0x53: {  	[sflag:s29] =	ssyncadd.s32 $0xFFFFF600  }
0x54: {  	[spmem:s20] =	stream.linear.scatter [tilespmem:s30], [sflag:$0x5], $0xA00, $0x38;
	[tilespmem:$0x11200] =	vst v63  }
0x55: {  	_ =	swait.ge [sflag:s29], $0xA00  }
0x56: {  	[sflag:s29] =	ssyncset.done $0x0  }
0x57: {  	[sflag:s29] =	ssyncadd.s32 $0xFFFFF600  }
0x58: {  	[spmem:s21] =	stream.linear.scatter [tilespmem:s30], [sflag:$0x5], $0xA00, $0x38;
	[tilespmem:$0x11200] =	vst v63  }
0x59: {  	_ =	swait.ge [sflag:s29], $0xA00  }
0x5a: {  	[sflag:s29] =	ssyncset.done $0x0  }
0x5b: {  	[sflag:s29] =	ssyncadd.s32 $0xFFFFF600  }
0x5c: {  	[spmem:s22] =	stream.linear.scatter [tilespmem:s30], [sflag:$0x5], $0xA00, $0x38;
	[tilespmem:$0x11200] =	vst v63  }
0x5d: {  	_ =	swait.ge [sflag:s29], $0xA00  }
0x5e: {  	[sflag:s29] =	ssyncset.done $0x0  }
0x5f: {  	[sflag:s29] =	ssyncadd.s32 $0xFFFFF600  }
0x60: {  	[spmem:s26] =	stream.linear.scatter [tilespmem:s30], [sflag:$0x5], $0xA00, $0x38;
	[tilespmem:$0x11200] =	vst v63  }
0x61: {  	_ =	swait.ge [sflag:s29], $0xA00  }
0x62: {  	[sflag:s29] =	ssyncset.done $0x0  }
0x63: {  	[sflag:s29] =	ssyncadd.s32 $0xFFFFF600  }
0x64: {  	[bflag:$0x0] =	sbarrier.arrive $0xFFFF  }
0x65: {  	[tilespmem:s31], [sflag:$0x1] =	stream.linear.gather [hbm4b:s19+s3], $0x2000, $0x38;
	[tilespmem:$0x11200] =	vst v63  }
0x66: {  	_ = 	snop  }
0x67: {  	[tilespmem:s0], [sflag:$0x2] =	stream.linear.gather [hbm4b:s28+s3], $0x2000, $0x38;
	[tilespmem:$0x11200] =	vst v63  }
0x68: {  	_ =	swait.ge [sflag:s1], $0x2000  }
0x69: {  	[sflag:s1] =	ssyncset.done $0x0  }
0x6a: {  	[sflag:s1] =	ssyncadd.s32 $0xFFFFE000  }
0x6b: {  	[spmem:s2] =	stream.indirect.scatter.add.f32 [tilespmem:s31], [sflag:$0x3], $0x40, s3, s4, $0xb8;
	[tilespmem:$0x11200] =	vst v63  }
0x6c: {  	_ =	swait.ge [sflag:s6], $0x2000  }
0x6d: {  	[sflag:s6] =	ssyncset.done $0x0  }
0x6e: {  	[sflag:s6] =	ssyncadd.s32 $0xFFFFE000  }
0x6f: {  	[spmem:s2] =	stream.indirect.scatter.add.f32 [tilespmem:s0], [sflag:$0x4], $0x40, s4, s4, $0xb8;
	[tilespmem:$0x11200] =	vst v63  }
0x70: {  	_ =	swait.ge [sflag:s7], $0x2000  }
0x71: {  	[sflag:s7] =	ssyncset.done $0x0  }
0x72: {  	s11 =	sadd.s32 $0x0, s24;
	[sflag:s7] =	ssyncadd.s32 $0xFFFFE000  }
0x73: {  	[tilespmem:s31], [sflag:$0x1] =	stream.linear.gather [hbm4b:s11+s3], $0x2000, $0x38;
	[tilespmem:$0x11200] =	vst v63  }
0x74: {  	_ =	swait.ge [sflag:s8], $0x2000  }
0x75: {  	[sflag:s8] =	ssyncset.done $0x0  }
0x76: {  	s12 =	sadd.s32 $0x0, s23;
	[sflag:s8] =	ssyncadd.s32 $0xFFFFE000  }
0x77: {  	[tilespmem:s0], [sflag:$0x2] =	stream.linear.gather [hbm4b:s12+s3], $0x2000, $0x38;
	[tilespmem:$0x11200] =	vst v63  }
0x78: {  	_ =	swait.ge [sflag:s1], $0x2000  }
0x79: {  	[sflag:s1] =	ssyncset.done $0x0  }
0x7a: {  	s13 =	simm.s32 $0x100;
	[sflag:s1] =	ssyncadd.s32 $0xFFFFE000  }
0x7b: {  	[spmem:s2] =	stream.indirect.scatter.add.f32 [tilespmem:s31], [sflag:$0x3], $0x40, s13, s4, $0xb8;
	[tilespmem:$0x11200] =	vst v63  }
0x7c: {  	_ =	swait.ge [sflag:s6], $0x2000  }
0x7d: {  	s10 =	simm.s32 $0x800;
	[sflag:s6] =	ssyncset.done $0x0  }
0x7e: {  	s11 =	simm.s32 $0x200;
	s12 =	simm.s32 $0x180;
	[sflag:s6] =	ssyncadd.s32 $0xFFFFE000  }
.LBB2_2:
0x7f: {  	[spmem:s2] =	stream.indirect.scatter.add.f32 [tilespmem:s0], [sflag:$0x4], $0x40, s12, s4, $0xb8;
	[tilespmem:$0x11200] =	vst v63  }
0x80: {  	s12 =	smov.u32 s10  }
0x81: {  	p0 =	sne.s32 s10, $0x13000;
	s10 =	sadd.s32 $0x800, s10;
	_ =	swait.ge [sflag:s7], $0x2000  }
0x82: {  	[sflag:s7] =	ssyncset.done $0x0  }
0x83: {  	s13 =	sadd.s32 s12, s24;
	[sflag:s7] =	ssyncadd.s32 $0xFFFFE000  }
0x84: {  	[tilespmem:s31], [sflag:$0x1] =	stream.linear.gather [hbm4b:s13+s3], $0x2000, $0x38;
	[tilespmem:$0x11200] =	vst v63  }
0x85: {  	_ =	swait.ge [sflag:s8], $0x2000  }
0x86: {  	[sflag:s8] =	ssyncset.done $0x0  }
0x87: {  	s12 =	sadd.s32 s12, s23;
	[sflag:s8] =	ssyncadd.s32 $0xFFFFE000  }
0x88: {  	[tilespmem:s0], [sflag:$0x2] =	stream.linear.gather [hbm4b:s12+s3], $0x2000, $0x38;
	[tilespmem:$0x11200] =	vst v63  }
0x89: {  	_ =	swait.ge [sflag:s1], $0x2000  }
0x8a: {  	[sflag:s1] =	ssyncset.done $0x0  }
.Ltmp0:
0x8b: {  	[sflag:s1] =	ssyncadd.s32 $0xFFFFE000;
	(pc) =	sbr.rel @p0 .LBB2_2-.Ltmp0, $4  }
0x8c: {  	[spmem:s2] =	stream.indirect.scatter.add.f32 [tilespmem:s31], [sflag:$0x3], $0x40, s11, s4, $0xb8;
	[tilespmem:$0x11200] =	vst v63  }
0x8d: {  	_ =	swait.ge [sflag:s6], $0x2000  }
0x8e: {  	[sflag:s6] =	ssyncset.done $0x0  }
0x8f: {  	s12 =	sadd.s32 $0x80, s11;
	s11 =	sadd.s32 $0x100, s11;
	[sflag:s6] =	ssyncadd.s32 $0xFFFFE000  }
0x90: {  	[spmem:s2] =	stream.indirect.scatter.add.f32 [tilespmem:s0], [sflag:$0x4], $0x40, s12, s4, $0xb8;
	[tilespmem:$0x11200] =	vst v63  }
0x91: {  	_ =	swait.ge [sflag:s7], $0x2000  }
0x92: {  	[sflag:s7] =	ssyncset.done $0x0  }
0x93: {  	[sflag:s7] =	ssyncadd.s32 $0xFFFFE000  }
0x94: {  	_ =	swait.ge [sflag:s8], $0x2000  }
0x95: {  	[sflag:s8] =	ssyncset.done $0x0  }
0x96: {  	[sflag:s8] =	ssyncadd.s32 $0xFFFFE000  }
0x97: {  	[bflag:$0x0] =	sbarrier.arrive $0xFFFF  }
0x98: {  	[tilespmem:s30], [sflag:$0x5] =	stream.linear.gather [spmem:s5], $0xA00, $0x38;
	[tilespmem:$0x11200] =	vst v63  }
0x99: {  	_ =	swait.ge [sflag:s29], $0xA00  }
0x9a: {  	[sflag:s29] =	ssyncset.done $0x0  }
0x9b: {  	s10 =	sadd.s32 $0x0, s25;
	[sflag:s29] =	ssyncadd.s32 $0xFFFFF600  }
0x9c: {  	[hbm4b:s10+s3] =	stream.linear.scatter [tilespmem:s30], [sflag:$0x5], $0xA00, $0x38;
	[tilespmem:$0x11200] =	vst v63  }
0x9d: {  	_ =	swait.ge [sflag:s29], $0xA00  }
0x9e: {  	s11 =	smov.u32 s5;
	s10 =	simm.s32 $0x140;
	[sflag:s29] =	ssyncset.done $0x0  }
.LBB2_4:
0x9f: {  	p0 =	sne.s32 s10, $0x12C0;
	[sflag:s29] =	ssyncadd.s32 $0xFFFFF600;
	s11 =	sadd.s32 $0xA00, s11  }
0xa0: {  	[tilespmem:s30], [sflag:$0x5] =	stream.linear.gather [spmem:s11], $0xA00, $0x38;
	[tilespmem:$0x11200] =	vst v63  }
0xa1: {  	s12 =	smov.u32 s10;
	s10 =	sadd.s32 $0x140, s10;
	_ =	swait.ge [sflag:s29], $0xA00  }
.Ltmp1:
0xa2: {  	[sflag:s29] =	ssyncset.done $0x0;
	(pc) =	sbr.rel @p0 .LBB2_4-.Ltmp1, $4  }
0xa3: {  	s12 =	sadd.s32 s12, s25;
	[sflag:s29] =	ssyncadd.s32 $0xFFFFF600  }
0xa4: {  	[hbm4b:s12+s3] =	stream.linear.scatter [tilespmem:s30], [sflag:$0x5], $0xA00, $0x38;
	[tilespmem:$0x11200] =	vst v63  }
0xa5: {  	_ =	swait.ge [sflag:s29], $0xA00  }
0xa6: {  	[sflag:s29] =	ssyncset.done $0x0  }
0xa7: {  	s9 =	sadd.s32 $0x1, s9;
	s10 =	rddreg [dreg:$0x5]  }
0xa8: {  	p0 =	sne.s32 s9, s10  }
.Ltmp2:
0xa9: {  	_ = 	snop;
	(pc) =	sbr.rel @p0 .LBB2_1-.Ltmp2, $2  }
0xaa: {  	_ =	sdelay $0x2  }
0xab: {  	[sflag:s29] =	ssyncadd.s32 $0xFFFFF600  }
0xac: {  	_ =	sfence.sel $0x180000  }
0xad: {  	[bflag:$0x0] =	sbarrier.arrive $0xFFFF  }
0xae: {  	_ =	strace $0x90000056  }
0xaf: {  	s0 =	stileid.u32;
	[bflag:$0x2] =	sbarrier.arrive $0xFFFF  }
0xb0: {  	p0 =	sne.s32 s0, $0x0;
	s0 =	rddreg [dreg:$0x2]  }
0xb1: {  	s0 =	sadd.s32 @!p0 $0x100000, s0  }
0xb2: {  	[sflag:s0] =	ssyncadd.tile.s32 @!p0 $0x1;
	_ =	shalt  }
.Lfunc_end2:
_tile_overlayer_lowered:
.L_overlay_start_2:
0xb3: {  	(tag) =	ssettag $0x2  }
0xb4: {  	s0 =	rddreg [dreg:$0x0];
	s2 =	stileid.u32  }
0xb5: {  	s1 =	rddreg [dreg:$0x1];
	p0 =	sne.s32 s2, $0x0  }
0xb6: {  	s3 =	rddreg [dreg:$0x2];
	[bflag:$0x3] =	sbarrier.arrive $0xFFFF;
	s2 =	simm.s32 @!p0 $0x1C05  }
0xb7: {  	[timem:s3], [sflag:s2] =	dma.local @!p0 [hbm:s0], s1  }
0xb8: {  	s0 =	simm.s32 @!p0 $0x5  }
0xb9: {  	_ =	swait.ge @!p0 [sflag:s0], s1  }
0xba: {  	s1 =	ssub.s32 @!p0 $0x0, s1;
	[sflag:s0] =	ssyncset.done @!p0 $0x0  }
0xbb: {  	[sflag:s0] =	ssyncadd.s32 @!p0 s1  }
0xbc: {  	[bflag:$0x3] =	sbarrier.arrive $0xFFFF  }
0xbd: {  	_ =	shalt  }

</sc_bundles>
